<compile_context>
chip_gen: v7x
topology: tpu7x:2x2x1
jax: 0.10.2.dev20260603
libtpu: 0.0.44.dev20260713+nightly
codegen_flags: <defaults>
</compile_context>

<pallas_src>
import functools

import jax
import jax.numpy as jnp
from jax import lax
from jax.experimental import pallas as pl
from jax.experimental.pallas import tpu as pltpu
from jax.experimental.pallas import tpu_sc as plsc

N = 10000
C = 128
P = 320000
E = 5000
TAU = 1.0

NC = 2
NS = 16
NW = NC * NS
K = 40
NB = 4
SUP = 32
SUPERS = 8
CHUNKS = SUP * SUPERS
PER_W = CHUNKS * K
PPAD = NW * PER_W - P
W = 2 * C
EP = 5120
ROWS_PER_TILE = EP // NS
OB = 32
L = 16
HB = EP // 128



def _table_body(s_ref, t_ref, o_ref):
    def softmax(x):
        m = jnp.max(x, axis=1, keepdims=True)
        ex = jnp.exp(x - m)
        return ex / jnp.sum(ex, axis=1, keepdims=True)

    o_ref[...] = jnp.concatenate([softmax(s_ref[...]), softmax(t_ref[...])],
                                 axis=1)


def _build_table(pred_s, pred_t):
    R = 400
    return pl.pallas_call(
        _table_body,
        grid=(N // R,),
        in_specs=[pl.BlockSpec((R, C), lambda i: (i, 0)),
                  pl.BlockSpec((R, C), lambda i: (i, 0))],
        out_specs=pl.BlockSpec((R, W), lambda i: (i, 0)),
        out_shape=jax.ShapeDtypeStruct((N, W), jnp.float32),
    )(pred_s, pred_t)



def _sc_body(table_hbm, vidx_hbm, eidx_hbm, out_hbm,
             iv0, iv1, ie0, ie1, rows0, rows1, rows2, rows3, acc_sh,
             sem_ix, sem_g0, sem_g1, sem_g2, sem_g3,
             sem_s0, sem_s1, sem_s2, sem_s3):
    cid = lax.axis_index("c")
    sid = lax.axis_index("s")
    wid = sid * NC + cid
    rows = (rows0, rows1, rows2, rows3)
    sem_g = (sem_g0, sem_g1, sem_g2, sem_g3)
    sem_s = (sem_s0, sem_s1, sem_s2, sem_s3)
    NT = SUPERS // 2

    il0 = pltpu.async_copy(vidx_hbm.at[wid, 0], iv0, sem_ix)
    il1 = pltpu.async_copy(eidx_hbm.at[wid, 0], ie0, sem_ix)

    zero = jnp.zeros((L,), jnp.float32)
    stage_v = rows0.at[pl.ds(0, OB)]

    def zstore(i, carry):
        r = i // (W // L)
        c = i % (W // L)
        rows0[r, pl.ds(c * L, L)] = zero
        return carry

    lax.fori_loop(0, OB * (W // L), zstore, 0)

    def zcopy(j, carry):
        r0 = sid * ROWS_PER_TILE + j * OB
        pltpu.sync_copy(stage_v, acc_sh.at[pl.ds(r0, OB)])
        return carry

    lax.fori_loop(0, ROWS_PER_TILE // OB, zcopy, 0)
    il0.wait()
    il1.wait()
    plsc.subcore_barrier()

    def gather(ivb, k, b):
        pltpu.async_copy(table_hbm.at[ivb.at[k]], rows[b], sem_g[b])

    def wait_g(b):
        pltpu.make_async_copy(table_hbm.at[iv0.at[0]], rows[b], sem_g[b]).wait()

    def scatter(ieb, k, b):
        pltpu.async_copy(rows[b], acc_sh.at[ieb.at[k]], sem_s[b], add=True)

    def wait_s(b):
        pltpu.make_async_copy(rows[b], acc_sh.at[ie0.at[0]], sem_s[b]).wait()

    for c in range(NB - 1):
        gather(iv0, c, c % NB)

    def super_pair(t, carry):
        for half in range(2):
            iv_cur, ie_cur = (iv0, ie0) if half == 0 else (iv1, ie1)
            iv_nxt, ie_nxt = (iv1, ie1) if half == 0 else (iv0, ie0)
            s = 2 * t + half
            if half == 0:
                pltpu.async_copy(vidx_hbm.at[wid, s + 1], iv_nxt, sem_ix)
                pltpu.async_copy(eidx_hbm.at[wid, s + 1], ie_nxt, sem_ix)
            else:
                @pl.when(t + 1 < NT)
                def _():
                    pltpu.async_copy(vidx_hbm.at[wid, s + 1], iv_nxt, sem_ix)
                    pltpu.async_copy(eidx_hbm.at[wid, s + 1], ie_nxt, sem_ix)
            for k in range(SUP):
                b = k % NB
                wait_g(b)
                scatter(ie_cur, k, b)
                b2 = (k + NB - 1) % NB

                def _wait_prev():
                    wait_s(b2)

                def _issue(ivb, kk):
                    gather(ivb, kk, b2)

                if k < SUP - (NB - 1):
                    if half == 0 and k == 0:
                        @pl.when(t > 0)
                        def _():
                            _wait_prev()
                    else:
                        _wait_prev()
                    _issue(iv_cur, k + NB - 1)
                else:
                    def _boundary():
                        if k == SUP - (NB - 1):
                            pltpu.make_async_copy(vidx_hbm.at[wid, 0], iv_nxt,
                                                  sem_ix).wait()
                            pltpu.make_async_copy(eidx_hbm.at[wid, 0], ie_nxt,
                                                  sem_ix).wait()
                        _wait_prev()
                        _issue(iv_nxt, k + NB - 1 - SUP)
                    if half == 0:
                        _boundary()
                    else:
                        pl.when(t + 1 < NT)(_boundary)
        return carry

    lax.fori_loop(0, NT, super_pair, 0)
    for b in range(NB):
        wait_s(b)
    plsc.subcore_barrier()

    def ocopy(j, carry):
        r0 = sid * ROWS_PER_TILE + j * OB
        pltpu.sync_copy(acc_sh.at[pl.ds(r0, OB)], stage_v)
        pltpu.sync_copy(stage_v, out_hbm.at[cid, pl.ds(r0, OB)])
        return carry

    lax.fori_loop(0, ROWS_PER_TILE // OB, ocopy, 0)


def _sc_aggregate(table, v_idx, e_idx):
    mesh = plsc.VectorSubcoreMesh(core_axis_name="c", subcore_axis_name="s")
    k = functools.partial(
        pl.kernel,
        mesh=mesh,
        compiler_params=pltpu.CompilerParams(use_tc_tiling_on_sc=False),
        out_type=jax.ShapeDtypeStruct((NC, EP, W), jnp.float32),
        scratch_types=(
            [pltpu.VMEM((SUP, K), jnp.int32)] * 4
            + [pltpu.VMEM((K, W), jnp.float32)] * NB
            + [pltpu.VMEM_SHARED((EP, W), jnp.float32)]
            + [pltpu.SemaphoreType.DMA] * (1 + 2 * NB)
        ),
    )(_sc_body)
    return k(table,
             v_idx.reshape(NW, SUPERS, SUP, K),
             e_idx.reshape(NW, SUPERS, SUP, K))



PB = 2560
GC = P // PB


def _counts_body(e_ref, o_ref):
    i = pl.program_id(0)

    @pl.when(i == 0)
    def _():
        o_ref[...] = jnp.zeros((HB, C), jnp.float32)

    x = e_ref[0]
    hi = x // C
    lo = x - hi * C
    oh_hi = (jnp.broadcast_to(hi, (HB, PB))
             == lax.broadcasted_iota(jnp.int32, (HB, PB), 0)
             ).astype(jnp.float32)
    oh_lo = (jnp.broadcast_to(lo, (C, PB))
             == lax.broadcasted_iota(jnp.int32, (C, PB), 0)
             ).astype(jnp.float32)
    o_ref[...] += lax.dot_general(oh_hi, oh_lo, (((1,), (1,)), ((), ())),
                                  preferred_element_type=jnp.float32)


def _edge_counts(e_idx):
    e3 = e_idx.reshape(GC, 1, PB)
    return pl.pallas_call(
        _counts_body,
        grid=(GC,),
        in_specs=[pl.BlockSpec((1, 1, PB), lambda i: (i, 0, 0))],
        out_specs=pl.BlockSpec((HB, C), lambda i: (0, 0)),
        out_shape=jax.ShapeDtypeStruct((HB, C), jnp.float32),
    )(e3)



R3 = 200
G3 = E // R3


def _loss_body(parts_ref, cnt_ref, delta_ref, u_ref, o_ref, acc):
    i = pl.program_id(0)

    @pl.when(i == 0)
    def _():
        acc[0] = 0.0
        acc[1] = 0.0

    x = parts_ref[0] + parts_ref[1]
    cnt = jnp.maximum(cnt_ref[...], 1.0)
    mean_s = x[:, :C] / cnt
    mean_t = x[:, C:] / cnt
    log_inp = jnp.log(mean_s / TAU + 1e-09)
    tgt = mean_t / TAU
    per_edge = jnp.sum(tgt * (jnp.log(tgt) - log_inp), axis=1, keepdims=True)

    p = jnp.clip(delta_ref[...], 0.0, 1.0)
    maskf = (u_ref[...] < p).astype(jnp.float32)
    acc[0] += jnp.sum(maskf * per_edge)
    acc[1] += jnp.sum(maskf)

    @pl.when(i == G3 - 1)
    def _():
        n = acc[1]
        loss = acc[0] / jnp.maximum(n, 1.0)
        o_ref[...] = jnp.full((1, 1), jnp.where(n > 0.0, loss, 0.0),
                              dtype=jnp.float32)


def _finalize(parts, cnt_col, delta_col, u_col):
    out = pl.pallas_call(
        _loss_body,
        grid=(G3,),
        in_specs=[pl.BlockSpec((NC, R3, W), lambda i: (0, i, 0)),
                  pl.BlockSpec((R3, 1), lambda i: (i, 0)),
                  pl.BlockSpec((R3, 1), lambda i: (i, 0)),
                  pl.BlockSpec((R3, 1), lambda i: (i, 0))],
        out_specs=pl.BlockSpec((1, 1), lambda i: (0, 0)),
        out_shape=jax.ShapeDtypeStruct((1, 1), jnp.float32),
        scratch_shapes=[pltpu.SMEM((2,), jnp.float32)],
    )(parts, cnt_col, delta_col, u_col)
    return out[0, 0]


def kernel(pred_s, pred_t, delta_e_, v_idx, e_idx):
    table = _build_table(pred_s, pred_t)
    v_junk = jnp.arange(PPAD, dtype=jnp.int32) % N
    v_pad = jnp.concatenate([v_idx, v_junk])
    e_junk = E + (jnp.arange(PPAD, dtype=jnp.int32) % (EP - E))
    e_pad = jnp.concatenate([e_idx, e_junk])
    parts = _sc_aggregate(table, v_pad, e_pad)
    counts = _edge_counts(e_idx).reshape(EP, 1)[:E]
    u = jax.random.uniform(jax.random.key(42), (E,), jnp.float32)
    return _finalize(parts, counts, delta_e_[:, None], u[:, None])

# --- scband reference (transcript-rebuilt; emitter-appended) ---
"""Pipeline reference for scband-high-order-constraint-64235530879488 (READ-ONLY COPY).

The authoritative reference and input builder live on the scoring server;
editing this copy changes nothing except your own understanding.
"""

import jax, jax.numpy as jnp
import numpy as np

N = 10000   # nodes
C = 128     # classes
P = 320000  # vertex-hyperedge incidences
E = 5000    # hyperedges
TAU = 1.0


def setup_inputs(seed: int = 0) -> dict:
    key = jax.random.key(seed)
    k1, k2, k3, k4, k5 = jax.random.split(key, 5)
    pred_s = jax.random.normal(k1, (N, C), dtype=jnp.float32)
    pred_t = jax.random.normal(k2, (N, C), dtype=jnp.float32)
    delta_e_ = jax.random.uniform(k5, (E,), dtype=jnp.float32)
    v_idx = jax.random.randint(k3, (P,), 0, N, dtype=jnp.int32)
    e_idx = jnp.sort(jax.random.randint(k4, (P,), 0, E, dtype=jnp.int32))
    return {"pred_s": pred_s, "pred_t": pred_t, "delta_e_": delta_e_,
            "v_idx": v_idx, "e_idx": e_idx}


def _v2e_mean(x, v_idx, e_idx, num_edges):
    # hypergraph vertex->edge mean aggregation: gather node rows by incidence,
    # segment-sum into hyperedges, divide by incidence counts
    gathered = jnp.take(x, v_idx, axis=0)
    sums = jax.ops.segment_sum(gathered, e_idx, num_segments=num_edges)
    counts = jax.ops.segment_sum(jnp.ones((v_idx.shape[0],), dtype=x.dtype), e_idx,
                                 num_segments=num_edges)
    counts = jnp.maximum(counts, 1.0)
    return sums / counts[:, None]


def reference(pred_s, pred_t, delta_e_, v_idx, e_idx):
    pred_s_softmax = jax.nn.softmax(pred_s, axis=1)
    pred_t_softmax = jax.nn.softmax(pred_t, axis=1)
    e_mask_probs = jnp.clip(delta_e_, 0.0, 1.0)
    # torch.bernoulli -> deterministic jax bernoulli with fixed key
    e_mask = jax.random.bernoulli(jax.random.key(42), e_mask_probs)
    maskf = e_mask.astype(jnp.float32)
    n_sel = jnp.sum(maskf)
    pred_s_e = _v2e_mean(pred_s_softmax, v_idx, e_idx, E)
    pred_t_e = _v2e_mean(pred_t_softmax, v_idx, e_idx, E)
    log_inp = jnp.log(pred_s_e / TAU + 1e-09)
    tgt = pred_t_e / TAU
    # F.kl_div(log_inp, tgt, reduction='batchmean') over masked edge rows:
    # sum_{selected rows} tgt * (log(tgt) - log_inp) / n_selected
    per_edge = jnp.sum(tgt * (jnp.log(tgt) - log_inp), axis=1)
    loss = jnp.sum(maskf * per_edge) / jnp.maximum(n_sel, 1.0)
    loss = jnp.where(n_sel > 0, loss, jnp.asarray(0.0, dtype=loss.dtype))
    return loss

if __name__ == "__main__":
    import jax
    _d = setup_inputs()
    print(jax.jit(kernel)(*tuple(_d.values())))

</pallas_src>

<mosaic_0001>
#map = affine_map<(d0, d1) -> (0, 0)>
#map1 = affine_map<(d0, d1) -> (0, 0, 0, 0)>
#map2 = affine_map<(d0, d1) -> (0, 0, 0)>
module attributes {stable_mosaic.version = 14 : i64} {
  func.func @_sc_body(%arg0: i32, %arg1: i32, %arg2: memref<10000x256xf32, #tpu.memory_space<hbm>>, %arg3: memref<32x8x32x40xi32, #tpu.memory_space<hbm>>, %arg4: memref<32x8x32x40xi32, #tpu.memory_space<hbm>>, %arg5: memref<2x5120x256xf32, #tpu.memory_space<hbm>>, %arg6: memref<32x40xi32, #tpu.memory_space<vmem>>, %arg7: memref<32x40xi32, #tpu.memory_space<vmem>>, %arg8: memref<32x40xi32, #tpu.memory_space<vmem>>, %arg9: memref<32x40xi32, #tpu.memory_space<vmem>>, %arg10: memref<40x256xf32, #tpu.memory_space<vmem>>, %arg11: memref<40x256xf32, #tpu.memory_space<vmem>>, %arg12: memref<40x256xf32, #tpu.memory_space<vmem>>, %arg13: memref<40x256xf32, #tpu.memory_space<vmem>>, %arg14: memref<5120x256xf32, #tpu.memory_space<vmem_shared>>, %arg15: memref<!tpu.dma_semaphore, #tpu.memory_space<semaphore_mem>>, %arg16: memref<!tpu.dma_semaphore, #tpu.memory_space<semaphore_mem>>, %arg17: memref<!tpu.dma_semaphore, #tpu.memory_space<semaphore_mem>>, %arg18: memref<!tpu.dma_semaphore, #tpu.memory_space<semaphore_mem>>, %arg19: memref<!tpu.dma_semaphore, #tpu.memory_space<semaphore_mem>>, %arg20: memref<!tpu.dma_semaphore, #tpu.memory_space<semaphore_mem>>, %arg21: memref<!tpu.dma_semaphore, #tpu.memory_space<semaphore_mem>>, %arg22: memref<!tpu.dma_semaphore, #tpu.memory_space<semaphore_mem>>, %arg23: memref<!tpu.dma_semaphore, #tpu.memory_space<semaphore_mem>>) attributes {dimension_semantics = [#tpu.dimension_semantics<core_parallel>, #tpu.dimension_semantics<subcore_parallel>], iteration_bounds = array<i64: 2, 16>, scalar_prefetch = 0 : i64, scratch_operands = 18 : i64, tpu.core_type = #tpu.core_type<sc_vector_subcore>, window_params = [{transform_indices = #map}, {transform_indices = #map1}, {transform_indices = #map1}, {transform_indices = #map2}]} {
    %mul3A = arith.constant 2 : i32
    %mul3A_0 = arith.muli %arg1, %mul3A : i32
    %add3A = arith.addi %mul3A_0, %arg0 : i32
    %dma_start3A = arith.constant 0 : i32
    %dma_start3A_1 = arith.constant 0 : i32
    %dma_start3A_2 = arith.constant 0 : i32
    %dma_start3A_3 = tpu.memref_slice %arg3[%add3A, %dma_start3A, %dma_start3A_1, %dma_start3A_2] : memref<32x8x32x40xi32, #tpu.memory_space<hbm>> -> memref<1x1x32x40xi32, #tpu.memory_space<hbm>>
    %dma_start3A_4 = tpu.memref_squeeze %dma_start3A_3 : memref<1x1x32x40xi32, #tpu.memory_space<hbm>> -> memref<32x40xi32, #tpu.memory_space<hbm>>
    %dma_start3A_5 = arith.constant 0 : i32
    %dma_start3A_6 = arith.constant 0 : i32
    %dma_start3A_7 = tpu.memref_slice %arg3[%add3A, %dma_start3A, %dma_start3A_5, %dma_start3A_6] : memref<32x8x32x40xi32, #tpu.memory_space<hbm>> -> memref<1x1x32x40xi32, #tpu.memory_space<hbm>>
    %dma_start3A_8 = tpu.memref_squeeze %dma_start3A_7 : memref<1x1x32x40xi32, #tpu.memory_space<hbm>> -> memref<32x40xi32, #tpu.memory_space<hbm>>
    tpu.enqueue_dma source(%dma_start3A_8 : memref<32x40xi32, #tpu.memory_space<hbm>>) target(%arg6 : memref<32x40xi32, #tpu.memory_space<vmem>>) target_semaphore(%arg15 : memref<!tpu.dma_semaphore, #tpu.memory_space<semaphore_mem>>)
    %dma_start3A_9 = arith.constant 0 : i32
    %dma_start3A_10 = arith.constant 0 : i32
    %dma_start3A_11 = arith.constant 0 : i32
    %dma_start3A_12 = tpu.memref_slice %arg4[%add3A, %dma_start3A_9, %dma_start3A_10, %dma_start3A_11] : memref<32x8x32x40xi32, #tpu.memory_space<hbm>> -> memref<1x1x32x40xi32, #tpu.memory_space<hbm>>
    %dma_start3A_13 = tpu.memref_squeeze %dma_start3A_12 : memref<1x1x32x40xi32, #tpu.memory_space<hbm>> -> memref<32x40xi32, #tpu.memory_space<hbm>>
    %dma_start3A_14 = arith.constant 0 : i32
    %dma_start3A_15 = arith.constant 0 : i32
    %dma_start3A_16 = tpu.memref_slice %arg4[%add3A, %dma_start3A_9, %dma_start3A_14, %dma_start3A_15] : memref<32x8x32x40xi32, #tpu.memory_space<hbm>> -> memref<1x1x32x40xi32, #tpu.memory_space<hbm>>
    %dma_start3A_17 = tpu.memref_squeeze %dma_start3A_16 : memref<1x1x32x40xi32, #tpu.memory_space<hbm>> -> memref<32x40xi32, #tpu.memory_space<hbm>>
    tpu.enqueue_dma source(%dma_start3A_17 : memref<32x40xi32, #tpu.memory_space<hbm>>) target(%arg8 : memref<32x40xi32, #tpu.memory_space<vmem>>) target_semaphore(%arg15 : memref<!tpu.dma_semaphore, #tpu.memory_space<semaphore_mem>>)
    %broadcast_in_dim3A = arith.constant 0.000000e+00 : f32
    %broadcast_in_dim3A_18 = vector.broadcast %broadcast_in_dim3A : f32 to vector<16xf32>
    %scan3A = arith.constant 0 : i32
    %scan3A_19 = arith.constant 0 : i32
    %scan3A_20 = arith.constant 512 : i32
    %scan3A_21 = arith.addi %scan3A_19, %scan3A_20 : i32
    %scan3A_22 = arith.constant 1 : i32
    scf.for %scan3A_109 = %scan3A_19 to %scan3A_21 step %scan3A_22  : i32 {
      %jit3A = arith.constant 16 : i32
      %div3A = arith.divsi %scan3A_109, %jit3A : i32
      %sign3A = arith.constant 0 : i32
      %sign3A_110 = arith.cmpi sgt, %scan3A_109, %sign3A : i32
      %sign3A_111 = arith.extui %sign3A_110 : i1 to i32
      %sign3A_112 = arith.constant 0 : i32
      %sign3A_113 = arith.cmpi slt, %scan3A_109, %sign3A_112 : i32
      %sign3A_114 = arith.extui %sign3A_113 : i1 to i32
      %sign3A_115 = arith.subi %sign3A_111, %sign3A_114 : i32
      %sign3A_116 = arith.constant 0 : i32
      %sign3A_117 = arith.cmpi sgt, %jit3A, %sign3A_116 : i32
      %sign3A_118 = arith.extui %sign3A_117 : i1 to i32
      %sign3A_119 = arith.constant 0 : i32
      %sign3A_120 = arith.cmpi slt, %jit3A, %sign3A_119 : i32
      %sign3A_121 = arith.extui %sign3A_120 : i1 to i32
      %sign3A_122 = arith.subi %sign3A_118, %sign3A_121 : i32
      %ne3A = arith.cmpi ne, %sign3A_115, %sign3A_122 : i32
      %rem3A = arith.remsi %scan3A_109, %jit3A : i32
      %ne3A_123 = arith.constant 0 : i32
      %ne3A_124 = arith.cmpi ne, %rem3A, %ne3A_123 : i32
      %and3A = arith.andi %ne3A, %ne3A_124 : i1
      %sub3A = arith.constant 1 : i32
      %sub3A_125 = arith.subi %div3A, %sub3A : i32
      %select_n3A = arith.select %and3A, %sub3A_125, %div3A : i32
      %jit3A_126 = arith.constant 16 : i32
      %eq3A = arith.constant 0 : i32
      %eq3A_127 = arith.cmpi eq, %jit3A_126, %eq3A : i32
      %jit3A_128 = arith.constant 1 : i32
      %select_n3A_129 = arith.select %eq3A_127, %jit3A_128, %jit3A_126 : i32
      %rem3A_130 = arith.remsi %scan3A_109, %select_n3A_129 : i32
      %ne3A_131 = arith.constant 0 : i32
      %ne3A_132 = arith.cmpi ne, %rem3A_130, %ne3A_131 : i32
      %lt3A = arith.constant 0 : i32
      %lt3A_133 = arith.cmpi slt, %rem3A_130, %lt3A : i32
      %lt3A_134 = arith.constant 0 : i32
      %lt3A_135 = arith.cmpi slt, %select_n3A_129, %lt3A_134 : i32
      %ne3A_136 = arith.xori %lt3A_133, %lt3A_135 : i1
      %and3A_137 = arith.andi %ne3A_136, %ne3A_132 : i1
      %add3A_138 = arith.addi %rem3A_130, %select_n3A_129 : i32
      %select_n3A_139 = arith.select %and3A_137, %add3A_138, %rem3A_130 : i32
      %mul3A_140 = arith.constant 16 : i32
      %mul3A_141 = arith.muli %select_n3A_139, %mul3A_140 : i32
      %swap3A = arith.index_cast %select_n3A : i32 to index
      %swap3A_142 = arith.index_cast %mul3A_141 : i32 to index
      %swap3A_143 = tpu.vector_load %arg10[%swap3A, %swap3A_142] {strides = array<i32>} : memref<40x256xf32, #tpu.memory_space<vmem>>, vector<1x16xf32>,
      %swap3A_144 = vector.shape_cast %swap3A_143 : vector<1x16xf32> to vector<16xf32>
      %swap3A_145 = vector.shape_cast %broadcast_in_dim3A_18 : vector<16xf32> to vector<1x16xf32>
      tpu.vector_store %arg10[%swap3A, %swap3A_142], %swap3A_145 {strides = array<i32>} : memref<40x256xf32, #tpu.memory_space<vmem>>, vector<1x16xf32>,
    }
    %scan3A_23 = arith.constant 512 : i32
    %scan3A_24 = arith.constant 0 : i32
    %scan3A_25 = arith.constant 0 : i32
    %scan3A_26 = arith.constant 10 : i32
    %scan3A_27 = arith.addi %scan3A_25, %scan3A_26 : i32
    %scan3A_28 = arith.constant 1 : i32
    scf.for %scan3A_109 = %scan3A_25 to %scan3A_27 step %scan3A_28  : i32 {
      %mul3A_110 = arith.constant 320 : i32
      %mul3A_111 = arith.muli %arg1, %mul3A_110 : i32
      %mul3A_112 = arith.constant 32 : i32
      %mul3A_113 = arith.muli %scan3A_109, %mul3A_112 : i32
      %add3A_114 = arith.addi %mul3A_111, %mul3A_113 : i32
      "tpu.region"() ({
        %run_scoped3A = tpu.sem_alloc : memref<!tpu.dma_semaphore, #tpu.memory_space<semaphore_mem>>
        %dma_start3A_115 = arith.constant 0 : i32
        %dma_start3A_116 = arith.constant 0 : i32
        %dma_start3A_117 = tpu.memref_slice %arg10[%dma_start3A_115, %dma_start3A_116] : memref<40x256xf32, #tpu.memory_space<vmem>> -> memref<32x256xf32, #tpu.memory_space<vmem>>
        %dma_start3A_118 = arith.constant 0 : i32
        %dma_start3A_119 = tpu.memref_slice %arg14[%add3A_114, %dma_start3A_118] : memref<5120x256xf32, #tpu.memory_space<vmem_shared>> -> memref<32x256xf32, #tpu.memory_space<vmem_shared>>
        %dma_start3A_120 = arith.constant 0 : i32
        %dma_start3A_121 = tpu.memref_slice %arg14[%add3A_114, %dma_start3A_120] : memref<5120x256xf32, #tpu.memory_space<vmem_shared>> -> memref<32x256xf32, #tpu.memory_space<vmem_shared>>
        %dma_start3A_122 = arith.constant 0 : i32
        %dma_start3A_123 = arith.constant 0 : i32
        %dma_start3A_124 = tpu.memref_slice %arg10[%dma_start3A_122, %dma_start3A_123] : memref<40x256xf32, #tpu.memory_space<vmem>> -> memref<32x256xf32, #tpu.memory_space<vmem>>
        tpu.enqueue_dma source(%dma_start3A_124 : memref<32x256xf32, #tpu.memory_space<vmem>>) target(%dma_start3A_121 : memref<32x256xf32, #tpu.memory_space<vmem_shared>>) target_semaphore(%run_scoped3A : memref<!tpu.dma_semaphore, #tpu.memory_space<semaphore_mem>>)
        %dma_wait3A_125 = arith.constant 0 : i32
        %dma_wait3A_126 = arith.constant 0 : i32
        %dma_wait3A_127 = tpu.memref_slice %arg10[%dma_wait3A_125, %dma_wait3A_126] : memref<40x256xf32, #tpu.memory_space<vmem>> -> memref<32x256xf32, #tpu.memory_space<vmem>>
        %dma_wait3A_128 = arith.constant 0 : i32
        %dma_wait3A_129 = tpu.memref_slice %arg14[%add3A_114, %dma_wait3A_128] : memref<5120x256xf32, #tpu.memory_space<vmem_shared>> -> memref<32x256xf32, #tpu.memory_space<vmem_shared>>
        %dma_wait3A_130 = arith.constant 0 : i32
        %dma_wait3A_131 = tpu.memref_slice %arg14[%add3A_114, %dma_wait3A_130] : memref<5120x256xf32, #tpu.memory_space<vmem_shared>> -> memref<32x256xf32, #tpu.memory_space<vmem_shared>>
        %dma_wait3A_132 = arith.constant 0 : i32
        %dma_wait3A_133 = arith.constant 0 : i32
        %dma_wait3A_134 = tpu.memref_slice %arg10[%dma_wait3A_132, %dma_wait3A_133] : memref<40x256xf32, #tpu.memory_space<vmem>> -> memref<32x256xf32, #tpu.memory_space<vmem>>
        tpu.wait_dma2 semaphore(%run_scoped3A : memref<!tpu.dma_semaphore, #tpu.memory_space<semaphore_mem>>) src(%dma_wait3A_134 : memref<32x256xf32, #tpu.memory_space<vmem>>) dst(%dma_wait3A_131 : memref<32x256xf32, #tpu.memory_space<vmem_shared>>)
        tpu.yield
      }) : () -> ()
    }
    %scan3A_29 = arith.constant 10 : i32
    %dma_wait3A = arith.constant 0 : i32
    %dma_wait3A_30 = arith.constant 0 : i32
    %dma_wait3A_31 = arith.constant 0 : i32
    %dma_wait3A_32 = tpu.memref_slice %arg3[%add3A, %dma_wait3A, %dma_wait3A_30, %dma_wait3A_31] : memref<32x8x32x40xi32, #tpu.memory_space<hbm>> -> memref<1x1x32x40xi32, #tpu.memory_space<hbm>>
    %dma_wait3A_33 = tpu.memref_squeeze %dma_wait3A_32 : memref<1x1x32x40xi32, #tpu.memory_space<hbm>> -> memref<32x40xi32, #tpu.memory_space<hbm>>
    %dma_wait3A_34 = arith.constant 0 : i32
    %dma_wait3A_35 = arith.constant 0 : i32
    %dma_wait3A_36 = tpu.memref_slice %arg3[%add3A, %dma_wait3A, %dma_wait3A_34, %dma_wait3A_35] : memref<32x8x32x40xi32, #tpu.memory_space<hbm>> -> memref<1x1x32x40xi32, #tpu.memory_space<hbm>>
    %dma_wait3A_37 = tpu.memref_squeeze %dma_wait3A_36 : memref<1x1x32x40xi32, #tpu.memory_space<hbm>> -> memref<32x40xi32, #tpu.memory_space<hbm>>
    tpu.wait_dma2 semaphore(%arg15 : memref<!tpu.dma_semaphore, #tpu.memory_space<semaphore_mem>>) src(%dma_wait3A_37 : memref<32x40xi32, #tpu.memory_space<hbm>>) dst(%arg6 : memref<32x40xi32, #tpu.memory_space<vmem>>)
    %dma_wait3A_38 = arith.constant 0 : i32
    %dma_wait3A_39 = arith.constant 0 : i32
    %dma_wait3A_40 = arith.constant 0 : i32
    %dma_wait3A_41 = tpu.memref_slice %arg4[%add3A, %dma_wait3A_38, %dma_wait3A_39, %dma_wait3A_40] : memref<32x8x32x40xi32, #tpu.memory_space<hbm>> -> memref<1x1x32x40xi32, #tpu.memory_space<hbm>>
    %dma_wait3A_42 = tpu.memref_squeeze %dma_wait3A_41 : memref<1x1x32x40xi32, #tpu.memory_space<hbm>> -> memref<32x40xi32, #tpu.memory_space<hbm>>
    %dma_wait3A_43 = arith.constant 0 : i32
    %dma_wait3A_44 = arith.constant 0 : i32
    %dma_wait3A_45 = tpu.memref_slice %arg4[%add3A, %dma_wait3A_38, %dma_wait3A_43, %dma_wait3A_44] : memref<32x8x32x40xi32, #tpu.memory_space<hbm>> -> memref<1x1x32x40xi32, #tpu.memory_space<hbm>>
    %dma_wait3A_46 = tpu.memref_squeeze %dma_wait3A_45 : memref<1x1x32x40xi32, #tpu.memory_space<hbm>> -> memref<32x40xi32, #tpu.memory_space<hbm>>
    tpu.wait_dma2 semaphore(%arg15 : memref<!tpu.dma_semaphore, #tpu.memory_space<semaphore_mem>>) src(%dma_wait3A_46 : memref<32x40xi32, #tpu.memory_space<hbm>>) dst(%arg8 : memref<32x40xi32, #tpu.memory_space<vmem>>)
    %barrier3A = arith.constant 0 : index
    tpu.barrier barrier_id(%barrier3A)
    %dma_start3A_47 = arith.constant 0 : i32
    %dma_start3A_48 = arith.constant 0 : i32
    %dma_start3A_49 = tpu.memref_slice %arg6[%dma_start3A_47, %dma_start3A_48] : memref<32x40xi32, #tpu.memory_space<vmem>> -> memref<1x40xi32, #tpu.memory_space<vmem>>
    %dma_start3A_50 = tpu.memref_squeeze %dma_start3A_49 : memref<1x40xi32, #tpu.memory_space<vmem>> -> memref<40xi32, #tpu.memory_space<vmem>>
    %dma_start3A_51 = arith.constant 0 : i32
    %dma_start3A_52 = arith.constant 0 : i32
    %dma_start3A_53 = tpu.memref_slice %arg2[%dma_start3A_51, %dma_start3A_52] : memref<10000x256xf32, #tpu.memory_space<hbm>> -> memref<10000x256xf32, #tpu.memory_space<hbm>>
    tpu.enqueue_indirect_dma source(%dma_start3A_53 : memref<10000x256xf32, #tpu.memory_space<hbm>>) target(%arg10 : memref<40x256xf32, #tpu.memory_space<vmem>>) offsets(%dma_start3A_50 : memref<40xi32, #tpu.memory_space<vmem>>) semaphore(%arg16 : memref<!tpu.dma_semaphore, #tpu.memory_space<semaphore_mem>>)
    %dma_start3A_54 = arith.constant 1 : i32
    %dma_start3A_55 = arith.constant 0 : i32
    %dma_start3A_56 = tpu.memref_slice %arg6[%dma_start3A_54, %dma_start3A_55] : memref<32x40xi32, #tpu.memory_space<vmem>> -> memref<1x40xi32, #tpu.memory_space<vmem>>
    %dma_start3A_57 = tpu.memref_squeeze %dma_start3A_56 : memref<1x40xi32, #tpu.memory_space<vmem>> -> memref<40xi32, #tpu.memory_space<vmem>>
    %dma_start3A_58 = arith.constant 0 : i32
    %dma_start3A_59 = arith.constant 0 : i32
    %dma_start3A_60 = tpu.memref_slice %arg2[%dma_start3A_58, %dma_start3A_59] : memref<10000x256xf32, #tpu.memory_space<hbm>> -> memref<10000x256xf32, #tpu.memory_space<hbm>>
    tpu.enqueue_indirect_dma source(%dma_start3A_60 : memref<10000x256xf32, #tpu.memory_space<hbm>>) target(%arg11 : memref<40x256xf32, #tpu.memory_space<vmem>>) offsets(%dma_start3A_57 : memref<40xi32, #tpu.memory_space<vmem>>) semaphore(%arg17 : memref<!tpu.dma_semaphore, #tpu.memory_space<semaphore_mem>>)
    %dma_start3A_61 = arith.constant 2 : i32
    %dma_start3A_62 = arith.constant 0 : i32
    %dma_start3A_63 = tpu.memref_slice %arg6[%dma_start3A_61, %dma_start3A_62] : memref<32x40xi32, #tpu.memory_space<vmem>> -> memref<1x40xi32, #tpu.memory_space<vmem>>
    %dma_start3A_64 = tpu.memref_squeeze %dma_start3A_63 : memref<1x40xi32, #tpu.memory_space<vmem>> -> memref<40xi32, #tpu.memory_space<vmem>>
    %dma_start3A_65 = arith.constant 0 : i32
    %dma_start3A_66 = arith.constant 0 : i32
    %dma_start3A_67 = tpu.memref_slice %arg2[%dma_start3A_65, %dma_start3A_66] : memref<10000x256xf32, #tpu.memory_space<hbm>> -> memref<10000x256xf32, #tpu.memory_space<hbm>>
    tpu.enqueue_indirect_dma source(%dma_start3A_67 : memref<10000x256xf32, #tpu.memory_space<hbm>>) target(%arg12 : memref<40x256xf32, #tpu.memory_space<vmem>>) offsets(%dma_start3A_64 : memref<40xi32, #tpu.memory_space<vmem>>) semaphore(%arg18 : memref<!tpu.dma_semaphore, #tpu.memory_space<semaphore_mem>>)
    %scan3A_68 = arith.constant 0 : i32
    %scan3A_69 = arith.constant 0 : i32
    %scan3A_70 = arith.constant 4 : i32
    %scan3A_71 = arith.addi %scan3A_69, %scan3A_70 : i32
    %scan3A_72 = arith.constant 1 : i32
    scf.for %scan3A_109 = %scan3A_69 to %scan3A_71 step %scan3A_72  : i32 {
      %mul3A_110 = arith.constant 2 : i32
      %mul3A_111 = arith.muli %mul3A_110, %scan3A_109 : i32
      %add3A_112 = arith.constant 0 : i32
      %add3A_113 = arith.addi %mul3A_111, %add3A_112 : i32
      %add3A_114 = arith.constant 1 : i32
      %add3A_115 = arith.addi %add3A_113, %add3A_114 : i32
      %dma_start3A_116 = arith.constant 0 : i32
      %dma_start3A_117 = arith.constant 0 : i32
      %dma_start3A_118 = tpu.memref_slice %arg3[%add3A, %add3A_115, %dma_start3A_116, %dma_start3A_117] : memref<32x8x32x40xi32, #tpu.memory_space<hbm>> -> memref<1x1x32x40xi32, #tpu.memory_space<hbm>>
      %dma_start3A_119 = tpu.memref_squeeze %dma_start3A_118 : memref<1x1x32x40xi32, #tpu.memory_space<hbm>> -> memref<32x40xi32, #tpu.memory_space<hbm>>
      %dma_start3A_120 = arith.constant 0 : i32
      %dma_start3A_121 = arith.constant 0 : i32
      %dma_start3A_122 = tpu.memref_slice %arg3[%add3A, %add3A_115, %dma_start3A_120, %dma_start3A_121] : memref<32x8x32x40xi32, #tpu.memory_space<hbm>> -> memref<1x1x32x40xi32, #tpu.memory_space<hbm>>
      %dma_start3A_123 = tpu.memref_squeeze %dma_start3A_122 : memref<1x1x32x40xi32, #tpu.memory_space<hbm>> -> memref<32x40xi32, #tpu.memory_space<hbm>>
      tpu.enqueue_dma source(%dma_start3A_123 : memref<32x40xi32, #tpu.memory_space<hbm>>) target(%arg7 : memref<32x40xi32, #tpu.memory_space<vmem>>) target_semaphore(%arg15 : memref<!tpu.dma_semaphore, #tpu.memory_space<semaphore_mem>>)
      %add3A_124 = arith.constant 1 : i32
      %add3A_125 = arith.addi %add3A_113, %add3A_124 : i32
      %dma_start3A_126 = arith.constant 0 : i32
      %dma_start3A_127 = arith.constant 0 : i32
      %dma_start3A_128 = tpu.memref_slice %arg4[%add3A, %add3A_125, %dma_start3A_126, %dma_start3A_127] : memref<32x8x32x40xi32, #tpu.memory_space<hbm>> -> memref<1x1x32x40xi32, #tpu.memory_space<hbm>>
      %dma_start3A_129 = tpu.memref_squeeze %dma_start3A_128 : memref<1x1x32x40xi32, #tpu.memory_space<hbm>> -> memref<32x40xi32, #tpu.memory_space<hbm>>
      %dma_start3A_130 = arith.constant 0 : i32
      %dma_start3A_131 = arith.constant 0 : i32
      %dma_start3A_132 = tpu.memref_slice %arg4[%add3A, %add3A_125, %dma_start3A_130, %dma_start3A_131] : memref<32x8x32x40xi32, #tpu.memory_space<hbm>> -> memref<1x1x32x40xi32, #tpu.memory_space<hbm>>
      %dma_start3A_133 = tpu.memref_squeeze %dma_start3A_132 : memref<1x1x32x40xi32, #tpu.memory_space<hbm>> -> memref<32x40xi32, #tpu.memory_space<hbm>>
      tpu.enqueue_dma source(%dma_start3A_133 : memref<32x40xi32, #tpu.memory_space<hbm>>) target(%arg9 : memref<32x40xi32, #tpu.memory_space<vmem>>) target_semaphore(%arg15 : memref<!tpu.dma_semaphore, #tpu.memory_space<semaphore_mem>>)
      %dma_wait3A_134 = arith.constant 0 : i32
      %dma_wait3A_135 = arith.constant 0 : i32
      %dma_wait3A_136 = tpu.memref_slice %arg6[%dma_wait3A_134, %dma_wait3A_135] : memref<32x40xi32, #tpu.memory_space<vmem>> -> memref<1x40xi32, #tpu.memory_space<vmem>>
      %dma_wait3A_137 = tpu.memref_squeeze %dma_wait3A_136 : memref<1x40xi32, #tpu.memory_space<vmem>> -> memref<40xi32, #tpu.memory_space<vmem>>
      %dma_wait3A_138 = arith.constant 0 : i32
      %dma_wait3A_139 = arith.constant 0 : i32
      %dma_wait3A_140 = tpu.memref_slice %arg2[%dma_wait3A_138, %dma_wait3A_139] : memref<10000x256xf32, #tpu.memory_space<hbm>> -> memref<10000x256xf32, #tpu.memory_space<hbm>>
      tpu.wait_indirect_dma semaphore(%arg16 : memref<!tpu.dma_semaphore, #tpu.memory_space<semaphore_mem>>) src(%dma_wait3A_140 : memref<10000x256xf32, #tpu.memory_space<hbm>>) dst(%arg10 : memref<40x256xf32, #tpu.memory_space<vmem>>)
      %dma_start3A_141 = arith.constant 0 : i32
      %dma_start3A_142 = arith.constant 0 : i32
      %dma_start3A_143 = tpu.memref_slice %arg8[%dma_start3A_141, %dma_start3A_142] : memref<32x40xi32, #tpu.memory_space<vmem>> -> memref<1x40xi32, #tpu.memory_space<vmem>>
      %dma_start3A_144 = tpu.memref_squeeze %dma_start3A_143 : memref<1x40xi32, #tpu.memory_space<vmem>> -> memref<40xi32, #tpu.memory_space<vmem>>
      %dma_start3A_145 = arith.constant 0 : i32
      %dma_start3A_146 = arith.constant 0 : i32
      %dma_start3A_147 = tpu.memref_slice %arg14[%dma_start3A_145, %dma_start3A_146] : memref<5120x256xf32, #tpu.memory_space<vmem_shared>> -> memref<5120x256xf32, #tpu.memory_space<vmem_shared>>
      tpu.enqueue_indirect_dma source(%arg10 : memref<40x256xf32, #tpu.memory_space<vmem>>) target(%dma_start3A_147 : memref<5120x256xf32, #tpu.memory_space<vmem_shared>>) offsets(%dma_start3A_144 : memref<40xi32, #tpu.memory_space<vmem>>) semaphore(%arg20 : memref<!tpu.dma_semaphore, #tpu.memory_space<semaphore_mem>>) {add = true}
      %gt3A = arith.constant 0 : i32
      %gt3A_148 = arith.cmpi sgt, %scan3A_109, %gt3A : i32
      %convert_element_type3A = arith.extui %gt3A_148 : i1 to i32
      %cond3A = arith.constant 0 : i32
      %cond3A_149 = arith.cmpi ne, %convert_element_type3A, %cond3A : i32
      scf.if %cond3A_149 {
        %dma_wait3A_1928 = arith.constant 0 : i32
        %dma_wait3A_1929 = arith.constant 0 : i32
        %dma_wait3A_1930 = tpu.memref_slice %arg8[%dma_wait3A_1928, %dma_wait3A_1929] : memref<32x40xi32, #tpu.memory_space<vmem>> -> memref<1x40xi32, #tpu.memory_space<vmem>>
        %dma_wait3A_1931 = tpu.memref_squeeze %dma_wait3A_1930 : memref<1x40xi32, #tpu.memory_space<vmem>> -> memref<40xi32, #tpu.memory_space<vmem>>
        %dma_wait3A_1932 = arith.constant 0 : i32
        %dma_wait3A_1933 = arith.constant 0 : i32
        %dma_wait3A_1934 = tpu.memref_slice %arg14[%dma_wait3A_1932, %dma_wait3A_1933] : memref<5120x256xf32, #tpu.memory_space<vmem_shared>> -> memref<5120x256xf32, #tpu.memory_space<vmem_shared>>
        tpu.wait_indirect_dma semaphore(%arg23 : memref<!tpu.dma_semaphore, #tpu.memory_space<semaphore_mem>>) src(%arg13 : memref<40x256xf32, #tpu.memory_space<vmem>>) dst(%dma_wait3A_1934 : memref<5120x256xf32, #tpu.memory_space<vmem_shared>>)
      } else {
      }
      %dma_start3A_150 = arith.constant 3 : i32
      %dma_start3A_151 = arith.constant 0 : i32
      %dma_start3A_152 = tpu.memref_slice %arg6[%dma_start3A_150, %dma_start3A_151] : memref<32x40xi32, #tpu.memory_space<vmem>> -> memref<1x40xi32, #tpu.memory_space<vmem>>
      %dma_start3A_153 = tpu.memref_squeeze %dma_start3A_152 : memref<1x40xi32, #tpu.memory_space<vmem>> -> memref<40xi32, #tpu.memory_space<vmem>>
      %dma_start3A_154 = arith.constant 0 : i32
      %dma_start3A_155 = arith.constant 0 : i32
      %dma_start3A_156 = tpu.memref_slice %arg2[%dma_start3A_154, %dma_start3A_155] : memref<10000x256xf32, #tpu.memory_space<hbm>> -> memref<10000x256xf32, #tpu.memory_space<hbm>>
      tpu.enqueue_indirect_dma source(%dma_start3A_156 : memref<10000x256xf32, #tpu.memory_space<hbm>>) target(%arg13 : memref<40x256xf32, #tpu.memory_space<vmem>>) offsets(%dma_start3A_153 : memref<40xi32, #tpu.memory_space<vmem>>) semaphore(%arg19 : memref<!tpu.dma_semaphore, #tpu.memory_space<semaphore_mem>>)
      %dma_wait3A_157 = arith.constant 0 : i32
      %dma_wait3A_158 = arith.constant 0 : i32
      %dma_wait3A_159 = tpu.memref_slice %arg6[%dma_wait3A_157, %dma_wait3A_158] : memref<32x40xi32, #tpu.memory_space<vmem>> -> memref<1x40xi32, #tpu.memory_space<vmem>>
      %dma_wait3A_160 = tpu.memref_squeeze %dma_wait3A_159 : memref<1x40xi32, #tpu.memory_space<vmem>> -> memref<40xi32, #tpu.memory_space<vmem>>
      %dma_wait3A_161 = arith.constant 0 : i32
      %dma_wait3A_162 = arith.constant 0 : i32
      %dma_wait3A_163 = tpu.memref_slice %arg2[%dma_wait3A_161, %dma_wait3A_162] : memref<10000x256xf32, #tpu.memory_space<hbm>> -> memref<10000x256xf32, #tpu.memory_space<hbm>>
      tpu.wait_indirect_dma semaphore(%arg17 : memref<!tpu.dma_semaphore, #tpu.memory_space<semaphore_mem>>) src(%dma_wait3A_163 : memref<10000x256xf32, #tpu.memory_space<hbm>>) dst(%arg11 : memref<40x256xf32, #tpu.memory_space<vmem>>)
      %dma_start3A_164 = arith.constant 1 : i32
      %dma_start3A_165 = arith.constant 0 : i32
      %dma_start3A_166 = tpu.memref_slice %arg8[%dma_start3A_164, %dma_start3A_165] : memref<32x40xi32, #tpu.memory_space<vmem>> -> memref<1x40xi32, #tpu.memory_space<vmem>>
      %dma_start3A_167 = tpu.memref_squeeze %dma_start3A_166 : memref<1x40xi32, #tpu.memory_space<vmem>> -> memref<40xi32, #tpu.memory_space<vmem>>
      %dma_start3A_168 = arith.constant 0 : i32
      %dma_start3A_169 = arith.constant 0 : i32
      %dma_start3A_170 = tpu.memref_slice %arg14[%dma_start3A_168, %dma_start3A_169] : memref<5120x256xf32, #tpu.memory_space<vmem_shared>> -> memref<5120x256xf32, #tpu.memory_space<vmem_shared>>
      tpu.enqueue_indirect_dma source(%arg11 : memref<40x256xf32, #tpu.memory_space<vmem>>) target(%dma_start3A_170 : memref<5120x256xf32, #tpu.memory_space<vmem_shared>>) offsets(%dma_start3A_167 : memref<40xi32, #tpu.memory_space<vmem>>) semaphore(%arg21 : memref<!tpu.dma_semaphore, #tpu.memory_space<semaphore_mem>>) {add = true}
      %dma_wait3A_171 = arith.constant 0 : i32
      %dma_wait3A_172 = arith.constant 0 : i32
      %dma_wait3A_173 = tpu.memref_slice %arg8[%dma_wait3A_171, %dma_wait3A_172] : memref<32x40xi32, #tpu.memory_space<vmem>> -> memref<1x40xi32, #tpu.memory_space<vmem>>
      %dma_wait3A_174 = tpu.memref_squeeze %dma_wait3A_173 : memref<1x40xi32, #tpu.memory_space<vmem>> -> memref<40xi32, #tpu.memory_space<vmem>>
      %dma_wait3A_175 = arith.constant 0 : i32
      %dma_wait3A_176 = arith.constant 0 : i32
      %dma_wait3A_177 = tpu.memref_slice %arg14[%dma_wait3A_175, %dma_wait3A_176] : memref<5120x256xf32, #tpu.memory_space<vmem_shared>> -> memref<5120x256xf32, #tpu.memory_space<vmem_shared>>
      tpu.wait_indirect_dma semaphore(%arg20 : memref<!tpu.dma_semaphore, #tpu.memory_space<semaphore_mem>>) src(%arg10 : memref<40x256xf32, #tpu.memory_space<vmem>>) dst(%dma_wait3A_177 : memref<5120x256xf32, #tpu.memory_space<vmem_shared>>)
      %dma_start3A_178 = arith.constant 4 : i32
      %dma_start3A_179 = arith.constant 0 : i32
      %dma_start3A_180 = tpu.memref_slice %arg6[%dma_start3A_178, %dma_start3A_179] : memref<32x40xi32, #tpu.memory_space<vmem>> -> memref<1x40xi32, #tpu.memory_space<vmem>>
      %dma_start3A_181 = tpu.memref_squeeze %dma_start3A_180 : memref<1x40xi32, #tpu.memory_space<vmem>> -> memref<40xi32, #tpu.memory_space<vmem>>
      %dma_start3A_182 = arith.constant 0 : i32
      %dma_start3A_183 = arith.constant 0 : i32
      %dma_start3A_184 = tpu.memref_slice %arg2[%dma_start3A_182, %dma_start3A_183] : memref<10000x256xf32, #tpu.memory_space<hbm>> -> memref<10000x256xf32, #tpu.memory_space<hbm>>
      tpu.enqueue_indirect_dma source(%dma_start3A_184 : memref<10000x256xf32, #tpu.memory_space<hbm>>) target(%arg10 : memref<40x256xf32, #tpu.memory_space<vmem>>) offsets(%dma_start3A_181 : memref<40xi32, #tpu.memory_space<vmem>>) semaphore(%arg16 : memref<!tpu.dma_semaphore, #tpu.memory_space<semaphore_mem>>)
      %dma_wait3A_185 = arith.constant 0 : i32
      %dma_wait3A_186 = arith.constant 0 : i32
      %dma_wait3A_187 = tpu.memref_slice %arg6[%dma_wait3A_185, %dma_wait3A_186] : memref<32x40xi32, #tpu.memory_space<vmem>> -> memref<1x40xi32, #tpu.memory_space<vmem>>
      %dma_wait3A_188 = tpu.memref_squeeze %dma_wait3A_187 : memref<1x40xi32, #tpu.memory_space<vmem>> -> memref<40xi32, #tpu.memory_space<vmem>>
      %dma_wait3A_189 = arith.constant 0 : i32
      %dma_wait3A_190 = arith.constant 0 : i32
      %dma_wait3A_191 = tpu.memref_slice %arg2[%dma_wait3A_189, %dma_wait3A_190] : memref<10000x256xf32, #tpu.memory_space<hbm>> -> memref<10000x256xf32, #tpu.memory_space<hbm>>
      tpu.wait_indirect_dma semaphore(%arg18 : memref<!tpu.dma_semaphore, #tpu.memory_space<semaphore_mem>>) src(%dma_wait3A_191 : memref<10000x256xf32, #tpu.memory_space<hbm>>) dst(%arg12 : memref<40x256xf32, #tpu.memory_space<vmem>>)
      %dma_start3A_192 = arith.constant 2 : i32
      %dma_start3A_193 = arith.constant 0 : i32
      %dma_start3A_194 = tpu.memref_slice %arg8[%dma_start3A_192, %dma_start3A_193] : memref<32x40xi32, #tpu.memory_space<vmem>> -> memref<1x40xi32, #tpu.memory_space<vmem>>
      %dma_start3A_195 = tpu.memref_squeeze %dma_start3A_194 : memref<1x40xi32, #tpu.memory_space<vmem>> -> memref<40xi32, #tpu.memory_space<vmem>>
      %dma_start3A_196 = arith.constant 0 : i32
      %dma_start3A_197 = arith.constant 0 : i32
      %dma_start3A_198 = tpu.memref_slice %arg14[%dma_start3A_196, %dma_start3A_197] : memref<5120x256xf32, #tpu.memory_space<vmem_shared>> -> memref<5120x256xf32, #tpu.memory_space<vmem_shared>>
      tpu.enqueue_indirect_dma source(%arg12 : memref<40x256xf32, #tpu.memory_space<vmem>>) target(%dma_start3A_198 : memref<5120x256xf32, #tpu.memory_space<vmem_shared>>) offsets(%dma_start3A_195 : memref<40xi32, #tpu.memory_space<vmem>>) semaphore(%arg22 : memref<!tpu.dma_semaphore, #tpu.memory_space<semaphore_mem>>) {add = true}
      %dma_wait3A_199 = arith.constant 0 : i32
      %dma_wait3A_200 = arith.constant 0 : i32
      %dma_wait3A_201 = tpu.memref_slice %arg8[%dma_wait3A_199, %dma_wait3A_200] : memref<32x40xi32, #tpu.memory_space<vmem>> -> memref<1x40xi32, #tpu.memory_space<vmem>>
      %dma_wait3A_202 = tpu.memref_squeeze %dma_wait3A_201 : memref<1x40xi32, #tpu.memory_space<vmem>> -> memref<40xi32, #tpu.memory_space<vmem>>
      %dma_wait3A_203 = arith.constant 0 : i32
      %dma_wait3A_204 = arith.constant 0 : i32
      %dma_wait3A_205 = tpu.memref_slice %arg14[%dma_wait3A_203, %dma_wait3A_204] : memref<5120x256xf32, #tpu.memory_space<vmem_shared>> -> memref<5120x256xf32, #tpu.memory_space<vmem_shared>>
      tpu.wait_indirect_dma semaphore(%arg21 : memref<!tpu.dma_semaphore, #tpu.memory_space<semaphore_mem>>) src(%arg11 : memref<40x256xf32, #tpu.memory_space<vmem>>) dst(%dma_wait3A_205 : memref<5120x256xf32, #tpu.memory_space<vmem_shared>>)
      %dma_start3A_206 = arith.constant 5 : i32
      %dma_start3A_207 = arith.constant 0 : i32
      %dma_start3A_208 = tpu.memref_slice %arg6[%dma_start3A_206, %dma_start3A_207] : memref<32x40xi32, #tpu.memory_space<vmem>> -> memref<1x40xi32, #tpu.memory_space<vmem>>
      %dma_start3A_209 = tpu.memref_squeeze %dma_start3A_208 : memref<1x40xi32, #tpu.memory_space<vmem>> -> memref<40xi32, #tpu.memory_space<vmem>>
      %dma_start3A_210 = arith.constant 0 : i32
      %dma_start3A_211 = arith.constant 0 : i32
      %dma_start3A_212 = tpu.memref_slice %arg2[%dma_start3A_210, %dma_start3A_211] : memref<10000x256xf32, #tpu.memory_space<hbm>> -> memref<10000x256xf32, #tpu.memory_space<hbm>>
      tpu.enqueue_indirect_dma source(%dma_start3A_212 : memref<10000x256xf32, #tpu.memory_space<hbm>>) target(%arg11 : memref<40x256xf32, #tpu.memory_space<vmem>>) offsets(%dma_start3A_209 : memref<40xi32, #tpu.memory_space<vmem>>) semaphore(%arg17 : memref<!tpu.dma_semaphore, #tpu.memory_space<semaphore_mem>>)
      %dma_wait3A_213 = arith.constant 0 : i32
      %dma_wait3A_214 = arith.constant 0 : i32
      %dma_wait3A_215 = tpu.memref_slice %arg6[%dma_wait3A_213, %dma_wait3A_214] : memref<32x40xi32, #tpu.memory_space<vmem>> -> memref<1x40xi32, #tpu.memory_space<vmem>>
      %dma_wait3A_216 = tpu.memref_squeeze %dma_wait3A_215 : memref<1x40xi32, #tpu.memory_space<vmem>> -> memref<40xi32, #tpu.memory_space<vmem>>
      %dma_wait3A_217 = arith.constant 0 : i32
      %dma_wait3A_218 = arith.constant 0 : i32
      %dma_wait3A_219 = tpu.memref_slice %arg2[%dma_wait3A_217, %dma_wait3A_218] : memref<10000x256xf32, #tpu.memory_space<hbm>> -> memref<10000x256xf32, #tpu.memory_space<hbm>>
      tpu.wait_indirect_dma semaphore(%arg19 : memref<!tpu.dma_semaphore, #tpu.memory_space<semaphore_mem>>) src(%dma_wait3A_219 : memref<10000x256xf32, #tpu.memory_space<hbm>>) dst(%arg13 : memref<40x256xf32, #tpu.memory_space<vmem>>)
      %dma_start3A_220 = arith.constant 3 : i32
      %dma_start3A_221 = arith.constant 0 : i32
      %dma_start3A_222 = tpu.memref_slice %arg8[%dma_start3A_220, %dma_start3A_221] : memref<32x40xi32, #tpu.memory_space<vmem>> -> memref<1x40xi32, #tpu.memory_space<vmem>>
      %dma_start3A_223 = tpu.memref_squeeze %dma_start3A_222 : memref<1x40xi32, #tpu.memory_space<vmem>> -> memref<40xi32, #tpu.memory_space<vmem>>
      %dma_start3A_224 = arith.constant 0 : i32
      %dma_start3A_225 = arith.constant 0 : i32
      %dma_start3A_226 = tpu.memref_slice %arg14[%dma_start3A_224, %dma_start3A_225] : memref<5120x256xf32, #tpu.memory_space<vmem_shared>> -> memref<5120x256xf32, #tpu.memory_space<vmem_shared>>
      tpu.enqueue_indirect_dma source(%arg13 : memref<40x256xf32, #tpu.memory_space<vmem>>) target(%dma_start3A_226 : memref<5120x256xf32, #tpu.memory_space<vmem_shared>>) offsets(%dma_start3A_223 : memref<40xi32, #tpu.memory_space<vmem>>) semaphore(%arg23 : memref<!tpu.dma_semaphore, #tpu.memory_space<semaphore_mem>>) {add = true}
      %dma_wait3A_227 = arith.constant 0 : i32
      %dma_wait3A_228 = arith.constant 0 : i32
      %dma_wait3A_229 = tpu.memref_slice %arg8[%dma_wait3A_227, %dma_wait3A_228] : memref<32x40xi32, #tpu.memory_space<vmem>> -> memref<1x40xi32, #tpu.memory_space<vmem>>
      %dma_wait3A_230 = tpu.memref_squeeze %dma_wait3A_229 : memref<1x40xi32, #tpu.memory_space<vmem>> -> memref<40xi32, #tpu.memory_space<vmem>>
      %dma_wait3A_231 = arith.constant 0 : i32
      %dma_wait3A_232 = arith.constant 0 : i32
      %dma_wait3A_233 = tpu.memref_slice %arg14[%dma_wait3A_231, %dma_wait3A_232] : memref<5120x256xf32, #tpu.memory_space<vmem_shared>> -> memref<5120x256xf32, #tpu.memory_space<vmem_shared>>
      tpu.wait_indirect_dma semaphore(%arg22 : memref<!tpu.dma_semaphore, #tpu.memory_space<semaphore_mem>>) src(%arg12 : memref<40x256xf32, #tpu.memory_space<vmem>>) dst(%dma_wait3A_233 : memref<5120x256xf32, #tpu.memory_space<vmem_shared>>)
      %dma_start3A_234 = arith.constant 6 : i32
      %dma_start3A_235 = arith.constant 0 : i32
      %dma_start3A_236 = tpu.memref_slice %arg6[%dma_start3A_234, %dma_start3A_235] : memref<32x40xi32, #tpu.memory_space<vmem>> -> memref<1x40xi32, #tpu.memory_space<vmem>>
      %dma_start3A_237 = tpu.memref_squeeze %dma_start3A_236 : memref<1x40xi32, #tpu.memory_space<vmem>> -> memref<40xi32, #tpu.memory_space<vmem>>
      %dma_start3A_238 = arith.constant 0 : i32
      %dma_start3A_239 = arith.constant 0 : i32
      %dma_start3A_240 = tpu.memref_slice %arg2[%dma_start3A_238, %dma_start3A_239] : memref<10000x256xf32, #tpu.memory_space<hbm>> -> memref<10000x256xf32, #tpu.memory_space<hbm>>
      tpu.enqueue_indirect_dma source(%dma_start3A_240 : memref<10000x256xf32, #tpu.memory_space<hbm>>) target(%arg12 : memref<40x256xf32, #tpu.memory_space<vmem>>) offsets(%dma_start3A_237 : memref<40xi32, #tpu.memory_space<vmem>>) semaphore(%arg18 : memref<!tpu.dma_semaphore, #tpu.memory_space<semaphore_mem>>)
      %dma_wait3A_241 = arith.constant 0 : i32
      %dma_wait3A_242 = arith.constant 0 : i32
      %dma_wait3A_243 = tpu.memref_slice %arg6[%dma_wait3A_241, %dma_wait3A_242] : memref<32x40xi32, #tpu.memory_space<vmem>> -> memref<1x40xi32, #tpu.memory_space<vmem>>
      %dma_wait3A_244 = tpu.memref_squeeze %dma_wait3A_243 : memref<1x40xi32, #tpu.memory_space<vmem>> -> memref<40xi32, #tpu.memory_space<vmem>>
      %dma_wait3A_245 = arith.constant 0 : i32
      %dma_wait3A_246 = arith.constant 0 : i32
      %dma_wait3A_247 = tpu.memref_slice %arg2[%dma_wait3A_245, %dma_wait3A_246] : memref<10000x256xf32, #tpu.memory_space<hbm>> -> memref<10000x256xf32, #tpu.memory_space<hbm>>
      tpu.wait_indirect_dma semaphore(%arg16 : memref<!tpu.dma_semaphore, #tpu.memory_space<semaphore_mem>>) src(%dma_wait3A_247 : memref<10000x256xf32, #tpu.memory_space<hbm>>) dst(%arg10 : memref<40x256xf32, #tpu.memory_space<vmem>>)
      %dma_start3A_248 = arith.constant 4 : i32
      %dma_start3A_249 = arith.constant 0 : i32
      %dma_start3A_250 = tpu.memref_slice %arg8[%dma_start3A_248, %dma_start3A_249] : memref<32x40xi32, #tpu.memory_space<vmem>> -> memref<1x40xi32, #tpu.memory_space<vmem>>
      %dma_start3A_251 = tpu.memref_squeeze %dma_start3A_250 : memref<1x40xi32, #tpu.memory_space<vmem>> -> memref<40xi32, #tpu.memory_space<vmem>>
      %dma_start3A_252 = arith.constant 0 : i32
      %dma_start3A_253 = arith.constant 0 : i32
      %dma_start3A_254 = tpu.memref_slice %arg14[%dma_start3A_252, %dma_start3A_253] : memref<5120x256xf32, #tpu.memory_space<vmem_shared>> -> memref<5120x256xf32, #tpu.memory_space<vmem_shared>>
      tpu.enqueue_indirect_dma source(%arg10 : memref<40x256xf32, #tpu.memory_space<vmem>>) target(%dma_start3A_254 : memref<5120x256xf32, #tpu.memory_space<vmem_shared>>) offsets(%dma_start3A_251 : memref<40xi32, #tpu.memory_space<vmem>>) semaphore(%arg20 : memref<!tpu.dma_semaphore, #tpu.memory_space<semaphore_mem>>) {add = true}
      %dma_wait3A_255 = arith.constant 0 : i32
      %dma_wait3A_256 = arith.constant 0 : i32
      %dma_wait3A_257 = tpu.memref_slice %arg8[%dma_wait3A_255, %dma_wait3A_256] : memref<32x40xi32, #tpu.memory_space<vmem>> -> memref<1x40xi32, #tpu.memory_space<vmem>>
      %dma_wait3A_258 = tpu.memref_squeeze %dma_wait3A_257 : memref<1x40xi32, #tpu.memory_space<vmem>> -> memref<40xi32, #tpu.memory_space<vmem>>
      %dma_wait3A_259 = arith.constant 0 : i32
      %dma_wait3A_260 = arith.constant 0 : i32
      %dma_wait3A_261 = tpu.memref_slice %arg14[%dma_wait3A_259, %dma_wait3A_260] : memref<5120x256xf32, #tpu.memory_space<vmem_shared>> -> memref<5120x256xf32, #tpu.memory_space<vmem_shared>>
      tpu.wait_indirect_dma semaphore(%arg23 : memref<!tpu.dma_semaphore, #tpu.memory_space<semaphore_mem>>) src(%arg13 : memref<40x256xf32, #tpu.memory_space<vmem>>) dst(%dma_wait3A_261 : memref<5120x256xf32, #tpu.memory_space<vmem_shared>>)
      %dma_start3A_262 = arith.constant 7 : i32
      %dma_start3A_263 = arith.constant 0 : i32
      %dma_start3A_264 = tpu.memref_slice %arg6[%dma_start3A_262, %dma_start3A_263] : memref<32x40xi32, #tpu.memory_space<vmem>> -> memref<1x40xi32, #tpu.memory_space<vmem>>
      %dma_start3A_265 = tpu.memref_squeeze %dma_start3A_264 : memref<1x40xi32, #tpu.memory_space<vmem>> -> memref<40xi32, #tpu.memory_space<vmem>>
      %dma_start3A_266 = arith.constant 0 : i32
      %dma_start3A_267 = arith.constant 0 : i32
      %dma_start3A_268 = tpu.memref_slice %arg2[%dma_start3A_266, %dma_start3A_267] : memref<10000x256xf32, #tpu.memory_space<hbm>> -> memref<10000x256xf32, #tpu.memory_space<hbm>>
      tpu.enqueue_indirect_dma source(%dma_start3A_268 : memref<10000x256xf32, #tpu.memory_space<hbm>>) target(%arg13 : memref<40x256xf32, #tpu.memory_space<vmem>>) offsets(%dma_start3A_265 : memref<40xi32, #tpu.memory_space<vmem>>) semaphore(%arg19 : memref<!tpu.dma_semaphore, #tpu.memory_space<semaphore_mem>>)
      %dma_wait3A_269 = arith.constant 0 : i32
      %dma_wait3A_270 = arith.constant 0 : i32
      %dma_wait3A_271 = tpu.memref_slice %arg6[%dma_wait3A_269, %dma_wait3A_270] : memref<32x40xi32, #tpu.memory_space<vmem>> -> memref<1x40xi32, #tpu.memory_space<vmem>>
      %dma_wait3A_272 = tpu.memref_squeeze %dma_wait3A_271 : memref<1x40xi32, #tpu.memory_space<vmem>> -> memref<40xi32, #tpu.memory_space<vmem>>
      %dma_wait3A_273 = arith.constant 0 : i32
      %dma_wait3A_274 = arith.constant 0 : i32
      %dma_wait3A_275 = tpu.memref_slice %arg2[%dma_wait3A_273, %dma_wait3A_274] : memref<10000x256xf32, #tpu.memory_space<hbm>> -> memref<10000x256xf32, #tpu.memory_space<hbm>>
      tpu.wait_indirect_dma semaphore(%arg17 : memref<!tpu.dma_semaphore, #tpu.memory_space<semaphore_mem>>) src(%dma_wait3A_275 : memref<10000x256xf32, #tpu.memory_space<hbm>>) dst(%arg11 : memref<40x256xf32, #tpu.memory_space<vmem>>)
      %dma_start3A_276 = arith.constant 5 : i32
      %dma_start3A_277 = arith.constant 0 : i32
      %dma_start3A_278 = tpu.memref_slice %arg8[%dma_start3A_276, %dma_start3A_277] : memref<32x40xi32, #tpu.memory_space<vmem>> -> memref<1x40xi32, #tpu.memory_space<vmem>>
      %dma_start3A_279 = tpu.memref_squeeze %dma_start3A_278 : memref<1x40xi32, #tpu.memory_space<vmem>> -> memref<40xi32, #tpu.memory_space<vmem>>
      %dma_start3A_280 = arith.constant 0 : i32
      %dma_start3A_281 = arith.constant 0 : i32
      %dma_start3A_282 = tpu.memref_slice %arg14[%dma_start3A_280, %dma_start3A_281] : memref<5120x256xf32, #tpu.memory_space<vmem_shared>> -> memref<5120x256xf32, #tpu.memory_space<vmem_shared>>
      tpu.enqueue_indirect_dma source(%arg11 : memref<40x256xf32, #tpu.memory_space<vmem>>) target(%dma_start3A_282 : memref<5120x256xf32, #tpu.memory_space<vmem_shared>>) offsets(%dma_start3A_279 : memref<40xi32, #tpu.memory_space<vmem>>) semaphore(%arg21 : memref<!tpu.dma_semaphore, #tpu.memory_space<semaphore_mem>>) {add = true}
      %dma_wait3A_283 = arith.constant 0 : i32
      %dma_wait3A_284 = arith.constant 0 : i32
      %dma_wait3A_285 = tpu.memref_slice %arg8[%dma_wait3A_283, %dma_wait3A_284] : memref<32x40xi32, #tpu.memory_space<vmem>> -> memref<1x40xi32, #tpu.memory_space<vmem>>
      %dma_wait3A_286 = tpu.memref_squeeze %dma_wait3A_285 : memref<1x40xi32, #tpu.memory_space<vmem>> -> memref<40xi32, #tpu.memory_space<vmem>>
      %dma_wait3A_287 = arith.constant 0 : i32
      %dma_wait3A_288 = arith.constant 0 : i32
      %dma_wait3A_289 = tpu.memref_slice %arg14[%dma_wait3A_287, %dma_wait3A_288] : memref<5120x256xf32, #tpu.memory_space<vmem_shared>> -> memref<5120x256xf32, #tpu.memory_space<vmem_shared>>
      tpu.wait_indirect_dma semaphore(%arg20 : memref<!tpu.dma_semaphore, #tpu.memory_space<semaphore_mem>>) src(%arg10 : memref<40x256xf32, #tpu.memory_space<vmem>>) dst(%dma_wait3A_289 : memref<5120x256xf32, #tpu.memory_space<vmem_shared>>)
      %dma_start3A_290 = arith.constant 8 : i32
      %dma_start3A_291 = arith.constant 0 : i32
      %dma_start3A_292 = tpu.memref_slice %arg6[%dma_start3A_290, %dma_start3A_291] : memref<32x40xi32, #tpu.memory_space<vmem>> -> memref<1x40xi32, #tpu.memory_space<vmem>>
      %dma_start3A_293 = tpu.memref_squeeze %dma_start3A_292 : memref<1x40xi32, #tpu.memory_space<vmem>> -> memref<40xi32, #tpu.memory_space<vmem>>
      %dma_start3A_294 = arith.constant 0 : i32
      %dma_start3A_295 = arith.constant 0 : i32
      %dma_start3A_296 = tpu.memref_slice %arg2[%dma_start3A_294, %dma_start3A_295] : memref<10000x256xf32, #tpu.memory_space<hbm>> -> memref<10000x256xf32, #tpu.memory_space<hbm>>
      tpu.enqueue_indirect_dma source(%dma_start3A_296 : memref<10000x256xf32, #tpu.memory_space<hbm>>) target(%arg10 : memref<40x256xf32, #tpu.memory_space<vmem>>) offsets(%dma_start3A_293 : memref<40xi32, #tpu.memory_space<vmem>>) semaphore(%arg16 : memref<!tpu.dma_semaphore, #tpu.memory_space<semaphore_mem>>)
      %dma_wait3A_297 = arith.constant 0 : i32
      %dma_wait3A_298 = arith.constant 0 : i32
      %dma_wait3A_299 = tpu.memref_slice %arg6[%dma_wait3A_297, %dma_wait3A_298] : memref<32x40xi32, #tpu.memory_space<vmem>> -> memref<1x40xi32, #tpu.memory_space<vmem>>
      %dma_wait3A_300 = tpu.memref_squeeze %dma_wait3A_299 : memref<1x40xi32, #tpu.memory_space<vmem>> -> memref<40xi32, #tpu.memory_space<vmem>>
      %dma_wait3A_301 = arith.constant 0 : i32
      %dma_wait3A_302 = arith.constant 0 : i32
      %dma_wait3A_303 = tpu.memref_slice %arg2[%dma_wait3A_301, %dma_wait3A_302] : memref<10000x256xf32, #tpu.memory_space<hbm>> -> memref<10000x256xf32, #tpu.memory_space<hbm>>
      tpu.wait_indirect_dma semaphore(%arg18 : memref<!tpu.dma_semaphore, #tpu.memory_space<semaphore_mem>>) src(%dma_wait3A_303 : memref<10000x256xf32, #tpu.memory_space<hbm>>) dst(%arg12 : memref<40x256xf32, #tpu.memory_space<vmem>>)
      %dma_start3A_304 = arith.constant 6 : i32
      %dma_start3A_305 = arith.constant 0 : i32
      %dma_start3A_306 = tpu.memref_slice %arg8[%dma_start3A_304, %dma_start3A_305] : memref<32x40xi32, #tpu.memory_space<vmem>> -> memref<1x40xi32, #tpu.memory_space<vmem>>
      %dma_start3A_307 = tpu.memref_squeeze %dma_start3A_306 : memref<1x40xi32, #tpu.memory_space<vmem>> -> memref<40xi32, #tpu.memory_space<vmem>>
      %dma_start3A_308 = arith.constant 0 : i32
      %dma_start3A_309 = arith.constant 0 : i32
      %dma_start3A_310 = tpu.memref_slice %arg14[%dma_start3A_308, %dma_start3A_309] : memref<5120x256xf32, #tpu.memory_space<vmem_shared>> -> memref<5120x256xf32, #tpu.memory_space<vmem_shared>>
      tpu.enqueue_indirect_dma source(%arg12 : memref<40x256xf32, #tpu.memory_space<vmem>>) target(%dma_start3A_310 : memref<5120x256xf32, #tpu.memory_space<vmem_shared>>) offsets(%dma_start3A_307 : memref<40xi32, #tpu.memory_space<vmem>>) semaphore(%arg22 : memref<!tpu.dma_semaphore, #tpu.memory_space<semaphore_mem>>) {add = true}
      %dma_wait3A_311 = arith.constant 0 : i32
      %dma_wait3A_312 = arith.constant 0 : i32
      %dma_wait3A_313 = tpu.memref_slice %arg8[%dma_wait3A_311, %dma_wait3A_312] : memref<32x40xi32, #tpu.memory_space<vmem>> -> memref<1x40xi32, #tpu.memory_space<vmem>>
      %dma_wait3A_314 = tpu.memref_squeeze %dma_wait3A_313 : memref<1x40xi32, #tpu.memory_space<vmem>> -> memref<40xi32, #tpu.memory_space<vmem>>
      %dma_wait3A_315 = arith.constant 0 : i32
      %dma_wait3A_316 = arith.constant 0 : i32
      %dma_wait3A_317 = tpu.memref_slice %arg14[%dma_wait3A_315, %dma_wait3A_316] : memref<5120x256xf32, #tpu.memory_space<vmem_shared>> -> memref<5120x256xf32, #tpu.memory_space<vmem_shared>>
      tpu.wait_indirect_dma semaphore(%arg21 : memref<!tpu.dma_semaphore, #tpu.memory_space<semaphore_mem>>) src(%arg11 : memref<40x256xf32, #tpu.memory_space<vmem>>) dst(%dma_wait3A_317 : memref<5120x256xf32, #tpu.memory_space<vmem_shared>>)
      %dma_start3A_318 = arith.constant 9 : i32
      %dma_start3A_319 = arith.constant 0 : i32
      %dma_start3A_320 = tpu.memref_slice %arg6[%dma_start3A_318, %dma_start3A_319] : memref<32x40xi32, #tpu.memory_space<vmem>> -> memref<1x40xi32, #tpu.memory_space<vmem>>
      %dma_start3A_321 = tpu.memref_squeeze %dma_start3A_320 : memref<1x40xi32, #tpu.memory_space<vmem>> -> memref<40xi32, #tpu.memory_space<vmem>>
      %dma_start3A_322 = arith.constant 0 : i32
      %dma_start3A_323 = arith.constant 0 : i32
      %dma_start3A_324 = tpu.memref_slice %arg2[%dma_start3A_322, %dma_start3A_323] : memref<10000x256xf32, #tpu.memory_space<hbm>> -> memref<10000x256xf32, #tpu.memory_space<hbm>>
      tpu.enqueue_indirect_dma source(%dma_start3A_324 : memref<10000x256xf32, #tpu.memory_space<hbm>>) target(%arg11 : memref<40x256xf32, #tpu.memory_space<vmem>>) offsets(%dma_start3A_321 : memref<40xi32, #tpu.memory_space<vmem>>) semaphore(%arg17 : memref<!tpu.dma_semaphore, #tpu.memory_space<semaphore_mem>>)
      %dma_wait3A_325 = arith.constant 0 : i32
      %dma_wait3A_326 = arith.constant 0 : i32
      %dma_wait3A_327 = tpu.memref_slice %arg6[%dma_wait3A_325, %dma_wait3A_326] : memref<32x40xi32, #tpu.memory_space<vmem>> -> memref<1x40xi32, #tpu.memory_space<vmem>>
      %dma_wait3A_328 = tpu.memref_squeeze %dma_wait3A_327 : memref<1x40xi32, #tpu.memory_space<vmem>> -> memref<40xi32, #tpu.memory_space<vmem>>
      %dma_wait3A_329 = arith.constant 0 : i32
      %dma_wait3A_330 = arith.constant 0 : i32
      %dma_wait3A_331 = tpu.memref_slice %arg2[%dma_wait3A_329, %dma_wait3A_330] : memref<10000x256xf32, #tpu.memory_space<hbm>> -> memref<10000x256xf32, #tpu.memory_space<hbm>>
      tpu.wait_indirect_dma semaphore(%arg19 : memref<!tpu.dma_semaphore, #tpu.memory_space<semaphore_mem>>) src(%dma_wait3A_331 : memref<10000x256xf32, #tpu.memory_space<hbm>>) dst(%arg13 : memref<40x256xf32, #tpu.memory_space<vmem>>)
      %dma_start3A_332 = arith.constant 7 : i32
      %dma_start3A_333 = arith.constant 0 : i32
      %dma_start3A_334 = tpu.memref_slice %arg8[%dma_start3A_332, %dma_start3A_333] : memref<32x40xi32, #tpu.memory_space<vmem>> -> memref<1x40xi32, #tpu.memory_space<vmem>>
      %dma_start3A_335 = tpu.memref_squeeze %dma_start3A_334 : memref<1x40xi32, #tpu.memory_space<vmem>> -> memref<40xi32, #tpu.memory_space<vmem>>
      %dma_start3A_336 = arith.constant 0 : i32
      %dma_start3A_337 = arith.constant 0 : i32
      %dma_start3A_338 = tpu.memref_slice %arg14[%dma_start3A_336, %dma_start3A_337] : memref<5120x256xf32, #tpu.memory_space<vmem_shared>> -> memref<5120x256xf32, #tpu.memory_space<vmem_shared>>
      tpu.enqueue_indirect_dma source(%arg13 : memref<40x256xf32, #tpu.memory_space<vmem>>) target(%dma_start3A_338 : memref<5120x256xf32, #tpu.memory_space<vmem_shared>>) offsets(%dma_start3A_335 : memref<40xi32, #tpu.memory_space<vmem>>) semaphore(%arg23 : memref<!tpu.dma_semaphore, #tpu.memory_space<semaphore_mem>>) {add = true}
      %dma_wait3A_339 = arith.constant 0 : i32
      %dma_wait3A_340 = arith.constant 0 : i32
      %dma_wait3A_341 = tpu.memref_slice %arg8[%dma_wait3A_339, %dma_wait3A_340] : memref<32x40xi32, #tpu.memory_space<vmem>> -> memref<1x40xi32, #tpu.memory_space<vmem>>
      %dma_wait3A_342 = tpu.memref_squeeze %dma_wait3A_341 : memref<1x40xi32, #tpu.memory_space<vmem>> -> memref<40xi32, #tpu.memory_space<vmem>>
      %dma_wait3A_343 = arith.constant 0 : i32
      %dma_wait3A_344 = arith.constant 0 : i32
      %dma_wait3A_345 = tpu.memref_slice %arg14[%dma_wait3A_343, %dma_wait3A_344] : memref<5120x256xf32, #tpu.memory_space<vmem_shared>> -> memref<5120x256xf32, #tpu.memory_space<vmem_shared>>
      tpu.wait_indirect_dma semaphore(%arg22 : memref<!tpu.dma_semaphore, #tpu.memory_space<semaphore_mem>>) src(%arg12 : memref<40x256xf32, #tpu.memory_space<vmem>>) dst(%dma_wait3A_345 : memref<5120x256xf32, #tpu.memory_space<vmem_shared>>)
      %dma_start3A_346 = arith.constant 10 : i32
      %dma_start3A_347 = arith.constant 0 : i32
      %dma_start3A_348 = tpu.memref_slice %arg6[%dma_start3A_346, %dma_start3A_347] : memref<32x40xi32, #tpu.memory_space<vmem>> -> memref<1x40xi32, #tpu.memory_space<vmem>>
      %dma_start3A_349 = tpu.memref_squeeze %dma_start3A_348 : memref<1x40xi32, #tpu.memory_space<vmem>> -> memref<40xi32, #tpu.memory_space<vmem>>
      %dma_start3A_350 = arith.constant 0 : i32
      %dma_start3A_351 = arith.constant 0 : i32
      %dma_start3A_352 = tpu.memref_slice %arg2[%dma_start3A_350, %dma_start3A_351] : memref<10000x256xf32, #tpu.memory_space<hbm>> -> memref<10000x256xf32, #tpu.memory_space<hbm>>
      tpu.enqueue_indirect_dma source(%dma_start3A_352 : memref<10000x256xf32, #tpu.memory_space<hbm>>) target(%arg12 : memref<40x256xf32, #tpu.memory_space<vmem>>) offsets(%dma_start3A_349 : memref<40xi32, #tpu.memory_space<vmem>>) semaphore(%arg18 : memref<!tpu.dma_semaphore, #tpu.memory_space<semaphore_mem>>)
      %dma_wait3A_353 = arith.constant 0 : i32
      %dma_wait3A_354 = arith.constant 0 : i32
      %dma_wait3A_355 = tpu.memref_slice %arg6[%dma_wait3A_353, %dma_wait3A_354] : memref<32x40xi32, #tpu.memory_space<vmem>> -> memref<1x40xi32, #tpu.memory_space<vmem>>
      %dma_wait3A_356 = tpu.memref_squeeze %dma_wait3A_355 : memref<1x40xi32, #tpu.memory_space<vmem>> -> memref<40xi32, #tpu.memory_space<vmem>>
      %dma_wait3A_357 = arith.constant 0 : i32
      %dma_wait3A_358 = arith.constant 0 : i32
      %dma_wait3A_359 = tpu.memref_slice %arg2[%dma_wait3A_357, %dma_wait3A_358] : memref<10000x256xf32, #tpu.memory_space<hbm>> -> memref<10000x256xf32, #tpu.memory_space<hbm>>
      tpu.wait_indirect_dma semaphore(%arg16 : memref<!tpu.dma_semaphore, #tpu.memory_space<semaphore_mem>>) src(%dma_wait3A_359 : memref<10000x256xf32, #tpu.memory_space<hbm>>) dst(%arg10 : memref<40x256xf32, #tpu.memory_space<vmem>>)
      %dma_start3A_360 = arith.constant 8 : i32
      %dma_start3A_361 = arith.constant 0 : i32
      %dma_start3A_362 = tpu.memref_slice %arg8[%dma_start3A_360, %dma_start3A_361] : memref<32x40xi32, #tpu.memory_space<vmem>> -> memref<1x40xi32, #tpu.memory_space<vmem>>
      %dma_start3A_363 = tpu.memref_squeeze %dma_start3A_362 : memref<1x40xi32, #tpu.memory_space<vmem>> -> memref<40xi32, #tpu.memory_space<vmem>>
      %dma_start3A_364 = arith.constant 0 : i32
      %dma_start3A_365 = arith.constant 0 : i32
      %dma_start3A_366 = tpu.memref_slice %arg14[%dma_start3A_364, %dma_start3A_365] : memref<5120x256xf32, #tpu.memory_space<vmem_shared>> -> memref<5120x256xf32, #tpu.memory_space<vmem_shared>>
      tpu.enqueue_indirect_dma source(%arg10 : memref<40x256xf32, #tpu.memory_space<vmem>>) target(%dma_start3A_366 : memref<5120x256xf32, #tpu.memory_space<vmem_shared>>) offsets(%dma_start3A_363 : memref<40xi32, #tpu.memory_space<vmem>>) semaphore(%arg20 : memref<!tpu.dma_semaphore, #tpu.memory_space<semaphore_mem>>) {add = true}
      %dma_wait3A_367 = arith.constant 0 : i32
      %dma_wait3A_368 = arith.constant 0 : i32
      %dma_wait3A_369 = tpu.memref_slice %arg8[%dma_wait3A_367, %dma_wait3A_368] : memref<32x40xi32, #tpu.memory_space<vmem>> -> memref<1x40xi32, #tpu.memory_space<vmem>>
      %dma_wait3A_370 = tpu.memref_squeeze %dma_wait3A_369 : memref<1x40xi32, #tpu.memory_space<vmem>> -> memref<40xi32, #tpu.memory_space<vmem>>
      %dma_wait3A_371 = arith.constant 0 : i32
      %dma_wait3A_372 = arith.constant 0 : i32
      %dma_wait3A_373 = tpu.memref_slice %arg14[%dma_wait3A_371, %dma_wait3A_372] : memref<5120x256xf32, #tpu.memory_space<vmem_shared>> -> memref<5120x256xf32, #tpu.memory_space<vmem_shared>>
      tpu.wait_indirect_dma semaphore(%arg23 : memref<!tpu.dma_semaphore, #tpu.memory_space<semaphore_mem>>) src(%arg13 : memref<40x256xf32, #tpu.memory_space<vmem>>) dst(%dma_wait3A_373 : memref<5120x256xf32, #tpu.memory_space<vmem_shared>>)
      %dma_start3A_374 = arith.constant 11 : i32
      %dma_start3A_375 = arith.constant 0 : i32
      %dma_start3A_376 = tpu.memref_slice %arg6[%dma_start3A_374, %dma_start3A_375] : memref<32x40xi32, #tpu.memory_space<vmem>> -> memref<1x40xi32, #tpu.memory_space<vmem>>
      %dma_start3A_377 = tpu.memref_squeeze %dma_start3A_376 : memref<1x40xi32, #tpu.memory_space<vmem>> -> memref<40xi32, #tpu.memory_space<vmem>>
      %dma_start3A_378 = arith.constant 0 : i32
      %dma_start3A_379 = arith.constant 0 : i32
      %dma_start3A_380 = tpu.memref_slice %arg2[%dma_start3A_378, %dma_start3A_379] : memref<10000x256xf32, #tpu.memory_space<hbm>> -> memref<10000x256xf32, #tpu.memory_space<hbm>>
      tpu.enqueue_indirect_dma source(%dma_start3A_380 : memref<10000x256xf32, #tpu.memory_space<hbm>>) target(%arg13 : memref<40x256xf32, #tpu.memory_space<vmem>>) offsets(%dma_start3A_377 : memref<40xi32, #tpu.memory_space<vmem>>) semaphore(%arg19 : memref<!tpu.dma_semaphore, #tpu.memory_space<semaphore_mem>>)
      %dma_wait3A_381 = arith.constant 0 : i32
      %dma_wait3A_382 = arith.constant 0 : i32
      %dma_wait3A_383 = tpu.memref_slice %arg6[%dma_wait3A_381, %dma_wait3A_382] : memref<32x40xi32, #tpu.memory_space<vmem>> -> memref<1x40xi32, #tpu.memory_space<vmem>>
      %dma_wait3A_384 = tpu.memref_squeeze %dma_wait3A_383 : memref<1x40xi32, #tpu.memory_space<vmem>> -> memref<40xi32, #tpu.memory_space<vmem>>
      %dma_wait3A_385 = arith.constant 0 : i32
      %dma_wait3A_386 = arith.constant 0 : i32
      %dma_wait3A_387 = tpu.memref_slice %arg2[%dma_wait3A_385, %dma_wait3A_386] : memref<10000x256xf32, #tpu.memory_space<hbm>> -> memref<10000x256xf32, #tpu.memory_space<hbm>>
      tpu.wait_indirect_dma semaphore(%arg17 : memref<!tpu.dma_semaphore, #tpu.memory_space<semaphore_mem>>) src(%dma_wait3A_387 : memref<10000x256xf32, #tpu.memory_space<hbm>>) dst(%arg11 : memref<40x256xf32, #tpu.memory_space<vmem>>)
      %dma_start3A_388 = arith.constant 9 : i32
      %dma_start3A_389 = arith.constant 0 : i32
      %dma_start3A_390 = tpu.memref_slice %arg8[%dma_start3A_388, %dma_start3A_389] : memref<32x40xi32, #tpu.memory_space<vmem>> -> memref<1x40xi32, #tpu.memory_space<vmem>>
      %dma_start3A_391 = tpu.memref_squeeze %dma_start3A_390 : memref<1x40xi32, #tpu.memory_space<vmem>> -> memref<40xi32, #tpu.memory_space<vmem>>
      %dma_start3A_392 = arith.constant 0 : i32
      %dma_start3A_393 = arith.constant 0 : i32
      %dma_start3A_394 = tpu.memref_slice %arg14[%dma_start3A_392, %dma_start3A_393] : memref<5120x256xf32, #tpu.memory_space<vmem_shared>> -> memref<5120x256xf32, #tpu.memory_space<vmem_shared>>
      tpu.enqueue_indirect_dma source(%arg11 : memref<40x256xf32, #tpu.memory_space<vmem>>) target(%dma_start3A_394 : memref<5120x256xf32, #tpu.memory_space<vmem_shared>>) offsets(%dma_start3A_391 : memref<40xi32, #tpu.memory_space<vmem>>) semaphore(%arg21 : memref<!tpu.dma_semaphore, #tpu.memory_space<semaphore_mem>>) {add = true}
      %dma_wait3A_395 = arith.constant 0 : i32
      %dma_wait3A_396 = arith.constant 0 : i32
      %dma_wait3A_397 = tpu.memref_slice %arg8[%dma_wait3A_395, %dma_wait3A_396] : memref<32x40xi32, #tpu.memory_space<vmem>> -> memref<1x40xi32, #tpu.memory_space<vmem>>
      %dma_wait3A_398 = tpu.memref_squeeze %dma_wait3A_397 : memref<1x40xi32, #tpu.memory_space<vmem>> -> memref<40xi32, #tpu.memory_space<vmem>>
      %dma_wait3A_399 = arith.constant 0 : i32
      %dma_wait3A_400 = arith.constant 0 : i32
      %dma_wait3A_401 = tpu.memref_slice %arg14[%dma_wait3A_399, %dma_wait3A_400] : memref<5120x256xf32, #tpu.memory_space<vmem_shared>> -> memref<5120x256xf32, #tpu.memory_space<vmem_shared>>
      tpu.wait_indirect_dma semaphore(%arg20 : memref<!tpu.dma_semaphore, #tpu.memory_space<semaphore_mem>>) src(%arg10 : memref<40x256xf32, #tpu.memory_space<vmem>>) dst(%dma_wait3A_401 : memref<5120x256xf32, #tpu.memory_space<vmem_shared>>)
      %dma_start3A_402 = arith.constant 12 : i32
      %dma_start3A_403 = arith.constant 0 : i32
      %dma_start3A_404 = tpu.memref_slice %arg6[%dma_start3A_402, %dma_start3A_403] : memref<32x40xi32, #tpu.memory_space<vmem>> -> memref<1x40xi32, #tpu.memory_space<vmem>>
      %dma_start3A_405 = tpu.memref_squeeze %dma_start3A_404 : memref<1x40xi32, #tpu.memory_space<vmem>> -> memref<40xi32, #tpu.memory_space<vmem>>
      %dma_start3A_406 = arith.constant 0 : i32
      %dma_start3A_407 = arith.constant 0 : i32
      %dma_start3A_408 = tpu.memref_slice %arg2[%dma_start3A_406, %dma_start3A_407] : memref<10000x256xf32, #tpu.memory_space<hbm>> -> memref<10000x256xf32, #tpu.memory_space<hbm>>
      tpu.enqueue_indirect_dma source(%dma_start3A_408 : memref<10000x256xf32, #tpu.memory_space<hbm>>) target(%arg10 : memref<40x256xf32, #tpu.memory_space<vmem>>) offsets(%dma_start3A_405 : memref<40xi32, #tpu.memory_space<vmem>>) semaphore(%arg16 : memref<!tpu.dma_semaphore, #tpu.memory_space<semaphore_mem>>)
      %dma_wait3A_409 = arith.constant 0 : i32
      %dma_wait3A_410 = arith.constant 0 : i32
      %dma_wait3A_411 = tpu.memref_slice %arg6[%dma_wait3A_409, %dma_wait3A_410] : memref<32x40xi32, #tpu.memory_space<vmem>> -> memref<1x40xi32, #tpu.memory_space<vmem>>
      %dma_wait3A_412 = tpu.memref_squeeze %dma_wait3A_411 : memref<1x40xi32, #tpu.memory_space<vmem>> -> memref<40xi32, #tpu.memory_space<vmem>>
      %dma_wait3A_413 = arith.constant 0 : i32
      %dma_wait3A_414 = arith.constant 0 : i32
      %dma_wait3A_415 = tpu.memref_slice %arg2[%dma_wait3A_413, %dma_wait3A_414] : memref<10000x256xf32, #tpu.memory_space<hbm>> -> memref<10000x256xf32, #tpu.memory_space<hbm>>
      tpu.wait_indirect_dma semaphore(%arg18 : memref<!tpu.dma_semaphore, #tpu.memory_space<semaphore_mem>>) src(%dma_wait3A_415 : memref<10000x256xf32, #tpu.memory_space<hbm>>) dst(%arg12 : memref<40x256xf32, #tpu.memory_space<vmem>>)
      %dma_start3A_416 = arith.constant 10 : i32
      %dma_start3A_417 = arith.constant 0 : i32
      %dma_start3A_418 = tpu.memref_slice %arg8[%dma_start3A_416, %dma_start3A_417] : memref<32x40xi32, #tpu.memory_space<vmem>> -> memref<1x40xi32, #tpu.memory_space<vmem>>
      %dma_start3A_419 = tpu.memref_squeeze %dma_start3A_418 : memref<1x40xi32, #tpu.memory_space<vmem>> -> memref<40xi32, #tpu.memory_space<vmem>>
      %dma_start3A_420 = arith.constant 0 : i32
      %dma_start3A_421 = arith.constant 0 : i32
      %dma_start3A_422 = tpu.memref_slice %arg14[%dma_start3A_420, %dma_start3A_421] : memref<5120x256xf32, #tpu.memory_space<vmem_shared>> -> memref<5120x256xf32, #tpu.memory_space<vmem_shared>>
      tpu.enqueue_indirect_dma source(%arg12 : memref<40x256xf32, #tpu.memory_space<vmem>>) target(%dma_start3A_422 : memref<5120x256xf32, #tpu.memory_space<vmem_shared>>) offsets(%dma_start3A_419 : memref<40xi32, #tpu.memory_space<vmem>>) semaphore(%arg22 : memref<!tpu.dma_semaphore, #tpu.memory_space<semaphore_mem>>) {add = true}
      %dma_wait3A_423 = arith.constant 0 : i32
      %dma_wait3A_424 = arith.constant 0 : i32
      %dma_wait3A_425 = tpu.memref_slice %arg8[%dma_wait3A_423, %dma_wait3A_424] : memref<32x40xi32, #tpu.memory_space<vmem>> -> memref<1x40xi32, #tpu.memory_space<vmem>>
      %dma_wait3A_426 = tpu.memref_squeeze %dma_wait3A_425 : memref<1x40xi32, #tpu.memory_space<vmem>> -> memref<40xi32, #tpu.memory_space<vmem>>
      %dma_wait3A_427 = arith.constant 0 : i32
      %dma_wait3A_428 = arith.constant 0 : i32
      %dma_wait3A_429 = tpu.memref_slice %arg14[%dma_wait3A_427, %dma_wait3A_428] : memref<5120x256xf32, #tpu.memory_space<vmem_shared>> -> memref<5120x256xf32, #tpu.memory_space<vmem_shared>>
      tpu.wait_indirect_dma semaphore(%arg21 : memref<!tpu.dma_semaphore, #tpu.memory_space<semaphore_mem>>) src(%arg11 : memref<40x256xf32, #tpu.memory_space<vmem>>) dst(%dma_wait3A_429 : memref<5120x256xf32, #tpu.memory_space<vmem_shared>>)
      %dma_start3A_430 = arith.constant 13 : i32
      %dma_start3A_431 = arith.constant 0 : i32
      %dma_start3A_432 = tpu.memref_slice %arg6[%dma_start3A_430, %dma_start3A_431] : memref<32x40xi32, #tpu.memory_space<vmem>> -> memref<1x40xi32, #tpu.memory_space<vmem>>
      %dma_start3A_433 = tpu.memref_squeeze %dma_start3A_432 : memref<1x40xi32, #tpu.memory_space<vmem>> -> memref<40xi32, #tpu.memory_space<vmem>>
      %dma_start3A_434 = arith.constant 0 : i32
      %dma_start3A_435 = arith.constant 0 : i32
      %dma_start3A_436 = tpu.memref_slice %arg2[%dma_start3A_434, %dma_start3A_435] : memref<10000x256xf32, #tpu.memory_space<hbm>> -> memref<10000x256xf32, #tpu.memory_space<hbm>>
      tpu.enqueue_indirect_dma source(%dma_start3A_436 : memref<10000x256xf32, #tpu.memory_space<hbm>>) target(%arg11 : memref<40x256xf32, #tpu.memory_space<vmem>>) offsets(%dma_start3A_433 : memref<40xi32, #tpu.memory_space<vmem>>) semaphore(%arg17 : memref<!tpu.dma_semaphore, #tpu.memory_space<semaphore_mem>>)
      %dma_wait3A_437 = arith.constant 0 : i32
      %dma_wait3A_438 = arith.constant 0 : i32
      %dma_wait3A_439 = tpu.memref_slice %arg6[%dma_wait3A_437, %dma_wait3A_438] : memref<32x40xi32, #tpu.memory_space<vmem>> -> memref<1x40xi32, #tpu.memory_space<vmem>>
      %dma_wait3A_440 = tpu.memref_squeeze %dma_wait3A_439 : memref<1x40xi32, #tpu.memory_space<vmem>> -> memref<40xi32, #tpu.memory_space<vmem>>
      %dma_wait3A_441 = arith.constant 0 : i32
      %dma_wait3A_442 = arith.constant 0 : i32
      %dma_wait3A_443 = tpu.memref_slice %arg2[%dma_wait3A_441, %dma_wait3A_442] : memref<10000x256xf32, #tpu.memory_space<hbm>> -> memref<10000x256xf32, #tpu.memory_space<hbm>>
      tpu.wait_indirect_dma semaphore(%arg19 : memref<!tpu.dma_semaphore, #tpu.memory_space<semaphore_mem>>) src(%dma_wait3A_443 : memref<10000x256xf32, #tpu.memory_space<hbm>>) dst(%arg13 : memref<40x256xf32, #tpu.memory_space<vmem>>)
      %dma_start3A_444 = arith.constant 11 : i32
      %dma_start3A_445 = arith.constant 0 : i32
      %dma_start3A_446 = tpu.memref_slice %arg8[%dma_start3A_444, %dma_start3A_445] : memref<32x40xi32, #tpu.memory_space<vmem>> -> memref<1x40xi32, #tpu.memory_space<vmem>>
      %dma_start3A_447 = tpu.memref_squeeze %dma_start3A_446 : memref<1x40xi32, #tpu.memory_space<vmem>> -> memref<40xi32, #tpu.memory_space<vmem>>
      %dma_start3A_448 = arith.constant 0 : i32
      %dma_start3A_449 = arith.constant 0 : i32
      %dma_start3A_450 = tpu.memref_slice %arg14[%dma_start3A_448, %dma_start3A_449] : memref<5120x256xf32, #tpu.memory_space<vmem_shared>> -> memref<5120x256xf32, #tpu.memory_space<vmem_shared>>
      tpu.enqueue_indirect_dma source(%arg13 : memref<40x256xf32, #tpu.memory_space<vmem>>) target(%dma_start3A_450 : memref<5120x256xf32, #tpu.memory_space<vmem_shared>>) offsets(%dma_start3A_447 : memref<40xi32, #tpu.memory_space<vmem>>) semaphore(%arg23 : memref<!tpu.dma_semaphore, #tpu.memory_space<semaphore_mem>>) {add = true}
      %dma_wait3A_451 = arith.constant 0 : i32
      %dma_wait3A_452 = arith.constant 0 : i32
      %dma_wait3A_453 = tpu.memref_slice %arg8[%dma_wait3A_451, %dma_wait3A_452] : memref<32x40xi32, #tpu.memory_space<vmem>> -> memref<1x40xi32, #tpu.memory_space<vmem>>
      %dma_wait3A_454 = tpu.memref_squeeze %dma_wait3A_453 : memref<1x40xi32, #tpu.memory_space<vmem>> -> memref<40xi32, #tpu.memory_space<vmem>>
      %dma_wait3A_455 = arith.constant 0 : i32
      %dma_wait3A_456 = arith.constant 0 : i32
      %dma_wait3A_457 = tpu.memref_slice %arg14[%dma_wait3A_455, %dma_wait3A_456] : memref<5120x256xf32, #tpu.memory_space<vmem_shared>> -> memref<5120x256xf32, #tpu.memory_space<vmem_shared>>
      tpu.wait_indirect_dma semaphore(%arg22 : memref<!tpu.dma_semaphore, #tpu.memory_space<semaphore_mem>>) src(%arg12 : memref<40x256xf32, #tpu.memory_space<vmem>>) dst(%dma_wait3A_457 : memref<5120x256xf32, #tpu.memory_space<vmem_shared>>)
      %dma_start3A_458 = arith.constant 14 : i32
      %dma_start3A_459 = arith.constant 0 : i32
      %dma_start3A_460 = tpu.memref_slice %arg6[%dma_start3A_458, %dma_start3A_459] : memref<32x40xi32, #tpu.memory_space<vmem>> -> memref<1x40xi32, #tpu.memory_space<vmem>>
      %dma_start3A_461 = tpu.memref_squeeze %dma_start3A_460 : memref<1x40xi32, #tpu.memory_space<vmem>> -> memref<40xi32, #tpu.memory_space<vmem>>
      %dma_start3A_462 = arith.constant 0 : i32
      %dma_start3A_463 = arith.constant 0 : i32
      %dma_start3A_464 = tpu.memref_slice %arg2[%dma_start3A_462, %dma_start3A_463] : memref<10000x256xf32, #tpu.memory_space<hbm>> -> memref<10000x256xf32, #tpu.memory_space<hbm>>
      tpu.enqueue_indirect_dma source(%dma_start3A_464 : memref<10000x256xf32, #tpu.memory_space<hbm>>) target(%arg12 : memref<40x256xf32, #tpu.memory_space<vmem>>) offsets(%dma_start3A_461 : memref<40xi32, #tpu.memory_space<vmem>>) semaphore(%arg18 : memref<!tpu.dma_semaphore, #tpu.memory_space<semaphore_mem>>)
      %dma_wait3A_465 = arith.constant 0 : i32
      %dma_wait3A_466 = arith.constant 0 : i32
      %dma_wait3A_467 = tpu.memref_slice %arg6[%dma_wait3A_465, %dma_wait3A_466] : memref<32x40xi32, #tpu.memory_space<vmem>> -> memref<1x40xi32, #tpu.memory_space<vmem>>
      %dma_wait3A_468 = tpu.memref_squeeze %dma_wait3A_467 : memref<1x40xi32, #tpu.memory_space<vmem>> -> memref<40xi32, #tpu.memory_space<vmem>>
      %dma_wait3A_469 = arith.constant 0 : i32
      %dma_wait3A_470 = arith.constant 0 : i32
      %dma_wait3A_471 = tpu.memref_slice %arg2[%dma_wait3A_469, %dma_wait3A_470] : memref<10000x256xf32, #tpu.memory_space<hbm>> -> memref<10000x256xf32, #tpu.memory_space<hbm>>
      tpu.wait_indirect_dma semaphore(%arg16 : memref<!tpu.dma_semaphore, #tpu.memory_space<semaphore_mem>>) src(%dma_wait3A_471 : memref<10000x256xf32, #tpu.memory_space<hbm>>) dst(%arg10 : memref<40x256xf32, #tpu.memory_space<vmem>>)
      %dma_start3A_472 = arith.constant 12 : i32
      %dma_start3A_473 = arith.constant 0 : i32
      %dma_start3A_474 = tpu.memref_slice %arg8[%dma_start3A_472, %dma_start3A_473] : memref<32x40xi32, #tpu.memory_space<vmem>> -> memref<1x40xi32, #tpu.memory_space<vmem>>
      %dma_start3A_475 = tpu.memref_squeeze %dma_start3A_474 : memref<1x40xi32, #tpu.memory_space<vmem>> -> memref<40xi32, #tpu.memory_space<vmem>>
      %dma_start3A_476 = arith.constant 0 : i32
      %dma_start3A_477 = arith.constant 0 : i32
      %dma_start3A_478 = tpu.memref_slice %arg14[%dma_start3A_476, %dma_start3A_477] : memref<5120x256xf32, #tpu.memory_space<vmem_shared>> -> memref<5120x256xf32, #tpu.memory_space<vmem_shared>>
      tpu.enqueue_indirect_dma source(%arg10 : memref<40x256xf32, #tpu.memory_space<vmem>>) target(%dma_start3A_478 : memref<5120x256xf32, #tpu.memory_space<vmem_shared>>) offsets(%dma_start3A_475 : memref<40xi32, #tpu.memory_space<vmem>>) semaphore(%arg20 : memref<!tpu.dma_semaphore, #tpu.memory_space<semaphore_mem>>) {add = true}
      %dma_wait3A_479 = arith.constant 0 : i32
      %dma_wait3A_480 = arith.constant 0 : i32
      %dma_wait3A_481 = tpu.memref_slice %arg8[%dma_wait3A_479, %dma_wait3A_480] : memref<32x40xi32, #tpu.memory_space<vmem>> -> memref<1x40xi32, #tpu.memory_space<vmem>>
      %dma_wait3A_482 = tpu.memref_squeeze %dma_wait3A_481 : memref<1x40xi32, #tpu.memory_space<vmem>> -> memref<40xi32, #tpu.memory_space<vmem>>
      %dma_wait3A_483 = arith.constant 0 : i32
      %dma_wait3A_484 = arith.constant 0 : i32
      %dma_wait3A_485 = tpu.memref_slice %arg14[%dma_wait3A_483, %dma_wait3A_484] : memref<5120x256xf32, #tpu.memory_space<vmem_shared>> -> memref<5120x256xf32, #tpu.memory_space<vmem_shared>>
      tpu.wait_indirect_dma semaphore(%arg23 : memref<!tpu.dma_semaphore, #tpu.memory_space<semaphore_mem>>) src(%arg13 : memref<40x256xf32, #tpu.memory_space<vmem>>) dst(%dma_wait3A_485 : memref<5120x256xf32, #tpu.memory_space<vmem_shared>>)
      %dma_start3A_486 = arith.constant 15 : i32
      %dma_start3A_487 = arith.constant 0 : i32
      %dma_start3A_488 = tpu.memref_slice %arg6[%dma_start3A_486, %dma_start3A_487] : memref<32x40xi32, #tpu.memory_space<vmem>> -> memref<1x40xi32, #tpu.memory_space<vmem>>
      %dma_start3A_489 = tpu.memref_squeeze %dma_start3A_488 : memref<1x40xi32, #tpu.memory_space<vmem>> -> memref<40xi32, #tpu.memory_space<vmem>>
      %dma_start3A_490 = arith.constant 0 : i32
      %dma_start3A_491 = arith.constant 0 : i32
      %dma_start3A_492 = tpu.memref_slice %arg2[%dma_start3A_490, %dma_start3A_491] : memref<10000x256xf32, #tpu.memory_space<hbm>> -> memref<10000x256xf32, #tpu.memory_space<hbm>>
      tpu.enqueue_indirect_dma source(%dma_start3A_492 : memref<10000x256xf32, #tpu.memory_space<hbm>>) target(%arg13 : memref<40x256xf32, #tpu.memory_space<vmem>>) offsets(%dma_start3A_489 : memref<40xi32, #tpu.memory_space<vmem>>) semaphore(%arg19 : memref<!tpu.dma_semaphore, #tpu.memory_space<semaphore_mem>>)
      %dma_wait3A_493 = arith.constant 0 : i32
      %dma_wait3A_494 = arith.constant 0 : i32
      %dma_wait3A_495 = tpu.memref_slice %arg6[%dma_wait3A_493, %dma_wait3A_494] : memref<32x40xi32, #tpu.memory_space<vmem>> -> memref<1x40xi32, #tpu.memory_space<vmem>>
      %dma_wait3A_496 = tpu.memref_squeeze %dma_wait3A_495 : memref<1x40xi32, #tpu.memory_space<vmem>> -> memref<40xi32, #tpu.memory_space<vmem>>
      %dma_wait3A_497 = arith.constant 0 : i32
      %dma_wait3A_498 = arith.constant 0 : i32
      %dma_wait3A_499 = tpu.memref_slice %arg2[%dma_wait3A_497, %dma_wait3A_498] : memref<10000x256xf32, #tpu.memory_space<hbm>> -> memref<10000x256xf32, #tpu.memory_space<hbm>>
      tpu.wait_indirect_dma semaphore(%arg17 : memref<!tpu.dma_semaphore, #tpu.memory_space<semaphore_mem>>) src(%dma_wait3A_499 : memref<10000x256xf32, #tpu.memory_space<hbm>>) dst(%arg11 : memref<40x256xf32, #tpu.memory_space<vmem>>)
      %dma_start3A_500 = arith.constant 13 : i32
      %dma_start3A_501 = arith.constant 0 : i32
      %dma_start3A_502 = tpu.memref_slice %arg8[%dma_start3A_500, %dma_start3A_501] : memref<32x40xi32, #tpu.memory_space<vmem>> -> memref<1x40xi32, #tpu.memory_space<vmem>>
      %dma_start3A_503 = tpu.memref_squeeze %dma_start3A_502 : memref<1x40xi32, #tpu.memory_space<vmem>> -> memref<40xi32, #tpu.memory_space<vmem>>
      %dma_start3A_504 = arith.constant 0 : i32
      %dma_start3A_505 = arith.constant 0 : i32
      %dma_start3A_506 = tpu.memref_slice %arg14[%dma_start3A_504, %dma_start3A_505] : memref<5120x256xf32, #tpu.memory_space<vmem_shared>> -> memref<5120x256xf32, #tpu.memory_space<vmem_shared>>
      tpu.enqueue_indirect_dma source(%arg11 : memref<40x256xf32, #tpu.memory_space<vmem>>) target(%dma_start3A_506 : memref<5120x256xf32, #tpu.memory_space<vmem_shared>>) offsets(%dma_start3A_503 : memref<40xi32, #tpu.memory_space<vmem>>) semaphore(%arg21 : memref<!tpu.dma_semaphore, #tpu.memory_space<semaphore_mem>>) {add = true}
      %dma_wait3A_507 = arith.constant 0 : i32
      %dma_wait3A_508 = arith.constant 0 : i32
      %dma_wait3A_509 = tpu.memref_slice %arg8[%dma_wait3A_507, %dma_wait3A_508] : memref<32x40xi32, #tpu.memory_space<vmem>> -> memref<1x40xi32, #tpu.memory_space<vmem>>
      %dma_wait3A_510 = tpu.memref_squeeze %dma_wait3A_509 : memref<1x40xi32, #tpu.memory_space<vmem>> -> memref<40xi32, #tpu.memory_space<vmem>>
      %dma_wait3A_511 = arith.constant 0 : i32
      %dma_wait3A_512 = arith.constant 0 : i32
      %dma_wait3A_513 = tpu.memref_slice %arg14[%dma_wait3A_511, %dma_wait3A_512] : memref<5120x256xf32, #tpu.memory_space<vmem_shared>> -> memref<5120x256xf32, #tpu.memory_space<vmem_shared>>
      tpu.wait_indirect_dma semaphore(%arg20 : memref<!tpu.dma_semaphore, #tpu.memory_space<semaphore_mem>>) src(%arg10 : memref<40x256xf32, #tpu.memory_space<vmem>>) dst(%dma_wait3A_513 : memref<5120x256xf32, #tpu.memory_space<vmem_shared>>)
      %dma_start3A_514 = arith.constant 16 : i32
      %dma_start3A_515 = arith.constant 0 : i32
      %dma_start3A_516 = tpu.memref_slice %arg6[%dma_start3A_514, %dma_start3A_515] : memref<32x40xi32, #tpu.memory_space<vmem>> -> memref<1x40xi32, #tpu.memory_space<vmem>>
      %dma_start3A_517 = tpu.memref_squeeze %dma_start3A_516 : memref<1x40xi32, #tpu.memory_space<vmem>> -> memref<40xi32, #tpu.memory_space<vmem>>
      %dma_start3A_518 = arith.constant 0 : i32
      %dma_start3A_519 = arith.constant 0 : i32
      %dma_start3A_520 = tpu.memref_slice %arg2[%dma_start3A_518, %dma_start3A_519] : memref<10000x256xf32, #tpu.memory_space<hbm>> -> memref<10000x256xf32, #tpu.memory_space<hbm>>
      tpu.enqueue_indirect_dma source(%dma_start3A_520 : memref<10000x256xf32, #tpu.memory_space<hbm>>) target(%arg10 : memref<40x256xf32, #tpu.memory_space<vmem>>) offsets(%dma_start3A_517 : memref<40xi32, #tpu.memory_space<vmem>>) semaphore(%arg16 : memref<!tpu.dma_semaphore, #tpu.memory_space<semaphore_mem>>)
      %dma_wait3A_521 = arith.constant 0 : i32
      %dma_wait3A_522 = arith.constant 0 : i32
      %dma_wait3A_523 = tpu.memref_slice %arg6[%dma_wait3A_521, %dma_wait3A_522] : memref<32x40xi32, #tpu.memory_space<vmem>> -> memref<1x40xi32, #tpu.memory_space<vmem>>
      %dma_wait3A_524 = tpu.memref_squeeze %dma_wait3A_523 : memref<1x40xi32, #tpu.memory_space<vmem>> -> memref<40xi32, #tpu.memory_space<vmem>>
      %dma_wait3A_525 = arith.constant 0 : i32
      %dma_wait3A_526 = arith.constant 0 : i32
      %dma_wait3A_527 = tpu.memref_slice %arg2[%dma_wait3A_525, %dma_wait3A_526] : memref<10000x256xf32, #tpu.memory_space<hbm>> -> memref<10000x256xf32, #tpu.memory_space<hbm>>
      tpu.wait_indirect_dma semaphore(%arg18 : memref<!tpu.dma_semaphore, #tpu.memory_space<semaphore_mem>>) src(%dma_wait3A_527 : memref<10000x256xf32, #tpu.memory_space<hbm>>) dst(%arg12 : memref<40x256xf32, #tpu.memory_space<vmem>>)
      %dma_start3A_528 = arith.constant 14 : i32
      %dma_start3A_529 = arith.constant 0 : i32
      %dma_start3A_530 = tpu.memref_slice %arg8[%dma_start3A_528, %dma_start3A_529] : memref<32x40xi32, #tpu.memory_space<vmem>> -> memref<1x40xi32, #tpu.memory_space<vmem>>
      %dma_start3A_531 = tpu.memref_squeeze %dma_start3A_530 : memref<1x40xi32, #tpu.memory_space<vmem>> -> memref<40xi32, #tpu.memory_space<vmem>>
      %dma_start3A_532 = arith.constant 0 : i32
      %dma_start3A_533 = arith.constant 0 : i32
      %dma_start3A_534 = tpu.memref_slice %arg14[%dma_start3A_532, %dma_start3A_533] : memref<5120x256xf32, #tpu.memory_space<vmem_shared>> -> memref<5120x256xf32, #tpu.memory_space<vmem_shared>>
      tpu.enqueue_indirect_dma source(%arg12 : memref<40x256xf32, #tpu.memory_space<vmem>>) target(%dma_start3A_534 : memref<5120x256xf32, #tpu.memory_space<vmem_shared>>) offsets(%dma_start3A_531 : memref<40xi32, #tpu.memory_space<vmem>>) semaphore(%arg22 : memref<!tpu.dma_semaphore, #tpu.memory_space<semaphore_mem>>) {add = true}
      %dma_wait3A_535 = arith.constant 0 : i32
      %dma_wait3A_536 = arith.constant 0 : i32
      %dma_wait3A_537 = tpu.memref_slice %arg8[%dma_wait3A_535, %dma_wait3A_536] : memref<32x40xi32, #tpu.memory_space<vmem>> -> memref<1x40xi32, #tpu.memory_space<vmem>>
      %dma_wait3A_538 = tpu.memref_squeeze %dma_wait3A_537 : memref<1x40xi32, #tpu.memory_space<vmem>> -> memref<40xi32, #tpu.memory_space<vmem>>
      %dma_wait3A_539 = arith.constant 0 : i32
      %dma_wait3A_540 = arith.constant 0 : i32
      %dma_wait3A_541 = tpu.memref_slice %arg14[%dma_wait3A_539, %dma_wait3A_540] : memref<5120x256xf32, #tpu.memory_space<vmem_shared>> -> memref<5120x256xf32, #tpu.memory_space<vmem_shared>>
      tpu.wait_indirect_dma semaphore(%arg21 : memref<!tpu.dma_semaphore, #tpu.memory_space<semaphore_mem>>) src(%arg11 : memref<40x256xf32, #tpu.memory_space<vmem>>) dst(%dma_wait3A_541 : memref<5120x256xf32, #tpu.memory_space<vmem_shared>>)
      %dma_start3A_542 = arith.constant 17 : i32
      %dma_start3A_543 = arith.constant 0 : i32
      %dma_start3A_544 = tpu.memref_slice %arg6[%dma_start3A_542, %dma_start3A_543] : memref<32x40xi32, #tpu.memory_space<vmem>> -> memref<1x40xi32, #tpu.memory_space<vmem>>
      %dma_start3A_545 = tpu.memref_squeeze %dma_start3A_544 : memref<1x40xi32, #tpu.memory_space<vmem>> -> memref<40xi32, #tpu.memory_space<vmem>>
      %dma_start3A_546 = arith.constant 0 : i32
      %dma_start3A_547 = arith.constant 0 : i32
      %dma_start3A_548 = tpu.memref_slice %arg2[%dma_start3A_546, %dma_start3A_547] : memref<10000x256xf32, #tpu.memory_space<hbm>> -> memref<10000x256xf32, #tpu.memory_space<hbm>>
      tpu.enqueue_indirect_dma source(%dma_start3A_548 : memref<10000x256xf32, #tpu.memory_space<hbm>>) target(%arg11 : memref<40x256xf32, #tpu.memory_space<vmem>>) offsets(%dma_start3A_545 : memref<40xi32, #tpu.memory_space<vmem>>) semaphore(%arg17 : memref<!tpu.dma_semaphore, #tpu.memory_space<semaphore_mem>>)
      %dma_wait3A_549 = arith.constant 0 : i32
      %dma_wait3A_550 = arith.constant 0 : i32
      %dma_wait3A_551 = tpu.memref_slice %arg6[%dma_wait3A_549, %dma_wait3A_550] : memref<32x40xi32, #tpu.memory_space<vmem>> -> memref<1x40xi32, #tpu.memory_space<vmem>>
      %dma_wait3A_552 = tpu.memref_squeeze %dma_wait3A_551 : memref<1x40xi32, #tpu.memory_space<vmem>> -> memref<40xi32, #tpu.memory_space<vmem>>
      %dma_wait3A_553 = arith.constant 0 : i32
      %dma_wait3A_554 = arith.constant 0 : i32
      %dma_wait3A_555 = tpu.memref_slice %arg2[%dma_wait3A_553, %dma_wait3A_554] : memref<10000x256xf32, #tpu.memory_space<hbm>> -> memref<10000x256xf32, #tpu.memory_space<hbm>>
      tpu.wait_indirect_dma semaphore(%arg19 : memref<!tpu.dma_semaphore, #tpu.memory_space<semaphore_mem>>) src(%dma_wait3A_555 : memref<10000x256xf32, #tpu.memory_space<hbm>>) dst(%arg13 : memref<40x256xf32, #tpu.memory_space<vmem>>)
      %dma_start3A_556 = arith.constant 15 : i32
      %dma_start3A_557 = arith.constant 0 : i32
      %dma_start3A_558 = tpu.memref_slice %arg8[%dma_start3A_556, %dma_start3A_557] : memref<32x40xi32, #tpu.memory_space<vmem>> -> memref<1x40xi32, #tpu.memory_space<vmem>>
      %dma_start3A_559 = tpu.memref_squeeze %dma_start3A_558 : memref<1x40xi32, #tpu.memory_space<vmem>> -> memref<40xi32, #tpu.memory_space<vmem>>
      %dma_start3A_560 = arith.constant 0 : i32
      %dma_start3A_561 = arith.constant 0 : i32
      %dma_start3A_562 = tpu.memref_slice %arg14[%dma_start3A_560, %dma_start3A_561] : memref<5120x256xf32, #tpu.memory_space<vmem_shared>> -> memref<5120x256xf32, #tpu.memory_space<vmem_shared>>
      tpu.enqueue_indirect_dma source(%arg13 : memref<40x256xf32, #tpu.memory_space<vmem>>) target(%dma_start3A_562 : memref<5120x256xf32, #tpu.memory_space<vmem_shared>>) offsets(%dma_start3A_559 : memref<40xi32, #tpu.memory_space<vmem>>) semaphore(%arg23 : memref<!tpu.dma_semaphore, #tpu.memory_space<semaphore_mem>>) {add = true}
      %dma_wait3A_563 = arith.constant 0 : i32
      %dma_wait3A_564 = arith.constant 0 : i32
      %dma_wait3A_565 = tpu.memref_slice %arg8[%dma_wait3A_563, %dma_wait3A_564] : memref<32x40xi32, #tpu.memory_space<vmem>> -> memref<1x40xi32, #tpu.memory_space<vmem>>
      %dma_wait3A_566 = tpu.memref_squeeze %dma_wait3A_565 : memref<1x40xi32, #tpu.memory_space<vmem>> -> memref<40xi32, #tpu.memory_space<vmem>>
      %dma_wait3A_567 = arith.constant 0 : i32
      %dma_wait3A_568 = arith.constant 0 : i32
      %dma_wait3A_569 = tpu.memref_slice %arg14[%dma_wait3A_567, %dma_wait3A_568] : memref<5120x256xf32, #tpu.memory_space<vmem_shared>> -> memref<5120x256xf32, #tpu.memory_space<vmem_shared>>
      tpu.wait_indirect_dma semaphore(%arg22 : memref<!tpu.dma_semaphore, #tpu.memory_space<semaphore_mem>>) src(%arg12 : memref<40x256xf32, #tpu.memory_space<vmem>>) dst(%dma_wait3A_569 : memref<5120x256xf32, #tpu.memory_space<vmem_shared>>)
      %dma_start3A_570 = arith.constant 18 : i32
      %dma_start3A_571 = arith.constant 0 : i32
      %dma_start3A_572 = tpu.memref_slice %arg6[%dma_start3A_570, %dma_start3A_571] : memref<32x40xi32, #tpu.memory_space<vmem>> -> memref<1x40xi32, #tpu.memory_space<vmem>>
      %dma_start3A_573 = tpu.memref_squeeze %dma_start3A_572 : memref<1x40xi32, #tpu.memory_space<vmem>> -> memref<40xi32, #tpu.memory_space<vmem>>
      %dma_start3A_574 = arith.constant 0 : i32
      %dma_start3A_575 = arith.constant 0 : i32
      %dma_start3A_576 = tpu.memref_slice %arg2[%dma_start3A_574, %dma_start3A_575] : memref<10000x256xf32, #tpu.memory_space<hbm>> -> memref<10000x256xf32, #tpu.memory_space<hbm>>
      tpu.enqueue_indirect_dma source(%dma_start3A_576 : memref<10000x256xf32, #tpu.memory_space<hbm>>) target(%arg12 : memref<40x256xf32, #tpu.memory_space<vmem>>) offsets(%dma_start3A_573 : memref<40xi32, #tpu.memory_space<vmem>>) semaphore(%arg18 : memref<!tpu.dma_semaphore, #tpu.memory_space<semaphore_mem>>)
      %dma_wait3A_577 = arith.constant 0 : i32
      %dma_wait3A_578 = arith.constant 0 : i32
      %dma_wait3A_579 = tpu.memref_slice %arg6[%dma_wait3A_577, %dma_wait3A_578] : memref<32x40xi32, #tpu.memory_space<vmem>> -> memref<1x40xi32, #tpu.memory_space<vmem>>
      %dma_wait3A_580 = tpu.memref_squeeze %dma_wait3A_579 : memref<1x40xi32, #tpu.memory_space<vmem>> -> memref<40xi32, #tpu.memory_space<vmem>>
      %dma_wait3A_581 = arith.constant 0 : i32
      %dma_wait3A_582 = arith.constant 0 : i32
      %dma_wait3A_583 = tpu.memref_slice %arg2[%dma_wait3A_581, %dma_wait3A_582] : memref<10000x256xf32, #tpu.memory_space<hbm>> -> memref<10000x256xf32, #tpu.memory_space<hbm>>
      tpu.wait_indirect_dma semaphore(%arg16 : memref<!tpu.dma_semaphore, #tpu.memory_space<semaphore_mem>>) src(%dma_wait3A_583 : memref<10000x256xf32, #tpu.memory_space<hbm>>) dst(%arg10 : memref<40x256xf32, #tpu.memory_space<vmem>>)
      %dma_start3A_584 = arith.constant 16 : i32
      %dma_start3A_585 = arith.constant 0 : i32
      %dma_start3A_586 = tpu.memref_slice %arg8[%dma_start3A_584, %dma_start3A_585] : memref<32x40xi32, #tpu.memory_space<vmem>> -> memref<1x40xi32, #tpu.memory_space<vmem>>
      %dma_start3A_587 = tpu.memref_squeeze %dma_start3A_586 : memref<1x40xi32, #tpu.memory_space<vmem>> -> memref<40xi32, #tpu.memory_space<vmem>>
      %dma_start3A_588 = arith.constant 0 : i32
      %dma_start3A_589 = arith.constant 0 : i32
      %dma_start3A_590 = tpu.memref_slice %arg14[%dma_start3A_588, %dma_start3A_589] : memref<5120x256xf32, #tpu.memory_space<vmem_shared>> -> memref<5120x256xf32, #tpu.memory_space<vmem_shared>>
      tpu.enqueue_indirect_dma source(%arg10 : memref<40x256xf32, #tpu.memory_space<vmem>>) target(%dma_start3A_590 : memref<5120x256xf32, #tpu.memory_space<vmem_shared>>) offsets(%dma_start3A_587 : memref<40xi32, #tpu.memory_space<vmem>>) semaphore(%arg20 : memref<!tpu.dma_semaphore, #tpu.memory_space<semaphore_mem>>) {add = true}
      %dma_wait3A_591 = arith.constant 0 : i32
      %dma_wait3A_592 = arith.constant 0 : i32
      %dma_wait3A_593 = tpu.memref_slice %arg8[%dma_wait3A_591, %dma_wait3A_592] : memref<32x40xi32, #tpu.memory_space<vmem>> -> memref<1x40xi32, #tpu.memory_space<vmem>>
      %dma_wait3A_594 = tpu.memref_squeeze %dma_wait3A_593 : memref<1x40xi32, #tpu.memory_space<vmem>> -> memref<40xi32, #tpu.memory_space<vmem>>
      %dma_wait3A_595 = arith.constant 0 : i32
      %dma_wait3A_596 = arith.constant 0 : i32
      %dma_wait3A_597 = tpu.memref_slice %arg14[%dma_wait3A_595, %dma_wait3A_596] : memref<5120x256xf32, #tpu.memory_space<vmem_shared>> -> memref<5120x256xf32, #tpu.memory_space<vmem_shared>>
      tpu.wait_indirect_dma semaphore(%arg23 : memref<!tpu.dma_semaphore, #tpu.memory_space<semaphore_mem>>) src(%arg13 : memref<40x256xf32, #tpu.memory_space<vmem>>) dst(%dma_wait3A_597 : memref<5120x256xf32, #tpu.memory_space<vmem_shared>>)
      %dma_start3A_598 = arith.constant 19 : i32
      %dma_start3A_599 = arith.constant 0 : i32
      %dma_start3A_600 = tpu.memref_slice %arg6[%dma_start3A_598, %dma_start3A_599] : memref<32x40xi32, #tpu.memory_space<vmem>> -> memref<1x40xi32, #tpu.memory_space<vmem>>
      %dma_start3A_601 = tpu.memref_squeeze %dma_start3A_600 : memref<1x40xi32, #tpu.memory_space<vmem>> -> memref<40xi32, #tpu.memory_space<vmem>>
      %dma_start3A_602 = arith.constant 0 : i32
      %dma_start3A_603 = arith.constant 0 : i32
      %dma_start3A_604 = tpu.memref_slice %arg2[%dma_start3A_602, %dma_start3A_603] : memref<10000x256xf32, #tpu.memory_space<hbm>> -> memref<10000x256xf32, #tpu.memory_space<hbm>>
      tpu.enqueue_indirect_dma source(%dma_start3A_604 : memref<10000x256xf32, #tpu.memory_space<hbm>>) target(%arg13 : memref<40x256xf32, #tpu.memory_space<vmem>>) offsets(%dma_start3A_601 : memref<40xi32, #tpu.memory_space<vmem>>) semaphore(%arg19 : memref<!tpu.dma_semaphore, #tpu.memory_space<semaphore_mem>>)
      %dma_wait3A_605 = arith.constant 0 : i32
      %dma_wait3A_606 = arith.constant 0 : i32
      %dma_wait3A_607 = tpu.memref_slice %arg6[%dma_wait3A_605, %dma_wait3A_606] : memref<32x40xi32, #tpu.memory_space<vmem>> -> memref<1x40xi32, #tpu.memory_space<vmem>>
      %dma_wait3A_608 = tpu.memref_squeeze %dma_wait3A_607 : memref<1x40xi32, #tpu.memory_space<vmem>> -> memref<40xi32, #tpu.memory_space<vmem>>
      %dma_wait3A_609 = arith.constant 0 : i32
      %dma_wait3A_610 = arith.constant 0 : i32
      %dma_wait3A_611 = tpu.memref_slice %arg2[%dma_wait3A_609, %dma_wait3A_610] : memref<10000x256xf32, #tpu.memory_space<hbm>> -> memref<10000x256xf32, #tpu.memory_space<hbm>>
      tpu.wait_indirect_dma semaphore(%arg17 : memref<!tpu.dma_semaphore, #tpu.memory_space<semaphore_mem>>) src(%dma_wait3A_611 : memref<10000x256xf32, #tpu.memory_space<hbm>>) dst(%arg11 : memref<40x256xf32, #tpu.memory_space<vmem>>)
      %dma_start3A_612 = arith.constant 17 : i32
      %dma_start3A_613 = arith.constant 0 : i32
      %dma_start3A_614 = tpu.memref_slice %arg8[%dma_start3A_612, %dma_start3A_613] : memref<32x40xi32, #tpu.memory_space<vmem>> -> memref<1x40xi32, #tpu.memory_space<vmem>>
      %dma_start3A_615 = tpu.memref_squeeze %dma_start3A_614 : memref<1x40xi32, #tpu.memory_space<vmem>> -> memref<40xi32, #tpu.memory_space<vmem>>
      %dma_start3A_616 = arith.constant 0 : i32
      %dma_start3A_617 = arith.constant 0 : i32
      %dma_start3A_618 = tpu.memref_slice %arg14[%dma_start3A_616, %dma_start3A_617] : memref<5120x256xf32, #tpu.memory_space<vmem_shared>> -> memref<5120x256xf32, #tpu.memory_space<vmem_shared>>
      tpu.enqueue_indirect_dma source(%arg11 : memref<40x256xf32, #tpu.memory_space<vmem>>) target(%dma_start3A_618 : memref<5120x256xf32, #tpu.memory_space<vmem_shared>>) offsets(%dma_start3A_615 : memref<40xi32, #tpu.memory_space<vmem>>) semaphore(%arg21 : memref<!tpu.dma_semaphore, #tpu.memory_space<semaphore_mem>>) {add = true}
      %dma_wait3A_619 = arith.constant 0 : i32
      %dma_wait3A_620 = arith.constant 0 : i32
      %dma_wait3A_621 = tpu.memref_slice %arg8[%dma_wait3A_619, %dma_wait3A_620] : memref<32x40xi32, #tpu.memory_space<vmem>> -> memref<1x40xi32, #tpu.memory_space<vmem>>
      %dma_wait3A_622 = tpu.memref_squeeze %dma_wait3A_621 : memref<1x40xi32, #tpu.memory_space<vmem>> -> memref<40xi32, #tpu.memory_space<vmem>>
      %dma_wait3A_623 = arith.constant 0 : i32
      %dma_wait3A_624 = arith.constant 0 : i32
      %dma_wait3A_625 = tpu.memref_slice %arg14[%dma_wait3A_623, %dma_wait3A_624] : memref<5120x256xf32, #tpu.memory_space<vmem_shared>> -> memref<5120x256xf32, #tpu.memory_space<vmem_shared>>
      tpu.wait_indirect_dma semaphore(%arg20 : memref<!tpu.dma_semaphore, #tpu.memory_space<semaphore_mem>>) src(%arg10 : memref<40x256xf32, #tpu.memory_space<vmem>>) dst(%dma_wait3A_625 : memref<5120x256xf32, #tpu.memory_space<vmem_shared>>)
      %dma_start3A_626 = arith.constant 20 : i32
      %dma_start3A_627 = arith.constant 0 : i32
      %dma_start3A_628 = tpu.memref_slice %arg6[%dma_start3A_626, %dma_start3A_627] : memref<32x40xi32, #tpu.memory_space<vmem>> -> memref<1x40xi32, #tpu.memory_space<vmem>>
      %dma_start3A_629 = tpu.memref_squeeze %dma_start3A_628 : memref<1x40xi32, #tpu.memory_space<vmem>> -> memref<40xi32, #tpu.memory_space<vmem>>
      %dma_start3A_630 = arith.constant 0 : i32
      %dma_start3A_631 = arith.constant 0 : i32
      %dma_start3A_632 = tpu.memref_slice %arg2[%dma_start3A_630, %dma_start3A_631] : memref<10000x256xf32, #tpu.memory_space<hbm>> -> memref<10000x256xf32, #tpu.memory_space<hbm>>
      tpu.enqueue_indirect_dma source(%dma_start3A_632 : memref<10000x256xf32, #tpu.memory_space<hbm>>) target(%arg10 : memref<40x256xf32, #tpu.memory_space<vmem>>) offsets(%dma_start3A_629 : memref<40xi32, #tpu.memory_space<vmem>>) semaphore(%arg16 : memref<!tpu.dma_semaphore, #tpu.memory_space<semaphore_mem>>)
      %dma_wait3A_633 = arith.constant 0 : i32
      %dma_wait3A_634 = arith.constant 0 : i32
      %dma_wait3A_635 = tpu.memref_slice %arg6[%dma_wait3A_633, %dma_wait3A_634] : memref<32x40xi32, #tpu.memory_space<vmem>> -> memref<1x40xi32, #tpu.memory_space<vmem>>
      %dma_wait3A_636 = tpu.memref_squeeze %dma_wait3A_635 : memref<1x40xi32, #tpu.memory_space<vmem>> -> memref<40xi32, #tpu.memory_space<vmem>>
      %dma_wait3A_637 = arith.constant 0 : i32
      %dma_wait3A_638 = arith.constant 0 : i32
      %dma_wait3A_639 = tpu.memref_slice %arg2[%dma_wait3A_637, %dma_wait3A_638] : memref<10000x256xf32, #tpu.memory_space<hbm>> -> memref<10000x256xf32, #tpu.memory_space<hbm>>
      tpu.wait_indirect_dma semaphore(%arg18 : memref<!tpu.dma_semaphore, #tpu.memory_space<semaphore_mem>>) src(%dma_wait3A_639 : memref<10000x256xf32, #tpu.memory_space<hbm>>) dst(%arg12 : memref<40x256xf32, #tpu.memory_space<vmem>>)
      %dma_start3A_640 = arith.constant 18 : i32
      %dma_start3A_641 = arith.constant 0 : i32
      %dma_start3A_642 = tpu.memref_slice %arg8[%dma_start3A_640, %dma_start3A_641] : memref<32x40xi32, #tpu.memory_space<vmem>> -> memref<1x40xi32, #tpu.memory_space<vmem>>
      %dma_start3A_643 = tpu.memref_squeeze %dma_start3A_642 : memref<1x40xi32, #tpu.memory_space<vmem>> -> memref<40xi32, #tpu.memory_space<vmem>>
      %dma_start3A_644 = arith.constant 0 : i32
      %dma_start3A_645 = arith.constant 0 : i32
      %dma_start3A_646 = tpu.memref_slice %arg14[%dma_start3A_644, %dma_start3A_645] : memref<5120x256xf32, #tpu.memory_space<vmem_shared>> -> memref<5120x256xf32, #tpu.memory_space<vmem_shared>>
      tpu.enqueue_indirect_dma source(%arg12 : memref<40x256xf32, #tpu.memory_space<vmem>>) target(%dma_start3A_646 : memref<5120x256xf32, #tpu.memory_space<vmem_shared>>) offsets(%dma_start3A_643 : memref<40xi32, #tpu.memory_space<vmem>>) semaphore(%arg22 : memref<!tpu.dma_semaphore, #tpu.memory_space<semaphore_mem>>) {add = true}
      %dma_wait3A_647 = arith.constant 0 : i32
      %dma_wait3A_648 = arith.constant 0 : i32
      %dma_wait3A_649 = tpu.memref_slice %arg8[%dma_wait3A_647, %dma_wait3A_648] : memref<32x40xi32, #tpu.memory_space<vmem>> -> memref<1x40xi32, #tpu.memory_space<vmem>>
      %dma_wait3A_650 = tpu.memref_squeeze %dma_wait3A_649 : memref<1x40xi32, #tpu.memory_space<vmem>> -> memref<40xi32, #tpu.memory_space<vmem>>
      %dma_wait3A_651 = arith.constant 0 : i32
      %dma_wait3A_652 = arith.constant 0 : i32
      %dma_wait3A_653 = tpu.memref_slice %arg14[%dma_wait3A_651, %dma_wait3A_652] : memref<5120x256xf32, #tpu.memory_space<vmem_shared>> -> memref<5120x256xf32, #tpu.memory_space<vmem_shared>>
      tpu.wait_indirect_dma semaphore(%arg21 : memref<!tpu.dma_semaphore, #tpu.memory_space<semaphore_mem>>) src(%arg11 : memref<40x256xf32, #tpu.memory_space<vmem>>) dst(%dma_wait3A_653 : memref<5120x256xf32, #tpu.memory_space<vmem_shared>>)
      %dma_start3A_654 = arith.constant 21 : i32
      %dma_start3A_655 = arith.constant 0 : i32
      %dma_start3A_656 = tpu.memref_slice %arg6[%dma_start3A_654, %dma_start3A_655] : memref<32x40xi32, #tpu.memory_space<vmem>> -> memref<1x40xi32, #tpu.memory_space<vmem>>
      %dma_start3A_657 = tpu.memref_squeeze %dma_start3A_656 : memref<1x40xi32, #tpu.memory_space<vmem>> -> memref<40xi32, #tpu.memory_space<vmem>>
      %dma_start3A_658 = arith.constant 0 : i32
      %dma_start3A_659 = arith.constant 0 : i32
      %dma_start3A_660 = tpu.memref_slice %arg2[%dma_start3A_658, %dma_start3A_659] : memref<10000x256xf32, #tpu.memory_space<hbm>> -> memref<10000x256xf32, #tpu.memory_space<hbm>>
      tpu.enqueue_indirect_dma source(%dma_start3A_660 : memref<10000x256xf32, #tpu.memory_space<hbm>>) target(%arg11 : memref<40x256xf32, #tpu.memory_space<vmem>>) offsets(%dma_start3A_657 : memref<40xi32, #tpu.memory_space<vmem>>) semaphore(%arg17 : memref<!tpu.dma_semaphore, #tpu.memory_space<semaphore_mem>>)
      %dma_wait3A_661 = arith.constant 0 : i32
      %dma_wait3A_662 = arith.constant 0 : i32
      %dma_wait3A_663 = tpu.memref_slice %arg6[%dma_wait3A_661, %dma_wait3A_662] : memref<32x40xi32, #tpu.memory_space<vmem>> -> memref<1x40xi32, #tpu.memory_space<vmem>>
      %dma_wait3A_664 = tpu.memref_squeeze %dma_wait3A_663 : memref<1x40xi32, #tpu.memory_space<vmem>> -> memref<40xi32, #tpu.memory_space<vmem>>
      %dma_wait3A_665 = arith.constant 0 : i32
      %dma_wait3A_666 = arith.constant 0 : i32
      %dma_wait3A_667 = tpu.memref_slice %arg2[%dma_wait3A_665, %dma_wait3A_666] : memref<10000x256xf32, #tpu.memory_space<hbm>> -> memref<10000x256xf32, #tpu.memory_space<hbm>>
      tpu.wait_indirect_dma semaphore(%arg19 : memref<!tpu.dma_semaphore, #tpu.memory_space<semaphore_mem>>) src(%dma_wait3A_667 : memref<10000x256xf32, #tpu.memory_space<hbm>>) dst(%arg13 : memref<40x256xf32, #tpu.memory_space<vmem>>)
      %dma_start3A_668 = arith.constant 19 : i32
      %dma_start3A_669 = arith.constant 0 : i32
      %dma_start3A_670 = tpu.memref_slice %arg8[%dma_start3A_668, %dma_start3A_669] : memref<32x40xi32, #tpu.memory_space<vmem>> -> memref<1x40xi32, #tpu.memory_space<vmem>>
      %dma_start3A_671 = tpu.memref_squeeze %dma_start3A_670 : memref<1x40xi32, #tpu.memory_space<vmem>> -> memref<40xi32, #tpu.memory_space<vmem>>
      %dma_start3A_672 = arith.constant 0 : i32
      %dma_start3A_673 = arith.constant 0 : i32
      %dma_start3A_674 = tpu.memref_slice %arg14[%dma_start3A_672, %dma_start3A_673] : memref<5120x256xf32, #tpu.memory_space<vmem_shared>> -> memref<5120x256xf32, #tpu.memory_space<vmem_shared>>
      tpu.enqueue_indirect_dma source(%arg13 : memref<40x256xf32, #tpu.memory_space<vmem>>) target(%dma_start3A_674 : memref<5120x256xf32, #tpu.memory_space<vmem_shared>>) offsets(%dma_start3A_671 : memref<40xi32, #tpu.memory_space<vmem>>) semaphore(%arg23 : memref<!tpu.dma_semaphore, #tpu.memory_space<semaphore_mem>>) {add = true}
      %dma_wait3A_675 = arith.constant 0 : i32
      %dma_wait3A_676 = arith.constant 0 : i32
      %dma_wait3A_677 = tpu.memref_slice %arg8[%dma_wait3A_675, %dma_wait3A_676] : memref<32x40xi32, #tpu.memory_space<vmem>> -> memref<1x40xi32, #tpu.memory_space<vmem>>
      %dma_wait3A_678 = tpu.memref_squeeze %dma_wait3A_677 : memref<1x40xi32, #tpu.memory_space<vmem>> -> memref<40xi32, #tpu.memory_space<vmem>>
      %dma_wait3A_679 = arith.constant 0 : i32
      %dma_wait3A_680 = arith.constant 0 : i32
      %dma_wait3A_681 = tpu.memref_slice %arg14[%dma_wait3A_679, %dma_wait3A_680] : memref<5120x256xf32, #tpu.memory_space<vmem_shared>> -> memref<5120x256xf32, #tpu.memory_space<vmem_shared>>
      tpu.wait_indirect_dma semaphore(%arg22 : memref<!tpu.dma_semaphore, #tpu.memory_space<semaphore_mem>>) src(%arg12 : memref<40x256xf32, #tpu.memory_space<vmem>>) dst(%dma_wait3A_681 : memref<5120x256xf32, #tpu.memory_space<vmem_shared>>)
      %dma_start3A_682 = arith.constant 22 : i32
      %dma_start3A_683 = arith.constant 0 : i32
      %dma_start3A_684 = tpu.memref_slice %arg6[%dma_start3A_682, %dma_start3A_683] : memref<32x40xi32, #tpu.memory_space<vmem>> -> memref<1x40xi32, #tpu.memory_space<vmem>>
      %dma_start3A_685 = tpu.memref_squeeze %dma_start3A_684 : memref<1x40xi32, #tpu.memory_space<vmem>> -> memref<40xi32, #tpu.memory_space<vmem>>
      %dma_start3A_686 = arith.constant 0 : i32
      %dma_start3A_687 = arith.constant 0 : i32
      %dma_start3A_688 = tpu.memref_slice %arg2[%dma_start3A_686, %dma_start3A_687] : memref<10000x256xf32, #tpu.memory_space<hbm>> -> memref<10000x256xf32, #tpu.memory_space<hbm>>
      tpu.enqueue_indirect_dma source(%dma_start3A_688 : memref<10000x256xf32, #tpu.memory_space<hbm>>) target(%arg12 : memref<40x256xf32, #tpu.memory_space<vmem>>) offsets(%dma_start3A_685 : memref<40xi32, #tpu.memory_space<vmem>>) semaphore(%arg18 : memref<!tpu.dma_semaphore, #tpu.memory_space<semaphore_mem>>)
      %dma_wait3A_689 = arith.constant 0 : i32
      %dma_wait3A_690 = arith.constant 0 : i32
      %dma_wait3A_691 = tpu.memref_slice %arg6[%dma_wait3A_689, %dma_wait3A_690] : memref<32x40xi32, #tpu.memory_space<vmem>> -> memref<1x40xi32, #tpu.memory_space<vmem>>
      %dma_wait3A_692 = tpu.memref_squeeze %dma_wait3A_691 : memref<1x40xi32, #tpu.memory_space<vmem>> -> memref<40xi32, #tpu.memory_space<vmem>>
      %dma_wait3A_693 = arith.constant 0 : i32
      %dma_wait3A_694 = arith.constant 0 : i32
      %dma_wait3A_695 = tpu.memref_slice %arg2[%dma_wait3A_693, %dma_wait3A_694] : memref<10000x256xf32, #tpu.memory_space<hbm>> -> memref<10000x256xf32, #tpu.memory_space<hbm>>
      tpu.wait_indirect_dma semaphore(%arg16 : memref<!tpu.dma_semaphore, #tpu.memory_space<semaphore_mem>>) src(%dma_wait3A_695 : memref<10000x256xf32, #tpu.memory_space<hbm>>) dst(%arg10 : memref<40x256xf32, #tpu.memory_space<vmem>>)
      %dma_start3A_696 = arith.constant 20 : i32
      %dma_start3A_697 = arith.constant 0 : i32
      %dma_start3A_698 = tpu.memref_slice %arg8[%dma_start3A_696, %dma_start3A_697] : memref<32x40xi32, #tpu.memory_space<vmem>> -> memref<1x40xi32, #tpu.memory_space<vmem>>
      %dma_start3A_699 = tpu.memref_squeeze %dma_start3A_698 : memref<1x40xi32, #tpu.memory_space<vmem>> -> memref<40xi32, #tpu.memory_space<vmem>>
      %dma_start3A_700 = arith.constant 0 : i32
      %dma_start3A_701 = arith.constant 0 : i32
      %dma_start3A_702 = tpu.memref_slice %arg14[%dma_start3A_700, %dma_start3A_701] : memref<5120x256xf32, #tpu.memory_space<vmem_shared>> -> memref<5120x256xf32, #tpu.memory_space<vmem_shared>>
      tpu.enqueue_indirect_dma source(%arg10 : memref<40x256xf32, #tpu.memory_space<vmem>>) target(%dma_start3A_702 : memref<5120x256xf32, #tpu.memory_space<vmem_shared>>) offsets(%dma_start3A_699 : memref<40xi32, #tpu.memory_space<vmem>>) semaphore(%arg20 : memref<!tpu.dma_semaphore, #tpu.memory_space<semaphore_mem>>) {add = true}
      %dma_wait3A_703 = arith.constant 0 : i32
      %dma_wait3A_704 = arith.constant 0 : i32
      %dma_wait3A_705 = tpu.memref_slice %arg8[%dma_wait3A_703, %dma_wait3A_704] : memref<32x40xi32, #tpu.memory_space<vmem>> -> memref<1x40xi32, #tpu.memory_space<vmem>>
      %dma_wait3A_706 = tpu.memref_squeeze %dma_wait3A_705 : memref<1x40xi32, #tpu.memory_space<vmem>> -> memref<40xi32, #tpu.memory_space<vmem>>
      %dma_wait3A_707 = arith.constant 0 : i32
      %dma_wait3A_708 = arith.constant 0 : i32
      %dma_wait3A_709 = tpu.memref_slice %arg14[%dma_wait3A_707, %dma_wait3A_708] : memref<5120x256xf32, #tpu.memory_space<vmem_shared>> -> memref<5120x256xf32, #tpu.memory_space<vmem_shared>>
      tpu.wait_indirect_dma semaphore(%arg23 : memref<!tpu.dma_semaphore, #tpu.memory_space<semaphore_mem>>) src(%arg13 : memref<40x256xf32, #tpu.memory_space<vmem>>) dst(%dma_wait3A_709 : memref<5120x256xf32, #tpu.memory_space<vmem_shared>>)
      %dma_start3A_710 = arith.constant 23 : i32
      %dma_start3A_711 = arith.constant 0 : i32
      %dma_start3A_712 = tpu.memref_slice %arg6[%dma_start3A_710, %dma_start3A_711] : memref<32x40xi32, #tpu.memory_space<vmem>> -> memref<1x40xi32, #tpu.memory_space<vmem>>
      %dma_start3A_713 = tpu.memref_squeeze %dma_start3A_712 : memref<1x40xi32, #tpu.memory_space<vmem>> -> memref<40xi32, #tpu.memory_space<vmem>>
      %dma_start3A_714 = arith.constant 0 : i32
      %dma_start3A_715 = arith.constant 0 : i32
      %dma_start3A_716 = tpu.memref_slice %arg2[%dma_start3A_714, %dma_start3A_715] : memref<10000x256xf32, #tpu.memory_space<hbm>> -> memref<10000x256xf32, #tpu.memory_space<hbm>>
      tpu.enqueue_indirect_dma source(%dma_start3A_716 : memref<10000x256xf32, #tpu.memory_space<hbm>>) target(%arg13 : memref<40x256xf32, #tpu.memory_space<vmem>>) offsets(%dma_start3A_713 : memref<40xi32, #tpu.memory_space<vmem>>) semaphore(%arg19 : memref<!tpu.dma_semaphore, #tpu.memory_space<semaphore_mem>>)
      %dma_wait3A_717 = arith.constant 0 : i32
      %dma_wait3A_718 = arith.constant 0 : i32
      %dma_wait3A_719 = tpu.memref_slice %arg6[%dma_wait3A_717, %dma_wait3A_718] : memref<32x40xi32, #tpu.memory_space<vmem>> -> memref<1x40xi32, #tpu.memory_space<vmem>>
      %dma_wait3A_720 = tpu.memref_squeeze %dma_wait3A_719 : memref<1x40xi32, #tpu.memory_space<vmem>> -> memref<40xi32, #tpu.memory_space<vmem>>
      %dma_wait3A_721 = arith.constant 0 : i32
      %dma_wait3A_722 = arith.constant 0 : i32
      %dma_wait3A_723 = tpu.memref_slice %arg2[%dma_wait3A_721, %dma_wait3A_722] : memref<10000x256xf32, #tpu.memory_space<hbm>> -> memref<10000x256xf32, #tpu.memory_space<hbm>>
      tpu.wait_indirect_dma semaphore(%arg17 : memref<!tpu.dma_semaphore, #tpu.memory_space<semaphore_mem>>) src(%dma_wait3A_723 : memref<10000x256xf32, #tpu.memory_space<hbm>>) dst(%arg11 : memref<40x256xf32, #tpu.memory_space<vmem>>)
      %dma_start3A_724 = arith.constant 21 : i32
      %dma_start3A_725 = arith.constant 0 : i32
      %dma_start3A_726 = tpu.memref_slice %arg8[%dma_start3A_724, %dma_start3A_725] : memref<32x40xi32, #tpu.memory_space<vmem>> -> memref<1x40xi32, #tpu.memory_space<vmem>>
      %dma_start3A_727 = tpu.memref_squeeze %dma_start3A_726 : memref<1x40xi32, #tpu.memory_space<vmem>> -> memref<40xi32, #tpu.memory_space<vmem>>
      %dma_start3A_728 = arith.constant 0 : i32
      %dma_start3A_729 = arith.constant 0 : i32
      %dma_start3A_730 = tpu.memref_slice %arg14[%dma_start3A_728, %dma_start3A_729] : memref<5120x256xf32, #tpu.memory_space<vmem_shared>> -> memref<5120x256xf32, #tpu.memory_space<vmem_shared>>
      tpu.enqueue_indirect_dma source(%arg11 : memref<40x256xf32, #tpu.memory_space<vmem>>) target(%dma_start3A_730 : memref<5120x256xf32, #tpu.memory_space<vmem_shared>>) offsets(%dma_start3A_727 : memref<40xi32, #tpu.memory_space<vmem>>) semaphore(%arg21 : memref<!tpu.dma_semaphore, #tpu.memory_space<semaphore_mem>>) {add = true}
      %dma_wait3A_731 = arith.constant 0 : i32
      %dma_wait3A_732 = arith.constant 0 : i32
      %dma_wait3A_733 = tpu.memref_slice %arg8[%dma_wait3A_731, %dma_wait3A_732] : memref<32x40xi32, #tpu.memory_space<vmem>> -> memref<1x40xi32, #tpu.memory_space<vmem>>
      %dma_wait3A_734 = tpu.memref_squeeze %dma_wait3A_733 : memref<1x40xi32, #tpu.memory_space<vmem>> -> memref<40xi32, #tpu.memory_space<vmem>>
      %dma_wait3A_735 = arith.constant 0 : i32
      %dma_wait3A_736 = arith.constant 0 : i32
      %dma_wait3A_737 = tpu.memref_slice %arg14[%dma_wait3A_735, %dma_wait3A_736] : memref<5120x256xf32, #tpu.memory_space<vmem_shared>> -> memref<5120x256xf32, #tpu.memory_space<vmem_shared>>
      tpu.wait_indirect_dma semaphore(%arg20 : memref<!tpu.dma_semaphore, #tpu.memory_space<semaphore_mem>>) src(%arg10 : memref<40x256xf32, #tpu.memory_space<vmem>>) dst(%dma_wait3A_737 : memref<5120x256xf32, #tpu.memory_space<vmem_shared>>)
      %dma_start3A_738 = arith.constant 24 : i32
      %dma_start3A_739 = arith.constant 0 : i32
      %dma_start3A_740 = tpu.memref_slice %arg6[%dma_start3A_738, %dma_start3A_739] : memref<32x40xi32, #tpu.memory_space<vmem>> -> memref<1x40xi32, #tpu.memory_space<vmem>>
      %dma_start3A_741 = tpu.memref_squeeze %dma_start3A_740 : memref<1x40xi32, #tpu.memory_space<vmem>> -> memref<40xi32, #tpu.memory_space<vmem>>
      %dma_start3A_742 = arith.constant 0 : i32
      %dma_start3A_743 = arith.constant 0 : i32
      %dma_start3A_744 = tpu.memref_slice %arg2[%dma_start3A_742, %dma_start3A_743] : memref<10000x256xf32, #tpu.memory_space<hbm>> -> memref<10000x256xf32, #tpu.memory_space<hbm>>
      tpu.enqueue_indirect_dma source(%dma_start3A_744 : memref<10000x256xf32, #tpu.memory_space<hbm>>) target(%arg10 : memref<40x256xf32, #tpu.memory_space<vmem>>) offsets(%dma_start3A_741 : memref<40xi32, #tpu.memory_space<vmem>>) semaphore(%arg16 : memref<!tpu.dma_semaphore, #tpu.memory_space<semaphore_mem>>)
      %dma_wait3A_745 = arith.constant 0 : i32
      %dma_wait3A_746 = arith.constant 0 : i32
      %dma_wait3A_747 = tpu.memref_slice %arg6[%dma_wait3A_745, %dma_wait3A_746] : memref<32x40xi32, #tpu.memory_space<vmem>> -> memref<1x40xi32, #tpu.memory_space<vmem>>
      %dma_wait3A_748 = tpu.memref_squeeze %dma_wait3A_747 : memref<1x40xi32, #tpu.memory_space<vmem>> -> memref<40xi32, #tpu.memory_space<vmem>>
      %dma_wait3A_749 = arith.constant 0 : i32
      %dma_wait3A_750 = arith.constant 0 : i32
      %dma_wait3A_751 = tpu.memref_slice %arg2[%dma_wait3A_749, %dma_wait3A_750] : memref<10000x256xf32, #tpu.memory_space<hbm>> -> memref<10000x256xf32, #tpu.memory_space<hbm>>
      tpu.wait_indirect_dma semaphore(%arg18 : memref<!tpu.dma_semaphore, #tpu.memory_space<semaphore_mem>>) src(%dma_wait3A_751 : memref<10000x256xf32, #tpu.memory_space<hbm>>) dst(%arg12 : memref<40x256xf32, #tpu.memory_space<vmem>>)
      %dma_start3A_752 = arith.constant 22 : i32
      %dma_start3A_753 = arith.constant 0 : i32
      %dma_start3A_754 = tpu.memref_slice %arg8[%dma_start3A_752, %dma_start3A_753] : memref<32x40xi32, #tpu.memory_space<vmem>> -> memref<1x40xi32, #tpu.memory_space<vmem>>
      %dma_start3A_755 = tpu.memref_squeeze %dma_start3A_754 : memref<1x40xi32, #tpu.memory_space<vmem>> -> memref<40xi32, #tpu.memory_space<vmem>>
      %dma_start3A_756 = arith.constant 0 : i32
      %dma_start3A_757 = arith.constant 0 : i32
      %dma_start3A_758 = tpu.memref_slice %arg14[%dma_start3A_756, %dma_start3A_757] : memref<5120x256xf32, #tpu.memory_space<vmem_shared>> -> memref<5120x256xf32, #tpu.memory_space<vmem_shared>>
      tpu.enqueue_indirect_dma source(%arg12 : memref<40x256xf32, #tpu.memory_space<vmem>>) target(%dma_start3A_758 : memref<5120x256xf32, #tpu.memory_space<vmem_shared>>) offsets(%dma_start3A_755 : memref<40xi32, #tpu.memory_space<vmem>>) semaphore(%arg22 : memref<!tpu.dma_semaphore, #tpu.memory_space<semaphore_mem>>) {add = true}
      %dma_wait3A_759 = arith.constant 0 : i32
      %dma_wait3A_760 = arith.constant 0 : i32
      %dma_wait3A_761 = tpu.memref_slice %arg8[%dma_wait3A_759, %dma_wait3A_760] : memref<32x40xi32, #tpu.memory_space<vmem>> -> memref<1x40xi32, #tpu.memory_space<vmem>>
      %dma_wait3A_762 = tpu.memref_squeeze %dma_wait3A_761 : memref<1x40xi32, #tpu.memory_space<vmem>> -> memref<40xi32, #tpu.memory_space<vmem>>
      %dma_wait3A_763 = arith.constant 0 : i32
      %dma_wait3A_764 = arith.constant 0 : i32
      %dma_wait3A_765 = tpu.memref_slice %arg14[%dma_wait3A_763, %dma_wait3A_764] : memref<5120x256xf32, #tpu.memory_space<vmem_shared>> -> memref<5120x256xf32, #tpu.memory_space<vmem_shared>>
      tpu.wait_indirect_dma semaphore(%arg21 : memref<!tpu.dma_semaphore, #tpu.memory_space<semaphore_mem>>) src(%arg11 : memref<40x256xf32, #tpu.memory_space<vmem>>) dst(%dma_wait3A_765 : memref<5120x256xf32, #tpu.memory_space<vmem_shared>>)
      %dma_start3A_766 = arith.constant 25 : i32
      %dma_start3A_767 = arith.constant 0 : i32
      %dma_start3A_768 = tpu.memref_slice %arg6[%dma_start3A_766, %dma_start3A_767] : memref<32x40xi32, #tpu.memory_space<vmem>> -> memref<1x40xi32, #tpu.memory_space<vmem>>
      %dma_start3A_769 = tpu.memref_squeeze %dma_start3A_768 : memref<1x40xi32, #tpu.memory_space<vmem>> -> memref<40xi32, #tpu.memory_space<vmem>>
      %dma_start3A_770 = arith.constant 0 : i32
      %dma_start3A_771 = arith.constant 0 : i32
      %dma_start3A_772 = tpu.memref_slice %arg2[%dma_start3A_770, %dma_start3A_771] : memref<10000x256xf32, #tpu.memory_space<hbm>> -> memref<10000x256xf32, #tpu.memory_space<hbm>>
      tpu.enqueue_indirect_dma source(%dma_start3A_772 : memref<10000x256xf32, #tpu.memory_space<hbm>>) target(%arg11 : memref<40x256xf32, #tpu.memory_space<vmem>>) offsets(%dma_start3A_769 : memref<40xi32, #tpu.memory_space<vmem>>) semaphore(%arg17 : memref<!tpu.dma_semaphore, #tpu.memory_space<semaphore_mem>>)
      %dma_wait3A_773 = arith.constant 0 : i32
      %dma_wait3A_774 = arith.constant 0 : i32
      %dma_wait3A_775 = tpu.memref_slice %arg6[%dma_wait3A_773, %dma_wait3A_774] : memref<32x40xi32, #tpu.memory_space<vmem>> -> memref<1x40xi32, #tpu.memory_space<vmem>>
      %dma_wait3A_776 = tpu.memref_squeeze %dma_wait3A_775 : memref<1x40xi32, #tpu.memory_space<vmem>> -> memref<40xi32, #tpu.memory_space<vmem>>
      %dma_wait3A_777 = arith.constant 0 : i32
      %dma_wait3A_778 = arith.constant 0 : i32
      %dma_wait3A_779 = tpu.memref_slice %arg2[%dma_wait3A_777, %dma_wait3A_778] : memref<10000x256xf32, #tpu.memory_space<hbm>> -> memref<10000x256xf32, #tpu.memory_space<hbm>>
      tpu.wait_indirect_dma semaphore(%arg19 : memref<!tpu.dma_semaphore, #tpu.memory_space<semaphore_mem>>) src(%dma_wait3A_779 : memref<10000x256xf32, #tpu.memory_space<hbm>>) dst(%arg13 : memref<40x256xf32, #tpu.memory_space<vmem>>)
      %dma_start3A_780 = arith.constant 23 : i32
      %dma_start3A_781 = arith.constant 0 : i32
      %dma_start3A_782 = tpu.memref_slice %arg8[%dma_start3A_780, %dma_start3A_781] : memref<32x40xi32, #tpu.memory_space<vmem>> -> memref<1x40xi32, #tpu.memory_space<vmem>>
      %dma_start3A_783 = tpu.memref_squeeze %dma_start3A_782 : memref<1x40xi32, #tpu.memory_space<vmem>> -> memref<40xi32, #tpu.memory_space<vmem>>
      %dma_start3A_784 = arith.constant 0 : i32
      %dma_start3A_785 = arith.constant 0 : i32
      %dma_start3A_786 = tpu.memref_slice %arg14[%dma_start3A_784, %dma_start3A_785] : memref<5120x256xf32, #tpu.memory_space<vmem_shared>> -> memref<5120x256xf32, #tpu.memory_space<vmem_shared>>
      tpu.enqueue_indirect_dma source(%arg13 : memref<40x256xf32, #tpu.memory_space<vmem>>) target(%dma_start3A_786 : memref<5120x256xf32, #tpu.memory_space<vmem_shared>>) offsets(%dma_start3A_783 : memref<40xi32, #tpu.memory_space<vmem>>) semaphore(%arg23 : memref<!tpu.dma_semaphore, #tpu.memory_space<semaphore_mem>>) {add = true}
      %dma_wait3A_787 = arith.constant 0 : i32
      %dma_wait3A_788 = arith.constant 0 : i32
      %dma_wait3A_789 = tpu.memref_slice %arg8[%dma_wait3A_787, %dma_wait3A_788] : memref<32x40xi32, #tpu.memory_space<vmem>> -> memref<1x40xi32, #tpu.memory_space<vmem>>
      %dma_wait3A_790 = tpu.memref_squeeze %dma_wait3A_789 : memref<1x40xi32, #tpu.memory_space<vmem>> -> memref<40xi32, #tpu.memory_space<vmem>>
      %dma_wait3A_791 = arith.constant 0 : i32
      %dma_wait3A_792 = arith.constant 0 : i32
      %dma_wait3A_793 = tpu.memref_slice %arg14[%dma_wait3A_791, %dma_wait3A_792] : memref<5120x256xf32, #tpu.memory_space<vmem_shared>> -> memref<5120x256xf32, #tpu.memory_space<vmem_shared>>
      tpu.wait_indirect_dma semaphore(%arg22 : memref<!tpu.dma_semaphore, #tpu.memory_space<semaphore_mem>>) src(%arg12 : memref<40x256xf32, #tpu.memory_space<vmem>>) dst(%dma_wait3A_793 : memref<5120x256xf32, #tpu.memory_space<vmem_shared>>)
      %dma_start3A_794 = arith.constant 26 : i32
      %dma_start3A_795 = arith.constant 0 : i32
      %dma_start3A_796 = tpu.memref_slice %arg6[%dma_start3A_794, %dma_start3A_795] : memref<32x40xi32, #tpu.memory_space<vmem>> -> memref<1x40xi32, #tpu.memory_space<vmem>>
      %dma_start3A_797 = tpu.memref_squeeze %dma_start3A_796 : memref<1x40xi32, #tpu.memory_space<vmem>> -> memref<40xi32, #tpu.memory_space<vmem>>
      %dma_start3A_798 = arith.constant 0 : i32
      %dma_start3A_799 = arith.constant 0 : i32
      %dma_start3A_800 = tpu.memref_slice %arg2[%dma_start3A_798, %dma_start3A_799] : memref<10000x256xf32, #tpu.memory_space<hbm>> -> memref<10000x256xf32, #tpu.memory_space<hbm>>
      tpu.enqueue_indirect_dma source(%dma_start3A_800 : memref<10000x256xf32, #tpu.memory_space<hbm>>) target(%arg12 : memref<40x256xf32, #tpu.memory_space<vmem>>) offsets(%dma_start3A_797 : memref<40xi32, #tpu.memory_space<vmem>>) semaphore(%arg18 : memref<!tpu.dma_semaphore, #tpu.memory_space<semaphore_mem>>)
      %dma_wait3A_801 = arith.constant 0 : i32
      %dma_wait3A_802 = arith.constant 0 : i32
      %dma_wait3A_803 = tpu.memref_slice %arg6[%dma_wait3A_801, %dma_wait3A_802] : memref<32x40xi32, #tpu.memory_space<vmem>> -> memref<1x40xi32, #tpu.memory_space<vmem>>
      %dma_wait3A_804 = tpu.memref_squeeze %dma_wait3A_803 : memref<1x40xi32, #tpu.memory_space<vmem>> -> memref<40xi32, #tpu.memory_space<vmem>>
      %dma_wait3A_805 = arith.constant 0 : i32
      %dma_wait3A_806 = arith.constant 0 : i32
      %dma_wait3A_807 = tpu.memref_slice %arg2[%dma_wait3A_805, %dma_wait3A_806] : memref<10000x256xf32, #tpu.memory_space<hbm>> -> memref<10000x256xf32, #tpu.memory_space<hbm>>
      tpu.wait_indirect_dma semaphore(%arg16 : memref<!tpu.dma_semaphore, #tpu.memory_space<semaphore_mem>>) src(%dma_wait3A_807 : memref<10000x256xf32, #tpu.memory_space<hbm>>) dst(%arg10 : memref<40x256xf32, #tpu.memory_space<vmem>>)
      %dma_start3A_808 = arith.constant 24 : i32
      %dma_start3A_809 = arith.constant 0 : i32
      %dma_start3A_810 = tpu.memref_slice %arg8[%dma_start3A_808, %dma_start3A_809] : memref<32x40xi32, #tpu.memory_space<vmem>> -> memref<1x40xi32, #tpu.memory_space<vmem>>
      %dma_start3A_811 = tpu.memref_squeeze %dma_start3A_810 : memref<1x40xi32, #tpu.memory_space<vmem>> -> memref<40xi32, #tpu.memory_space<vmem>>
      %dma_start3A_812 = arith.constant 0 : i32
      %dma_start3A_813 = arith.constant 0 : i32
      %dma_start3A_814 = tpu.memref_slice %arg14[%dma_start3A_812, %dma_start3A_813] : memref<5120x256xf32, #tpu.memory_space<vmem_shared>> -> memref<5120x256xf32, #tpu.memory_space<vmem_shared>>
      tpu.enqueue_indirect_dma source(%arg10 : memref<40x256xf32, #tpu.memory_space<vmem>>) target(%dma_start3A_814 : memref<5120x256xf32, #tpu.memory_space<vmem_shared>>) offsets(%dma_start3A_811 : memref<40xi32, #tpu.memory_space<vmem>>) semaphore(%arg20 : memref<!tpu.dma_semaphore, #tpu.memory_space<semaphore_mem>>) {add = true}
      %dma_wait3A_815 = arith.constant 0 : i32
      %dma_wait3A_816 = arith.constant 0 : i32
      %dma_wait3A_817 = tpu.memref_slice %arg8[%dma_wait3A_815, %dma_wait3A_816] : memref<32x40xi32, #tpu.memory_space<vmem>> -> memref<1x40xi32, #tpu.memory_space<vmem>>
      %dma_wait3A_818 = tpu.memref_squeeze %dma_wait3A_817 : memref<1x40xi32, #tpu.memory_space<vmem>> -> memref<40xi32, #tpu.memory_space<vmem>>
      %dma_wait3A_819 = arith.constant 0 : i32
      %dma_wait3A_820 = arith.constant 0 : i32
      %dma_wait3A_821 = tpu.memref_slice %arg14[%dma_wait3A_819, %dma_wait3A_820] : memref<5120x256xf32, #tpu.memory_space<vmem_shared>> -> memref<5120x256xf32, #tpu.memory_space<vmem_shared>>
      tpu.wait_indirect_dma semaphore(%arg23 : memref<!tpu.dma_semaphore, #tpu.memory_space<semaphore_mem>>) src(%arg13 : memref<40x256xf32, #tpu.memory_space<vmem>>) dst(%dma_wait3A_821 : memref<5120x256xf32, #tpu.memory_space<vmem_shared>>)
      %dma_start3A_822 = arith.constant 27 : i32
      %dma_start3A_823 = arith.constant 0 : i32
      %dma_start3A_824 = tpu.memref_slice %arg6[%dma_start3A_822, %dma_start3A_823] : memref<32x40xi32, #tpu.memory_space<vmem>> -> memref<1x40xi32, #tpu.memory_space<vmem>>
      %dma_start3A_825 = tpu.memref_squeeze %dma_start3A_824 : memref<1x40xi32, #tpu.memory_space<vmem>> -> memref<40xi32, #tpu.memory_space<vmem>>
      %dma_start3A_826 = arith.constant 0 : i32
      %dma_start3A_827 = arith.constant 0 : i32
      %dma_start3A_828 = tpu.memref_slice %arg2[%dma_start3A_826, %dma_start3A_827] : memref<10000x256xf32, #tpu.memory_space<hbm>> -> memref<10000x256xf32, #tpu.memory_space<hbm>>
      tpu.enqueue_indirect_dma source(%dma_start3A_828 : memref<10000x256xf32, #tpu.memory_space<hbm>>) target(%arg13 : memref<40x256xf32, #tpu.memory_space<vmem>>) offsets(%dma_start3A_825 : memref<40xi32, #tpu.memory_space<vmem>>) semaphore(%arg19 : memref<!tpu.dma_semaphore, #tpu.memory_space<semaphore_mem>>)
      %dma_wait3A_829 = arith.constant 0 : i32
      %dma_wait3A_830 = arith.constant 0 : i32
      %dma_wait3A_831 = tpu.memref_slice %arg6[%dma_wait3A_829, %dma_wait3A_830] : memref<32x40xi32, #tpu.memory_space<vmem>> -> memref<1x40xi32, #tpu.memory_space<vmem>>
      %dma_wait3A_832 = tpu.memref_squeeze %dma_wait3A_831 : memref<1x40xi32, #tpu.memory_space<vmem>> -> memref<40xi32, #tpu.memory_space<vmem>>
      %dma_wait3A_833 = arith.constant 0 : i32
      %dma_wait3A_834 = arith.constant 0 : i32
      %dma_wait3A_835 = tpu.memref_slice %arg2[%dma_wait3A_833, %dma_wait3A_834] : memref<10000x256xf32, #tpu.memory_space<hbm>> -> memref<10000x256xf32, #tpu.memory_space<hbm>>
      tpu.wait_indirect_dma semaphore(%arg17 : memref<!tpu.dma_semaphore, #tpu.memory_space<semaphore_mem>>) src(%dma_wait3A_835 : memref<10000x256xf32, #tpu.memory_space<hbm>>) dst(%arg11 : memref<40x256xf32, #tpu.memory_space<vmem>>)
      %dma_start3A_836 = arith.constant 25 : i32
      %dma_start3A_837 = arith.constant 0 : i32
      %dma_start3A_838 = tpu.memref_slice %arg8[%dma_start3A_836, %dma_start3A_837] : memref<32x40xi32, #tpu.memory_space<vmem>> -> memref<1x40xi32, #tpu.memory_space<vmem>>
      %dma_start3A_839 = tpu.memref_squeeze %dma_start3A_838 : memref<1x40xi32, #tpu.memory_space<vmem>> -> memref<40xi32, #tpu.memory_space<vmem>>
      %dma_start3A_840 = arith.constant 0 : i32
      %dma_start3A_841 = arith.constant 0 : i32
      %dma_start3A_842 = tpu.memref_slice %arg14[%dma_start3A_840, %dma_start3A_841] : memref<5120x256xf32, #tpu.memory_space<vmem_shared>> -> memref<5120x256xf32, #tpu.memory_space<vmem_shared>>
      tpu.enqueue_indirect_dma source(%arg11 : memref<40x256xf32, #tpu.memory_space<vmem>>) target(%dma_start3A_842 : memref<5120x256xf32, #tpu.memory_space<vmem_shared>>) offsets(%dma_start3A_839 : memref<40xi32, #tpu.memory_space<vmem>>) semaphore(%arg21 : memref<!tpu.dma_semaphore, #tpu.memory_space<semaphore_mem>>) {add = true}
      %dma_wait3A_843 = arith.constant 0 : i32
      %dma_wait3A_844 = arith.constant 0 : i32
      %dma_wait3A_845 = tpu.memref_slice %arg8[%dma_wait3A_843, %dma_wait3A_844] : memref<32x40xi32, #tpu.memory_space<vmem>> -> memref<1x40xi32, #tpu.memory_space<vmem>>
      %dma_wait3A_846 = tpu.memref_squeeze %dma_wait3A_845 : memref<1x40xi32, #tpu.memory_space<vmem>> -> memref<40xi32, #tpu.memory_space<vmem>>
      %dma_wait3A_847 = arith.constant 0 : i32
      %dma_wait3A_848 = arith.constant 0 : i32
      %dma_wait3A_849 = tpu.memref_slice %arg14[%dma_wait3A_847, %dma_wait3A_848] : memref<5120x256xf32, #tpu.memory_space<vmem_shared>> -> memref<5120x256xf32, #tpu.memory_space<vmem_shared>>
      tpu.wait_indirect_dma semaphore(%arg20 : memref<!tpu.dma_semaphore, #tpu.memory_space<semaphore_mem>>) src(%arg10 : memref<40x256xf32, #tpu.memory_space<vmem>>) dst(%dma_wait3A_849 : memref<5120x256xf32, #tpu.memory_space<vmem_shared>>)
      %dma_start3A_850 = arith.constant 28 : i32
      %dma_start3A_851 = arith.constant 0 : i32
      %dma_start3A_852 = tpu.memref_slice %arg6[%dma_start3A_850, %dma_start3A_851] : memref<32x40xi32, #tpu.memory_space<vmem>> -> memref<1x40xi32, #tpu.memory_space<vmem>>
      %dma_start3A_853 = tpu.memref_squeeze %dma_start3A_852 : memref<1x40xi32, #tpu.memory_space<vmem>> -> memref<40xi32, #tpu.memory_space<vmem>>
      %dma_start3A_854 = arith.constant 0 : i32
      %dma_start3A_855 = arith.constant 0 : i32
      %dma_start3A_856 = tpu.memref_slice %arg2[%dma_start3A_854, %dma_start3A_855] : memref<10000x256xf32, #tpu.memory_space<hbm>> -> memref<10000x256xf32, #tpu.memory_space<hbm>>
      tpu.enqueue_indirect_dma source(%dma_start3A_856 : memref<10000x256xf32, #tpu.memory_space<hbm>>) target(%arg10 : memref<40x256xf32, #tpu.memory_space<vmem>>) offsets(%dma_start3A_853 : memref<40xi32, #tpu.memory_space<vmem>>) semaphore(%arg16 : memref<!tpu.dma_semaphore, #tpu.memory_space<semaphore_mem>>)
      %dma_wait3A_857 = arith.constant 0 : i32
      %dma_wait3A_858 = arith.constant 0 : i32
      %dma_wait3A_859 = tpu.memref_slice %arg6[%dma_wait3A_857, %dma_wait3A_858] : memref<32x40xi32, #tpu.memory_space<vmem>> -> memref<1x40xi32, #tpu.memory_space<vmem>>
      %dma_wait3A_860 = tpu.memref_squeeze %dma_wait3A_859 : memref<1x40xi32, #tpu.memory_space<vmem>> -> memref<40xi32, #tpu.memory_space<vmem>>
      %dma_wait3A_861 = arith.constant 0 : i32
      %dma_wait3A_862 = arith.constant 0 : i32
      %dma_wait3A_863 = tpu.memref_slice %arg2[%dma_wait3A_861, %dma_wait3A_862] : memref<10000x256xf32, #tpu.memory_space<hbm>> -> memref<10000x256xf32, #tpu.memory_space<hbm>>
      tpu.wait_indirect_dma semaphore(%arg18 : memref<!tpu.dma_semaphore, #tpu.memory_space<semaphore_mem>>) src(%dma_wait3A_863 : memref<10000x256xf32, #tpu.memory_space<hbm>>) dst(%arg12 : memref<40x256xf32, #tpu.memory_space<vmem>>)
      %dma_start3A_864 = arith.constant 26 : i32
      %dma_start3A_865 = arith.constant 0 : i32
      %dma_start3A_866 = tpu.memref_slice %arg8[%dma_start3A_864, %dma_start3A_865] : memref<32x40xi32, #tpu.memory_space<vmem>> -> memref<1x40xi32, #tpu.memory_space<vmem>>
      %dma_start3A_867 = tpu.memref_squeeze %dma_start3A_866 : memref<1x40xi32, #tpu.memory_space<vmem>> -> memref<40xi32, #tpu.memory_space<vmem>>
      %dma_start3A_868 = arith.constant 0 : i32
      %dma_start3A_869 = arith.constant 0 : i32
      %dma_start3A_870 = tpu.memref_slice %arg14[%dma_start3A_868, %dma_start3A_869] : memref<5120x256xf32, #tpu.memory_space<vmem_shared>> -> memref<5120x256xf32, #tpu.memory_space<vmem_shared>>
      tpu.enqueue_indirect_dma source(%arg12 : memref<40x256xf32, #tpu.memory_space<vmem>>) target(%dma_start3A_870 : memref<5120x256xf32, #tpu.memory_space<vmem_shared>>) offsets(%dma_start3A_867 : memref<40xi32, #tpu.memory_space<vmem>>) semaphore(%arg22 : memref<!tpu.dma_semaphore, #tpu.memory_space<semaphore_mem>>) {add = true}
      %dma_wait3A_871 = arith.constant 0 : i32
      %dma_wait3A_872 = arith.constant 0 : i32
      %dma_wait3A_873 = tpu.memref_slice %arg8[%dma_wait3A_871, %dma_wait3A_872] : memref<32x40xi32, #tpu.memory_space<vmem>> -> memref<1x40xi32, #tpu.memory_space<vmem>>
      %dma_wait3A_874 = tpu.memref_squeeze %dma_wait3A_873 : memref<1x40xi32, #tpu.memory_space<vmem>> -> memref<40xi32, #tpu.memory_space<vmem>>
      %dma_wait3A_875 = arith.constant 0 : i32
      %dma_wait3A_876 = arith.constant 0 : i32
      %dma_wait3A_877 = tpu.memref_slice %arg14[%dma_wait3A_875, %dma_wait3A_876] : memref<5120x256xf32, #tpu.memory_space<vmem_shared>> -> memref<5120x256xf32, #tpu.memory_space<vmem_shared>>
      tpu.wait_indirect_dma semaphore(%arg21 : memref<!tpu.dma_semaphore, #tpu.memory_space<semaphore_mem>>) src(%arg11 : memref<40x256xf32, #tpu.memory_space<vmem>>) dst(%dma_wait3A_877 : memref<5120x256xf32, #tpu.memory_space<vmem_shared>>)
      %dma_start3A_878 = arith.constant 29 : i32
      %dma_start3A_879 = arith.constant 0 : i32
      %dma_start3A_880 = tpu.memref_slice %arg6[%dma_start3A_878, %dma_start3A_879] : memref<32x40xi32, #tpu.memory_space<vmem>> -> memref<1x40xi32, #tpu.memory_space<vmem>>
      %dma_start3A_881 = tpu.memref_squeeze %dma_start3A_880 : memref<1x40xi32, #tpu.memory_space<vmem>> -> memref<40xi32, #tpu.memory_space<vmem>>
      %dma_start3A_882 = arith.constant 0 : i32
      %dma_start3A_883 = arith.constant 0 : i32
      %dma_start3A_884 = tpu.memref_slice %arg2[%dma_start3A_882, %dma_start3A_883] : memref<10000x256xf32, #tpu.memory_space<hbm>> -> memref<10000x256xf32, #tpu.memory_space<hbm>>
      tpu.enqueue_indirect_dma source(%dma_start3A_884 : memref<10000x256xf32, #tpu.memory_space<hbm>>) target(%arg11 : memref<40x256xf32, #tpu.memory_space<vmem>>) offsets(%dma_start3A_881 : memref<40xi32, #tpu.memory_space<vmem>>) semaphore(%arg17 : memref<!tpu.dma_semaphore, #tpu.memory_space<semaphore_mem>>)
      %dma_wait3A_885 = arith.constant 0 : i32
      %dma_wait3A_886 = arith.constant 0 : i32
      %dma_wait3A_887 = tpu.memref_slice %arg6[%dma_wait3A_885, %dma_wait3A_886] : memref<32x40xi32, #tpu.memory_space<vmem>> -> memref<1x40xi32, #tpu.memory_space<vmem>>
      %dma_wait3A_888 = tpu.memref_squeeze %dma_wait3A_887 : memref<1x40xi32, #tpu.memory_space<vmem>> -> memref<40xi32, #tpu.memory_space<vmem>>
      %dma_wait3A_889 = arith.constant 0 : i32
      %dma_wait3A_890 = arith.constant 0 : i32
      %dma_wait3A_891 = tpu.memref_slice %arg2[%dma_wait3A_889, %dma_wait3A_890] : memref<10000x256xf32, #tpu.memory_space<hbm>> -> memref<10000x256xf32, #tpu.memory_space<hbm>>
      tpu.wait_indirect_dma semaphore(%arg19 : memref<!tpu.dma_semaphore, #tpu.memory_space<semaphore_mem>>) src(%dma_wait3A_891 : memref<10000x256xf32, #tpu.memory_space<hbm>>) dst(%arg13 : memref<40x256xf32, #tpu.memory_space<vmem>>)
      %dma_start3A_892 = arith.constant 27 : i32
      %dma_start3A_893 = arith.constant 0 : i32
      %dma_start3A_894 = tpu.memref_slice %arg8[%dma_start3A_892, %dma_start3A_893] : memref<32x40xi32, #tpu.memory_space<vmem>> -> memref<1x40xi32, #tpu.memory_space<vmem>>
      %dma_start3A_895 = tpu.memref_squeeze %dma_start3A_894 : memref<1x40xi32, #tpu.memory_space<vmem>> -> memref<40xi32, #tpu.memory_space<vmem>>
      %dma_start3A_896 = arith.constant 0 : i32
      %dma_start3A_897 = arith.constant 0 : i32
      %dma_start3A_898 = tpu.memref_slice %arg14[%dma_start3A_896, %dma_start3A_897] : memref<5120x256xf32, #tpu.memory_space<vmem_shared>> -> memref<5120x256xf32, #tpu.memory_space<vmem_shared>>
      tpu.enqueue_indirect_dma source(%arg13 : memref<40x256xf32, #tpu.memory_space<vmem>>) target(%dma_start3A_898 : memref<5120x256xf32, #tpu.memory_space<vmem_shared>>) offsets(%dma_start3A_895 : memref<40xi32, #tpu.memory_space<vmem>>) semaphore(%arg23 : memref<!tpu.dma_semaphore, #tpu.memory_space<semaphore_mem>>) {add = true}
      %dma_wait3A_899 = arith.constant 0 : i32
      %dma_wait3A_900 = arith.constant 0 : i32
      %dma_wait3A_901 = tpu.memref_slice %arg8[%dma_wait3A_899, %dma_wait3A_900] : memref<32x40xi32, #tpu.memory_space<vmem>> -> memref<1x40xi32, #tpu.memory_space<vmem>>
      %dma_wait3A_902 = tpu.memref_squeeze %dma_wait3A_901 : memref<1x40xi32, #tpu.memory_space<vmem>> -> memref<40xi32, #tpu.memory_space<vmem>>
      %dma_wait3A_903 = arith.constant 0 : i32
      %dma_wait3A_904 = arith.constant 0 : i32
      %dma_wait3A_905 = tpu.memref_slice %arg14[%dma_wait3A_903, %dma_wait3A_904] : memref<5120x256xf32, #tpu.memory_space<vmem_shared>> -> memref<5120x256xf32, #tpu.memory_space<vmem_shared>>
      tpu.wait_indirect_dma semaphore(%arg22 : memref<!tpu.dma_semaphore, #tpu.memory_space<semaphore_mem>>) src(%arg12 : memref<40x256xf32, #tpu.memory_space<vmem>>) dst(%dma_wait3A_905 : memref<5120x256xf32, #tpu.memory_space<vmem_shared>>)
      %dma_start3A_906 = arith.constant 30 : i32
      %dma_start3A_907 = arith.constant 0 : i32
      %dma_start3A_908 = tpu.memref_slice %arg6[%dma_start3A_906, %dma_start3A_907] : memref<32x40xi32, #tpu.memory_space<vmem>> -> memref<1x40xi32, #tpu.memory_space<vmem>>
      %dma_start3A_909 = tpu.memref_squeeze %dma_start3A_908 : memref<1x40xi32, #tpu.memory_space<vmem>> -> memref<40xi32, #tpu.memory_space<vmem>>
      %dma_start3A_910 = arith.constant 0 : i32
      %dma_start3A_911 = arith.constant 0 : i32
      %dma_start3A_912 = tpu.memref_slice %arg2[%dma_start3A_910, %dma_start3A_911] : memref<10000x256xf32, #tpu.memory_space<hbm>> -> memref<10000x256xf32, #tpu.memory_space<hbm>>
      tpu.enqueue_indirect_dma source(%dma_start3A_912 : memref<10000x256xf32, #tpu.memory_space<hbm>>) target(%arg12 : memref<40x256xf32, #tpu.memory_space<vmem>>) offsets(%dma_start3A_909 : memref<40xi32, #tpu.memory_space<vmem>>) semaphore(%arg18 : memref<!tpu.dma_semaphore, #tpu.memory_space<semaphore_mem>>)
      %dma_wait3A_913 = arith.constant 0 : i32
      %dma_wait3A_914 = arith.constant 0 : i32
      %dma_wait3A_915 = tpu.memref_slice %arg6[%dma_wait3A_913, %dma_wait3A_914] : memref<32x40xi32, #tpu.memory_space<vmem>> -> memref<1x40xi32, #tpu.memory_space<vmem>>
      %dma_wait3A_916 = tpu.memref_squeeze %dma_wait3A_915 : memref<1x40xi32, #tpu.memory_space<vmem>> -> memref<40xi32, #tpu.memory_space<vmem>>
      %dma_wait3A_917 = arith.constant 0 : i32
      %dma_wait3A_918 = arith.constant 0 : i32
      %dma_wait3A_919 = tpu.memref_slice %arg2[%dma_wait3A_917, %dma_wait3A_918] : memref<10000x256xf32, #tpu.memory_space<hbm>> -> memref<10000x256xf32, #tpu.memory_space<hbm>>
      tpu.wait_indirect_dma semaphore(%arg16 : memref<!tpu.dma_semaphore, #tpu.memory_space<semaphore_mem>>) src(%dma_wait3A_919 : memref<10000x256xf32, #tpu.memory_space<hbm>>) dst(%arg10 : memref<40x256xf32, #tpu.memory_space<vmem>>)
      %dma_start3A_920 = arith.constant 28 : i32
      %dma_start3A_921 = arith.constant 0 : i32
      %dma_start3A_922 = tpu.memref_slice %arg8[%dma_start3A_920, %dma_start3A_921] : memref<32x40xi32, #tpu.memory_space<vmem>> -> memref<1x40xi32, #tpu.memory_space<vmem>>
      %dma_start3A_923 = tpu.memref_squeeze %dma_start3A_922 : memref<1x40xi32, #tpu.memory_space<vmem>> -> memref<40xi32, #tpu.memory_space<vmem>>
      %dma_start3A_924 = arith.constant 0 : i32
      %dma_start3A_925 = arith.constant 0 : i32
      %dma_start3A_926 = tpu.memref_slice %arg14[%dma_start3A_924, %dma_start3A_925] : memref<5120x256xf32, #tpu.memory_space<vmem_shared>> -> memref<5120x256xf32, #tpu.memory_space<vmem_shared>>
      tpu.enqueue_indirect_dma source(%arg10 : memref<40x256xf32, #tpu.memory_space<vmem>>) target(%dma_start3A_926 : memref<5120x256xf32, #tpu.memory_space<vmem_shared>>) offsets(%dma_start3A_923 : memref<40xi32, #tpu.memory_space<vmem>>) semaphore(%arg20 : memref<!tpu.dma_semaphore, #tpu.memory_space<semaphore_mem>>) {add = true}
      %dma_wait3A_927 = arith.constant 0 : i32
      %dma_wait3A_928 = arith.constant 0 : i32
      %dma_wait3A_929 = tpu.memref_slice %arg8[%dma_wait3A_927, %dma_wait3A_928] : memref<32x40xi32, #tpu.memory_space<vmem>> -> memref<1x40xi32, #tpu.memory_space<vmem>>
      %dma_wait3A_930 = tpu.memref_squeeze %dma_wait3A_929 : memref<1x40xi32, #tpu.memory_space<vmem>> -> memref<40xi32, #tpu.memory_space<vmem>>
      %dma_wait3A_931 = arith.constant 0 : i32
      %dma_wait3A_932 = arith.constant 0 : i32
      %dma_wait3A_933 = tpu.memref_slice %arg14[%dma_wait3A_931, %dma_wait3A_932] : memref<5120x256xf32, #tpu.memory_space<vmem_shared>> -> memref<5120x256xf32, #tpu.memory_space<vmem_shared>>
      tpu.wait_indirect_dma semaphore(%arg23 : memref<!tpu.dma_semaphore, #tpu.memory_space<semaphore_mem>>) src(%arg13 : memref<40x256xf32, #tpu.memory_space<vmem>>) dst(%dma_wait3A_933 : memref<5120x256xf32, #tpu.memory_space<vmem_shared>>)
      %dma_start3A_934 = arith.constant 31 : i32
      %dma_start3A_935 = arith.constant 0 : i32
      %dma_start3A_936 = tpu.memref_slice %arg6[%dma_start3A_934, %dma_start3A_935] : memref<32x40xi32, #tpu.memory_space<vmem>> -> memref<1x40xi32, #tpu.memory_space<vmem>>
      %dma_start3A_937 = tpu.memref_squeeze %dma_start3A_936 : memref<1x40xi32, #tpu.memory_space<vmem>> -> memref<40xi32, #tpu.memory_space<vmem>>
      %dma_start3A_938 = arith.constant 0 : i32
      %dma_start3A_939 = arith.constant 0 : i32
      %dma_start3A_940 = tpu.memref_slice %arg2[%dma_start3A_938, %dma_start3A_939] : memref<10000x256xf32, #tpu.memory_space<hbm>> -> memref<10000x256xf32, #tpu.memory_space<hbm>>
      tpu.enqueue_indirect_dma source(%dma_start3A_940 : memref<10000x256xf32, #tpu.memory_space<hbm>>) target(%arg13 : memref<40x256xf32, #tpu.memory_space<vmem>>) offsets(%dma_start3A_937 : memref<40xi32, #tpu.memory_space<vmem>>) semaphore(%arg19 : memref<!tpu.dma_semaphore, #tpu.memory_space<semaphore_mem>>)
      %dma_wait3A_941 = arith.constant 0 : i32
      %dma_wait3A_942 = arith.constant 0 : i32
      %dma_wait3A_943 = tpu.memref_slice %arg6[%dma_wait3A_941, %dma_wait3A_942] : memref<32x40xi32, #tpu.memory_space<vmem>> -> memref<1x40xi32, #tpu.memory_space<vmem>>
      %dma_wait3A_944 = tpu.memref_squeeze %dma_wait3A_943 : memref<1x40xi32, #tpu.memory_space<vmem>> -> memref<40xi32, #tpu.memory_space<vmem>>
      %dma_wait3A_945 = arith.constant 0 : i32
      %dma_wait3A_946 = arith.constant 0 : i32
      %dma_wait3A_947 = tpu.memref_slice %arg2[%dma_wait3A_945, %dma_wait3A_946] : memref<10000x256xf32, #tpu.memory_space<hbm>> -> memref<10000x256xf32, #tpu.memory_space<hbm>>
      tpu.wait_indirect_dma semaphore(%arg17 : memref<!tpu.dma_semaphore, #tpu.memory_space<semaphore_mem>>) src(%dma_wait3A_947 : memref<10000x256xf32, #tpu.memory_space<hbm>>) dst(%arg11 : memref<40x256xf32, #tpu.memory_space<vmem>>)
      %dma_start3A_948 = arith.constant 29 : i32
      %dma_start3A_949 = arith.constant 0 : i32
      %dma_start3A_950 = tpu.memref_slice %arg8[%dma_start3A_948, %dma_start3A_949] : memref<32x40xi32, #tpu.memory_space<vmem>> -> memref<1x40xi32, #tpu.memory_space<vmem>>
      %dma_start3A_951 = tpu.memref_squeeze %dma_start3A_950 : memref<1x40xi32, #tpu.memory_space<vmem>> -> memref<40xi32, #tpu.memory_space<vmem>>
      %dma_start3A_952 = arith.constant 0 : i32
      %dma_start3A_953 = arith.constant 0 : i32
      %dma_start3A_954 = tpu.memref_slice %arg14[%dma_start3A_952, %dma_start3A_953] : memref<5120x256xf32, #tpu.memory_space<vmem_shared>> -> memref<5120x256xf32, #tpu.memory_space<vmem_shared>>
      tpu.enqueue_indirect_dma source(%arg11 : memref<40x256xf32, #tpu.memory_space<vmem>>) target(%dma_start3A_954 : memref<5120x256xf32, #tpu.memory_space<vmem_shared>>) offsets(%dma_start3A_951 : memref<40xi32, #tpu.memory_space<vmem>>) semaphore(%arg21 : memref<!tpu.dma_semaphore, #tpu.memory_space<semaphore_mem>>) {add = true}
      %dma_wait3A_955 = arith.constant 0 : i32
      %dma_wait3A_956 = arith.constant 0 : i32
      %dma_wait3A_957 = arith.constant 0 : i32
      %dma_wait3A_958 = tpu.memref_slice %arg3[%add3A, %dma_wait3A_955, %dma_wait3A_956, %dma_wait3A_957] : memref<32x8x32x40xi32, #tpu.memory_space<hbm>> -> memref<1x1x32x40xi32, #tpu.memory_space<hbm>>
      %dma_wait3A_959 = tpu.memref_squeeze %dma_wait3A_958 : memref<1x1x32x40xi32, #tpu.memory_space<hbm>> -> memref<32x40xi32, #tpu.memory_space<hbm>>
      %dma_wait3A_960 = arith.constant 0 : i32
      %dma_wait3A_961 = arith.constant 0 : i32
      %dma_wait3A_962 = tpu.memref_slice %arg3[%add3A, %dma_wait3A_955, %dma_wait3A_960, %dma_wait3A_961] : memref<32x8x32x40xi32, #tpu.memory_space<hbm>> -> memref<1x1x32x40xi32, #tpu.memory_space<hbm>>
      %dma_wait3A_963 = tpu.memref_squeeze %dma_wait3A_962 : memref<1x1x32x40xi32, #tpu.memory_space<hbm>> -> memref<32x40xi32, #tpu.memory_space<hbm>>
      tpu.wait_dma2 semaphore(%arg15 : memref<!tpu.dma_semaphore, #tpu.memory_space<semaphore_mem>>) src(%dma_wait3A_963 : memref<32x40xi32, #tpu.memory_space<hbm>>) dst(%arg7 : memref<32x40xi32, #tpu.memory_space<vmem>>)
      %dma_wait3A_964 = arith.constant 0 : i32
      %dma_wait3A_965 = arith.constant 0 : i32
      %dma_wait3A_966 = arith.constant 0 : i32
      %dma_wait3A_967 = tpu.memref_slice %arg4[%add3A, %dma_wait3A_964, %dma_wait3A_965, %dma_wait3A_966] : memref<32x8x32x40xi32, #tpu.memory_space<hbm>> -> memref<1x1x32x40xi32, #tpu.memory_space<hbm>>
      %dma_wait3A_968 = tpu.memref_squeeze %dma_wait3A_967 : memref<1x1x32x40xi32, #tpu.memory_space<hbm>> -> memref<32x40xi32, #tpu.memory_space<hbm>>
      %dma_wait3A_969 = arith.constant 0 : i32
      %dma_wait3A_970 = arith.constant 0 : i32
      %dma_wait3A_971 = tpu.memref_slice %arg4[%add3A, %dma_wait3A_964, %dma_wait3A_969, %dma_wait3A_970] : memref<32x8x32x40xi32, #tpu.memory_space<hbm>> -> memref<1x1x32x40xi32, #tpu.memory_space<hbm>>
      %dma_wait3A_972 = tpu.memref_squeeze %dma_wait3A_971 : memref<1x1x32x40xi32, #tpu.memory_space<hbm>> -> memref<32x40xi32, #tpu.memory_space<hbm>>
      tpu.wait_dma2 semaphore(%arg15 : memref<!tpu.dma_semaphore, #tpu.memory_space<semaphore_mem>>) src(%dma_wait3A_972 : memref<32x40xi32, #tpu.memory_space<hbm>>) dst(%arg9 : memref<32x40xi32, #tpu.memory_space<vmem>>)
      %dma_wait3A_973 = arith.constant 0 : i32
      %dma_wait3A_974 = arith.constant 0 : i32
      %dma_wait3A_975 = tpu.memref_slice %arg8[%dma_wait3A_973, %dma_wait3A_974] : memref<32x40xi32, #tpu.memory_space<vmem>> -> memref<1x40xi32, #tpu.memory_space<vmem>>
      %dma_wait3A_976 = tpu.memref_squeeze %dma_wait3A_975 : memref<1x40xi32, #tpu.memory_space<vmem>> -> memref<40xi32, #tpu.memory_space<vmem>>
      %dma_wait3A_977 = arith.constant 0 : i32
      %dma_wait3A_978 = arith.constant 0 : i32
      %dma_wait3A_979 = tpu.memref_slice %arg14[%dma_wait3A_977, %dma_wait3A_978] : memref<5120x256xf32, #tpu.memory_space<vmem_shared>> -> memref<5120x256xf32, #tpu.memory_space<vmem_shared>>
      tpu.wait_indirect_dma semaphore(%arg20 : memref<!tpu.dma_semaphore, #tpu.memory_space<semaphore_mem>>) src(%arg10 : memref<40x256xf32, #tpu.memory_space<vmem>>) dst(%dma_wait3A_979 : memref<5120x256xf32, #tpu.memory_space<vmem_shared>>)
      %dma_start3A_980 = arith.constant 0 : i32
      %dma_start3A_981 = arith.constant 0 : i32
      %dma_start3A_982 = tpu.memref_slice %arg7[%dma_start3A_980, %dma_start3A_981] : memref<32x40xi32, #tpu.memory_space<vmem>> -> memref<1x40xi32, #tpu.memory_space<vmem>>
      %dma_start3A_983 = tpu.memref_squeeze %dma_start3A_982 : memref<1x40xi32, #tpu.memory_space<vmem>> -> memref<40xi32, #tpu.memory_space<vmem>>
      %dma_start3A_984 = arith.constant 0 : i32
      %dma_start3A_985 = arith.constant 0 : i32
      %dma_start3A_986 = tpu.memref_slice %arg2[%dma_start3A_984, %dma_start3A_985] : memref<10000x256xf32, #tpu.memory_space<hbm>> -> memref<10000x256xf32, #tpu.memory_space<hbm>>
      tpu.enqueue_indirect_dma source(%dma_start3A_986 : memref<10000x256xf32, #tpu.memory_space<hbm>>) target(%arg10 : memref<40x256xf32, #tpu.memory_space<vmem>>) offsets(%dma_start3A_983 : memref<40xi32, #tpu.memory_space<vmem>>) semaphore(%arg16 : memref<!tpu.dma_semaphore, #tpu.memory_space<semaphore_mem>>)
      %dma_wait3A_987 = arith.constant 0 : i32
      %dma_wait3A_988 = arith.constant 0 : i32
      %dma_wait3A_989 = tpu.memref_slice %arg6[%dma_wait3A_987, %dma_wait3A_988] : memref<32x40xi32, #tpu.memory_space<vmem>> -> memref<1x40xi32, #tpu.memory_space<vmem>>
      %dma_wait3A_990 = tpu.memref_squeeze %dma_wait3A_989 : memref<1x40xi32, #tpu.memory_space<vmem>> -> memref<40xi32, #tpu.memory_space<vmem>>
      %dma_wait3A_991 = arith.constant 0 : i32
      %dma_wait3A_992 = arith.constant 0 : i32
      %dma_wait3A_993 = tpu.memref_slice %arg2[%dma_wait3A_991, %dma_wait3A_992] : memref<10000x256xf32, #tpu.memory_space<hbm>> -> memref<10000x256xf32, #tpu.memory_space<hbm>>
      tpu.wait_indirect_dma semaphore(%arg18 : memref<!tpu.dma_semaphore, #tpu.memory_space<semaphore_mem>>) src(%dma_wait3A_993 : memref<10000x256xf32, #tpu.memory_space<hbm>>) dst(%arg12 : memref<40x256xf32, #tpu.memory_space<vmem>>)
      %dma_start3A_994 = arith.constant 30 : i32
      %dma_start3A_995 = arith.constant 0 : i32
      %dma_start3A_996 = tpu.memref_slice %arg8[%dma_start3A_994, %dma_start3A_995] : memref<32x40xi32, #tpu.memory_space<vmem>> -> memref<1x40xi32, #tpu.memory_space<vmem>>
      %dma_start3A_997 = tpu.memref_squeeze %dma_start3A_996 : memref<1x40xi32, #tpu.memory_space<vmem>> -> memref<40xi32, #tpu.memory_space<vmem>>
      %dma_start3A_998 = arith.constant 0 : i32
      %dma_start3A_999 = arith.constant 0 : i32
      %dma_start3A_1000 = tpu.memref_slice %arg14[%dma_start3A_998, %dma_start3A_999] : memref<5120x256xf32, #tpu.memory_space<vmem_shared>> -> memref<5120x256xf32, #tpu.memory_space<vmem_shared>>
      tpu.enqueue_indirect_dma source(%arg12 : memref<40x256xf32, #tpu.memory_space<vmem>>) target(%dma_start3A_1000 : memref<5120x256xf32, #tpu.memory_space<vmem_shared>>) offsets(%dma_start3A_997 : memref<40xi32, #tpu.memory_space<vmem>>) semaphore(%arg22 : memref<!tpu.dma_semaphore, #tpu.memory_space<semaphore_mem>>) {add = true}
      %dma_wait3A_1001 = arith.constant 0 : i32
      %dma_wait3A_1002 = arith.constant 0 : i32
      %dma_wait3A_1003 = tpu.memref_slice %arg8[%dma_wait3A_1001, %dma_wait3A_1002] : memref<32x40xi32, #tpu.memory_space<vmem>> -> memref<1x40xi32, #tpu.memory_space<vmem>>
      %dma_wait3A_1004 = tpu.memref_squeeze %dma_wait3A_1003 : memref<1x40xi32, #tpu.memory_space<vmem>> -> memref<40xi32, #tpu.memory_space<vmem>>
      %dma_wait3A_1005 = arith.constant 0 : i32
      %dma_wait3A_1006 = arith.constant 0 : i32
      %dma_wait3A_1007 = tpu.memref_slice %arg14[%dma_wait3A_1005, %dma_wait3A_1006] : memref<5120x256xf32, #tpu.memory_space<vmem_shared>> -> memref<5120x256xf32, #tpu.memory_space<vmem_shared>>
      tpu.wait_indirect_dma semaphore(%arg21 : memref<!tpu.dma_semaphore, #tpu.memory_space<semaphore_mem>>) src(%arg11 : memref<40x256xf32, #tpu.memory_space<vmem>>) dst(%dma_wait3A_1007 : memref<5120x256xf32, #tpu.memory_space<vmem_shared>>)
      %dma_start3A_1008 = arith.constant 1 : i32
      %dma_start3A_1009 = arith.constant 0 : i32
      %dma_start3A_1010 = tpu.memref_slice %arg7[%dma_start3A_1008, %dma_start3A_1009] : memref<32x40xi32, #tpu.memory_space<vmem>> -> memref<1x40xi32, #tpu.memory_space<vmem>>
      %dma_start3A_1011 = tpu.memref_squeeze %dma_start3A_1010 : memref<1x40xi32, #tpu.memory_space<vmem>> -> memref<40xi32, #tpu.memory_space<vmem>>
      %dma_start3A_1012 = arith.constant 0 : i32
      %dma_start3A_1013 = arith.constant 0 : i32
      %dma_start3A_1014 = tpu.memref_slice %arg2[%dma_start3A_1012, %dma_start3A_1013] : memref<10000x256xf32, #tpu.memory_space<hbm>> -> memref<10000x256xf32, #tpu.memory_space<hbm>>
      tpu.enqueue_indirect_dma source(%dma_start3A_1014 : memref<10000x256xf32, #tpu.memory_space<hbm>>) target(%arg11 : memref<40x256xf32, #tpu.memory_space<vmem>>) offsets(%dma_start3A_1011 : memref<40xi32, #tpu.memory_space<vmem>>) semaphore(%arg17 : memref<!tpu.dma_semaphore, #tpu.memory_space<semaphore_mem>>)
      %dma_wait3A_1015 = arith.constant 0 : i32
      %dma_wait3A_1016 = arith.constant 0 : i32
      %dma_wait3A_1017 = tpu.memref_slice %arg6[%dma_wait3A_1015, %dma_wait3A_1016] : memref<32x40xi32, #tpu.memory_space<vmem>> -> memref<1x40xi32, #tpu.memory_space<vmem>>
      %dma_wait3A_1018 = tpu.memref_squeeze %dma_wait3A_1017 : memref<1x40xi32, #tpu.memory_space<vmem>> -> memref<40xi32, #tpu.memory_space<vmem>>
      %dma_wait3A_1019 = arith.constant 0 : i32
      %dma_wait3A_1020 = arith.constant 0 : i32
      %dma_wait3A_1021 = tpu.memref_slice %arg2[%dma_wait3A_1019, %dma_wait3A_1020] : memref<10000x256xf32, #tpu.memory_space<hbm>> -> memref<10000x256xf32, #tpu.memory_space<hbm>>
      tpu.wait_indirect_dma semaphore(%arg19 : memref<!tpu.dma_semaphore, #tpu.memory_space<semaphore_mem>>) src(%dma_wait3A_1021 : memref<10000x256xf32, #tpu.memory_space<hbm>>) dst(%arg13 : memref<40x256xf32, #tpu.memory_space<vmem>>)
      %dma_start3A_1022 = arith.constant 31 : i32
      %dma_start3A_1023 = arith.constant 0 : i32
      %dma_start3A_1024 = tpu.memref_slice %arg8[%dma_start3A_1022, %dma_start3A_1023] : memref<32x40xi32, #tpu.memory_space<vmem>> -> memref<1x40xi32, #tpu.memory_space<vmem>>
      %dma_start3A_1025 = tpu.memref_squeeze %dma_start3A_1024 : memref<1x40xi32, #tpu.memory_space<vmem>> -> memref<40xi32, #tpu.memory_space<vmem>>
      %dma_start3A_1026 = arith.constant 0 : i32
      %dma_start3A_1027 = arith.constant 0 : i32
      %dma_start3A_1028 = tpu.memref_slice %arg14[%dma_start3A_1026, %dma_start3A_1027] : memref<5120x256xf32, #tpu.memory_space<vmem_shared>> -> memref<5120x256xf32, #tpu.memory_space<vmem_shared>>
      tpu.enqueue_indirect_dma source(%arg13 : memref<40x256xf32, #tpu.memory_space<vmem>>) target(%dma_start3A_1028 : memref<5120x256xf32, #tpu.memory_space<vmem_shared>>) offsets(%dma_start3A_1025 : memref<40xi32, #tpu.memory_space<vmem>>) semaphore(%arg23 : memref<!tpu.dma_semaphore, #tpu.memory_space<semaphore_mem>>) {add = true}
      %dma_wait3A_1029 = arith.constant 0 : i32
      %dma_wait3A_1030 = arith.constant 0 : i32
      %dma_wait3A_1031 = tpu.memref_slice %arg8[%dma_wait3A_1029, %dma_wait3A_1030] : memref<32x40xi32, #tpu.memory_space<vmem>> -> memref<1x40xi32, #tpu.memory_space<vmem>>
      %dma_wait3A_1032 = tpu.memref_squeeze %dma_wait3A_1031 : memref<1x40xi32, #tpu.memory_space<vmem>> -> memref<40xi32, #tpu.memory_space<vmem>>
      %dma_wait3A_1033 = arith.constant 0 : i32
      %dma_wait3A_1034 = arith.constant 0 : i32
      %dma_wait3A_1035 = tpu.memref_slice %arg14[%dma_wait3A_1033, %dma_wait3A_1034] : memref<5120x256xf32, #tpu.memory_space<vmem_shared>> -> memref<5120x256xf32, #tpu.memory_space<vmem_shared>>
      tpu.wait_indirect_dma semaphore(%arg22 : memref<!tpu.dma_semaphore, #tpu.memory_space<semaphore_mem>>) src(%arg12 : memref<40x256xf32, #tpu.memory_space<vmem>>) dst(%dma_wait3A_1035 : memref<5120x256xf32, #tpu.memory_space<vmem_shared>>)
      %dma_start3A_1036 = arith.constant 2 : i32
      %dma_start3A_1037 = arith.constant 0 : i32
      %dma_start3A_1038 = tpu.memref_slice %arg7[%dma_start3A_1036, %dma_start3A_1037] : memref<32x40xi32, #tpu.memory_space<vmem>> -> memref<1x40xi32, #tpu.memory_space<vmem>>
      %dma_start3A_1039 = tpu.memref_squeeze %dma_start3A_1038 : memref<1x40xi32, #tpu.memory_space<vmem>> -> memref<40xi32, #tpu.memory_space<vmem>>
      %dma_start3A_1040 = arith.constant 0 : i32
      %dma_start3A_1041 = arith.constant 0 : i32
      %dma_start3A_1042 = tpu.memref_slice %arg2[%dma_start3A_1040, %dma_start3A_1041] : memref<10000x256xf32, #tpu.memory_space<hbm>> -> memref<10000x256xf32, #tpu.memory_space<hbm>>
      tpu.enqueue_indirect_dma source(%dma_start3A_1042 : memref<10000x256xf32, #tpu.memory_space<hbm>>) target(%arg12 : memref<40x256xf32, #tpu.memory_space<vmem>>) offsets(%dma_start3A_1039 : memref<40xi32, #tpu.memory_space<vmem>>) semaphore(%arg18 : memref<!tpu.dma_semaphore, #tpu.memory_space<semaphore_mem>>)
      %mul3A_1043 = arith.constant 2 : i32
      %mul3A_1044 = arith.muli %mul3A_1043, %scan3A_109 : i32
      %add3A_1045 = arith.constant 1 : i32
      %add3A_1046 = arith.addi %mul3A_1044, %add3A_1045 : i32
      %add3A_1047 = arith.constant 1 : i32
      %add3A_1048 = arith.addi %scan3A_109, %add3A_1047 : i32
      %lt3A = arith.constant 4 : i32
      %lt3A_1049 = arith.cmpi slt, %add3A_1048, %lt3A : i32
      %convert_element_type3A_1050 = arith.extui %lt3A_1049 : i1 to i32
      %cond3A_1051 = arith.constant 0 : i32
      %cond3A_1052 = arith.cmpi ne, %convert_element_type3A_1050, %cond3A_1051 : i32
      scf.if %cond3A_1052 {
        %add3A_1928 = arith.constant 1 : i32
        %add3A_1929 = arith.addi %add3A_1046, %add3A_1928 : i32
        %dma_start3A_1930 = arith.constant 0 : i32
        %dma_start3A_1931 = arith.constant 0 : i32
        %dma_start3A_1932 = tpu.memref_slice %arg3[%add3A, %add3A_1929, %dma_start3A_1930, %dma_start3A_1931] : memref<32x8x32x40xi32, #tpu.memory_space<hbm>> -> memref<1x1x32x40xi32, #tpu.memory_space<hbm>>
        %dma_start3A_1933 = tpu.memref_squeeze %dma_start3A_1932 : memref<1x1x32x40xi32, #tpu.memory_space<hbm>> -> memref<32x40xi32, #tpu.memory_space<hbm>>
        %dma_start3A_1934 = arith.constant 0 : i32
        %dma_start3A_1935 = arith.constant 0 : i32
        %dma_start3A_1936 = tpu.memref_slice %arg3[%add3A, %add3A_1929, %dma_start3A_1934, %dma_start3A_1935] : memref<32x8x32x40xi32, #tpu.memory_space<hbm>> -> memref<1x1x32x40xi32, #tpu.memory_space<hbm>>
        %dma_start3A_1937 = tpu.memref_squeeze %dma_start3A_1936 : memref<1x1x32x40xi32, #tpu.memory_space<hbm>> -> memref<32x40xi32, #tpu.memory_space<hbm>>
        tpu.enqueue_dma source(%dma_start3A_1937 : memref<32x40xi32, #tpu.memory_space<hbm>>) target(%arg6 : memref<32x40xi32, #tpu.memory_space<vmem>>) target_semaphore(%arg15 : memref<!tpu.dma_semaphore, #tpu.memory_space<semaphore_mem>>)
        %add3A_1938 = arith.constant 1 : i32
        %add3A_1939 = arith.addi %add3A_1046, %add3A_1938 : i32
        %dma_start3A_1940 = arith.constant 0 : i32
        %dma_start3A_1941 = arith.constant 0 : i32
        %dma_start3A_1942 = tpu.memref_slice %arg4[%add3A, %add3A_1939, %dma_start3A_1940, %dma_start3A_1941] : memref<32x8x32x40xi32, #tpu.memory_space<hbm>> -> memref<1x1x32x40xi32, #tpu.memory_space<hbm>>
        %dma_start3A_1943 = tpu.memref_squeeze %dma_start3A_1942 : memref<1x1x32x40xi32, #tpu.memory_space<hbm>> -> memref<32x40xi32, #tpu.memory_space<hbm>>
        %dma_start3A_1944 = arith.constant 0 : i32
        %dma_start3A_1945 = arith.constant 0 : i32
        %dma_start3A_1946 = tpu.memref_slice %arg4[%add3A, %add3A_1939, %dma_start3A_1944, %dma_start3A_1945] : memref<32x8x32x40xi32, #tpu.memory_space<hbm>> -> memref<1x1x32x40xi32, #tpu.memory_space<hbm>>
        %dma_start3A_1947 = tpu.memref_squeeze %dma_start3A_1946 : memref<1x1x32x40xi32, #tpu.memory_space<hbm>> -> memref<32x40xi32, #tpu.memory_space<hbm>>
        tpu.enqueue_dma source(%dma_start3A_1947 : memref<32x40xi32, #tpu.memory_space<hbm>>) target(%arg8 : memref<32x40xi32, #tpu.memory_space<vmem>>) target_semaphore(%arg15 : memref<!tpu.dma_semaphore, #tpu.memory_space<semaphore_mem>>)
      } else {
      }
      %dma_wait3A_1053 = arith.constant 0 : i32
      %dma_wait3A_1054 = arith.constant 0 : i32
      %dma_wait3A_1055 = tpu.memref_slice %arg6[%dma_wait3A_1053, %dma_wait3A_1054] : memref<32x40xi32, #tpu.memory_space<vmem>> -> memref<1x40xi32, #tpu.memory_space<vmem>>
      %dma_wait3A_1056 = tpu.memref_squeeze %dma_wait3A_1055 : memref<1x40xi32, #tpu.memory_space<vmem>> -> memref<40xi32, #tpu.memory_space<vmem>>
      %dma_wait3A_1057 = arith.constant 0 : i32
      %dma_wait3A_1058 = arith.constant 0 : i32
      %dma_wait3A_1059 = tpu.memref_slice %arg2[%dma_wait3A_1057, %dma_wait3A_1058] : memref<10000x256xf32, #tpu.memory_space<hbm>> -> memref<10000x256xf32, #tpu.memory_space<hbm>>
      tpu.wait_indirect_dma semaphore(%arg16 : memref<!tpu.dma_semaphore, #tpu.memory_space<semaphore_mem>>) src(%dma_wait3A_1059 : memref<10000x256xf32, #tpu.memory_space<hbm>>) dst(%arg10 : memref<40x256xf32, #tpu.memory_space<vmem>>)
      %dma_start3A_1060 = arith.constant 0 : i32
      %dma_start3A_1061 = arith.constant 0 : i32
      %dma_start3A_1062 = tpu.memref_slice %arg9[%dma_start3A_1060, %dma_start3A_1061] : memref<32x40xi32, #tpu.memory_space<vmem>> -> memref<1x40xi32, #tpu.memory_space<vmem>>
      %dma_start3A_1063 = tpu.memref_squeeze %dma_start3A_1062 : memref<1x40xi32, #tpu.memory_space<vmem>> -> memref<40xi32, #tpu.memory_space<vmem>>
      %dma_start3A_1064 = arith.constant 0 : i32
      %dma_start3A_1065 = arith.constant 0 : i32
      %dma_start3A_1066 = tpu.memref_slice %arg14[%dma_start3A_1064, %dma_start3A_1065] : memref<5120x256xf32, #tpu.memory_space<vmem_shared>> -> memref<5120x256xf32, #tpu.memory_space<vmem_shared>>
      tpu.enqueue_indirect_dma source(%arg10 : memref<40x256xf32, #tpu.memory_space<vmem>>) target(%dma_start3A_1066 : memref<5120x256xf32, #tpu.memory_space<vmem_shared>>) offsets(%dma_start3A_1063 : memref<40xi32, #tpu.memory_space<vmem>>) semaphore(%arg20 : memref<!tpu.dma_semaphore, #tpu.memory_space<semaphore_mem>>) {add = true}
      %dma_wait3A_1067 = arith.constant 0 : i32
      %dma_wait3A_1068 = arith.constant 0 : i32
      %dma_wait3A_1069 = tpu.memref_slice %arg8[%dma_wait3A_1067, %dma_wait3A_1068] : memref<32x40xi32, #tpu.memory_space<vmem>> -> memref<1x40xi32, #tpu.memory_space<vmem>>
      %dma_wait3A_1070 = tpu.memref_squeeze %dma_wait3A_1069 : memref<1x40xi32, #tpu.memory_space<vmem>> -> memref<40xi32, #tpu.memory_space<vmem>>
      %dma_wait3A_1071 = arith.constant 0 : i32
      %dma_wait3A_1072 = arith.constant 0 : i32
      %dma_wait3A_1073 = tpu.memref_slice %arg14[%dma_wait3A_1071, %dma_wait3A_1072] : memref<5120x256xf32, #tpu.memory_space<vmem_shared>> -> memref<5120x256xf32, #tpu.memory_space<vmem_shared>>
      tpu.wait_indirect_dma semaphore(%arg23 : memref<!tpu.dma_semaphore, #tpu.memory_space<semaphore_mem>>) src(%arg13 : memref<40x256xf32, #tpu.memory_space<vmem>>) dst(%dma_wait3A_1073 : memref<5120x256xf32, #tpu.memory_space<vmem_shared>>)
      %dma_start3A_1074 = arith.constant 3 : i32
      %dma_start3A_1075 = arith.constant 0 : i32
      %dma_start3A_1076 = tpu.memref_slice %arg7[%dma_start3A_1074, %dma_start3A_1075] : memref<32x40xi32, #tpu.memory_space<vmem>> -> memref<1x40xi32, #tpu.memory_space<vmem>>
      %dma_start3A_1077 = tpu.memref_squeeze %dma_start3A_1076 : memref<1x40xi32, #tpu.memory_space<vmem>> -> memref<40xi32, #tpu.memory_space<vmem>>
      %dma_start3A_1078 = arith.constant 0 : i32
      %dma_start3A_1079 = arith.constant 0 : i32
      %dma_start3A_1080 = tpu.memref_slice %arg2[%dma_start3A_1078, %dma_start3A_1079] : memref<10000x256xf32, #tpu.memory_space<hbm>> -> memref<10000x256xf32, #tpu.memory_space<hbm>>
      tpu.enqueue_indirect_dma source(%dma_start3A_1080 : memref<10000x256xf32, #tpu.memory_space<hbm>>) target(%arg13 : memref<40x256xf32, #tpu.memory_space<vmem>>) offsets(%dma_start3A_1077 : memref<40xi32, #tpu.memory_space<vmem>>) semaphore(%arg19 : memref<!tpu.dma_semaphore, #tpu.memory_space<semaphore_mem>>)
      %dma_wait3A_1081 = arith.constant 0 : i32
      %dma_wait3A_1082 = arith.constant 0 : i32
      %dma_wait3A_1083 = tpu.memref_slice %arg6[%dma_wait3A_1081, %dma_wait3A_1082] : memref<32x40xi32, #tpu.memory_space<vmem>> -> memref<1x40xi32, #tpu.memory_space<vmem>>
      %dma_wait3A_1084 = tpu.memref_squeeze %dma_wait3A_1083 : memref<1x40xi32, #tpu.memory_space<vmem>> -> memref<40xi32, #tpu.memory_space<vmem>>
      %dma_wait3A_1085 = arith.constant 0 : i32
      %dma_wait3A_1086 = arith.constant 0 : i32
      %dma_wait3A_1087 = tpu.memref_slice %arg2[%dma_wait3A_1085, %dma_wait3A_1086] : memref<10000x256xf32, #tpu.memory_space<hbm>> -> memref<10000x256xf32, #tpu.memory_space<hbm>>
      tpu.wait_indirect_dma semaphore(%arg17 : memref<!tpu.dma_semaphore, #tpu.memory_space<semaphore_mem>>) src(%dma_wait3A_1087 : memref<10000x256xf32, #tpu.memory_space<hbm>>) dst(%arg11 : memref<40x256xf32, #tpu.memory_space<vmem>>)
      %dma_start3A_1088 = arith.constant 1 : i32
      %dma_start3A_1089 = arith.constant 0 : i32
      %dma_start3A_1090 = tpu.memref_slice %arg9[%dma_start3A_1088, %dma_start3A_1089] : memref<32x40xi32, #tpu.memory_space<vmem>> -> memref<1x40xi32, #tpu.memory_space<vmem>>
      %dma_start3A_1091 = tpu.memref_squeeze %dma_start3A_1090 : memref<1x40xi32, #tpu.memory_space<vmem>> -> memref<40xi32, #tpu.memory_space<vmem>>
      %dma_start3A_1092 = arith.constant 0 : i32
      %dma_start3A_1093 = arith.constant 0 : i32
      %dma_start3A_1094 = tpu.memref_slice %arg14[%dma_start3A_1092, %dma_start3A_1093] : memref<5120x256xf32, #tpu.memory_space<vmem_shared>> -> memref<5120x256xf32, #tpu.memory_space<vmem_shared>>
      tpu.enqueue_indirect_dma source(%arg11 : memref<40x256xf32, #tpu.memory_space<vmem>>) target(%dma_start3A_1094 : memref<5120x256xf32, #tpu.memory_space<vmem_shared>>) offsets(%dma_start3A_1091 : memref<40xi32, #tpu.memory_space<vmem>>) semaphore(%arg21 : memref<!tpu.dma_semaphore, #tpu.memory_space<semaphore_mem>>) {add = true}
      %dma_wait3A_1095 = arith.constant 0 : i32
      %dma_wait3A_1096 = arith.constant 0 : i32
      %dma_wait3A_1097 = tpu.memref_slice %arg8[%dma_wait3A_1095, %dma_wait3A_1096] : memref<32x40xi32, #tpu.memory_space<vmem>> -> memref<1x40xi32, #tpu.memory_space<vmem>>
      %dma_wait3A_1098 = tpu.memref_squeeze %dma_wait3A_1097 : memref<1x40xi32, #tpu.memory_space<vmem>> -> memref<40xi32, #tpu.memory_space<vmem>>
      %dma_wait3A_1099 = arith.constant 0 : i32
      %dma_wait3A_1100 = arith.constant 0 : i32
      %dma_wait3A_1101 = tpu.memref_slice %arg14[%dma_wait3A_1099, %dma_wait3A_1100] : memref<5120x256xf32, #tpu.memory_space<vmem_shared>> -> memref<5120x256xf32, #tpu.memory_space<vmem_shared>>
      tpu.wait_indirect_dma semaphore(%arg20 : memref<!tpu.dma_semaphore, #tpu.memory_space<semaphore_mem>>) src(%arg10 : memref<40x256xf32, #tpu.memory_space<vmem>>) dst(%dma_wait3A_1101 : memref<5120x256xf32, #tpu.memory_space<vmem_shared>>)
      %dma_start3A_1102 = arith.constant 4 : i32
      %dma_start3A_1103 = arith.constant 0 : i32
      %dma_start3A_1104 = tpu.memref_slice %arg7[%dma_start3A_1102, %dma_start3A_1103] : memref<32x40xi32, #tpu.memory_space<vmem>> -> memref<1x40xi32, #tpu.memory_space<vmem>>
      %dma_start3A_1105 = tpu.memref_squeeze %dma_start3A_1104 : memref<1x40xi32, #tpu.memory_space<vmem>> -> memref<40xi32, #tpu.memory_space<vmem>>
      %dma_start3A_1106 = arith.constant 0 : i32
      %dma_start3A_1107 = arith.constant 0 : i32
      %dma_start3A_1108 = tpu.memref_slice %arg2[%dma_start3A_1106, %dma_start3A_1107] : memref<10000x256xf32, #tpu.memory_space<hbm>> -> memref<10000x256xf32, #tpu.memory_space<hbm>>
      tpu.enqueue_indirect_dma source(%dma_start3A_1108 : memref<10000x256xf32, #tpu.memory_space<hbm>>) target(%arg10 : memref<40x256xf32, #tpu.memory_space<vmem>>) offsets(%dma_start3A_1105 : memref<40xi32, #tpu.memory_space<vmem>>) semaphore(%arg16 : memref<!tpu.dma_semaphore, #tpu.memory_space<semaphore_mem>>)
      %dma_wait3A_1109 = arith.constant 0 : i32
      %dma_wait3A_1110 = arith.constant 0 : i32
      %dma_wait3A_1111 = tpu.memref_slice %arg6[%dma_wait3A_1109, %dma_wait3A_1110] : memref<32x40xi32, #tpu.memory_space<vmem>> -> memref<1x40xi32, #tpu.memory_space<vmem>>
      %dma_wait3A_1112 = tpu.memref_squeeze %dma_wait3A_1111 : memref<1x40xi32, #tpu.memory_space<vmem>> -> memref<40xi32, #tpu.memory_space<vmem>>
      %dma_wait3A_1113 = arith.constant 0 : i32
      %dma_wait3A_1114 = arith.constant 0 : i32
      %dma_wait3A_1115 = tpu.memref_slice %arg2[%dma_wait3A_1113, %dma_wait3A_1114] : memref<10000x256xf32, #tpu.memory_space<hbm>> -> memref<10000x256xf32, #tpu.memory_space<hbm>>
      tpu.wait_indirect_dma semaphore(%arg18 : memref<!tpu.dma_semaphore, #tpu.memory_space<semaphore_mem>>) src(%dma_wait3A_1115 : memref<10000x256xf32, #tpu.memory_space<hbm>>) dst(%arg12 : memref<40x256xf32, #tpu.memory_space<vmem>>)
      %dma_start3A_1116 = arith.constant 2 : i32
      %dma_start3A_1117 = arith.constant 0 : i32
      %dma_start3A_1118 = tpu.memref_slice %arg9[%dma_start3A_1116, %dma_start3A_1117] : memref<32x40xi32, #tpu.memory_space<vmem>> -> memref<1x40xi32, #tpu.memory_space<vmem>>
      %dma_start3A_1119 = tpu.memref_squeeze %dma_start3A_1118 : memref<1x40xi32, #tpu.memory_space<vmem>> -> memref<40xi32, #tpu.memory_space<vmem>>
      %dma_start3A_1120 = arith.constant 0 : i32
      %dma_start3A_1121 = arith.constant 0 : i32
      %dma_start3A_1122 = tpu.memref_slice %arg14[%dma_start3A_1120, %dma_start3A_1121] : memref<5120x256xf32, #tpu.memory_space<vmem_shared>> -> memref<5120x256xf32, #tpu.memory_space<vmem_shared>>
      tpu.enqueue_indirect_dma source(%arg12 : memref<40x256xf32, #tpu.memory_space<vmem>>) target(%dma_start3A_1122 : memref<5120x256xf32, #tpu.memory_space<vmem_shared>>) offsets(%dma_start3A_1119 : memref<40xi32, #tpu.memory_space<vmem>>) semaphore(%arg22 : memref<!tpu.dma_semaphore, #tpu.memory_space<semaphore_mem>>) {add = true}
      %dma_wait3A_1123 = arith.constant 0 : i32
      %dma_wait3A_1124 = arith.constant 0 : i32
      %dma_wait3A_1125 = tpu.memref_slice %arg8[%dma_wait3A_1123, %dma_wait3A_1124] : memref<32x40xi32, #tpu.memory_space<vmem>> -> memref<1x40xi32, #tpu.memory_space<vmem>>
      %dma_wait3A_1126 = tpu.memref_squeeze %dma_wait3A_1125 : memref<1x40xi32, #tpu.memory_space<vmem>> -> memref<40xi32, #tpu.memory_space<vmem>>
      %dma_wait3A_1127 = arith.constant 0 : i32
      %dma_wait3A_1128 = arith.constant 0 : i32
      %dma_wait3A_1129 = tpu.memref_slice %arg14[%dma_wait3A_1127, %dma_wait3A_1128] : memref<5120x256xf32, #tpu.memory_space<vmem_shared>> -> memref<5120x256xf32, #tpu.memory_space<vmem_shared>>
      tpu.wait_indirect_dma semaphore(%arg21 : memref<!tpu.dma_semaphore, #tpu.memory_space<semaphore_mem>>) src(%arg11 : memref<40x256xf32, #tpu.memory_space<vmem>>) dst(%dma_wait3A_1129 : memref<5120x256xf32, #tpu.memory_space<vmem_shared>>)
      %dma_start3A_1130 = arith.constant 5 : i32
      %dma_start3A_1131 = arith.constant 0 : i32
      %dma_start3A_1132 = tpu.memref_slice %arg7[%dma_start3A_1130, %dma_start3A_1131] : memref<32x40xi32, #tpu.memory_space<vmem>> -> memref<1x40xi32, #tpu.memory_space<vmem>>
      %dma_start3A_1133 = tpu.memref_squeeze %dma_start3A_1132 : memref<1x40xi32, #tpu.memory_space<vmem>> -> memref<40xi32, #tpu.memory_space<vmem>>
      %dma_start3A_1134 = arith.constant 0 : i32
      %dma_start3A_1135 = arith.constant 0 : i32
      %dma_start3A_1136 = tpu.memref_slice %arg2[%dma_start3A_1134, %dma_start3A_1135] : memref<10000x256xf32, #tpu.memory_space<hbm>> -> memref<10000x256xf32, #tpu.memory_space<hbm>>
      tpu.enqueue_indirect_dma source(%dma_start3A_1136 : memref<10000x256xf32, #tpu.memory_space<hbm>>) target(%arg11 : memref<40x256xf32, #tpu.memory_space<vmem>>) offsets(%dma_start3A_1133 : memref<40xi32, #tpu.memory_space<vmem>>) semaphore(%arg17 : memref<!tpu.dma_semaphore, #tpu.memory_space<semaphore_mem>>)
      %dma_wait3A_1137 = arith.constant 0 : i32
      %dma_wait3A_1138 = arith.constant 0 : i32
      %dma_wait3A_1139 = tpu.memref_slice %arg6[%dma_wait3A_1137, %dma_wait3A_1138] : memref<32x40xi32, #tpu.memory_space<vmem>> -> memref<1x40xi32, #tpu.memory_space<vmem>>
      %dma_wait3A_1140 = tpu.memref_squeeze %dma_wait3A_1139 : memref<1x40xi32, #tpu.memory_space<vmem>> -> memref<40xi32, #tpu.memory_space<vmem>>
      %dma_wait3A_1141 = arith.constant 0 : i32
      %dma_wait3A_1142 = arith.constant 0 : i32
      %dma_wait3A_1143 = tpu.memref_slice %arg2[%dma_wait3A_1141, %dma_wait3A_1142] : memref<10000x256xf32, #tpu.memory_space<hbm>> -> memref<10000x256xf32, #tpu.memory_space<hbm>>
      tpu.wait_indirect_dma semaphore(%arg19 : memref<!tpu.dma_semaphore, #tpu.memory_space<semaphore_mem>>) src(%dma_wait3A_1143 : memref<10000x256xf32, #tpu.memory_space<hbm>>) dst(%arg13 : memref<40x256xf32, #tpu.memory_space<vmem>>)
      %dma_start3A_1144 = arith.constant 3 : i32
      %dma_start3A_1145 = arith.constant 0 : i32
      %dma_start3A_1146 = tpu.memref_slice %arg9[%dma_start3A_1144, %dma_start3A_1145] : memref<32x40xi32, #tpu.memory_space<vmem>> -> memref<1x40xi32, #tpu.memory_space<vmem>>
      %dma_start3A_1147 = tpu.memref_squeeze %dma_start3A_1146 : memref<1x40xi32, #tpu.memory_space<vmem>> -> memref<40xi32, #tpu.memory_space<vmem>>
      %dma_start3A_1148 = arith.constant 0 : i32
      %dma_start3A_1149 = arith.constant 0 : i32
      %dma_start3A_1150 = tpu.memref_slice %arg14[%dma_start3A_1148, %dma_start3A_1149] : memref<5120x256xf32, #tpu.memory_space<vmem_shared>> -> memref<5120x256xf32, #tpu.memory_space<vmem_shared>>
      tpu.enqueue_indirect_dma source(%arg13 : memref<40x256xf32, #tpu.memory_space<vmem>>) target(%dma_start3A_1150 : memref<5120x256xf32, #tpu.memory_space<vmem_shared>>) offsets(%dma_start3A_1147 : memref<40xi32, #tpu.memory_space<vmem>>) semaphore(%arg23 : memref<!tpu.dma_semaphore, #tpu.memory_space<semaphore_mem>>) {add = true}
      %dma_wait3A_1151 = arith.constant 0 : i32
      %dma_wait3A_1152 = arith.constant 0 : i32
      %dma_wait3A_1153 = tpu.memref_slice %arg8[%dma_wait3A_1151, %dma_wait3A_1152] : memref<32x40xi32, #tpu.memory_space<vmem>> -> memref<1x40xi32, #tpu.memory_space<vmem>>
      %dma_wait3A_1154 = tpu.memref_squeeze %dma_wait3A_1153 : memref<1x40xi32, #tpu.memory_space<vmem>> -> memref<40xi32, #tpu.memory_space<vmem>>
      %dma_wait3A_1155 = arith.constant 0 : i32
      %dma_wait3A_1156 = arith.constant 0 : i32
      %dma_wait3A_1157 = tpu.memref_slice %arg14[%dma_wait3A_1155, %dma_wait3A_1156] : memref<5120x256xf32, #tpu.memory_space<vmem_shared>> -> memref<5120x256xf32, #tpu.memory_space<vmem_shared>>
      tpu.wait_indirect_dma semaphore(%arg22 : memref<!tpu.dma_semaphore, #tpu.memory_space<semaphore_mem>>) src(%arg12 : memref<40x256xf32, #tpu.memory_space<vmem>>) dst(%dma_wait3A_1157 : memref<5120x256xf32, #tpu.memory_space<vmem_shared>>)
      %dma_start3A_1158 = arith.constant 6 : i32
      %dma_start3A_1159 = arith.constant 0 : i32
      %dma_start3A_1160 = tpu.memref_slice %arg7[%dma_start3A_1158, %dma_start3A_1159] : memref<32x40xi32, #tpu.memory_space<vmem>> -> memref<1x40xi32, #tpu.memory_space<vmem>>
      %dma_start3A_1161 = tpu.memref_squeeze %dma_start3A_1160 : memref<1x40xi32, #tpu.memory_space<vmem>> -> memref<40xi32, #tpu.memory_space<vmem>>
      %dma_start3A_1162 = arith.constant 0 : i32
      %dma_start3A_1163 = arith.constant 0 : i32
      %dma_start3A_1164 = tpu.memref_slice %arg2[%dma_start3A_1162, %dma_start3A_1163] : memref<10000x256xf32, #tpu.memory_space<hbm>> -> memref<10000x256xf32, #tpu.memory_space<hbm>>
      tpu.enqueue_indirect_dma source(%dma_start3A_1164 : memref<10000x256xf32, #tpu.memory_space<hbm>>) target(%arg12 : memref<40x256xf32, #tpu.memory_space<vmem>>) offsets(%dma_start3A_1161 : memref<40xi32, #tpu.memory_space<vmem>>) semaphore(%arg18 : memref<!tpu.dma_semaphore, #tpu.memory_space<semaphore_mem>>)
      %dma_wait3A_1165 = arith.constant 0 : i32
      %dma_wait3A_1166 = arith.constant 0 : i32
      %dma_wait3A_1167 = tpu.memref_slice %arg6[%dma_wait3A_1165, %dma_wait3A_1166] : memref<32x40xi32, #tpu.memory_space<vmem>> -> memref<1x40xi32, #tpu.memory_space<vmem>>
      %dma_wait3A_1168 = tpu.memref_squeeze %dma_wait3A_1167 : memref<1x40xi32, #tpu.memory_space<vmem>> -> memref<40xi32, #tpu.memory_space<vmem>>
      %dma_wait3A_1169 = arith.constant 0 : i32
      %dma_wait3A_1170 = arith.constant 0 : i32
      %dma_wait3A_1171 = tpu.memref_slice %arg2[%dma_wait3A_1169, %dma_wait3A_1170] : memref<10000x256xf32, #tpu.memory_space<hbm>> -> memref<10000x256xf32, #tpu.memory_space<hbm>>
      tpu.wait_indirect_dma semaphore(%arg16 : memref<!tpu.dma_semaphore, #tpu.memory_space<semaphore_mem>>) src(%dma_wait3A_1171 : memref<10000x256xf32, #tpu.memory_space<hbm>>) dst(%arg10 : memref<40x256xf32, #tpu.memory_space<vmem>>)
      %dma_start3A_1172 = arith.constant 4 : i32
      %dma_start3A_1173 = arith.constant 0 : i32
      %dma_start3A_1174 = tpu.memref_slice %arg9[%dma_start3A_1172, %dma_start3A_1173] : memref<32x40xi32, #tpu.memory_space<vmem>> -> memref<1x40xi32, #tpu.memory_space<vmem>>
      %dma_start3A_1175 = tpu.memref_squeeze %dma_start3A_1174 : memref<1x40xi32, #tpu.memory_space<vmem>> -> memref<40xi32, #tpu.memory_space<vmem>>
      %dma_start3A_1176 = arith.constant 0 : i32
      %dma_start3A_1177 = arith.constant 0 : i32
      %dma_start3A_1178 = tpu.memref_slice %arg14[%dma_start3A_1176, %dma_start3A_1177] : memref<5120x256xf32, #tpu.memory_space<vmem_shared>> -> memref<5120x256xf32, #tpu.memory_space<vmem_shared>>
      tpu.enqueue_indirect_dma source(%arg10 : memref<40x256xf32, #tpu.memory_space<vmem>>) target(%dma_start3A_1178 : memref<5120x256xf32, #tpu.memory_space<vmem_shared>>) offsets(%dma_start3A_1175 : memref<40xi32, #tpu.memory_space<vmem>>) semaphore(%arg20 : memref<!tpu.dma_semaphore, #tpu.memory_space<semaphore_mem>>) {add = true}
      %dma_wait3A_1179 = arith.constant 0 : i32
      %dma_wait3A_1180 = arith.constant 0 : i32
      %dma_wait3A_1181 = tpu.memref_slice %arg8[%dma_wait3A_1179, %dma_wait3A_1180] : memref<32x40xi32, #tpu.memory_space<vmem>> -> memref<1x40xi32, #tpu.memory_space<vmem>>
      %dma_wait3A_1182 = tpu.memref_squeeze %dma_wait3A_1181 : memref<1x40xi32, #tpu.memory_space<vmem>> -> memref<40xi32, #tpu.memory_space<vmem>>
      %dma_wait3A_1183 = arith.constant 0 : i32
      %dma_wait3A_1184 = arith.constant 0 : i32
      %dma_wait3A_1185 = tpu.memref_slice %arg14[%dma_wait3A_1183, %dma_wait3A_1184] : memref<5120x256xf32, #tpu.memory_space<vmem_shared>> -> memref<5120x256xf32, #tpu.memory_space<vmem_shared>>
      tpu.wait_indirect_dma semaphore(%arg23 : memref<!tpu.dma_semaphore, #tpu.memory_space<semaphore_mem>>) src(%arg13 : memref<40x256xf32, #tpu.memory_space<vmem>>) dst(%dma_wait3A_1185 : memref<5120x256xf32, #tpu.memory_space<vmem_shared>>)
      %dma_start3A_1186 = arith.constant 7 : i32
      %dma_start3A_1187 = arith.constant 0 : i32
      %dma_start3A_1188 = tpu.memref_slice %arg7[%dma_start3A_1186, %dma_start3A_1187] : memref<32x40xi32, #tpu.memory_space<vmem>> -> memref<1x40xi32, #tpu.memory_space<vmem>>
      %dma_start3A_1189 = tpu.memref_squeeze %dma_start3A_1188 : memref<1x40xi32, #tpu.memory_space<vmem>> -> memref<40xi32, #tpu.memory_space<vmem>>
      %dma_start3A_1190 = arith.constant 0 : i32
      %dma_start3A_1191 = arith.constant 0 : i32
      %dma_start3A_1192 = tpu.memref_slice %arg2[%dma_start3A_1190, %dma_start3A_1191] : memref<10000x256xf32, #tpu.memory_space<hbm>> -> memref<10000x256xf32, #tpu.memory_space<hbm>>
      tpu.enqueue_indirect_dma source(%dma_start3A_1192 : memref<10000x256xf32, #tpu.memory_space<hbm>>) target(%arg13 : memref<40x256xf32, #tpu.memory_space<vmem>>) offsets(%dma_start3A_1189 : memref<40xi32, #tpu.memory_space<vmem>>) semaphore(%arg19 : memref<!tpu.dma_semaphore, #tpu.memory_space<semaphore_mem>>)
      %dma_wait3A_1193 = arith.constant 0 : i32
      %dma_wait3A_1194 = arith.constant 0 : i32
      %dma_wait3A_1195 = tpu.memref_slice %arg6[%dma_wait3A_1193, %dma_wait3A_1194] : memref<32x40xi32, #tpu.memory_space<vmem>> -> memref<1x40xi32, #tpu.memory_space<vmem>>
      %dma_wait3A_1196 = tpu.memref_squeeze %dma_wait3A_1195 : memref<1x40xi32, #tpu.memory_space<vmem>> -> memref<40xi32, #tpu.memory_space<vmem>>
      %dma_wait3A_1197 = arith.constant 0 : i32
      %dma_wait3A_1198 = arith.constant 0 : i32
      %dma_wait3A_1199 = tpu.memref_slice %arg2[%dma_wait3A_1197, %dma_wait3A_1198] : memref<10000x256xf32, #tpu.memory_space<hbm>> -> memref<10000x256xf32, #tpu.memory_space<hbm>>
      tpu.wait_indirect_dma semaphore(%arg17 : memref<!tpu.dma_semaphore, #tpu.memory_space<semaphore_mem>>) src(%dma_wait3A_1199 : memref<10000x256xf32, #tpu.memory_space<hbm>>) dst(%arg11 : memref<40x256xf32, #tpu.memory_space<vmem>>)
      %dma_start3A_1200 = arith.constant 5 : i32
      %dma_start3A_1201 = arith.constant 0 : i32
      %dma_start3A_1202 = tpu.memref_slice %arg9[%dma_start3A_1200, %dma_start3A_1201] : memref<32x40xi32, #tpu.memory_space<vmem>> -> memref<1x40xi32, #tpu.memory_space<vmem>>
      %dma_start3A_1203 = tpu.memref_squeeze %dma_start3A_1202 : memref<1x40xi32, #tpu.memory_space<vmem>> -> memref<40xi32, #tpu.memory_space<vmem>>
      %dma_start3A_1204 = arith.constant 0 : i32
      %dma_start3A_1205 = arith.constant 0 : i32
      %dma_start3A_1206 = tpu.memref_slice %arg14[%dma_start3A_1204, %dma_start3A_1205] : memref<5120x256xf32, #tpu.memory_space<vmem_shared>> -> memref<5120x256xf32, #tpu.memory_space<vmem_shared>>
      tpu.enqueue_indirect_dma source(%arg11 : memref<40x256xf32, #tpu.memory_space<vmem>>) target(%dma_start3A_1206 : memref<5120x256xf32, #tpu.memory_space<vmem_shared>>) offsets(%dma_start3A_1203 : memref<40xi32, #tpu.memory_space<vmem>>) semaphore(%arg21 : memref<!tpu.dma_semaphore, #tpu.memory_space<semaphore_mem>>) {add = true}
      %dma_wait3A_1207 = arith.constant 0 : i32
      %dma_wait3A_1208 = arith.constant 0 : i32
      %dma_wait3A_1209 = tpu.memref_slice %arg8[%dma_wait3A_1207, %dma_wait3A_1208] : memref<32x40xi32, #tpu.memory_space<vmem>> -> memref<1x40xi32, #tpu.memory_space<vmem>>
      %dma_wait3A_1210 = tpu.memref_squeeze %dma_wait3A_1209 : memref<1x40xi32, #tpu.memory_space<vmem>> -> memref<40xi32, #tpu.memory_space<vmem>>
      %dma_wait3A_1211 = arith.constant 0 : i32
      %dma_wait3A_1212 = arith.constant 0 : i32
      %dma_wait3A_1213 = tpu.memref_slice %arg14[%dma_wait3A_1211, %dma_wait3A_1212] : memref<5120x256xf32, #tpu.memory_space<vmem_shared>> -> memref<5120x256xf32, #tpu.memory_space<vmem_shared>>
      tpu.wait_indirect_dma semaphore(%arg20 : memref<!tpu.dma_semaphore, #tpu.memory_space<semaphore_mem>>) src(%arg10 : memref<40x256xf32, #tpu.memory_space<vmem>>) dst(%dma_wait3A_1213 : memref<5120x256xf32, #tpu.memory_space<vmem_shared>>)
      %dma_start3A_1214 = arith.constant 8 : i32
      %dma_start3A_1215 = arith.constant 0 : i32
      %dma_start3A_1216 = tpu.memref_slice %arg7[%dma_start3A_1214, %dma_start3A_1215] : memref<32x40xi32, #tpu.memory_space<vmem>> -> memref<1x40xi32, #tpu.memory_space<vmem>>
      %dma_start3A_1217 = tpu.memref_squeeze %dma_start3A_1216 : memref<1x40xi32, #tpu.memory_space<vmem>> -> memref<40xi32, #tpu.memory_space<vmem>>
      %dma_start3A_1218 = arith.constant 0 : i32
      %dma_start3A_1219 = arith.constant 0 : i32
      %dma_start3A_1220 = tpu.memref_slice %arg2[%dma_start3A_1218, %dma_start3A_1219] : memref<10000x256xf32, #tpu.memory_space<hbm>> -> memref<10000x256xf32, #tpu.memory_space<hbm>>
      tpu.enqueue_indirect_dma source(%dma_start3A_1220 : memref<10000x256xf32, #tpu.memory_space<hbm>>) target(%arg10 : memref<40x256xf32, #tpu.memory_space<vmem>>) offsets(%dma_start3A_1217 : memref<40xi32, #tpu.memory_space<vmem>>) semaphore(%arg16 : memref<!tpu.dma_semaphore, #tpu.memory_space<semaphore_mem>>)
      %dma_wait3A_1221 = arith.constant 0 : i32
      %dma_wait3A_1222 = arith.constant 0 : i32
      %dma_wait3A_1223 = tpu.memref_slice %arg6[%dma_wait3A_1221, %dma_wait3A_1222] : memref<32x40xi32, #tpu.memory_space<vmem>> -> memref<1x40xi32, #tpu.memory_space<vmem>>
      %dma_wait3A_1224 = tpu.memref_squeeze %dma_wait3A_1223 : memref<1x40xi32, #tpu.memory_space<vmem>> -> memref<40xi32, #tpu.memory_space<vmem>>
      %dma_wait3A_1225 = arith.constant 0 : i32
      %dma_wait3A_1226 = arith.constant 0 : i32
      %dma_wait3A_1227 = tpu.memref_slice %arg2[%dma_wait3A_1225, %dma_wait3A_1226] : memref<10000x256xf32, #tpu.memory_space<hbm>> -> memref<10000x256xf32, #tpu.memory_space<hbm>>
      tpu.wait_indirect_dma semaphore(%arg18 : memref<!tpu.dma_semaphore, #tpu.memory_space<semaphore_mem>>) src(%dma_wait3A_1227 : memref<10000x256xf32, #tpu.memory_space<hbm>>) dst(%arg12 : memref<40x256xf32, #tpu.memory_space<vmem>>)
      %dma_start3A_1228 = arith.constant 6 : i32
      %dma_start3A_1229 = arith.constant 0 : i32
      %dma_start3A_1230 = tpu.memref_slice %arg9[%dma_start3A_1228, %dma_start3A_1229] : memref<32x40xi32, #tpu.memory_space<vmem>> -> memref<1x40xi32, #tpu.memory_space<vmem>>
      %dma_start3A_1231 = tpu.memref_squeeze %dma_start3A_1230 : memref<1x40xi32, #tpu.memory_space<vmem>> -> memref<40xi32, #tpu.memory_space<vmem>>
      %dma_start3A_1232 = arith.constant 0 : i32
      %dma_start3A_1233 = arith.constant 0 : i32
      %dma_start3A_1234 = tpu.memref_slice %arg14[%dma_start3A_1232, %dma_start3A_1233] : memref<5120x256xf32, #tpu.memory_space<vmem_shared>> -> memref<5120x256xf32, #tpu.memory_space<vmem_shared>>
      tpu.enqueue_indirect_dma source(%arg12 : memref<40x256xf32, #tpu.memory_space<vmem>>) target(%dma_start3A_1234 : memref<5120x256xf32, #tpu.memory_space<vmem_shared>>) offsets(%dma_start3A_1231 : memref<40xi32, #tpu.memory_space<vmem>>) semaphore(%arg22 : memref<!tpu.dma_semaphore, #tpu.memory_space<semaphore_mem>>) {add = true}
      %dma_wait3A_1235 = arith.constant 0 : i32
      %dma_wait3A_1236 = arith.constant 0 : i32
      %dma_wait3A_1237 = tpu.memref_slice %arg8[%dma_wait3A_1235, %dma_wait3A_1236] : memref<32x40xi32, #tpu.memory_space<vmem>> -> memref<1x40xi32, #tpu.memory_space<vmem>>
      %dma_wait3A_1238 = tpu.memref_squeeze %dma_wait3A_1237 : memref<1x40xi32, #tpu.memory_space<vmem>> -> memref<40xi32, #tpu.memory_space<vmem>>
      %dma_wait3A_1239 = arith.constant 0 : i32
      %dma_wait3A_1240 = arith.constant 0 : i32
      %dma_wait3A_1241 = tpu.memref_slice %arg14[%dma_wait3A_1239, %dma_wait3A_1240] : memref<5120x256xf32, #tpu.memory_space<vmem_shared>> -> memref<5120x256xf32, #tpu.memory_space<vmem_shared>>
      tpu.wait_indirect_dma semaphore(%arg21 : memref<!tpu.dma_semaphore, #tpu.memory_space<semaphore_mem>>) src(%arg11 : memref<40x256xf32, #tpu.memory_space<vmem>>) dst(%dma_wait3A_1241 : memref<5120x256xf32, #tpu.memory_space<vmem_shared>>)
      %dma_start3A_1242 = arith.constant 9 : i32
      %dma_start3A_1243 = arith.constant 0 : i32
      %dma_start3A_1244 = tpu.memref_slice %arg7[%dma_start3A_1242, %dma_start3A_1243] : memref<32x40xi32, #tpu.memory_space<vmem>> -> memref<1x40xi32, #tpu.memory_space<vmem>>
      %dma_start3A_1245 = tpu.memref_squeeze %dma_start3A_1244 : memref<1x40xi32, #tpu.memory_space<vmem>> -> memref<40xi32, #tpu.memory_space<vmem>>
      %dma_start3A_1246 = arith.constant 0 : i32
      %dma_start3A_1247 = arith.constant 0 : i32
      %dma_start3A_1248 = tpu.memref_slice %arg2[%dma_start3A_1246, %dma_start3A_1247] : memref<10000x256xf32, #tpu.memory_space<hbm>> -> memref<10000x256xf32, #tpu.memory_space<hbm>>
      tpu.enqueue_indirect_dma source(%dma_start3A_1248 : memref<10000x256xf32, #tpu.memory_space<hbm>>) target(%arg11 : memref<40x256xf32, #tpu.memory_space<vmem>>) offsets(%dma_start3A_1245 : memref<40xi32, #tpu.memory_space<vmem>>) semaphore(%arg17 : memref<!tpu.dma_semaphore, #tpu.memory_space<semaphore_mem>>)
      %dma_wait3A_1249 = arith.constant 0 : i32
      %dma_wait3A_1250 = arith.constant 0 : i32
      %dma_wait3A_1251 = tpu.memref_slice %arg6[%dma_wait3A_1249, %dma_wait3A_1250] : memref<32x40xi32, #tpu.memory_space<vmem>> -> memref<1x40xi32, #tpu.memory_space<vmem>>
      %dma_wait3A_1252 = tpu.memref_squeeze %dma_wait3A_1251 : memref<1x40xi32, #tpu.memory_space<vmem>> -> memref<40xi32, #tpu.memory_space<vmem>>
      %dma_wait3A_1253 = arith.constant 0 : i32
      %dma_wait3A_1254 = arith.constant 0 : i32
      %dma_wait3A_1255 = tpu.memref_slice %arg2[%dma_wait3A_1253, %dma_wait3A_1254] : memref<10000x256xf32, #tpu.memory_space<hbm>> -> memref<10000x256xf32, #tpu.memory_space<hbm>>
      tpu.wait_indirect_dma semaphore(%arg19 : memref<!tpu.dma_semaphore, #tpu.memory_space<semaphore_mem>>) src(%dma_wait3A_1255 : memref<10000x256xf32, #tpu.memory_space<hbm>>) dst(%arg13 : memref<40x256xf32, #tpu.memory_space<vmem>>)
      %dma_start3A_1256 = arith.constant 7 : i32
      %dma_start3A_1257 = arith.constant 0 : i32
      %dma_start3A_1258 = tpu.memref_slice %arg9[%dma_start3A_1256, %dma_start3A_1257] : memref<32x40xi32, #tpu.memory_space<vmem>> -> memref<1x40xi32, #tpu.memory_space<vmem>>
      %dma_start3A_1259 = tpu.memref_squeeze %dma_start3A_1258 : memref<1x40xi32, #tpu.memory_space<vmem>> -> memref<40xi32, #tpu.memory_space<vmem>>
      %dma_start3A_1260 = arith.constant 0 : i32
      %dma_start3A_1261 = arith.constant 0 : i32
      %dma_start3A_1262 = tpu.memref_slice %arg14[%dma_start3A_1260, %dma_start3A_1261] : memref<5120x256xf32, #tpu.memory_space<vmem_shared>> -> memref<5120x256xf32, #tpu.memory_space<vmem_shared>>
      tpu.enqueue_indirect_dma source(%arg13 : memref<40x256xf32, #tpu.memory_space<vmem>>) target(%dma_start3A_1262 : memref<5120x256xf32, #tpu.memory_space<vmem_shared>>) offsets(%dma_start3A_1259 : memref<40xi32, #tpu.memory_space<vmem>>) semaphore(%arg23 : memref<!tpu.dma_semaphore, #tpu.memory_space<semaphore_mem>>) {add = true}
      %dma_wait3A_1263 = arith.constant 0 : i32
      %dma_wait3A_1264 = arith.constant 0 : i32
      %dma_wait3A_1265 = tpu.memref_slice %arg8[%dma_wait3A_1263, %dma_wait3A_1264] : memref<32x40xi32, #tpu.memory_space<vmem>> -> memref<1x40xi32, #tpu.memory_space<vmem>>
      %dma_wait3A_1266 = tpu.memref_squeeze %dma_wait3A_1265 : memref<1x40xi32, #tpu.memory_space<vmem>> -> memref<40xi32, #tpu.memory_space<vmem>>
      %dma_wait3A_1267 = arith.constant 0 : i32
      %dma_wait3A_1268 = arith.constant 0 : i32
      %dma_wait3A_1269 = tpu.memref_slice %arg14[%dma_wait3A_1267, %dma_wait3A_1268] : memref<5120x256xf32, #tpu.memory_space<vmem_shared>> -> memref<5120x256xf32, #tpu.memory_space<vmem_shared>>
      tpu.wait_indirect_dma semaphore(%arg22 : memref<!tpu.dma_semaphore, #tpu.memory_space<semaphore_mem>>) src(%arg12 : memref<40x256xf32, #tpu.memory_space<vmem>>) dst(%dma_wait3A_1269 : memref<5120x256xf32, #tpu.memory_space<vmem_shared>>)
      %dma_start3A_1270 = arith.constant 10 : i32
      %dma_start3A_1271 = arith.constant 0 : i32
      %dma_start3A_1272 = tpu.memref_slice %arg7[%dma_start3A_1270, %dma_start3A_1271] : memref<32x40xi32, #tpu.memory_space<vmem>> -> memref<1x40xi32, #tpu.memory_space<vmem>>
      %dma_start3A_1273 = tpu.memref_squeeze %dma_start3A_1272 : memref<1x40xi32, #tpu.memory_space<vmem>> -> memref<40xi32, #tpu.memory_space<vmem>>
      %dma_start3A_1274 = arith.constant 0 : i32
      %dma_start3A_1275 = arith.constant 0 : i32
      %dma_start3A_1276 = tpu.memref_slice %arg2[%dma_start3A_1274, %dma_start3A_1275] : memref<10000x256xf32, #tpu.memory_space<hbm>> -> memref<10000x256xf32, #tpu.memory_space<hbm>>
      tpu.enqueue_indirect_dma source(%dma_start3A_1276 : memref<10000x256xf32, #tpu.memory_space<hbm>>) target(%arg12 : memref<40x256xf32, #tpu.memory_space<vmem>>) offsets(%dma_start3A_1273 : memref<40xi32, #tpu.memory_space<vmem>>) semaphore(%arg18 : memref<!tpu.dma_semaphore, #tpu.memory_space<semaphore_mem>>)
      %dma_wait3A_1277 = arith.constant 0 : i32
      %dma_wait3A_1278 = arith.constant 0 : i32
      %dma_wait3A_1279 = tpu.memref_slice %arg6[%dma_wait3A_1277, %dma_wait3A_1278] : memref<32x40xi32, #tpu.memory_space<vmem>> -> memref<1x40xi32, #tpu.memory_space<vmem>>
      %dma_wait3A_1280 = tpu.memref_squeeze %dma_wait3A_1279 : memref<1x40xi32, #tpu.memory_space<vmem>> -> memref<40xi32, #tpu.memory_space<vmem>>
      %dma_wait3A_1281 = arith.constant 0 : i32
      %dma_wait3A_1282 = arith.constant 0 : i32
      %dma_wait3A_1283 = tpu.memref_slice %arg2[%dma_wait3A_1281, %dma_wait3A_1282] : memref<10000x256xf32, #tpu.memory_space<hbm>> -> memref<10000x256xf32, #tpu.memory_space<hbm>>
      tpu.wait_indirect_dma semaphore(%arg16 : memref<!tpu.dma_semaphore, #tpu.memory_space<semaphore_mem>>) src(%dma_wait3A_1283 : memref<10000x256xf32, #tpu.memory_space<hbm>>) dst(%arg10 : memref<40x256xf32, #tpu.memory_space<vmem>>)
      %dma_start3A_1284 = arith.constant 8 : i32
      %dma_start3A_1285 = arith.constant 0 : i32
      %dma_start3A_1286 = tpu.memref_slice %arg9[%dma_start3A_1284, %dma_start3A_1285] : memref<32x40xi32, #tpu.memory_space<vmem>> -> memref<1x40xi32, #tpu.memory_space<vmem>>
      %dma_start3A_1287 = tpu.memref_squeeze %dma_start3A_1286 : memref<1x40xi32, #tpu.memory_space<vmem>> -> memref<40xi32, #tpu.memory_space<vmem>>
      %dma_start3A_1288 = arith.constant 0 : i32
      %dma_start3A_1289 = arith.constant 0 : i32
      %dma_start3A_1290 = tpu.memref_slice %arg14[%dma_start3A_1288, %dma_start3A_1289] : memref<5120x256xf32, #tpu.memory_space<vmem_shared>> -> memref<5120x256xf32, #tpu.memory_space<vmem_shared>>
      tpu.enqueue_indirect_dma source(%arg10 : memref<40x256xf32, #tpu.memory_space<vmem>>) target(%dma_start3A_1290 : memref<5120x256xf32, #tpu.memory_space<vmem_shared>>) offsets(%dma_start3A_1287 : memref<40xi32, #tpu.memory_space<vmem>>) semaphore(%arg20 : memref<!tpu.dma_semaphore, #tpu.memory_space<semaphore_mem>>) {add = true}
      %dma_wait3A_1291 = arith.constant 0 : i32
      %dma_wait3A_1292 = arith.constant 0 : i32
      %dma_wait3A_1293 = tpu.memref_slice %arg8[%dma_wait3A_1291, %dma_wait3A_1292] : memref<32x40xi32, #tpu.memory_space<vmem>> -> memref<1x40xi32, #tpu.memory_space<vmem>>
      %dma_wait3A_1294 = tpu.memref_squeeze %dma_wait3A_1293 : memref<1x40xi32, #tpu.memory_space<vmem>> -> memref<40xi32, #tpu.memory_space<vmem>>
      %dma_wait3A_1295 = arith.constant 0 : i32
      %dma_wait3A_1296 = arith.constant 0 : i32
      %dma_wait3A_1297 = tpu.memref_slice %arg14[%dma_wait3A_1295, %dma_wait3A_1296] : memref<5120x256xf32, #tpu.memory_space<vmem_shared>> -> memref<5120x256xf32, #tpu.memory_space<vmem_shared>>
      tpu.wait_indirect_dma semaphore(%arg23 : memref<!tpu.dma_semaphore, #tpu.memory_space<semaphore_mem>>) src(%arg13 : memref<40x256xf32, #tpu.memory_space<vmem>>) dst(%dma_wait3A_1297 : memref<5120x256xf32, #tpu.memory_space<vmem_shared>>)
      %dma_start3A_1298 = arith.constant 11 : i32
      %dma_start3A_1299 = arith.constant 0 : i32
      %dma_start3A_1300 = tpu.memref_slice %arg7[%dma_start3A_1298, %dma_start3A_1299] : memref<32x40xi32, #tpu.memory_space<vmem>> -> memref<1x40xi32, #tpu.memory_space<vmem>>
      %dma_start3A_1301 = tpu.memref_squeeze %dma_start3A_1300 : memref<1x40xi32, #tpu.memory_space<vmem>> -> memref<40xi32, #tpu.memory_space<vmem>>
      %dma_start3A_1302 = arith.constant 0 : i32
      %dma_start3A_1303 = arith.constant 0 : i32
      %dma_start3A_1304 = tpu.memref_slice %arg2[%dma_start3A_1302, %dma_start3A_1303] : memref<10000x256xf32, #tpu.memory_space<hbm>> -> memref<10000x256xf32, #tpu.memory_space<hbm>>
      tpu.enqueue_indirect_dma source(%dma_start3A_1304 : memref<10000x256xf32, #tpu.memory_space<hbm>>) target(%arg13 : memref<40x256xf32, #tpu.memory_space<vmem>>) offsets(%dma_start3A_1301 : memref<40xi32, #tpu.memory_space<vmem>>) semaphore(%arg19 : memref<!tpu.dma_semaphore, #tpu.memory_space<semaphore_mem>>)
      %dma_wait3A_1305 = arith.constant 0 : i32
      %dma_wait3A_1306 = arith.constant 0 : i32
      %dma_wait3A_1307 = tpu.memref_slice %arg6[%dma_wait3A_1305, %dma_wait3A_1306] : memref<32x40xi32, #tpu.memory_space<vmem>> -> memref<1x40xi32, #tpu.memory_space<vmem>>
      %dma_wait3A_1308 = tpu.memref_squeeze %dma_wait3A_1307 : memref<1x40xi32, #tpu.memory_space<vmem>> -> memref<40xi32, #tpu.memory_space<vmem>>
      %dma_wait3A_1309 = arith.constant 0 : i32
      %dma_wait3A_1310 = arith.constant 0 : i32
      %dma_wait3A_1311 = tpu.memref_slice %arg2[%dma_wait3A_1309, %dma_wait3A_1310] : memref<10000x256xf32, #tpu.memory_space<hbm>> -> memref<10000x256xf32, #tpu.memory_space<hbm>>
      tpu.wait_indirect_dma semaphore(%arg17 : memref<!tpu.dma_semaphore, #tpu.memory_space<semaphore_mem>>) src(%dma_wait3A_1311 : memref<10000x256xf32, #tpu.memory_space<hbm>>) dst(%arg11 : memref<40x256xf32, #tpu.memory_space<vmem>>)
      %dma_start3A_1312 = arith.constant 9 : i32
      %dma_start3A_1313 = arith.constant 0 : i32
      %dma_start3A_1314 = tpu.memref_slice %arg9[%dma_start3A_1312, %dma_start3A_1313] : memref<32x40xi32, #tpu.memory_space<vmem>> -> memref<1x40xi32, #tpu.memory_space<vmem>>
      %dma_start3A_1315 = tpu.memref_squeeze %dma_start3A_1314 : memref<1x40xi32, #tpu.memory_space<vmem>> -> memref<40xi32, #tpu.memory_space<vmem>>
      %dma_start3A_1316 = arith.constant 0 : i32
      %dma_start3A_1317 = arith.constant 0 : i32
      %dma_start3A_1318 = tpu.memref_slice %arg14[%dma_start3A_1316, %dma_start3A_1317] : memref<5120x256xf32, #tpu.memory_space<vmem_shared>> -> memref<5120x256xf32, #tpu.memory_space<vmem_shared>>
      tpu.enqueue_indirect_dma source(%arg11 : memref<40x256xf32, #tpu.memory_space<vmem>>) target(%dma_start3A_1318 : memref<5120x256xf32, #tpu.memory_space<vmem_shared>>) offsets(%dma_start3A_1315 : memref<40xi32, #tpu.memory_space<vmem>>) semaphore(%arg21 : memref<!tpu.dma_semaphore, #tpu.memory_space<semaphore_mem>>) {add = true}
      %dma_wait3A_1319 = arith.constant 0 : i32
      %dma_wait3A_1320 = arith.constant 0 : i32
      %dma_wait3A_1321 = tpu.memref_slice %arg8[%dma_wait3A_1319, %dma_wait3A_1320] : memref<32x40xi32, #tpu.memory_space<vmem>> -> memref<1x40xi32, #tpu.memory_space<vmem>>
      %dma_wait3A_1322 = tpu.memref_squeeze %dma_wait3A_1321 : memref<1x40xi32, #tpu.memory_space<vmem>> -> memref<40xi32, #tpu.memory_space<vmem>>
      %dma_wait3A_1323 = arith.constant 0 : i32
      %dma_wait3A_1324 = arith.constant 0 : i32
      %dma_wait3A_1325 = tpu.memref_slice %arg14[%dma_wait3A_1323, %dma_wait3A_1324] : memref<5120x256xf32, #tpu.memory_space<vmem_shared>> -> memref<5120x256xf32, #tpu.memory_space<vmem_shared>>
      tpu.wait_indirect_dma semaphore(%arg20 : memref<!tpu.dma_semaphore, #tpu.memory_space<semaphore_mem>>) src(%arg10 : memref<40x256xf32, #tpu.memory_space<vmem>>) dst(%dma_wait3A_1325 : memref<5120x256xf32, #tpu.memory_space<vmem_shared>>)
      %dma_start3A_1326 = arith.constant 12 : i32
      %dma_start3A_1327 = arith.constant 0 : i32
      %dma_start3A_1328 = tpu.memref_slice %arg7[%dma_start3A_1326, %dma_start3A_1327] : memref<32x40xi32, #tpu.memory_space<vmem>> -> memref<1x40xi32, #tpu.memory_space<vmem>>
      %dma_start3A_1329 = tpu.memref_squeeze %dma_start3A_1328 : memref<1x40xi32, #tpu.memory_space<vmem>> -> memref<40xi32, #tpu.memory_space<vmem>>
      %dma_start3A_1330 = arith.constant 0 : i32
      %dma_start3A_1331 = arith.constant 0 : i32
      %dma_start3A_1332 = tpu.memref_slice %arg2[%dma_start3A_1330, %dma_start3A_1331] : memref<10000x256xf32, #tpu.memory_space<hbm>> -> memref<10000x256xf32, #tpu.memory_space<hbm>>
      tpu.enqueue_indirect_dma source(%dma_start3A_1332 : memref<10000x256xf32, #tpu.memory_space<hbm>>) target(%arg10 : memref<40x256xf32, #tpu.memory_space<vmem>>) offsets(%dma_start3A_1329 : memref<40xi32, #tpu.memory_space<vmem>>) semaphore(%arg16 : memref<!tpu.dma_semaphore, #tpu.memory_space<semaphore_mem>>)
      %dma_wait3A_1333 = arith.constant 0 : i32
      %dma_wait3A_1334 = arith.constant 0 : i32
      %dma_wait3A_1335 = tpu.memref_slice %arg6[%dma_wait3A_1333, %dma_wait3A_1334] : memref<32x40xi32, #tpu.memory_space<vmem>> -> memref<1x40xi32, #tpu.memory_space<vmem>>
      %dma_wait3A_1336 = tpu.memref_squeeze %dma_wait3A_1335 : memref<1x40xi32, #tpu.memory_space<vmem>> -> memref<40xi32, #tpu.memory_space<vmem>>
      %dma_wait3A_1337 = arith.constant 0 : i32
      %dma_wait3A_1338 = arith.constant 0 : i32
      %dma_wait3A_1339 = tpu.memref_slice %arg2[%dma_wait3A_1337, %dma_wait3A_1338] : memref<10000x256xf32, #tpu.memory_space<hbm>> -> memref<10000x256xf32, #tpu.memory_space<hbm>>
      tpu.wait_indirect_dma semaphore(%arg18 : memref<!tpu.dma_semaphore, #tpu.memory_space<semaphore_mem>>) src(%dma_wait3A_1339 : memref<10000x256xf32, #tpu.memory_space<hbm>>) dst(%arg12 : memref<40x256xf32, #tpu.memory_space<vmem>>)
      %dma_start3A_1340 = arith.constant 10 : i32
      %dma_start3A_1341 = arith.constant 0 : i32
      %dma_start3A_1342 = tpu.memref_slice %arg9[%dma_start3A_1340, %dma_start3A_1341] : memref<32x40xi32, #tpu.memory_space<vmem>> -> memref<1x40xi32, #tpu.memory_space<vmem>>
      %dma_start3A_1343 = tpu.memref_squeeze %dma_start3A_1342 : memref<1x40xi32, #tpu.memory_space<vmem>> -> memref<40xi32, #tpu.memory_space<vmem>>
      %dma_start3A_1344 = arith.constant 0 : i32
      %dma_start3A_1345 = arith.constant 0 : i32
      %dma_start3A_1346 = tpu.memref_slice %arg14[%dma_start3A_1344, %dma_start3A_1345] : memref<5120x256xf32, #tpu.memory_space<vmem_shared>> -> memref<5120x256xf32, #tpu.memory_space<vmem_shared>>
      tpu.enqueue_indirect_dma source(%arg12 : memref<40x256xf32, #tpu.memory_space<vmem>>) target(%dma_start3A_1346 : memref<5120x256xf32, #tpu.memory_space<vmem_shared>>) offsets(%dma_start3A_1343 : memref<40xi32, #tpu.memory_space<vmem>>) semaphore(%arg22 : memref<!tpu.dma_semaphore, #tpu.memory_space<semaphore_mem>>) {add = true}
      %dma_wait3A_1347 = arith.constant 0 : i32
      %dma_wait3A_1348 = arith.constant 0 : i32
      %dma_wait3A_1349 = tpu.memref_slice %arg8[%dma_wait3A_1347, %dma_wait3A_1348] : memref<32x40xi32, #tpu.memory_space<vmem>> -> memref<1x40xi32, #tpu.memory_space<vmem>>
      %dma_wait3A_1350 = tpu.memref_squeeze %dma_wait3A_1349 : memref<1x40xi32, #tpu.memory_space<vmem>> -> memref<40xi32, #tpu.memory_space<vmem>>
      %dma_wait3A_1351 = arith.constant 0 : i32
      %dma_wait3A_1352 = arith.constant 0 : i32
      %dma_wait3A_1353 = tpu.memref_slice %arg14[%dma_wait3A_1351, %dma_wait3A_1352] : memref<5120x256xf32, #tpu.memory_space<vmem_shared>> -> memref<5120x256xf32, #tpu.memory_space<vmem_shared>>
      tpu.wait_indirect_dma semaphore(%arg21 : memref<!tpu.dma_semaphore, #tpu.memory_space<semaphore_mem>>) src(%arg11 : memref<40x256xf32, #tpu.memory_space<vmem>>) dst(%dma_wait3A_1353 : memref<5120x256xf32, #tpu.memory_space<vmem_shared>>)
      %dma_start3A_1354 = arith.constant 13 : i32
      %dma_start3A_1355 = arith.constant 0 : i32
      %dma_start3A_1356 = tpu.memref_slice %arg7[%dma_start3A_1354, %dma_start3A_1355] : memref<32x40xi32, #tpu.memory_space<vmem>> -> memref<1x40xi32, #tpu.memory_space<vmem>>
      %dma_start3A_1357 = tpu.memref_squeeze %dma_start3A_1356 : memref<1x40xi32, #tpu.memory_space<vmem>> -> memref<40xi32, #tpu.memory_space<vmem>>
      %dma_start3A_1358 = arith.constant 0 : i32
      %dma_start3A_1359 = arith.constant 0 : i32
      %dma_start3A_1360 = tpu.memref_slice %arg2[%dma_start3A_1358, %dma_start3A_1359] : memref<10000x256xf32, #tpu.memory_space<hbm>> -> memref<10000x256xf32, #tpu.memory_space<hbm>>
      tpu.enqueue_indirect_dma source(%dma_start3A_1360 : memref<10000x256xf32, #tpu.memory_space<hbm>>) target(%arg11 : memref<40x256xf32, #tpu.memory_space<vmem>>) offsets(%dma_start3A_1357 : memref<40xi32, #tpu.memory_space<vmem>>) semaphore(%arg17 : memref<!tpu.dma_semaphore, #tpu.memory_space<semaphore_mem>>)
      %dma_wait3A_1361 = arith.constant 0 : i32
      %dma_wait3A_1362 = arith.constant 0 : i32
      %dma_wait3A_1363 = tpu.memref_slice %arg6[%dma_wait3A_1361, %dma_wait3A_1362] : memref<32x40xi32, #tpu.memory_space<vmem>> -> memref<1x40xi32, #tpu.memory_space<vmem>>
      %dma_wait3A_1364 = tpu.memref_squeeze %dma_wait3A_1363 : memref<1x40xi32, #tpu.memory_space<vmem>> -> memref<40xi32, #tpu.memory_space<vmem>>
      %dma_wait3A_1365 = arith.constant 0 : i32
      %dma_wait3A_1366 = arith.constant 0 : i32
      %dma_wait3A_1367 = tpu.memref_slice %arg2[%dma_wait3A_1365, %dma_wait3A_1366] : memref<10000x256xf32, #tpu.memory_space<hbm>> -> memref<10000x256xf32, #tpu.memory_space<hbm>>
      tpu.wait_indirect_dma semaphore(%arg19 : memref<!tpu.dma_semaphore, #tpu.memory_space<semaphore_mem>>) src(%dma_wait3A_1367 : memref<10000x256xf32, #tpu.memory_space<hbm>>) dst(%arg13 : memref<40x256xf32, #tpu.memory_space<vmem>>)
      %dma_start3A_1368 = arith.constant 11 : i32
      %dma_start3A_1369 = arith.constant 0 : i32
      %dma_start3A_1370 = tpu.memref_slice %arg9[%dma_start3A_1368, %dma_start3A_1369] : memref<32x40xi32, #tpu.memory_space<vmem>> -> memref<1x40xi32, #tpu.memory_space<vmem>>
      %dma_start3A_1371 = tpu.memref_squeeze %dma_start3A_1370 : memref<1x40xi32, #tpu.memory_space<vmem>> -> memref<40xi32, #tpu.memory_space<vmem>>
      %dma_start3A_1372 = arith.constant 0 : i32
      %dma_start3A_1373 = arith.constant 0 : i32
      %dma_start3A_1374 = tpu.memref_slice %arg14[%dma_start3A_1372, %dma_start3A_1373] : memref<5120x256xf32, #tpu.memory_space<vmem_shared>> -> memref<5120x256xf32, #tpu.memory_space<vmem_shared>>
      tpu.enqueue_indirect_dma source(%arg13 : memref<40x256xf32, #tpu.memory_space<vmem>>) target(%dma_start3A_1374 : memref<5120x256xf32, #tpu.memory_space<vmem_shared>>) offsets(%dma_start3A_1371 : memref<40xi32, #tpu.memory_space<vmem>>) semaphore(%arg23 : memref<!tpu.dma_semaphore, #tpu.memory_space<semaphore_mem>>) {add = true}
      %dma_wait3A_1375 = arith.constant 0 : i32
      %dma_wait3A_1376 = arith.constant 0 : i32
      %dma_wait3A_1377 = tpu.memref_slice %arg8[%dma_wait3A_1375, %dma_wait3A_1376] : memref<32x40xi32, #tpu.memory_space<vmem>> -> memref<1x40xi32, #tpu.memory_space<vmem>>
      %dma_wait3A_1378 = tpu.memref_squeeze %dma_wait3A_1377 : memref<1x40xi32, #tpu.memory_space<vmem>> -> memref<40xi32, #tpu.memory_space<vmem>>
      %dma_wait3A_1379 = arith.constant 0 : i32
      %dma_wait3A_1380 = arith.constant 0 : i32
      %dma_wait3A_1381 = tpu.memref_slice %arg14[%dma_wait3A_1379, %dma_wait3A_1380] : memref<5120x256xf32, #tpu.memory_space<vmem_shared>> -> memref<5120x256xf32, #tpu.memory_space<vmem_shared>>
      tpu.wait_indirect_dma semaphore(%arg22 : memref<!tpu.dma_semaphore, #tpu.memory_space<semaphore_mem>>) src(%arg12 : memref<40x256xf32, #tpu.memory_space<vmem>>) dst(%dma_wait3A_1381 : memref<5120x256xf32, #tpu.memory_space<vmem_shared>>)
      %dma_start3A_1382 = arith.constant 14 : i32
      %dma_start3A_1383 = arith.constant 0 : i32
      %dma_start3A_1384 = tpu.memref_slice %arg7[%dma_start3A_1382, %dma_start3A_1383] : memref<32x40xi32, #tpu.memory_space<vmem>> -> memref<1x40xi32, #tpu.memory_space<vmem>>
      %dma_start3A_1385 = tpu.memref_squeeze %dma_start3A_1384 : memref<1x40xi32, #tpu.memory_space<vmem>> -> memref<40xi32, #tpu.memory_space<vmem>>
      %dma_start3A_1386 = arith.constant 0 : i32
      %dma_start3A_1387 = arith.constant 0 : i32
      %dma_start3A_1388 = tpu.memref_slice %arg2[%dma_start3A_1386, %dma_start3A_1387] : memref<10000x256xf32, #tpu.memory_space<hbm>> -> memref<10000x256xf32, #tpu.memory_space<hbm>>
      tpu.enqueue_indirect_dma source(%dma_start3A_1388 : memref<10000x256xf32, #tpu.memory_space<hbm>>) target(%arg12 : memref<40x256xf32, #tpu.memory_space<vmem>>) offsets(%dma_start3A_1385 : memref<40xi32, #tpu.memory_space<vmem>>) semaphore(%arg18 : memref<!tpu.dma_semaphore, #tpu.memory_space<semaphore_mem>>)
      %dma_wait3A_1389 = arith.constant 0 : i32
      %dma_wait3A_1390 = arith.constant 0 : i32
      %dma_wait3A_1391 = tpu.memref_slice %arg6[%dma_wait3A_1389, %dma_wait3A_1390] : memref<32x40xi32, #tpu.memory_space<vmem>> -> memref<1x40xi32, #tpu.memory_space<vmem>>
      %dma_wait3A_1392 = tpu.memref_squeeze %dma_wait3A_1391 : memref<1x40xi32, #tpu.memory_space<vmem>> -> memref<40xi32, #tpu.memory_space<vmem>>
      %dma_wait3A_1393 = arith.constant 0 : i32
      %dma_wait3A_1394 = arith.constant 0 : i32
      %dma_wait3A_1395 = tpu.memref_slice %arg2[%dma_wait3A_1393, %dma_wait3A_1394] : memref<10000x256xf32, #tpu.memory_space<hbm>> -> memref<10000x256xf32, #tpu.memory_space<hbm>>
      tpu.wait_indirect_dma semaphore(%arg16 : memref<!tpu.dma_semaphore, #tpu.memory_space<semaphore_mem>>) src(%dma_wait3A_1395 : memref<10000x256xf32, #tpu.memory_space<hbm>>) dst(%arg10 : memref<40x256xf32, #tpu.memory_space<vmem>>)
      %dma_start3A_1396 = arith.constant 12 : i32
      %dma_start3A_1397 = arith.constant 0 : i32
      %dma_start3A_1398 = tpu.memref_slice %arg9[%dma_start3A_1396, %dma_start3A_1397] : memref<32x40xi32, #tpu.memory_space<vmem>> -> memref<1x40xi32, #tpu.memory_space<vmem>>
      %dma_start3A_1399 = tpu.memref_squeeze %dma_start3A_1398 : memref<1x40xi32, #tpu.memory_space<vmem>> -> memref<40xi32, #tpu.memory_space<vmem>>
      %dma_start3A_1400 = arith.constant 0 : i32
      %dma_start3A_1401 = arith.constant 0 : i32
      %dma_start3A_1402 = tpu.memref_slice %arg14[%dma_start3A_1400, %dma_start3A_1401] : memref<5120x256xf32, #tpu.memory_space<vmem_shared>> -> memref<5120x256xf32, #tpu.memory_space<vmem_shared>>
      tpu.enqueue_indirect_dma source(%arg10 : memref<40x256xf32, #tpu.memory_space<vmem>>) target(%dma_start3A_1402 : memref<5120x256xf32, #tpu.memory_space<vmem_shared>>) offsets(%dma_start3A_1399 : memref<40xi32, #tpu.memory_space<vmem>>) semaphore(%arg20 : memref<!tpu.dma_semaphore, #tpu.memory_space<semaphore_mem>>) {add = true}
      %dma_wait3A_1403 = arith.constant 0 : i32
      %dma_wait3A_1404 = arith.constant 0 : i32
      %dma_wait3A_1405 = tpu.memref_slice %arg8[%dma_wait3A_1403, %dma_wait3A_1404] : memref<32x40xi32, #tpu.memory_space<vmem>> -> memref<1x40xi32, #tpu.memory_space<vmem>>
      %dma_wait3A_1406 = tpu.memref_squeeze %dma_wait3A_1405 : memref<1x40xi32, #tpu.memory_space<vmem>> -> memref<40xi32, #tpu.memory_space<vmem>>
      %dma_wait3A_1407 = arith.constant 0 : i32
      %dma_wait3A_1408 = arith.constant 0 : i32
      %dma_wait3A_1409 = tpu.memref_slice %arg14[%dma_wait3A_1407, %dma_wait3A_1408] : memref<5120x256xf32, #tpu.memory_space<vmem_shared>> -> memref<5120x256xf32, #tpu.memory_space<vmem_shared>>
      tpu.wait_indirect_dma semaphore(%arg23 : memref<!tpu.dma_semaphore, #tpu.memory_space<semaphore_mem>>) src(%arg13 : memref<40x256xf32, #tpu.memory_space<vmem>>) dst(%dma_wait3A_1409 : memref<5120x256xf32, #tpu.memory_space<vmem_shared>>)
      %dma_start3A_1410 = arith.constant 15 : i32
      %dma_start3A_1411 = arith.constant 0 : i32
      %dma_start3A_1412 = tpu.memref_slice %arg7[%dma_start3A_1410, %dma_start3A_1411] : memref<32x40xi32, #tpu.memory_space<vmem>> -> memref<1x40xi32, #tpu.memory_space<vmem>>
      %dma_start3A_1413 = tpu.memref_squeeze %dma_start3A_1412 : memref<1x40xi32, #tpu.memory_space<vmem>> -> memref<40xi32, #tpu.memory_space<vmem>>
      %dma_start3A_1414 = arith.constant 0 : i32
      %dma_start3A_1415 = arith.constant 0 : i32
      %dma_start3A_1416 = tpu.memref_slice %arg2[%dma_start3A_1414, %dma_start3A_1415] : memref<10000x256xf32, #tpu.memory_space<hbm>> -> memref<10000x256xf32, #tpu.memory_space<hbm>>
      tpu.enqueue_indirect_dma source(%dma_start3A_1416 : memref<10000x256xf32, #tpu.memory_space<hbm>>) target(%arg13 : memref<40x256xf32, #tpu.memory_space<vmem>>) offsets(%dma_start3A_1413 : memref<40xi32, #tpu.memory_space<vmem>>) semaphore(%arg19 : memref<!tpu.dma_semaphore, #tpu.memory_space<semaphore_mem>>)
      %dma_wait3A_1417 = arith.constant 0 : i32
      %dma_wait3A_1418 = arith.constant 0 : i32
      %dma_wait3A_1419 = tpu.memref_slice %arg6[%dma_wait3A_1417, %dma_wait3A_1418] : memref<32x40xi32, #tpu.memory_space<vmem>> -> memref<1x40xi32, #tpu.memory_space<vmem>>
      %dma_wait3A_1420 = tpu.memref_squeeze %dma_wait3A_1419 : memref<1x40xi32, #tpu.memory_space<vmem>> -> memref<40xi32, #tpu.memory_space<vmem>>
      %dma_wait3A_1421 = arith.constant 0 : i32
      %dma_wait3A_1422 = arith.constant 0 : i32
      %dma_wait3A_1423 = tpu.memref_slice %arg2[%dma_wait3A_1421, %dma_wait3A_1422] : memref<10000x256xf32, #tpu.memory_space<hbm>> -> memref<10000x256xf32, #tpu.memory_space<hbm>>
      tpu.wait_indirect_dma semaphore(%arg17 : memref<!tpu.dma_semaphore, #tpu.memory_space<semaphore_mem>>) src(%dma_wait3A_1423 : memref<10000x256xf32, #tpu.memory_space<hbm>>) dst(%arg11 : memref<40x256xf32, #tpu.memory_space<vmem>>)
      %dma_start3A_1424 = arith.constant 13 : i32
      %dma_start3A_1425 = arith.constant 0 : i32
      %dma_start3A_1426 = tpu.memref_slice %arg9[%dma_start3A_1424, %dma_start3A_1425] : memref<32x40xi32, #tpu.memory_space<vmem>> -> memref<1x40xi32, #tpu.memory_space<vmem>>
      %dma_start3A_1427 = tpu.memref_squeeze %dma_start3A_1426 : memref<1x40xi32, #tpu.memory_space<vmem>> -> memref<40xi32, #tpu.memory_space<vmem>>
      %dma_start3A_1428 = arith.constant 0 : i32
      %dma_start3A_1429 = arith.constant 0 : i32
      %dma_start3A_1430 = tpu.memref_slice %arg14[%dma_start3A_1428, %dma_start3A_1429] : memref<5120x256xf32, #tpu.memory_space<vmem_shared>> -> memref<5120x256xf32, #tpu.memory_space<vmem_shared>>
      tpu.enqueue_indirect_dma source(%arg11 : memref<40x256xf32, #tpu.memory_space<vmem>>) target(%dma_start3A_1430 : memref<5120x256xf32, #tpu.memory_space<vmem_shared>>) offsets(%dma_start3A_1427 : memref<40xi32, #tpu.memory_space<vmem>>) semaphore(%arg21 : memref<!tpu.dma_semaphore, #tpu.memory_space<semaphore_mem>>) {add = true}
      %dma_wait3A_1431 = arith.constant 0 : i32
      %dma_wait3A_1432 = arith.constant 0 : i32
      %dma_wait3A_1433 = tpu.memref_slice %arg8[%dma_wait3A_1431, %dma_wait3A_1432] : memref<32x40xi32, #tpu.memory_space<vmem>> -> memref<1x40xi32, #tpu.memory_space<vmem>>
      %dma_wait3A_1434 = tpu.memref_squeeze %dma_wait3A_1433 : memref<1x40xi32, #tpu.memory_space<vmem>> -> memref<40xi32, #tpu.memory_space<vmem>>
      %dma_wait3A_1435 = arith.constant 0 : i32
      %dma_wait3A_1436 = arith.constant 0 : i32
      %dma_wait3A_1437 = tpu.memref_slice %arg14[%dma_wait3A_1435, %dma_wait3A_1436] : memref<5120x256xf32, #tpu.memory_space<vmem_shared>> -> memref<5120x256xf32, #tpu.memory_space<vmem_shared>>
      tpu.wait_indirect_dma semaphore(%arg20 : memref<!tpu.dma_semaphore, #tpu.memory_space<semaphore_mem>>) src(%arg10 : memref<40x256xf32, #tpu.memory_space<vmem>>) dst(%dma_wait3A_1437 : memref<5120x256xf32, #tpu.memory_space<vmem_shared>>)
      %dma_start3A_1438 = arith.constant 16 : i32
      %dma_start3A_1439 = arith.constant 0 : i32
      %dma_start3A_1440 = tpu.memref_slice %arg7[%dma_start3A_1438, %dma_start3A_1439] : memref<32x40xi32, #tpu.memory_space<vmem>> -> memref<1x40xi32, #tpu.memory_space<vmem>>
      %dma_start3A_1441 = tpu.memref_squeeze %dma_start3A_1440 : memref<1x40xi32, #tpu.memory_space<vmem>> -> memref<40xi32, #tpu.memory_space<vmem>>
      %dma_start3A_1442 = arith.constant 0 : i32
      %dma_start3A_1443 = arith.constant 0 : i32
      %dma_start3A_1444 = tpu.memref_slice %arg2[%dma_start3A_1442, %dma_start3A_1443] : memref<10000x256xf32, #tpu.memory_space<hbm>> -> memref<10000x256xf32, #tpu.memory_space<hbm>>
      tpu.enqueue_indirect_dma source(%dma_start3A_1444 : memref<10000x256xf32, #tpu.memory_space<hbm>>) target(%arg10 : memref<40x256xf32, #tpu.memory_space<vmem>>) offsets(%dma_start3A_1441 : memref<40xi32, #tpu.memory_space<vmem>>) semaphore(%arg16 : memref<!tpu.dma_semaphore, #tpu.memory_space<semaphore_mem>>)
      %dma_wait3A_1445 = arith.constant 0 : i32
      %dma_wait3A_1446 = arith.constant 0 : i32
      %dma_wait3A_1447 = tpu.memref_slice %arg6[%dma_wait3A_1445, %dma_wait3A_1446] : memref<32x40xi32, #tpu.memory_space<vmem>> -> memref<1x40xi32, #tpu.memory_space<vmem>>
      %dma_wait3A_1448 = tpu.memref_squeeze %dma_wait3A_1447 : memref<1x40xi32, #tpu.memory_space<vmem>> -> memref<40xi32, #tpu.memory_space<vmem>>
      %dma_wait3A_1449 = arith.constant 0 : i32
      %dma_wait3A_1450 = arith.constant 0 : i32
      %dma_wait3A_1451 = tpu.memref_slice %arg2[%dma_wait3A_1449, %dma_wait3A_1450] : memref<10000x256xf32, #tpu.memory_space<hbm>> -> memref<10000x256xf32, #tpu.memory_space<hbm>>
      tpu.wait_indirect_dma semaphore(%arg18 : memref<!tpu.dma_semaphore, #tpu.memory_space<semaphore_mem>>) src(%dma_wait3A_1451 : memref<10000x256xf32, #tpu.memory_space<hbm>>) dst(%arg12 : memref<40x256xf32, #tpu.memory_space<vmem>>)
      %dma_start3A_1452 = arith.constant 14 : i32
      %dma_start3A_1453 = arith.constant 0 : i32
      %dma_start3A_1454 = tpu.memref_slice %arg9[%dma_start3A_1452, %dma_start3A_1453] : memref<32x40xi32, #tpu.memory_space<vmem>> -> memref<1x40xi32, #tpu.memory_space<vmem>>
      %dma_start3A_1455 = tpu.memref_squeeze %dma_start3A_1454 : memref<1x40xi32, #tpu.memory_space<vmem>> -> memref<40xi32, #tpu.memory_space<vmem>>
      %dma_start3A_1456 = arith.constant 0 : i32
      %dma_start3A_1457 = arith.constant 0 : i32
      %dma_start3A_1458 = tpu.memref_slice %arg14[%dma_start3A_1456, %dma_start3A_1457] : memref<5120x256xf32, #tpu.memory_space<vmem_shared>> -> memref<5120x256xf32, #tpu.memory_space<vmem_shared>>
      tpu.enqueue_indirect_dma source(%arg12 : memref<40x256xf32, #tpu.memory_space<vmem>>) target(%dma_start3A_1458 : memref<5120x256xf32, #tpu.memory_space<vmem_shared>>) offsets(%dma_start3A_1455 : memref<40xi32, #tpu.memory_space<vmem>>) semaphore(%arg22 : memref<!tpu.dma_semaphore, #tpu.memory_space<semaphore_mem>>) {add = true}
      %dma_wait3A_1459 = arith.constant 0 : i32
      %dma_wait3A_1460 = arith.constant 0 : i32
      %dma_wait3A_1461 = tpu.memref_slice %arg8[%dma_wait3A_1459, %dma_wait3A_1460] : memref<32x40xi32, #tpu.memory_space<vmem>> -> memref<1x40xi32, #tpu.memory_space<vmem>>
      %dma_wait3A_1462 = tpu.memref_squeeze %dma_wait3A_1461 : memref<1x40xi32, #tpu.memory_space<vmem>> -> memref<40xi32, #tpu.memory_space<vmem>>
      %dma_wait3A_1463 = arith.constant 0 : i32
      %dma_wait3A_1464 = arith.constant 0 : i32
      %dma_wait3A_1465 = tpu.memref_slice %arg14[%dma_wait3A_1463, %dma_wait3A_1464] : memref<5120x256xf32, #tpu.memory_space<vmem_shared>> -> memref<5120x256xf32, #tpu.memory_space<vmem_shared>>
      tpu.wait_indirect_dma semaphore(%arg21 : memref<!tpu.dma_semaphore, #tpu.memory_space<semaphore_mem>>) src(%arg11 : memref<40x256xf32, #tpu.memory_space<vmem>>) dst(%dma_wait3A_1465 : memref<5120x256xf32, #tpu.memory_space<vmem_shared>>)
      %dma_start3A_1466 = arith.constant 17 : i32
      %dma_start3A_1467 = arith.constant 0 : i32
      %dma_start3A_1468 = tpu.memref_slice %arg7[%dma_start3A_1466, %dma_start3A_1467] : memref<32x40xi32, #tpu.memory_space<vmem>> -> memref<1x40xi32, #tpu.memory_space<vmem>>
      %dma_start3A_1469 = tpu.memref_squeeze %dma_start3A_1468 : memref<1x40xi32, #tpu.memory_space<vmem>> -> memref<40xi32, #tpu.memory_space<vmem>>
      %dma_start3A_1470 = arith.constant 0 : i32
      %dma_start3A_1471 = arith.constant 0 : i32
      %dma_start3A_1472 = tpu.memref_slice %arg2[%dma_start3A_1470, %dma_start3A_1471] : memref<10000x256xf32, #tpu.memory_space<hbm>> -> memref<10000x256xf32, #tpu.memory_space<hbm>>
      tpu.enqueue_indirect_dma source(%dma_start3A_1472 : memref<10000x256xf32, #tpu.memory_space<hbm>>) target(%arg11 : memref<40x256xf32, #tpu.memory_space<vmem>>) offsets(%dma_start3A_1469 : memref<40xi32, #tpu.memory_space<vmem>>) semaphore(%arg17 : memref<!tpu.dma_semaphore, #tpu.memory_space<semaphore_mem>>)
      %dma_wait3A_1473 = arith.constant 0 : i32
      %dma_wait3A_1474 = arith.constant 0 : i32
      %dma_wait3A_1475 = tpu.memref_slice %arg6[%dma_wait3A_1473, %dma_wait3A_1474] : memref<32x40xi32, #tpu.memory_space<vmem>> -> memref<1x40xi32, #tpu.memory_space<vmem>>
      %dma_wait3A_1476 = tpu.memref_squeeze %dma_wait3A_1475 : memref<1x40xi32, #tpu.memory_space<vmem>> -> memref<40xi32, #tpu.memory_space<vmem>>
      %dma_wait3A_1477 = arith.constant 0 : i32
      %dma_wait3A_1478 = arith.constant 0 : i32
      %dma_wait3A_1479 = tpu.memref_slice %arg2[%dma_wait3A_1477, %dma_wait3A_1478] : memref<10000x256xf32, #tpu.memory_space<hbm>> -> memref<10000x256xf32, #tpu.memory_space<hbm>>
      tpu.wait_indirect_dma semaphore(%arg19 : memref<!tpu.dma_semaphore, #tpu.memory_space<semaphore_mem>>) src(%dma_wait3A_1479 : memref<10000x256xf32, #tpu.memory_space<hbm>>) dst(%arg13 : memref<40x256xf32, #tpu.memory_space<vmem>>)
      %dma_start3A_1480 = arith.constant 15 : i32
      %dma_start3A_1481 = arith.constant 0 : i32
      %dma_start3A_1482 = tpu.memref_slice %arg9[%dma_start3A_1480, %dma_start3A_1481] : memref<32x40xi32, #tpu.memory_space<vmem>> -> memref<1x40xi32, #tpu.memory_space<vmem>>
      %dma_start3A_1483 = tpu.memref_squeeze %dma_start3A_1482 : memref<1x40xi32, #tpu.memory_space<vmem>> -> memref<40xi32, #tpu.memory_space<vmem>>
      %dma_start3A_1484 = arith.constant 0 : i32
      %dma_start3A_1485 = arith.constant 0 : i32
      %dma_start3A_1486 = tpu.memref_slice %arg14[%dma_start3A_1484, %dma_start3A_1485] : memref<5120x256xf32, #tpu.memory_space<vmem_shared>> -> memref<5120x256xf32, #tpu.memory_space<vmem_shared>>
      tpu.enqueue_indirect_dma source(%arg13 : memref<40x256xf32, #tpu.memory_space<vmem>>) target(%dma_start3A_1486 : memref<5120x256xf32, #tpu.memory_space<vmem_shared>>) offsets(%dma_start3A_1483 : memref<40xi32, #tpu.memory_space<vmem>>) semaphore(%arg23 : memref<!tpu.dma_semaphore, #tpu.memory_space<semaphore_mem>>) {add = true}
      %dma_wait3A_1487 = arith.constant 0 : i32
      %dma_wait3A_1488 = arith.constant 0 : i32
      %dma_wait3A_1489 = tpu.memref_slice %arg8[%dma_wait3A_1487, %dma_wait3A_1488] : memref<32x40xi32, #tpu.memory_space<vmem>> -> memref<1x40xi32, #tpu.memory_space<vmem>>
      %dma_wait3A_1490 = tpu.memref_squeeze %dma_wait3A_1489 : memref<1x40xi32, #tpu.memory_space<vmem>> -> memref<40xi32, #tpu.memory_space<vmem>>
      %dma_wait3A_1491 = arith.constant 0 : i32
      %dma_wait3A_1492 = arith.constant 0 : i32
      %dma_wait3A_1493 = tpu.memref_slice %arg14[%dma_wait3A_1491, %dma_wait3A_1492] : memref<5120x256xf32, #tpu.memory_space<vmem_shared>> -> memref<5120x256xf32, #tpu.memory_space<vmem_shared>>
      tpu.wait_indirect_dma semaphore(%arg22 : memref<!tpu.dma_semaphore, #tpu.memory_space<semaphore_mem>>) src(%arg12 : memref<40x256xf32, #tpu.memory_space<vmem>>) dst(%dma_wait3A_1493 : memref<5120x256xf32, #tpu.memory_space<vmem_shared>>)
      %dma_start3A_1494 = arith.constant 18 : i32
      %dma_start3A_1495 = arith.constant 0 : i32
      %dma_start3A_1496 = tpu.memref_slice %arg7[%dma_start3A_1494, %dma_start3A_1495] : memref<32x40xi32, #tpu.memory_space<vmem>> -> memref<1x40xi32, #tpu.memory_space<vmem>>
      %dma_start3A_1497 = tpu.memref_squeeze %dma_start3A_1496 : memref<1x40xi32, #tpu.memory_space<vmem>> -> memref<40xi32, #tpu.memory_space<vmem>>
      %dma_start3A_1498 = arith.constant 0 : i32
      %dma_start3A_1499 = arith.constant 0 : i32
      %dma_start3A_1500 = tpu.memref_slice %arg2[%dma_start3A_1498, %dma_start3A_1499] : memref<10000x256xf32, #tpu.memory_space<hbm>> -> memref<10000x256xf32, #tpu.memory_space<hbm>>
      tpu.enqueue_indirect_dma source(%dma_start3A_1500 : memref<10000x256xf32, #tpu.memory_space<hbm>>) target(%arg12 : memref<40x256xf32, #tpu.memory_space<vmem>>) offsets(%dma_start3A_1497 : memref<40xi32, #tpu.memory_space<vmem>>) semaphore(%arg18 : memref<!tpu.dma_semaphore, #tpu.memory_space<semaphore_mem>>)
      %dma_wait3A_1501 = arith.constant 0 : i32
      %dma_wait3A_1502 = arith.constant 0 : i32
      %dma_wait3A_1503 = tpu.memref_slice %arg6[%dma_wait3A_1501, %dma_wait3A_1502] : memref<32x40xi32, #tpu.memory_space<vmem>> -> memref<1x40xi32, #tpu.memory_space<vmem>>
      %dma_wait3A_1504 = tpu.memref_squeeze %dma_wait3A_1503 : memref<1x40xi32, #tpu.memory_space<vmem>> -> memref<40xi32, #tpu.memory_space<vmem>>
      %dma_wait3A_1505 = arith.constant 0 : i32
      %dma_wait3A_1506 = arith.constant 0 : i32
      %dma_wait3A_1507 = tpu.memref_slice %arg2[%dma_wait3A_1505, %dma_wait3A_1506] : memref<10000x256xf32, #tpu.memory_space<hbm>> -> memref<10000x256xf32, #tpu.memory_space<hbm>>
      tpu.wait_indirect_dma semaphore(%arg16 : memref<!tpu.dma_semaphore, #tpu.memory_space<semaphore_mem>>) src(%dma_wait3A_1507 : memref<10000x256xf32, #tpu.memory_space<hbm>>) dst(%arg10 : memref<40x256xf32, #tpu.memory_space<vmem>>)
      %dma_start3A_1508 = arith.constant 16 : i32
      %dma_start3A_1509 = arith.constant 0 : i32
      %dma_start3A_1510 = tpu.memref_slice %arg9[%dma_start3A_1508, %dma_start3A_1509] : memref<32x40xi32, #tpu.memory_space<vmem>> -> memref<1x40xi32, #tpu.memory_space<vmem>>
      %dma_start3A_1511 = tpu.memref_squeeze %dma_start3A_1510 : memref<1x40xi32, #tpu.memory_space<vmem>> -> memref<40xi32, #tpu.memory_space<vmem>>
      %dma_start3A_1512 = arith.constant 0 : i32
      %dma_start3A_1513 = arith.constant 0 : i32
      %dma_start3A_1514 = tpu.memref_slice %arg14[%dma_start3A_1512, %dma_start3A_1513] : memref<5120x256xf32, #tpu.memory_space<vmem_shared>> -> memref<5120x256xf32, #tpu.memory_space<vmem_shared>>
      tpu.enqueue_indirect_dma source(%arg10 : memref<40x256xf32, #tpu.memory_space<vmem>>) target(%dma_start3A_1514 : memref<5120x256xf32, #tpu.memory_space<vmem_shared>>) offsets(%dma_start3A_1511 : memref<40xi32, #tpu.memory_space<vmem>>) semaphore(%arg20 : memref<!tpu.dma_semaphore, #tpu.memory_space<semaphore_mem>>) {add = true}
      %dma_wait3A_1515 = arith.constant 0 : i32
      %dma_wait3A_1516 = arith.constant 0 : i32
      %dma_wait3A_1517 = tpu.memref_slice %arg8[%dma_wait3A_1515, %dma_wait3A_1516] : memref<32x40xi32, #tpu.memory_space<vmem>> -> memref<1x40xi32, #tpu.memory_space<vmem>>
      %dma_wait3A_1518 = tpu.memref_squeeze %dma_wait3A_1517 : memref<1x40xi32, #tpu.memory_space<vmem>> -> memref<40xi32, #tpu.memory_space<vmem>>
      %dma_wait3A_1519 = arith.constant 0 : i32
      %dma_wait3A_1520 = arith.constant 0 : i32
      %dma_wait3A_1521 = tpu.memref_slice %arg14[%dma_wait3A_1519, %dma_wait3A_1520] : memref<5120x256xf32, #tpu.memory_space<vmem_shared>> -> memref<5120x256xf32, #tpu.memory_space<vmem_shared>>
      tpu.wait_indirect_dma semaphore(%arg23 : memref<!tpu.dma_semaphore, #tpu.memory_space<semaphore_mem>>) src(%arg13 : memref<40x256xf32, #tpu.memory_space<vmem>>) dst(%dma_wait3A_1521 : memref<5120x256xf32, #tpu.memory_space<vmem_shared>>)
      %dma_start3A_1522 = arith.constant 19 : i32
      %dma_start3A_1523 = arith.constant 0 : i32
      %dma_start3A_1524 = tpu.memref_slice %arg7[%dma_start3A_1522, %dma_start3A_1523] : memref<32x40xi32, #tpu.memory_space<vmem>> -> memref<1x40xi32, #tpu.memory_space<vmem>>
      %dma_start3A_1525 = tpu.memref_squeeze %dma_start3A_1524 : memref<1x40xi32, #tpu.memory_space<vmem>> -> memref<40xi32, #tpu.memory_space<vmem>>
      %dma_start3A_1526 = arith.constant 0 : i32
      %dma_start3A_1527 = arith.constant 0 : i32
      %dma_start3A_1528 = tpu.memref_slice %arg2[%dma_start3A_1526, %dma_start3A_1527] : memref<10000x256xf32, #tpu.memory_space<hbm>> -> memref<10000x256xf32, #tpu.memory_space<hbm>>
      tpu.enqueue_indirect_dma source(%dma_start3A_1528 : memref<10000x256xf32, #tpu.memory_space<hbm>>) target(%arg13 : memref<40x256xf32, #tpu.memory_space<vmem>>) offsets(%dma_start3A_1525 : memref<40xi32, #tpu.memory_space<vmem>>) semaphore(%arg19 : memref<!tpu.dma_semaphore, #tpu.memory_space<semaphore_mem>>)
      %dma_wait3A_1529 = arith.constant 0 : i32
      %dma_wait3A_1530 = arith.constant 0 : i32
      %dma_wait3A_1531 = tpu.memref_slice %arg6[%dma_wait3A_1529, %dma_wait3A_1530] : memref<32x40xi32, #tpu.memory_space<vmem>> -> memref<1x40xi32, #tpu.memory_space<vmem>>
      %dma_wait3A_1532 = tpu.memref_squeeze %dma_wait3A_1531 : memref<1x40xi32, #tpu.memory_space<vmem>> -> memref<40xi32, #tpu.memory_space<vmem>>
      %dma_wait3A_1533 = arith.constant 0 : i32
      %dma_wait3A_1534 = arith.constant 0 : i32
      %dma_wait3A_1535 = tpu.memref_slice %arg2[%dma_wait3A_1533, %dma_wait3A_1534] : memref<10000x256xf32, #tpu.memory_space<hbm>> -> memref<10000x256xf32, #tpu.memory_space<hbm>>
      tpu.wait_indirect_dma semaphore(%arg17 : memref<!tpu.dma_semaphore, #tpu.memory_space<semaphore_mem>>) src(%dma_wait3A_1535 : memref<10000x256xf32, #tpu.memory_space<hbm>>) dst(%arg11 : memref<40x256xf32, #tpu.memory_space<vmem>>)
      %dma_start3A_1536 = arith.constant 17 : i32
      %dma_start3A_1537 = arith.constant 0 : i32
      %dma_start3A_1538 = tpu.memref_slice %arg9[%dma_start3A_1536, %dma_start3A_1537] : memref<32x40xi32, #tpu.memory_space<vmem>> -> memref<1x40xi32, #tpu.memory_space<vmem>>
      %dma_start3A_1539 = tpu.memref_squeeze %dma_start3A_1538 : memref<1x40xi32, #tpu.memory_space<vmem>> -> memref<40xi32, #tpu.memory_space<vmem>>
      %dma_start3A_1540 = arith.constant 0 : i32
      %dma_start3A_1541 = arith.constant 0 : i32
      %dma_start3A_1542 = tpu.memref_slice %arg14[%dma_start3A_1540, %dma_start3A_1541] : memref<5120x256xf32, #tpu.memory_space<vmem_shared>> -> memref<5120x256xf32, #tpu.memory_space<vmem_shared>>
      tpu.enqueue_indirect_dma source(%arg11 : memref<40x256xf32, #tpu.memory_space<vmem>>) target(%dma_start3A_1542 : memref<5120x256xf32, #tpu.memory_space<vmem_shared>>) offsets(%dma_start3A_1539 : memref<40xi32, #tpu.memory_space<vmem>>) semaphore(%arg21 : memref<!tpu.dma_semaphore, #tpu.memory_space<semaphore_mem>>) {add = true}
      %dma_wait3A_1543 = arith.constant 0 : i32
      %dma_wait3A_1544 = arith.constant 0 : i32
      %dma_wait3A_1545 = tpu.memref_slice %arg8[%dma_wait3A_1543, %dma_wait3A_1544] : memref<32x40xi32, #tpu.memory_space<vmem>> -> memref<1x40xi32, #tpu.memory_space<vmem>>
      %dma_wait3A_1546 = tpu.memref_squeeze %dma_wait3A_1545 : memref<1x40xi32, #tpu.memory_space<vmem>> -> memref<40xi32, #tpu.memory_space<vmem>>
      %dma_wait3A_1547 = arith.constant 0 : i32
      %dma_wait3A_1548 = arith.constant 0 : i32
      %dma_wait3A_1549 = tpu.memref_slice %arg14[%dma_wait3A_1547, %dma_wait3A_1548] : memref<5120x256xf32, #tpu.memory_space<vmem_shared>> -> memref<5120x256xf32, #tpu.memory_space<vmem_shared>>
      tpu.wait_indirect_dma semaphore(%arg20 : memref<!tpu.dma_semaphore, #tpu.memory_space<semaphore_mem>>) src(%arg10 : memref<40x256xf32, #tpu.memory_space<vmem>>) dst(%dma_wait3A_1549 : memref<5120x256xf32, #tpu.memory_space<vmem_shared>>)
      %dma_start3A_1550 = arith.constant 20 : i32
      %dma_start3A_1551 = arith.constant 0 : i32
      %dma_start3A_1552 = tpu.memref_slice %arg7[%dma_start3A_1550, %dma_start3A_1551] : memref<32x40xi32, #tpu.memory_space<vmem>> -> memref<1x40xi32, #tpu.memory_space<vmem>>
      %dma_start3A_1553 = tpu.memref_squeeze %dma_start3A_1552 : memref<1x40xi32, #tpu.memory_space<vmem>> -> memref<40xi32, #tpu.memory_space<vmem>>
      %dma_start3A_1554 = arith.constant 0 : i32
      %dma_start3A_1555 = arith.constant 0 : i32
      %dma_start3A_1556 = tpu.memref_slice %arg2[%dma_start3A_1554, %dma_start3A_1555] : memref<10000x256xf32, #tpu.memory_space<hbm>> -> memref<10000x256xf32, #tpu.memory_space<hbm>>
      tpu.enqueue_indirect_dma source(%dma_start3A_1556 : memref<10000x256xf32, #tpu.memory_space<hbm>>) target(%arg10 : memref<40x256xf32, #tpu.memory_space<vmem>>) offsets(%dma_start3A_1553 : memref<40xi32, #tpu.memory_space<vmem>>) semaphore(%arg16 : memref<!tpu.dma_semaphore, #tpu.memory_space<semaphore_mem>>)
      %dma_wait3A_1557 = arith.constant 0 : i32
      %dma_wait3A_1558 = arith.constant 0 : i32
      %dma_wait3A_1559 = tpu.memref_slice %arg6[%dma_wait3A_1557, %dma_wait3A_1558] : memref<32x40xi32, #tpu.memory_space<vmem>> -> memref<1x40xi32, #tpu.memory_space<vmem>>
      %dma_wait3A_1560 = tpu.memref_squeeze %dma_wait3A_1559 : memref<1x40xi32, #tpu.memory_space<vmem>> -> memref<40xi32, #tpu.memory_space<vmem>>
      %dma_wait3A_1561 = arith.constant 0 : i32
      %dma_wait3A_1562 = arith.constant 0 : i32
      %dma_wait3A_1563 = tpu.memref_slice %arg2[%dma_wait3A_1561, %dma_wait3A_1562] : memref<10000x256xf32, #tpu.memory_space<hbm>> -> memref<10000x256xf32, #tpu.memory_space<hbm>>
      tpu.wait_indirect_dma semaphore(%arg18 : memref<!tpu.dma_semaphore, #tpu.memory_space<semaphore_mem>>) src(%dma_wait3A_1563 : memref<10000x256xf32, #tpu.memory_space<hbm>>) dst(%arg12 : memref<40x256xf32, #tpu.memory_space<vmem>>)
      %dma_start3A_1564 = arith.constant 18 : i32
      %dma_start3A_1565 = arith.constant 0 : i32
      %dma_start3A_1566 = tpu.memref_slice %arg9[%dma_start3A_1564, %dma_start3A_1565] : memref<32x40xi32, #tpu.memory_space<vmem>> -> memref<1x40xi32, #tpu.memory_space<vmem>>
      %dma_start3A_1567 = tpu.memref_squeeze %dma_start3A_1566 : memref<1x40xi32, #tpu.memory_space<vmem>> -> memref<40xi32, #tpu.memory_space<vmem>>
      %dma_start3A_1568 = arith.constant 0 : i32
      %dma_start3A_1569 = arith.constant 0 : i32
      %dma_start3A_1570 = tpu.memref_slice %arg14[%dma_start3A_1568, %dma_start3A_1569] : memref<5120x256xf32, #tpu.memory_space<vmem_shared>> -> memref<5120x256xf32, #tpu.memory_space<vmem_shared>>
      tpu.enqueue_indirect_dma source(%arg12 : memref<40x256xf32, #tpu.memory_space<vmem>>) target(%dma_start3A_1570 : memref<5120x256xf32, #tpu.memory_space<vmem_shared>>) offsets(%dma_start3A_1567 : memref<40xi32, #tpu.memory_space<vmem>>) semaphore(%arg22 : memref<!tpu.dma_semaphore, #tpu.memory_space<semaphore_mem>>) {add = true}
      %dma_wait3A_1571 = arith.constant 0 : i32
      %dma_wait3A_1572 = arith.constant 0 : i32
      %dma_wait3A_1573 = tpu.memref_slice %arg8[%dma_wait3A_1571, %dma_wait3A_1572] : memref<32x40xi32, #tpu.memory_space<vmem>> -> memref<1x40xi32, #tpu.memory_space<vmem>>
      %dma_wait3A_1574 = tpu.memref_squeeze %dma_wait3A_1573 : memref<1x40xi32, #tpu.memory_space<vmem>> -> memref<40xi32, #tpu.memory_space<vmem>>
      %dma_wait3A_1575 = arith.constant 0 : i32
      %dma_wait3A_1576 = arith.constant 0 : i32
      %dma_wait3A_1577 = tpu.memref_slice %arg14[%dma_wait3A_1575, %dma_wait3A_1576] : memref<5120x256xf32, #tpu.memory_space<vmem_shared>> -> memref<5120x256xf32, #tpu.memory_space<vmem_shared>>
      tpu.wait_indirect_dma semaphore(%arg21 : memref<!tpu.dma_semaphore, #tpu.memory_space<semaphore_mem>>) src(%arg11 : memref<40x256xf32, #tpu.memory_space<vmem>>) dst(%dma_wait3A_1577 : memref<5120x256xf32, #tpu.memory_space<vmem_shared>>)
      %dma_start3A_1578 = arith.constant 21 : i32
      %dma_start3A_1579 = arith.constant 0 : i32
      %dma_start3A_1580 = tpu.memref_slice %arg7[%dma_start3A_1578, %dma_start3A_1579] : memref<32x40xi32, #tpu.memory_space<vmem>> -> memref<1x40xi32, #tpu.memory_space<vmem>>
      %dma_start3A_1581 = tpu.memref_squeeze %dma_start3A_1580 : memref<1x40xi32, #tpu.memory_space<vmem>> -> memref<40xi32, #tpu.memory_space<vmem>>
      %dma_start3A_1582 = arith.constant 0 : i32
      %dma_start3A_1583 = arith.constant 0 : i32
      %dma_start3A_1584 = tpu.memref_slice %arg2[%dma_start3A_1582, %dma_start3A_1583] : memref<10000x256xf32, #tpu.memory_space<hbm>> -> memref<10000x256xf32, #tpu.memory_space<hbm>>
      tpu.enqueue_indirect_dma source(%dma_start3A_1584 : memref<10000x256xf32, #tpu.memory_space<hbm>>) target(%arg11 : memref<40x256xf32, #tpu.memory_space<vmem>>) offsets(%dma_start3A_1581 : memref<40xi32, #tpu.memory_space<vmem>>) semaphore(%arg17 : memref<!tpu.dma_semaphore, #tpu.memory_space<semaphore_mem>>)
      %dma_wait3A_1585 = arith.constant 0 : i32
      %dma_wait3A_1586 = arith.constant 0 : i32
      %dma_wait3A_1587 = tpu.memref_slice %arg6[%dma_wait3A_1585, %dma_wait3A_1586] : memref<32x40xi32, #tpu.memory_space<vmem>> -> memref<1x40xi32, #tpu.memory_space<vmem>>
      %dma_wait3A_1588 = tpu.memref_squeeze %dma_wait3A_1587 : memref<1x40xi32, #tpu.memory_space<vmem>> -> memref<40xi32, #tpu.memory_space<vmem>>
      %dma_wait3A_1589 = arith.constant 0 : i32
      %dma_wait3A_1590 = arith.constant 0 : i32
      %dma_wait3A_1591 = tpu.memref_slice %arg2[%dma_wait3A_1589, %dma_wait3A_1590] : memref<10000x256xf32, #tpu.memory_space<hbm>> -> memref<10000x256xf32, #tpu.memory_space<hbm>>
      tpu.wait_indirect_dma semaphore(%arg19 : memref<!tpu.dma_semaphore, #tpu.memory_space<semaphore_mem>>) src(%dma_wait3A_1591 : memref<10000x256xf32, #tpu.memory_space<hbm>>) dst(%arg13 : memref<40x256xf32, #tpu.memory_space<vmem>>)
      %dma_start3A_1592 = arith.constant 19 : i32
      %dma_start3A_1593 = arith.constant 0 : i32
      %dma_start3A_1594 = tpu.memref_slice %arg9[%dma_start3A_1592, %dma_start3A_1593] : memref<32x40xi32, #tpu.memory_space<vmem>> -> memref<1x40xi32, #tpu.memory_space<vmem>>
      %dma_start3A_1595 = tpu.memref_squeeze %dma_start3A_1594 : memref<1x40xi32, #tpu.memory_space<vmem>> -> memref<40xi32, #tpu.memory_space<vmem>>
      %dma_start3A_1596 = arith.constant 0 : i32
      %dma_start3A_1597 = arith.constant 0 : i32
      %dma_start3A_1598 = tpu.memref_slice %arg14[%dma_start3A_1596, %dma_start3A_1597] : memref<5120x256xf32, #tpu.memory_space<vmem_shared>> -> memref<5120x256xf32, #tpu.memory_space<vmem_shared>>
      tpu.enqueue_indirect_dma source(%arg13 : memref<40x256xf32, #tpu.memory_space<vmem>>) target(%dma_start3A_1598 : memref<5120x256xf32, #tpu.memory_space<vmem_shared>>) offsets(%dma_start3A_1595 : memref<40xi32, #tpu.memory_space<vmem>>) semaphore(%arg23 : memref<!tpu.dma_semaphore, #tpu.memory_space<semaphore_mem>>) {add = true}
      %dma_wait3A_1599 = arith.constant 0 : i32
      %dma_wait3A_1600 = arith.constant 0 : i32
      %dma_wait3A_1601 = tpu.memref_slice %arg8[%dma_wait3A_1599, %dma_wait3A_1600] : memref<32x40xi32, #tpu.memory_space<vmem>> -> memref<1x40xi32, #tpu.memory_space<vmem>>
      %dma_wait3A_1602 = tpu.memref_squeeze %dma_wait3A_1601 : memref<1x40xi32, #tpu.memory_space<vmem>> -> memref<40xi32, #tpu.memory_space<vmem>>
      %dma_wait3A_1603 = arith.constant 0 : i32
      %dma_wait3A_1604 = arith.constant 0 : i32
      %dma_wait3A_1605 = tpu.memref_slice %arg14[%dma_wait3A_1603, %dma_wait3A_1604] : memref<5120x256xf32, #tpu.memory_space<vmem_shared>> -> memref<5120x256xf32, #tpu.memory_space<vmem_shared>>
      tpu.wait_indirect_dma semaphore(%arg22 : memref<!tpu.dma_semaphore, #tpu.memory_space<semaphore_mem>>) src(%arg12 : memref<40x256xf32, #tpu.memory_space<vmem>>) dst(%dma_wait3A_1605 : memref<5120x256xf32, #tpu.memory_space<vmem_shared>>)
      %dma_start3A_1606 = arith.constant 22 : i32
      %dma_start3A_1607 = arith.constant 0 : i32
      %dma_start3A_1608 = tpu.memref_slice %arg7[%dma_start3A_1606, %dma_start3A_1607] : memref<32x40xi32, #tpu.memory_space<vmem>> -> memref<1x40xi32, #tpu.memory_space<vmem>>
      %dma_start3A_1609 = tpu.memref_squeeze %dma_start3A_1608 : memref<1x40xi32, #tpu.memory_space<vmem>> -> memref<40xi32, #tpu.memory_space<vmem>>
      %dma_start3A_1610 = arith.constant 0 : i32
      %dma_start3A_1611 = arith.constant 0 : i32
      %dma_start3A_1612 = tpu.memref_slice %arg2[%dma_start3A_1610, %dma_start3A_1611] : memref<10000x256xf32, #tpu.memory_space<hbm>> -> memref<10000x256xf32, #tpu.memory_space<hbm>>
      tpu.enqueue_indirect_dma source(%dma_start3A_1612 : memref<10000x256xf32, #tpu.memory_space<hbm>>) target(%arg12 : memref<40x256xf32, #tpu.memory_space<vmem>>) offsets(%dma_start3A_1609 : memref<40xi32, #tpu.memory_space<vmem>>) semaphore(%arg18 : memref<!tpu.dma_semaphore, #tpu.memory_space<semaphore_mem>>)
      %dma_wait3A_1613 = arith.constant 0 : i32
      %dma_wait3A_1614 = arith.constant 0 : i32
      %dma_wait3A_1615 = tpu.memref_slice %arg6[%dma_wait3A_1613, %dma_wait3A_1614] : memref<32x40xi32, #tpu.memory_space<vmem>> -> memref<1x40xi32, #tpu.memory_space<vmem>>
      %dma_wait3A_1616 = tpu.memref_squeeze %dma_wait3A_1615 : memref<1x40xi32, #tpu.memory_space<vmem>> -> memref<40xi32, #tpu.memory_space<vmem>>
      %dma_wait3A_1617 = arith.constant 0 : i32
      %dma_wait3A_1618 = arith.constant 0 : i32
      %dma_wait3A_1619 = tpu.memref_slice %arg2[%dma_wait3A_1617, %dma_wait3A_1618] : memref<10000x256xf32, #tpu.memory_space<hbm>> -> memref<10000x256xf32, #tpu.memory_space<hbm>>
      tpu.wait_indirect_dma semaphore(%arg16 : memref<!tpu.dma_semaphore, #tpu.memory_space<semaphore_mem>>) src(%dma_wait3A_1619 : memref<10000x256xf32, #tpu.memory_space<hbm>>) dst(%arg10 : memref<40x256xf32, #tpu.memory_space<vmem>>)
      %dma_start3A_1620 = arith.constant 20 : i32
      %dma_start3A_1621 = arith.constant 0 : i32
      %dma_start3A_1622 = tpu.memref_slice %arg9[%dma_start3A_1620, %dma_start3A_1621] : memref<32x40xi32, #tpu.memory_space<vmem>> -> memref<1x40xi32, #tpu.memory_space<vmem>>
      %dma_start3A_1623 = tpu.memref_squeeze %dma_start3A_1622 : memref<1x40xi32, #tpu.memory_space<vmem>> -> memref<40xi32, #tpu.memory_space<vmem>>
      %dma_start3A_1624 = arith.constant 0 : i32
      %dma_start3A_1625 = arith.constant 0 : i32
      %dma_start3A_1626 = tpu.memref_slice %arg14[%dma_start3A_1624, %dma_start3A_1625] : memref<5120x256xf32, #tpu.memory_space<vmem_shared>> -> memref<5120x256xf32, #tpu.memory_space<vmem_shared>>
      tpu.enqueue_indirect_dma source(%arg10 : memref<40x256xf32, #tpu.memory_space<vmem>>) target(%dma_start3A_1626 : memref<5120x256xf32, #tpu.memory_space<vmem_shared>>) offsets(%dma_start3A_1623 : memref<40xi32, #tpu.memory_space<vmem>>) semaphore(%arg20 : memref<!tpu.dma_semaphore, #tpu.memory_space<semaphore_mem>>) {add = true}
      %dma_wait3A_1627 = arith.constant 0 : i32
      %dma_wait3A_1628 = arith.constant 0 : i32
      %dma_wait3A_1629 = tpu.memref_slice %arg8[%dma_wait3A_1627, %dma_wait3A_1628] : memref<32x40xi32, #tpu.memory_space<vmem>> -> memref<1x40xi32, #tpu.memory_space<vmem>>
      %dma_wait3A_1630 = tpu.memref_squeeze %dma_wait3A_1629 : memref<1x40xi32, #tpu.memory_space<vmem>> -> memref<40xi32, #tpu.memory_space<vmem>>
      %dma_wait3A_1631 = arith.constant 0 : i32
      %dma_wait3A_1632 = arith.constant 0 : i32
      %dma_wait3A_1633 = tpu.memref_slice %arg14[%dma_wait3A_1631, %dma_wait3A_1632] : memref<5120x256xf32, #tpu.memory_space<vmem_shared>> -> memref<5120x256xf32, #tpu.memory_space<vmem_shared>>
      tpu.wait_indirect_dma semaphore(%arg23 : memref<!tpu.dma_semaphore, #tpu.memory_space<semaphore_mem>>) src(%arg13 : memref<40x256xf32, #tpu.memory_space<vmem>>) dst(%dma_wait3A_1633 : memref<5120x256xf32, #tpu.memory_space<vmem_shared>>)
      %dma_start3A_1634 = arith.constant 23 : i32
      %dma_start3A_1635 = arith.constant 0 : i32
      %dma_start3A_1636 = tpu.memref_slice %arg7[%dma_start3A_1634, %dma_start3A_1635] : memref<32x40xi32, #tpu.memory_space<vmem>> -> memref<1x40xi32, #tpu.memory_space<vmem>>
      %dma_start3A_1637 = tpu.memref_squeeze %dma_start3A_1636 : memref<1x40xi32, #tpu.memory_space<vmem>> -> memref<40xi32, #tpu.memory_space<vmem>>
      %dma_start3A_1638 = arith.constant 0 : i32
      %dma_start3A_1639 = arith.constant 0 : i32
      %dma_start3A_1640 = tpu.memref_slice %arg2[%dma_start3A_1638, %dma_start3A_1639] : memref<10000x256xf32, #tpu.memory_space<hbm>> -> memref<10000x256xf32, #tpu.memory_space<hbm>>
      tpu.enqueue_indirect_dma source(%dma_start3A_1640 : memref<10000x256xf32, #tpu.memory_space<hbm>>) target(%arg13 : memref<40x256xf32, #tpu.memory_space<vmem>>) offsets(%dma_start3A_1637 : memref<40xi32, #tpu.memory_space<vmem>>) semaphore(%arg19 : memref<!tpu.dma_semaphore, #tpu.memory_space<semaphore_mem>>)
      %dma_wait3A_1641 = arith.constant 0 : i32
      %dma_wait3A_1642 = arith.constant 0 : i32
      %dma_wait3A_1643 = tpu.memref_slice %arg6[%dma_wait3A_1641, %dma_wait3A_1642] : memref<32x40xi32, #tpu.memory_space<vmem>> -> memref<1x40xi32, #tpu.memory_space<vmem>>
      %dma_wait3A_1644 = tpu.memref_squeeze %dma_wait3A_1643 : memref<1x40xi32, #tpu.memory_space<vmem>> -> memref<40xi32, #tpu.memory_space<vmem>>
      %dma_wait3A_1645 = arith.constant 0 : i32
      %dma_wait3A_1646 = arith.constant 0 : i32
      %dma_wait3A_1647 = tpu.memref_slice %arg2[%dma_wait3A_1645, %dma_wait3A_1646] : memref<10000x256xf32, #tpu.memory_space<hbm>> -> memref<10000x256xf32, #tpu.memory_space<hbm>>
      tpu.wait_indirect_dma semaphore(%arg17 : memref<!tpu.dma_semaphore, #tpu.memory_space<semaphore_mem>>) src(%dma_wait3A_1647 : memref<10000x256xf32, #tpu.memory_space<hbm>>) dst(%arg11 : memref<40x256xf32, #tpu.memory_space<vmem>>)
      %dma_start3A_1648 = arith.constant 21 : i32
      %dma_start3A_1649 = arith.constant 0 : i32
      %dma_start3A_1650 = tpu.memref_slice %arg9[%dma_start3A_1648, %dma_start3A_1649] : memref<32x40xi32, #tpu.memory_space<vmem>> -> memref<1x40xi32, #tpu.memory_space<vmem>>
      %dma_start3A_1651 = tpu.memref_squeeze %dma_start3A_1650 : memref<1x40xi32, #tpu.memory_space<vmem>> -> memref<40xi32, #tpu.memory_space<vmem>>
      %dma_start3A_1652 = arith.constant 0 : i32
      %dma_start3A_1653 = arith.constant 0 : i32
      %dma_start3A_1654 = tpu.memref_slice %arg14[%dma_start3A_1652, %dma_start3A_1653] : memref<5120x256xf32, #tpu.memory_space<vmem_shared>> -> memref<5120x256xf32, #tpu.memory_space<vmem_shared>>
      tpu.enqueue_indirect_dma source(%arg11 : memref<40x256xf32, #tpu.memory_space<vmem>>) target(%dma_start3A_1654 : memref<5120x256xf32, #tpu.memory_space<vmem_shared>>) offsets(%dma_start3A_1651 : memref<40xi32, #tpu.memory_space<vmem>>) semaphore(%arg21 : memref<!tpu.dma_semaphore, #tpu.memory_space<semaphore_mem>>) {add = true}
      %dma_wait3A_1655 = arith.constant 0 : i32
      %dma_wait3A_1656 = arith.constant 0 : i32
      %dma_wait3A_1657 = tpu.memref_slice %arg8[%dma_wait3A_1655, %dma_wait3A_1656] : memref<32x40xi32, #tpu.memory_space<vmem>> -> memref<1x40xi32, #tpu.memory_space<vmem>>
      %dma_wait3A_1658 = tpu.memref_squeeze %dma_wait3A_1657 : memref<1x40xi32, #tpu.memory_space<vmem>> -> memref<40xi32, #tpu.memory_space<vmem>>
      %dma_wait3A_1659 = arith.constant 0 : i32
      %dma_wait3A_1660 = arith.constant 0 : i32
      %dma_wait3A_1661 = tpu.memref_slice %arg14[%dma_wait3A_1659, %dma_wait3A_1660] : memref<5120x256xf32, #tpu.memory_space<vmem_shared>> -> memref<5120x256xf32, #tpu.memory_space<vmem_shared>>
      tpu.wait_indirect_dma semaphore(%arg20 : memref<!tpu.dma_semaphore, #tpu.memory_space<semaphore_mem>>) src(%arg10 : memref<40x256xf32, #tpu.memory_space<vmem>>) dst(%dma_wait3A_1661 : memref<5120x256xf32, #tpu.memory_space<vmem_shared>>)
      %dma_start3A_1662 = arith.constant 24 : i32
      %dma_start3A_1663 = arith.constant 0 : i32
      %dma_start3A_1664 = tpu.memref_slice %arg7[%dma_start3A_1662, %dma_start3A_1663] : memref<32x40xi32, #tpu.memory_space<vmem>> -> memref<1x40xi32, #tpu.memory_space<vmem>>
      %dma_start3A_1665 = tpu.memref_squeeze %dma_start3A_1664 : memref<1x40xi32, #tpu.memory_space<vmem>> -> memref<40xi32, #tpu.memory_space<vmem>>
      %dma_start3A_1666 = arith.constant 0 : i32
      %dma_start3A_1667 = arith.constant 0 : i32
      %dma_start3A_1668 = tpu.memref_slice %arg2[%dma_start3A_1666, %dma_start3A_1667] : memref<10000x256xf32, #tpu.memory_space<hbm>> -> memref<10000x256xf32, #tpu.memory_space<hbm>>
      tpu.enqueue_indirect_dma source(%dma_start3A_1668 : memref<10000x256xf32, #tpu.memory_space<hbm>>) target(%arg10 : memref<40x256xf32, #tpu.memory_space<vmem>>) offsets(%dma_start3A_1665 : memref<40xi32, #tpu.memory_space<vmem>>) semaphore(%arg16 : memref<!tpu.dma_semaphore, #tpu.memory_space<semaphore_mem>>)
      %dma_wait3A_1669 = arith.constant 0 : i32
      %dma_wait3A_1670 = arith.constant 0 : i32
      %dma_wait3A_1671 = tpu.memref_slice %arg6[%dma_wait3A_1669, %dma_wait3A_1670] : memref<32x40xi32, #tpu.memory_space<vmem>> -> memref<1x40xi32, #tpu.memory_space<vmem>>
      %dma_wait3A_1672 = tpu.memref_squeeze %dma_wait3A_1671 : memref<1x40xi32, #tpu.memory_space<vmem>> -> memref<40xi32, #tpu.memory_space<vmem>>
      %dma_wait3A_1673 = arith.constant 0 : i32
      %dma_wait3A_1674 = arith.constant 0 : i32
      %dma_wait3A_1675 = tpu.memref_slice %arg2[%dma_wait3A_1673, %dma_wait3A_1674] : memref<10000x256xf32, #tpu.memory_space<hbm>> -> memref<10000x256xf32, #tpu.memory_space<hbm>>
      tpu.wait_indirect_dma semaphore(%arg18 : memref<!tpu.dma_semaphore, #tpu.memory_space<semaphore_mem>>) src(%dma_wait3A_1675 : memref<10000x256xf32, #tpu.memory_space<hbm>>) dst(%arg12 : memref<40x256xf32, #tpu.memory_space<vmem>>)
      %dma_start3A_1676 = arith.constant 22 : i32
      %dma_start3A_1677 = arith.constant 0 : i32
      %dma_start3A_1678 = tpu.memref_slice %arg9[%dma_start3A_1676, %dma_start3A_1677] : memref<32x40xi32, #tpu.memory_space<vmem>> -> memref<1x40xi32, #tpu.memory_space<vmem>>
      %dma_start3A_1679 = tpu.memref_squeeze %dma_start3A_1678 : memref<1x40xi32, #tpu.memory_space<vmem>> -> memref<40xi32, #tpu.memory_space<vmem>>
      %dma_start3A_1680 = arith.constant 0 : i32
      %dma_start3A_1681 = arith.constant 0 : i32
      %dma_start3A_1682 = tpu.memref_slice %arg14[%dma_start3A_1680, %dma_start3A_1681] : memref<5120x256xf32, #tpu.memory_space<vmem_shared>> -> memref<5120x256xf32, #tpu.memory_space<vmem_shared>>
      tpu.enqueue_indirect_dma source(%arg12 : memref<40x256xf32, #tpu.memory_space<vmem>>) target(%dma_start3A_1682 : memref<5120x256xf32, #tpu.memory_space<vmem_shared>>) offsets(%dma_start3A_1679 : memref<40xi32, #tpu.memory_space<vmem>>) semaphore(%arg22 : memref<!tpu.dma_semaphore, #tpu.memory_space<semaphore_mem>>) {add = true}
      %dma_wait3A_1683 = arith.constant 0 : i32
      %dma_wait3A_1684 = arith.constant 0 : i32
      %dma_wait3A_1685 = tpu.memref_slice %arg8[%dma_wait3A_1683, %dma_wait3A_1684] : memref<32x40xi32, #tpu.memory_space<vmem>> -> memref<1x40xi32, #tpu.memory_space<vmem>>
      %dma_wait3A_1686 = tpu.memref_squeeze %dma_wait3A_1685 : memref<1x40xi32, #tpu.memory_space<vmem>> -> memref<40xi32, #tpu.memory_space<vmem>>
      %dma_wait3A_1687 = arith.constant 0 : i32
      %dma_wait3A_1688 = arith.constant 0 : i32
      %dma_wait3A_1689 = tpu.memref_slice %arg14[%dma_wait3A_1687, %dma_wait3A_1688] : memref<5120x256xf32, #tpu.memory_space<vmem_shared>> -> memref<5120x256xf32, #tpu.memory_space<vmem_shared>>
      tpu.wait_indirect_dma semaphore(%arg21 : memref<!tpu.dma_semaphore, #tpu.memory_space<semaphore_mem>>) src(%arg11 : memref<40x256xf32, #tpu.memory_space<vmem>>) dst(%dma_wait3A_1689 : memref<5120x256xf32, #tpu.memory_space<vmem_shared>>)
      %dma_start3A_1690 = arith.constant 25 : i32
      %dma_start3A_1691 = arith.constant 0 : i32
      %dma_start3A_1692 = tpu.memref_slice %arg7[%dma_start3A_1690, %dma_start3A_1691] : memref<32x40xi32, #tpu.memory_space<vmem>> -> memref<1x40xi32, #tpu.memory_space<vmem>>
      %dma_start3A_1693 = tpu.memref_squeeze %dma_start3A_1692 : memref<1x40xi32, #tpu.memory_space<vmem>> -> memref<40xi32, #tpu.memory_space<vmem>>
      %dma_start3A_1694 = arith.constant 0 : i32
      %dma_start3A_1695 = arith.constant 0 : i32
      %dma_start3A_1696 = tpu.memref_slice %arg2[%dma_start3A_1694, %dma_start3A_1695] : memref<10000x256xf32, #tpu.memory_space<hbm>> -> memref<10000x256xf32, #tpu.memory_space<hbm>>
      tpu.enqueue_indirect_dma source(%dma_start3A_1696 : memref<10000x256xf32, #tpu.memory_space<hbm>>) target(%arg11 : memref<40x256xf32, #tpu.memory_space<vmem>>) offsets(%dma_start3A_1693 : memref<40xi32, #tpu.memory_space<vmem>>) semaphore(%arg17 : memref<!tpu.dma_semaphore, #tpu.memory_space<semaphore_mem>>)
      %dma_wait3A_1697 = arith.constant 0 : i32
      %dma_wait3A_1698 = arith.constant 0 : i32
      %dma_wait3A_1699 = tpu.memref_slice %arg6[%dma_wait3A_1697, %dma_wait3A_1698] : memref<32x40xi32, #tpu.memory_space<vmem>> -> memref<1x40xi32, #tpu.memory_space<vmem>>
      %dma_wait3A_1700 = tpu.memref_squeeze %dma_wait3A_1699 : memref<1x40xi32, #tpu.memory_space<vmem>> -> memref<40xi32, #tpu.memory_space<vmem>>
      %dma_wait3A_1701 = arith.constant 0 : i32
      %dma_wait3A_1702 = arith.constant 0 : i32
      %dma_wait3A_1703 = tpu.memref_slice %arg2[%dma_wait3A_1701, %dma_wait3A_1702] : memref<10000x256xf32, #tpu.memory_space<hbm>> -> memref<10000x256xf32, #tpu.memory_space<hbm>>
      tpu.wait_indirect_dma semaphore(%arg19 : memref<!tpu.dma_semaphore, #tpu.memory_space<semaphore_mem>>) src(%dma_wait3A_1703 : memref<10000x256xf32, #tpu.memory_space<hbm>>) dst(%arg13 : memref<40x256xf32, #tpu.memory_space<vmem>>)
      %dma_start3A_1704 = arith.constant 23 : i32
      %dma_start3A_1705 = arith.constant 0 : i32
      %dma_start3A_1706 = tpu.memref_slice %arg9[%dma_start3A_1704, %dma_start3A_1705] : memref<32x40xi32, #tpu.memory_space<vmem>> -> memref<1x40xi32, #tpu.memory_space<vmem>>
      %dma_start3A_1707 = tpu.memref_squeeze %dma_start3A_1706 : memref<1x40xi32, #tpu.memory_space<vmem>> -> memref<40xi32, #tpu.memory_space<vmem>>
      %dma_start3A_1708 = arith.constant 0 : i32
      %dma_start3A_1709 = arith.constant 0 : i32
      %dma_start3A_1710 = tpu.memref_slice %arg14[%dma_start3A_1708, %dma_start3A_1709] : memref<5120x256xf32, #tpu.memory_space<vmem_shared>> -> memref<5120x256xf32, #tpu.memory_space<vmem_shared>>
      tpu.enqueue_indirect_dma source(%arg13 : memref<40x256xf32, #tpu.memory_space<vmem>>) target(%dma_start3A_1710 : memref<5120x256xf32, #tpu.memory_space<vmem_shared>>) offsets(%dma_start3A_1707 : memref<40xi32, #tpu.memory_space<vmem>>) semaphore(%arg23 : memref<!tpu.dma_semaphore, #tpu.memory_space<semaphore_mem>>) {add = true}
      %dma_wait3A_1711 = arith.constant 0 : i32
      %dma_wait3A_1712 = arith.constant 0 : i32
      %dma_wait3A_1713 = tpu.memref_slice %arg8[%dma_wait3A_1711, %dma_wait3A_1712] : memref<32x40xi32, #tpu.memory_space<vmem>> -> memref<1x40xi32, #tpu.memory_space<vmem>>
      %dma_wait3A_1714 = tpu.memref_squeeze %dma_wait3A_1713 : memref<1x40xi32, #tpu.memory_space<vmem>> -> memref<40xi32, #tpu.memory_space<vmem>>
      %dma_wait3A_1715 = arith.constant 0 : i32
      %dma_wait3A_1716 = arith.constant 0 : i32
      %dma_wait3A_1717 = tpu.memref_slice %arg14[%dma_wait3A_1715, %dma_wait3A_1716] : memref<5120x256xf32, #tpu.memory_space<vmem_shared>> -> memref<5120x256xf32, #tpu.memory_space<vmem_shared>>
      tpu.wait_indirect_dma semaphore(%arg22 : memref<!tpu.dma_semaphore, #tpu.memory_space<semaphore_mem>>) src(%arg12 : memref<40x256xf32, #tpu.memory_space<vmem>>) dst(%dma_wait3A_1717 : memref<5120x256xf32, #tpu.memory_space<vmem_shared>>)
      %dma_start3A_1718 = arith.constant 26 : i32
      %dma_start3A_1719 = arith.constant 0 : i32
      %dma_start3A_1720 = tpu.memref_slice %arg7[%dma_start3A_1718, %dma_start3A_1719] : memref<32x40xi32, #tpu.memory_space<vmem>> -> memref<1x40xi32, #tpu.memory_space<vmem>>
      %dma_start3A_1721 = tpu.memref_squeeze %dma_start3A_1720 : memref<1x40xi32, #tpu.memory_space<vmem>> -> memref<40xi32, #tpu.memory_space<vmem>>
      %dma_start3A_1722 = arith.constant 0 : i32
      %dma_start3A_1723 = arith.constant 0 : i32
      %dma_start3A_1724 = tpu.memref_slice %arg2[%dma_start3A_1722, %dma_start3A_1723] : memref<10000x256xf32, #tpu.memory_space<hbm>> -> memref<10000x256xf32, #tpu.memory_space<hbm>>
      tpu.enqueue_indirect_dma source(%dma_start3A_1724 : memref<10000x256xf32, #tpu.memory_space<hbm>>) target(%arg12 : memref<40x256xf32, #tpu.memory_space<vmem>>) offsets(%dma_start3A_1721 : memref<40xi32, #tpu.memory_space<vmem>>) semaphore(%arg18 : memref<!tpu.dma_semaphore, #tpu.memory_space<semaphore_mem>>)
      %dma_wait3A_1725 = arith.constant 0 : i32
      %dma_wait3A_1726 = arith.constant 0 : i32
      %dma_wait3A_1727 = tpu.memref_slice %arg6[%dma_wait3A_1725, %dma_wait3A_1726] : memref<32x40xi32, #tpu.memory_space<vmem>> -> memref<1x40xi32, #tpu.memory_space<vmem>>
      %dma_wait3A_1728 = tpu.memref_squeeze %dma_wait3A_1727 : memref<1x40xi32, #tpu.memory_space<vmem>> -> memref<40xi32, #tpu.memory_space<vmem>>
      %dma_wait3A_1729 = arith.constant 0 : i32
      %dma_wait3A_1730 = arith.constant 0 : i32
      %dma_wait3A_1731 = tpu.memref_slice %arg2[%dma_wait3A_1729, %dma_wait3A_1730] : memref<10000x256xf32, #tpu.memory_space<hbm>> -> memref<10000x256xf32, #tpu.memory_space<hbm>>
      tpu.wait_indirect_dma semaphore(%arg16 : memref<!tpu.dma_semaphore, #tpu.memory_space<semaphore_mem>>) src(%dma_wait3A_1731 : memref<10000x256xf32, #tpu.memory_space<hbm>>) dst(%arg10 : memref<40x256xf32, #tpu.memory_space<vmem>>)
      %dma_start3A_1732 = arith.constant 24 : i32
      %dma_start3A_1733 = arith.constant 0 : i32
      %dma_start3A_1734 = tpu.memref_slice %arg9[%dma_start3A_1732, %dma_start3A_1733] : memref<32x40xi32, #tpu.memory_space<vmem>> -> memref<1x40xi32, #tpu.memory_space<vmem>>
      %dma_start3A_1735 = tpu.memref_squeeze %dma_start3A_1734 : memref<1x40xi32, #tpu.memory_space<vmem>> -> memref<40xi32, #tpu.memory_space<vmem>>
      %dma_start3A_1736 = arith.constant 0 : i32
      %dma_start3A_1737 = arith.constant 0 : i32
      %dma_start3A_1738 = tpu.memref_slice %arg14[%dma_start3A_1736, %dma_start3A_1737] : memref<5120x256xf32, #tpu.memory_space<vmem_shared>> -> memref<5120x256xf32, #tpu.memory_space<vmem_shared>>
      tpu.enqueue_indirect_dma source(%arg10 : memref<40x256xf32, #tpu.memory_space<vmem>>) target(%dma_start3A_1738 : memref<5120x256xf32, #tpu.memory_space<vmem_shared>>) offsets(%dma_start3A_1735 : memref<40xi32, #tpu.memory_space<vmem>>) semaphore(%arg20 : memref<!tpu.dma_semaphore, #tpu.memory_space<semaphore_mem>>) {add = true}
      %dma_wait3A_1739 = arith.constant 0 : i32
      %dma_wait3A_1740 = arith.constant 0 : i32
      %dma_wait3A_1741 = tpu.memref_slice %arg8[%dma_wait3A_1739, %dma_wait3A_1740] : memref<32x40xi32, #tpu.memory_space<vmem>> -> memref<1x40xi32, #tpu.memory_space<vmem>>
      %dma_wait3A_1742 = tpu.memref_squeeze %dma_wait3A_1741 : memref<1x40xi32, #tpu.memory_space<vmem>> -> memref<40xi32, #tpu.memory_space<vmem>>
      %dma_wait3A_1743 = arith.constant 0 : i32
      %dma_wait3A_1744 = arith.constant 0 : i32
      %dma_wait3A_1745 = tpu.memref_slice %arg14[%dma_wait3A_1743, %dma_wait3A_1744] : memref<5120x256xf32, #tpu.memory_space<vmem_shared>> -> memref<5120x256xf32, #tpu.memory_space<vmem_shared>>
      tpu.wait_indirect_dma semaphore(%arg23 : memref<!tpu.dma_semaphore, #tpu.memory_space<semaphore_mem>>) src(%arg13 : memref<40x256xf32, #tpu.memory_space<vmem>>) dst(%dma_wait3A_1745 : memref<5120x256xf32, #tpu.memory_space<vmem_shared>>)
      %dma_start3A_1746 = arith.constant 27 : i32
      %dma_start3A_1747 = arith.constant 0 : i32
      %dma_start3A_1748 = tpu.memref_slice %arg7[%dma_start3A_1746, %dma_start3A_1747] : memref<32x40xi32, #tpu.memory_space<vmem>> -> memref<1x40xi32, #tpu.memory_space<vmem>>
      %dma_start3A_1749 = tpu.memref_squeeze %dma_start3A_1748 : memref<1x40xi32, #tpu.memory_space<vmem>> -> memref<40xi32, #tpu.memory_space<vmem>>
      %dma_start3A_1750 = arith.constant 0 : i32
      %dma_start3A_1751 = arith.constant 0 : i32
      %dma_start3A_1752 = tpu.memref_slice %arg2[%dma_start3A_1750, %dma_start3A_1751] : memref<10000x256xf32, #tpu.memory_space<hbm>> -> memref<10000x256xf32, #tpu.memory_space<hbm>>
      tpu.enqueue_indirect_dma source(%dma_start3A_1752 : memref<10000x256xf32, #tpu.memory_space<hbm>>) target(%arg13 : memref<40x256xf32, #tpu.memory_space<vmem>>) offsets(%dma_start3A_1749 : memref<40xi32, #tpu.memory_space<vmem>>) semaphore(%arg19 : memref<!tpu.dma_semaphore, #tpu.memory_space<semaphore_mem>>)
      %dma_wait3A_1753 = arith.constant 0 : i32
      %dma_wait3A_1754 = arith.constant 0 : i32
      %dma_wait3A_1755 = tpu.memref_slice %arg6[%dma_wait3A_1753, %dma_wait3A_1754] : memref<32x40xi32, #tpu.memory_space<vmem>> -> memref<1x40xi32, #tpu.memory_space<vmem>>
      %dma_wait3A_1756 = tpu.memref_squeeze %dma_wait3A_1755 : memref<1x40xi32, #tpu.memory_space<vmem>> -> memref<40xi32, #tpu.memory_space<vmem>>
      %dma_wait3A_1757 = arith.constant 0 : i32
      %dma_wait3A_1758 = arith.constant 0 : i32
      %dma_wait3A_1759 = tpu.memref_slice %arg2[%dma_wait3A_1757, %dma_wait3A_1758] : memref<10000x256xf32, #tpu.memory_space<hbm>> -> memref<10000x256xf32, #tpu.memory_space<hbm>>
      tpu.wait_indirect_dma semaphore(%arg17 : memref<!tpu.dma_semaphore, #tpu.memory_space<semaphore_mem>>) src(%dma_wait3A_1759 : memref<10000x256xf32, #tpu.memory_space<hbm>>) dst(%arg11 : memref<40x256xf32, #tpu.memory_space<vmem>>)
      %dma_start3A_1760 = arith.constant 25 : i32
      %dma_start3A_1761 = arith.constant 0 : i32
      %dma_start3A_1762 = tpu.memref_slice %arg9[%dma_start3A_1760, %dma_start3A_1761] : memref<32x40xi32, #tpu.memory_space<vmem>> -> memref<1x40xi32, #tpu.memory_space<vmem>>
      %dma_start3A_1763 = tpu.memref_squeeze %dma_start3A_1762 : memref<1x40xi32, #tpu.memory_space<vmem>> -> memref<40xi32, #tpu.memory_space<vmem>>
      %dma_start3A_1764 = arith.constant 0 : i32
      %dma_start3A_1765 = arith.constant 0 : i32
      %dma_start3A_1766 = tpu.memref_slice %arg14[%dma_start3A_1764, %dma_start3A_1765] : memref<5120x256xf32, #tpu.memory_space<vmem_shared>> -> memref<5120x256xf32, #tpu.memory_space<vmem_shared>>
      tpu.enqueue_indirect_dma source(%arg11 : memref<40x256xf32, #tpu.memory_space<vmem>>) target(%dma_start3A_1766 : memref<5120x256xf32, #tpu.memory_space<vmem_shared>>) offsets(%dma_start3A_1763 : memref<40xi32, #tpu.memory_space<vmem>>) semaphore(%arg21 : memref<!tpu.dma_semaphore, #tpu.memory_space<semaphore_mem>>) {add = true}
      %dma_wait3A_1767 = arith.constant 0 : i32
      %dma_wait3A_1768 = arith.constant 0 : i32
      %dma_wait3A_1769 = tpu.memref_slice %arg8[%dma_wait3A_1767, %dma_wait3A_1768] : memref<32x40xi32, #tpu.memory_space<vmem>> -> memref<1x40xi32, #tpu.memory_space<vmem>>
      %dma_wait3A_1770 = tpu.memref_squeeze %dma_wait3A_1769 : memref<1x40xi32, #tpu.memory_space<vmem>> -> memref<40xi32, #tpu.memory_space<vmem>>
      %dma_wait3A_1771 = arith.constant 0 : i32
      %dma_wait3A_1772 = arith.constant 0 : i32
      %dma_wait3A_1773 = tpu.memref_slice %arg14[%dma_wait3A_1771, %dma_wait3A_1772] : memref<5120x256xf32, #tpu.memory_space<vmem_shared>> -> memref<5120x256xf32, #tpu.memory_space<vmem_shared>>
      tpu.wait_indirect_dma semaphore(%arg20 : memref<!tpu.dma_semaphore, #tpu.memory_space<semaphore_mem>>) src(%arg10 : memref<40x256xf32, #tpu.memory_space<vmem>>) dst(%dma_wait3A_1773 : memref<5120x256xf32, #tpu.memory_space<vmem_shared>>)
      %dma_start3A_1774 = arith.constant 28 : i32
      %dma_start3A_1775 = arith.constant 0 : i32
      %dma_start3A_1776 = tpu.memref_slice %arg7[%dma_start3A_1774, %dma_start3A_1775] : memref<32x40xi32, #tpu.memory_space<vmem>> -> memref<1x40xi32, #tpu.memory_space<vmem>>
      %dma_start3A_1777 = tpu.memref_squeeze %dma_start3A_1776 : memref<1x40xi32, #tpu.memory_space<vmem>> -> memref<40xi32, #tpu.memory_space<vmem>>
      %dma_start3A_1778 = arith.constant 0 : i32
      %dma_start3A_1779 = arith.constant 0 : i32
      %dma_start3A_1780 = tpu.memref_slice %arg2[%dma_start3A_1778, %dma_start3A_1779] : memref<10000x256xf32, #tpu.memory_space<hbm>> -> memref<10000x256xf32, #tpu.memory_space<hbm>>
      tpu.enqueue_indirect_dma source(%dma_start3A_1780 : memref<10000x256xf32, #tpu.memory_space<hbm>>) target(%arg10 : memref<40x256xf32, #tpu.memory_space<vmem>>) offsets(%dma_start3A_1777 : memref<40xi32, #tpu.memory_space<vmem>>) semaphore(%arg16 : memref<!tpu.dma_semaphore, #tpu.memory_space<semaphore_mem>>)
      %dma_wait3A_1781 = arith.constant 0 : i32
      %dma_wait3A_1782 = arith.constant 0 : i32
      %dma_wait3A_1783 = tpu.memref_slice %arg6[%dma_wait3A_1781, %dma_wait3A_1782] : memref<32x40xi32, #tpu.memory_space<vmem>> -> memref<1x40xi32, #tpu.memory_space<vmem>>
      %dma_wait3A_1784 = tpu.memref_squeeze %dma_wait3A_1783 : memref<1x40xi32, #tpu.memory_space<vmem>> -> memref<40xi32, #tpu.memory_space<vmem>>
      %dma_wait3A_1785 = arith.constant 0 : i32
      %dma_wait3A_1786 = arith.constant 0 : i32
      %dma_wait3A_1787 = tpu.memref_slice %arg2[%dma_wait3A_1785, %dma_wait3A_1786] : memref<10000x256xf32, #tpu.memory_space<hbm>> -> memref<10000x256xf32, #tpu.memory_space<hbm>>
      tpu.wait_indirect_dma semaphore(%arg18 : memref<!tpu.dma_semaphore, #tpu.memory_space<semaphore_mem>>) src(%dma_wait3A_1787 : memref<10000x256xf32, #tpu.memory_space<hbm>>) dst(%arg12 : memref<40x256xf32, #tpu.memory_space<vmem>>)
      %dma_start3A_1788 = arith.constant 26 : i32
      %dma_start3A_1789 = arith.constant 0 : i32
      %dma_start3A_1790 = tpu.memref_slice %arg9[%dma_start3A_1788, %dma_start3A_1789] : memref<32x40xi32, #tpu.memory_space<vmem>> -> memref<1x40xi32, #tpu.memory_space<vmem>>
      %dma_start3A_1791 = tpu.memref_squeeze %dma_start3A_1790 : memref<1x40xi32, #tpu.memory_space<vmem>> -> memref<40xi32, #tpu.memory_space<vmem>>
      %dma_start3A_1792 = arith.constant 0 : i32
      %dma_start3A_1793 = arith.constant 0 : i32
      %dma_start3A_1794 = tpu.memref_slice %arg14[%dma_start3A_1792, %dma_start3A_1793] : memref<5120x256xf32, #tpu.memory_space<vmem_shared>> -> memref<5120x256xf32, #tpu.memory_space<vmem_shared>>
      tpu.enqueue_indirect_dma source(%arg12 : memref<40x256xf32, #tpu.memory_space<vmem>>) target(%dma_start3A_1794 : memref<5120x256xf32, #tpu.memory_space<vmem_shared>>) offsets(%dma_start3A_1791 : memref<40xi32, #tpu.memory_space<vmem>>) semaphore(%arg22 : memref<!tpu.dma_semaphore, #tpu.memory_space<semaphore_mem>>) {add = true}
      %dma_wait3A_1795 = arith.constant 0 : i32
      %dma_wait3A_1796 = arith.constant 0 : i32
      %dma_wait3A_1797 = tpu.memref_slice %arg8[%dma_wait3A_1795, %dma_wait3A_1796] : memref<32x40xi32, #tpu.memory_space<vmem>> -> memref<1x40xi32, #tpu.memory_space<vmem>>
      %dma_wait3A_1798 = tpu.memref_squeeze %dma_wait3A_1797 : memref<1x40xi32, #tpu.memory_space<vmem>> -> memref<40xi32, #tpu.memory_space<vmem>>
      %dma_wait3A_1799 = arith.constant 0 : i32
      %dma_wait3A_1800 = arith.constant 0 : i32
      %dma_wait3A_1801 = tpu.memref_slice %arg14[%dma_wait3A_1799, %dma_wait3A_1800] : memref<5120x256xf32, #tpu.memory_space<vmem_shared>> -> memref<5120x256xf32, #tpu.memory_space<vmem_shared>>
      tpu.wait_indirect_dma semaphore(%arg21 : memref<!tpu.dma_semaphore, #tpu.memory_space<semaphore_mem>>) src(%arg11 : memref<40x256xf32, #tpu.memory_space<vmem>>) dst(%dma_wait3A_1801 : memref<5120x256xf32, #tpu.memory_space<vmem_shared>>)
      %dma_start3A_1802 = arith.constant 29 : i32
      %dma_start3A_1803 = arith.constant 0 : i32
      %dma_start3A_1804 = tpu.memref_slice %arg7[%dma_start3A_1802, %dma_start3A_1803] : memref<32x40xi32, #tpu.memory_space<vmem>> -> memref<1x40xi32, #tpu.memory_space<vmem>>
      %dma_start3A_1805 = tpu.memref_squeeze %dma_start3A_1804 : memref<1x40xi32, #tpu.memory_space<vmem>> -> memref<40xi32, #tpu.memory_space<vmem>>
      %dma_start3A_1806 = arith.constant 0 : i32
      %dma_start3A_1807 = arith.constant 0 : i32
      %dma_start3A_1808 = tpu.memref_slice %arg2[%dma_start3A_1806, %dma_start3A_1807] : memref<10000x256xf32, #tpu.memory_space<hbm>> -> memref<10000x256xf32, #tpu.memory_space<hbm>>
      tpu.enqueue_indirect_dma source(%dma_start3A_1808 : memref<10000x256xf32, #tpu.memory_space<hbm>>) target(%arg11 : memref<40x256xf32, #tpu.memory_space<vmem>>) offsets(%dma_start3A_1805 : memref<40xi32, #tpu.memory_space<vmem>>) semaphore(%arg17 : memref<!tpu.dma_semaphore, #tpu.memory_space<semaphore_mem>>)
      %dma_wait3A_1809 = arith.constant 0 : i32
      %dma_wait3A_1810 = arith.constant 0 : i32
      %dma_wait3A_1811 = tpu.memref_slice %arg6[%dma_wait3A_1809, %dma_wait3A_1810] : memref<32x40xi32, #tpu.memory_space<vmem>> -> memref<1x40xi32, #tpu.memory_space<vmem>>
      %dma_wait3A_1812 = tpu.memref_squeeze %dma_wait3A_1811 : memref<1x40xi32, #tpu.memory_space<vmem>> -> memref<40xi32, #tpu.memory_space<vmem>>
      %dma_wait3A_1813 = arith.constant 0 : i32
      %dma_wait3A_1814 = arith.constant 0 : i32
      %dma_wait3A_1815 = tpu.memref_slice %arg2[%dma_wait3A_1813, %dma_wait3A_1814] : memref<10000x256xf32, #tpu.memory_space<hbm>> -> memref<10000x256xf32, #tpu.memory_space<hbm>>
      tpu.wait_indirect_dma semaphore(%arg19 : memref<!tpu.dma_semaphore, #tpu.memory_space<semaphore_mem>>) src(%dma_wait3A_1815 : memref<10000x256xf32, #tpu.memory_space<hbm>>) dst(%arg13 : memref<40x256xf32, #tpu.memory_space<vmem>>)
      %dma_start3A_1816 = arith.constant 27 : i32
      %dma_start3A_1817 = arith.constant 0 : i32
      %dma_start3A_1818 = tpu.memref_slice %arg9[%dma_start3A_1816, %dma_start3A_1817] : memref<32x40xi32, #tpu.memory_space<vmem>> -> memref<1x40xi32, #tpu.memory_space<vmem>>
      %dma_start3A_1819 = tpu.memref_squeeze %dma_start3A_1818 : memref<1x40xi32, #tpu.memory_space<vmem>> -> memref<40xi32, #tpu.memory_space<vmem>>
      %dma_start3A_1820 = arith.constant 0 : i32
      %dma_start3A_1821 = arith.constant 0 : i32
      %dma_start3A_1822 = tpu.memref_slice %arg14[%dma_start3A_1820, %dma_start3A_1821] : memref<5120x256xf32, #tpu.memory_space<vmem_shared>> -> memref<5120x256xf32, #tpu.memory_space<vmem_shared>>
      tpu.enqueue_indirect_dma source(%arg13 : memref<40x256xf32, #tpu.memory_space<vmem>>) target(%dma_start3A_1822 : memref<5120x256xf32, #tpu.memory_space<vmem_shared>>) offsets(%dma_start3A_1819 : memref<40xi32, #tpu.memory_space<vmem>>) semaphore(%arg23 : memref<!tpu.dma_semaphore, #tpu.memory_space<semaphore_mem>>) {add = true}
      %dma_wait3A_1823 = arith.constant 0 : i32
      %dma_wait3A_1824 = arith.constant 0 : i32
      %dma_wait3A_1825 = tpu.memref_slice %arg8[%dma_wait3A_1823, %dma_wait3A_1824] : memref<32x40xi32, #tpu.memory_space<vmem>> -> memref<1x40xi32, #tpu.memory_space<vmem>>
      %dma_wait3A_1826 = tpu.memref_squeeze %dma_wait3A_1825 : memref<1x40xi32, #tpu.memory_space<vmem>> -> memref<40xi32, #tpu.memory_space<vmem>>
      %dma_wait3A_1827 = arith.constant 0 : i32
      %dma_wait3A_1828 = arith.constant 0 : i32
      %dma_wait3A_1829 = tpu.memref_slice %arg14[%dma_wait3A_1827, %dma_wait3A_1828] : memref<5120x256xf32, #tpu.memory_space<vmem_shared>> -> memref<5120x256xf32, #tpu.memory_space<vmem_shared>>
      tpu.wait_indirect_dma semaphore(%arg22 : memref<!tpu.dma_semaphore, #tpu.memory_space<semaphore_mem>>) src(%arg12 : memref<40x256xf32, #tpu.memory_space<vmem>>) dst(%dma_wait3A_1829 : memref<5120x256xf32, #tpu.memory_space<vmem_shared>>)
      %dma_start3A_1830 = arith.constant 30 : i32
      %dma_start3A_1831 = arith.constant 0 : i32
      %dma_start3A_1832 = tpu.memref_slice %arg7[%dma_start3A_1830, %dma_start3A_1831] : memref<32x40xi32, #tpu.memory_space<vmem>> -> memref<1x40xi32, #tpu.memory_space<vmem>>
      %dma_start3A_1833 = tpu.memref_squeeze %dma_start3A_1832 : memref<1x40xi32, #tpu.memory_space<vmem>> -> memref<40xi32, #tpu.memory_space<vmem>>
      %dma_start3A_1834 = arith.constant 0 : i32
      %dma_start3A_1835 = arith.constant 0 : i32
      %dma_start3A_1836 = tpu.memref_slice %arg2[%dma_start3A_1834, %dma_start3A_1835] : memref<10000x256xf32, #tpu.memory_space<hbm>> -> memref<10000x256xf32, #tpu.memory_space<hbm>>
      tpu.enqueue_indirect_dma source(%dma_start3A_1836 : memref<10000x256xf32, #tpu.memory_space<hbm>>) target(%arg12 : memref<40x256xf32, #tpu.memory_space<vmem>>) offsets(%dma_start3A_1833 : memref<40xi32, #tpu.memory_space<vmem>>) semaphore(%arg18 : memref<!tpu.dma_semaphore, #tpu.memory_space<semaphore_mem>>)
      %dma_wait3A_1837 = arith.constant 0 : i32
      %dma_wait3A_1838 = arith.constant 0 : i32
      %dma_wait3A_1839 = tpu.memref_slice %arg6[%dma_wait3A_1837, %dma_wait3A_1838] : memref<32x40xi32, #tpu.memory_space<vmem>> -> memref<1x40xi32, #tpu.memory_space<vmem>>
      %dma_wait3A_1840 = tpu.memref_squeeze %dma_wait3A_1839 : memref<1x40xi32, #tpu.memory_space<vmem>> -> memref<40xi32, #tpu.memory_space<vmem>>
      %dma_wait3A_1841 = arith.constant 0 : i32
      %dma_wait3A_1842 = arith.constant 0 : i32
      %dma_wait3A_1843 = tpu.memref_slice %arg2[%dma_wait3A_1841, %dma_wait3A_1842] : memref<10000x256xf32, #tpu.memory_space<hbm>> -> memref<10000x256xf32, #tpu.memory_space<hbm>>
      tpu.wait_indirect_dma semaphore(%arg16 : memref<!tpu.dma_semaphore, #tpu.memory_space<semaphore_mem>>) src(%dma_wait3A_1843 : memref<10000x256xf32, #tpu.memory_space<hbm>>) dst(%arg10 : memref<40x256xf32, #tpu.memory_space<vmem>>)
      %dma_start3A_1844 = arith.constant 28 : i32
      %dma_start3A_1845 = arith.constant 0 : i32
      %dma_start3A_1846 = tpu.memref_slice %arg9[%dma_start3A_1844, %dma_start3A_1845] : memref<32x40xi32, #tpu.memory_space<vmem>> -> memref<1x40xi32, #tpu.memory_space<vmem>>
      %dma_start3A_1847 = tpu.memref_squeeze %dma_start3A_1846 : memref<1x40xi32, #tpu.memory_space<vmem>> -> memref<40xi32, #tpu.memory_space<vmem>>
      %dma_start3A_1848 = arith.constant 0 : i32
      %dma_start3A_1849 = arith.constant 0 : i32
      %dma_start3A_1850 = tpu.memref_slice %arg14[%dma_start3A_1848, %dma_start3A_1849] : memref<5120x256xf32, #tpu.memory_space<vmem_shared>> -> memref<5120x256xf32, #tpu.memory_space<vmem_shared>>
      tpu.enqueue_indirect_dma source(%arg10 : memref<40x256xf32, #tpu.memory_space<vmem>>) target(%dma_start3A_1850 : memref<5120x256xf32, #tpu.memory_space<vmem_shared>>) offsets(%dma_start3A_1847 : memref<40xi32, #tpu.memory_space<vmem>>) semaphore(%arg20 : memref<!tpu.dma_semaphore, #tpu.memory_space<semaphore_mem>>) {add = true}
      %dma_wait3A_1851 = arith.constant 0 : i32
      %dma_wait3A_1852 = arith.constant 0 : i32
      %dma_wait3A_1853 = tpu.memref_slice %arg8[%dma_wait3A_1851, %dma_wait3A_1852] : memref<32x40xi32, #tpu.memory_space<vmem>> -> memref<1x40xi32, #tpu.memory_space<vmem>>
      %dma_wait3A_1854 = tpu.memref_squeeze %dma_wait3A_1853 : memref<1x40xi32, #tpu.memory_space<vmem>> -> memref<40xi32, #tpu.memory_space<vmem>>
      %dma_wait3A_1855 = arith.constant 0 : i32
      %dma_wait3A_1856 = arith.constant 0 : i32
      %dma_wait3A_1857 = tpu.memref_slice %arg14[%dma_wait3A_1855, %dma_wait3A_1856] : memref<5120x256xf32, #tpu.memory_space<vmem_shared>> -> memref<5120x256xf32, #tpu.memory_space<vmem_shared>>
      tpu.wait_indirect_dma semaphore(%arg23 : memref<!tpu.dma_semaphore, #tpu.memory_space<semaphore_mem>>) src(%arg13 : memref<40x256xf32, #tpu.memory_space<vmem>>) dst(%dma_wait3A_1857 : memref<5120x256xf32, #tpu.memory_space<vmem_shared>>)
      %dma_start3A_1858 = arith.constant 31 : i32
      %dma_start3A_1859 = arith.constant 0 : i32
      %dma_start3A_1860 = tpu.memref_slice %arg7[%dma_start3A_1858, %dma_start3A_1859] : memref<32x40xi32, #tpu.memory_space<vmem>> -> memref<1x40xi32, #tpu.memory_space<vmem>>
      %dma_start3A_1861 = tpu.memref_squeeze %dma_start3A_1860 : memref<1x40xi32, #tpu.memory_space<vmem>> -> memref<40xi32, #tpu.memory_space<vmem>>
      %dma_start3A_1862 = arith.constant 0 : i32
      %dma_start3A_1863 = arith.constant 0 : i32
      %dma_start3A_1864 = tpu.memref_slice %arg2[%dma_start3A_1862, %dma_start3A_1863] : memref<10000x256xf32, #tpu.memory_space<hbm>> -> memref<10000x256xf32, #tpu.memory_space<hbm>>
      tpu.enqueue_indirect_dma source(%dma_start3A_1864 : memref<10000x256xf32, #tpu.memory_space<hbm>>) target(%arg13 : memref<40x256xf32, #tpu.memory_space<vmem>>) offsets(%dma_start3A_1861 : memref<40xi32, #tpu.memory_space<vmem>>) semaphore(%arg19 : memref<!tpu.dma_semaphore, #tpu.memory_space<semaphore_mem>>)
      %dma_wait3A_1865 = arith.constant 0 : i32
      %dma_wait3A_1866 = arith.constant 0 : i32
      %dma_wait3A_1867 = tpu.memref_slice %arg6[%dma_wait3A_1865, %dma_wait3A_1866] : memref<32x40xi32, #tpu.memory_space<vmem>> -> memref<1x40xi32, #tpu.memory_space<vmem>>
      %dma_wait3A_1868 = tpu.memref_squeeze %dma_wait3A_1867 : memref<1x40xi32, #tpu.memory_space<vmem>> -> memref<40xi32, #tpu.memory_space<vmem>>
      %dma_wait3A_1869 = arith.constant 0 : i32
      %dma_wait3A_1870 = arith.constant 0 : i32
      %dma_wait3A_1871 = tpu.memref_slice %arg2[%dma_wait3A_1869, %dma_wait3A_1870] : memref<10000x256xf32, #tpu.memory_space<hbm>> -> memref<10000x256xf32, #tpu.memory_space<hbm>>
      tpu.wait_indirect_dma semaphore(%arg17 : memref<!tpu.dma_semaphore, #tpu.memory_space<semaphore_mem>>) src(%dma_wait3A_1871 : memref<10000x256xf32, #tpu.memory_space<hbm>>) dst(%arg11 : memref<40x256xf32, #tpu.memory_space<vmem>>)
      %dma_start3A_1872 = arith.constant 29 : i32
      %dma_start3A_1873 = arith.constant 0 : i32
      %dma_start3A_1874 = tpu.memref_slice %arg9[%dma_start3A_1872, %dma_start3A_1873] : memref<32x40xi32, #tpu.memory_space<vmem>> -> memref<1x40xi32, #tpu.memory_space<vmem>>
      %dma_start3A_1875 = tpu.memref_squeeze %dma_start3A_1874 : memref<1x40xi32, #tpu.memory_space<vmem>> -> memref<40xi32, #tpu.memory_space<vmem>>
      %dma_start3A_1876 = arith.constant 0 : i32
      %dma_start3A_1877 = arith.constant 0 : i32
      %dma_start3A_1878 = tpu.memref_slice %arg14[%dma_start3A_1876, %dma_start3A_1877] : memref<5120x256xf32, #tpu.memory_space<vmem_shared>> -> memref<5120x256xf32, #tpu.memory_space<vmem_shared>>
      tpu.enqueue_indirect_dma source(%arg11 : memref<40x256xf32, #tpu.memory_space<vmem>>) target(%dma_start3A_1878 : memref<5120x256xf32, #tpu.memory_space<vmem_shared>>) offsets(%dma_start3A_1875 : memref<40xi32, #tpu.memory_space<vmem>>) semaphore(%arg21 : memref<!tpu.dma_semaphore, #tpu.memory_space<semaphore_mem>>) {add = true}
      %add3A_1879 = arith.constant 1 : i32
      %add3A_1880 = arith.addi %scan3A_109, %add3A_1879 : i32
      %lt3A_1881 = arith.constant 4 : i32
      %lt3A_1882 = arith.cmpi slt, %add3A_1880, %lt3A_1881 : i32
      %convert_element_type3A_1883 = arith.extui %lt3A_1882 : i1 to i32
      %cond3A_1884 = arith.constant 0 : i32
      %cond3A_1885 = arith.cmpi ne, %convert_element_type3A_1883, %cond3A_1884 : i32
      scf.if %cond3A_1885 {
        %dma_wait3A_1928 = arith.constant 0 : i32
        %dma_wait3A_1929 = arith.constant 0 : i32
        %dma_wait3A_1930 = arith.constant 0 : i32
        %dma_wait3A_1931 = tpu.memref_slice %arg3[%add3A, %dma_wait3A_1928, %dma_wait3A_1929, %dma_wait3A_1930] : memref<32x8x32x40xi32, #tpu.memory_space<hbm>> -> memref<1x1x32x40xi32, #tpu.memory_space<hbm>>
        %dma_wait3A_1932 = tpu.memref_squeeze %dma_wait3A_1931 : memref<1x1x32x40xi32, #tpu.memory_space<hbm>> -> memref<32x40xi32, #tpu.memory_space<hbm>>
        %dma_wait3A_1933 = arith.constant 0 : i32
        %dma_wait3A_1934 = arith.constant 0 : i32
        %dma_wait3A_1935 = tpu.memref_slice %arg3[%add3A, %dma_wait3A_1928, %dma_wait3A_1933, %dma_wait3A_1934] : memref<32x8x32x40xi32, #tpu.memory_space<hbm>> -> memref<1x1x32x40xi32, #tpu.memory_space<hbm>>
        %dma_wait3A_1936 = tpu.memref_squeeze %dma_wait3A_1935 : memref<1x1x32x40xi32, #tpu.memory_space<hbm>> -> memref<32x40xi32, #tpu.memory_space<hbm>>
        tpu.wait_dma2 semaphore(%arg15 : memref<!tpu.dma_semaphore, #tpu.memory_space<semaphore_mem>>) src(%dma_wait3A_1936 : memref<32x40xi32, #tpu.memory_space<hbm>>) dst(%arg6 : memref<32x40xi32, #tpu.memory_space<vmem>>)
        %dma_wait3A_1937 = arith.constant 0 : i32
        %dma_wait3A_1938 = arith.constant 0 : i32
        %dma_wait3A_1939 = arith.constant 0 : i32
        %dma_wait3A_1940 = tpu.memref_slice %arg4[%add3A, %dma_wait3A_1937, %dma_wait3A_1938, %dma_wait3A_1939] : memref<32x8x32x40xi32, #tpu.memory_space<hbm>> -> memref<1x1x32x40xi32, #tpu.memory_space<hbm>>
        %dma_wait3A_1941 = tpu.memref_squeeze %dma_wait3A_1940 : memref<1x1x32x40xi32, #tpu.memory_space<hbm>> -> memref<32x40xi32, #tpu.memory_space<hbm>>
        %dma_wait3A_1942 = arith.constant 0 : i32
        %dma_wait3A_1943 = arith.constant 0 : i32
        %dma_wait3A_1944 = tpu.memref_slice %arg4[%add3A, %dma_wait3A_1937, %dma_wait3A_1942, %dma_wait3A_1943] : memref<32x8x32x40xi32, #tpu.memory_space<hbm>> -> memref<1x1x32x40xi32, #tpu.memory_space<hbm>>
        %dma_wait3A_1945 = tpu.memref_squeeze %dma_wait3A_1944 : memref<1x1x32x40xi32, #tpu.memory_space<hbm>> -> memref<32x40xi32, #tpu.memory_space<hbm>>
        tpu.wait_dma2 semaphore(%arg15 : memref<!tpu.dma_semaphore, #tpu.memory_space<semaphore_mem>>) src(%dma_wait3A_1945 : memref<32x40xi32, #tpu.memory_space<hbm>>) dst(%arg8 : memref<32x40xi32, #tpu.memory_space<vmem>>)
        %dma_wait3A_1946 = arith.constant 0 : i32
        %dma_wait3A_1947 = arith.constant 0 : i32
        %dma_wait3A_1948 = tpu.memref_slice %arg8[%dma_wait3A_1946, %dma_wait3A_1947] : memref<32x40xi32, #tpu.memory_space<vmem>> -> memref<1x40xi32, #tpu.memory_space<vmem>>
        %dma_wait3A_1949 = tpu.memref_squeeze %dma_wait3A_1948 : memref<1x40xi32, #tpu.memory_space<vmem>> -> memref<40xi32, #tpu.memory_space<vmem>>
        %dma_wait3A_1950 = arith.constant 0 : i32
        %dma_wait3A_1951 = arith.constant 0 : i32
        %dma_wait3A_1952 = tpu.memref_slice %arg14[%dma_wait3A_1950, %dma_wait3A_1951] : memref<5120x256xf32, #tpu.memory_space<vmem_shared>> -> memref<5120x256xf32, #tpu.memory_space<vmem_shared>>
        tpu.wait_indirect_dma semaphore(%arg20 : memref<!tpu.dma_semaphore, #tpu.memory_space<semaphore_mem>>) src(%arg10 : memref<40x256xf32, #tpu.memory_space<vmem>>) dst(%dma_wait3A_1952 : memref<5120x256xf32, #tpu.memory_space<vmem_shared>>)
        %dma_start3A_1953 = arith.constant 0 : i32
        %dma_start3A_1954 = arith.constant 0 : i32
        %dma_start3A_1955 = tpu.memref_slice %arg6[%dma_start3A_1953, %dma_start3A_1954] : memref<32x40xi32, #tpu.memory_space<vmem>> -> memref<1x40xi32, #tpu.memory_space<vmem>>
        %dma_start3A_1956 = tpu.memref_squeeze %dma_start3A_1955 : memref<1x40xi32, #tpu.memory_space<vmem>> -> memref<40xi32, #tpu.memory_space<vmem>>
        %dma_start3A_1957 = arith.constant 0 : i32
        %dma_start3A_1958 = arith.constant 0 : i32
        %dma_start3A_1959 = tpu.memref_slice %arg2[%dma_start3A_1957, %dma_start3A_1958] : memref<10000x256xf32, #tpu.memory_space<hbm>> -> memref<10000x256xf32, #tpu.memory_space<hbm>>
        tpu.enqueue_indirect_dma source(%dma_start3A_1959 : memref<10000x256xf32, #tpu.memory_space<hbm>>) target(%arg10 : memref<40x256xf32, #tpu.memory_space<vmem>>) offsets(%dma_start3A_1956 : memref<40xi32, #tpu.memory_space<vmem>>) semaphore(%arg16 : memref<!tpu.dma_semaphore, #tpu.memory_space<semaphore_mem>>)
      } else {
      }
      %dma_wait3A_1886 = arith.constant 0 : i32
      %dma_wait3A_1887 = arith.constant 0 : i32
      %dma_wait3A_1888 = tpu.memref_slice %arg6[%dma_wait3A_1886, %dma_wait3A_1887] : memref<32x40xi32, #tpu.memory_space<vmem>> -> memref<1x40xi32, #tpu.memory_space<vmem>>
      %dma_wait3A_1889 = tpu.memref_squeeze %dma_wait3A_1888 : memref<1x40xi32, #tpu.memory_space<vmem>> -> memref<40xi32, #tpu.memory_space<vmem>>
      %dma_wait3A_1890 = arith.constant 0 : i32
      %dma_wait3A_1891 = arith.constant 0 : i32
      %dma_wait3A_1892 = tpu.memref_slice %arg2[%dma_wait3A_1890, %dma_wait3A_1891] : memref<10000x256xf32, #tpu.memory_space<hbm>> -> memref<10000x256xf32, #tpu.memory_space<hbm>>
      tpu.wait_indirect_dma semaphore(%arg18 : memref<!tpu.dma_semaphore, #tpu.memory_space<semaphore_mem>>) src(%dma_wait3A_1892 : memref<10000x256xf32, #tpu.memory_space<hbm>>) dst(%arg12 : memref<40x256xf32, #tpu.memory_space<vmem>>)
      %dma_start3A_1893 = arith.constant 30 : i32
      %dma_start3A_1894 = arith.constant 0 : i32
      %dma_start3A_1895 = tpu.memref_slice %arg9[%dma_start3A_1893, %dma_start3A_1894] : memref<32x40xi32, #tpu.memory_space<vmem>> -> memref<1x40xi32, #tpu.memory_space<vmem>>
      %dma_start3A_1896 = tpu.memref_squeeze %dma_start3A_1895 : memref<1x40xi32, #tpu.memory_space<vmem>> -> memref<40xi32, #tpu.memory_space<vmem>>
      %dma_start3A_1897 = arith.constant 0 : i32
      %dma_start3A_1898 = arith.constant 0 : i32
      %dma_start3A_1899 = tpu.memref_slice %arg14[%dma_start3A_1897, %dma_start3A_1898] : memref<5120x256xf32, #tpu.memory_space<vmem_shared>> -> memref<5120x256xf32, #tpu.memory_space<vmem_shared>>
      tpu.enqueue_indirect_dma source(%arg12 : memref<40x256xf32, #tpu.memory_space<vmem>>) target(%dma_start3A_1899 : memref<5120x256xf32, #tpu.memory_space<vmem_shared>>) offsets(%dma_start3A_1896 : memref<40xi32, #tpu.memory_space<vmem>>) semaphore(%arg22 : memref<!tpu.dma_semaphore, #tpu.memory_space<semaphore_mem>>) {add = true}
      %add3A_1900 = arith.constant 1 : i32
      %add3A_1901 = arith.addi %scan3A_109, %add3A_1900 : i32
      %lt3A_1902 = arith.constant 4 : i32
      %lt3A_1903 = arith.cmpi slt, %add3A_1901, %lt3A_1902 : i32
      %convert_element_type3A_1904 = arith.extui %lt3A_1903 : i1 to i32
      %cond3A_1905 = arith.constant 0 : i32
      %cond3A_1906 = arith.cmpi ne, %convert_element_type3A_1904, %cond3A_1905 : i32
      scf.if %cond3A_1906 {
        %dma_wait3A_1928 = arith.constant 0 : i32
        %dma_wait3A_1929 = arith.constant 0 : i32
        %dma_wait3A_1930 = tpu.memref_slice %arg8[%dma_wait3A_1928, %dma_wait3A_1929] : memref<32x40xi32, #tpu.memory_space<vmem>> -> memref<1x40xi32, #tpu.memory_space<vmem>>
        %dma_wait3A_1931 = tpu.memref_squeeze %dma_wait3A_1930 : memref<1x40xi32, #tpu.memory_space<vmem>> -> memref<40xi32, #tpu.memory_space<vmem>>
        %dma_wait3A_1932 = arith.constant 0 : i32
        %dma_wait3A_1933 = arith.constant 0 : i32
        %dma_wait3A_1934 = tpu.memref_slice %arg14[%dma_wait3A_1932, %dma_wait3A_1933] : memref<5120x256xf32, #tpu.memory_space<vmem_shared>> -> memref<5120x256xf32, #tpu.memory_space<vmem_shared>>
        tpu.wait_indirect_dma semaphore(%arg21 : memref<!tpu.dma_semaphore, #tpu.memory_space<semaphore_mem>>) src(%arg11 : memref<40x256xf32, #tpu.memory_space<vmem>>) dst(%dma_wait3A_1934 : memref<5120x256xf32, #tpu.memory_space<vmem_shared>>)
        %dma_start3A_1935 = arith.constant 1 : i32
        %dma_start3A_1936 = arith.constant 0 : i32
        %dma_start3A_1937 = tpu.memref_slice %arg6[%dma_start3A_1935, %dma_start3A_1936] : memref<32x40xi32, #tpu.memory_space<vmem>> -> memref<1x40xi32, #tpu.memory_space<vmem>>
        %dma_start3A_1938 = tpu.memref_squeeze %dma_start3A_1937 : memref<1x40xi32, #tpu.memory_space<vmem>> -> memref<40xi32, #tpu.memory_space<vmem>>
        %dma_start3A_1939 = arith.constant 0 : i32
        %dma_start3A_1940 = arith.constant 0 : i32
        %dma_start3A_1941 = tpu.memref_slice %arg2[%dma_start3A_1939, %dma_start3A_1940] : memref<10000x256xf32, #tpu.memory_space<hbm>> -> memref<10000x256xf32, #tpu.memory_space<hbm>>
        tpu.enqueue_indirect_dma source(%dma_start3A_1941 : memref<10000x256xf32, #tpu.memory_space<hbm>>) target(%arg11 : memref<40x256xf32, #tpu.memory_space<vmem>>) offsets(%dma_start3A_1938 : memref<40xi32, #tpu.memory_space<vmem>>) semaphore(%arg17 : memref<!tpu.dma_semaphore, #tpu.memory_space<semaphore_mem>>)
      } else {
      }
      %dma_wait3A_1907 = arith.constant 0 : i32
      %dma_wait3A_1908 = arith.constant 0 : i32
      %dma_wait3A_1909 = tpu.memref_slice %arg6[%dma_wait3A_1907, %dma_wait3A_1908] : memref<32x40xi32, #tpu.memory_space<vmem>> -> memref<1x40xi32, #tpu.memory_space<vmem>>
      %dma_wait3A_1910 = tpu.memref_squeeze %dma_wait3A_1909 : memref<1x40xi32, #tpu.memory_space<vmem>> -> memref<40xi32, #tpu.memory_space<vmem>>
      %dma_wait3A_1911 = arith.constant 0 : i32
      %dma_wait3A_1912 = arith.constant 0 : i32
      %dma_wait3A_1913 = tpu.memref_slice %arg2[%dma_wait3A_1911, %dma_wait3A_1912] : memref<10000x256xf32, #tpu.memory_space<hbm>> -> memref<10000x256xf32, #tpu.memory_space<hbm>>
      tpu.wait_indirect_dma semaphore(%arg19 : memref<!tpu.dma_semaphore, #tpu.memory_space<semaphore_mem>>) src(%dma_wait3A_1913 : memref<10000x256xf32, #tpu.memory_space<hbm>>) dst(%arg13 : memref<40x256xf32, #tpu.memory_space<vmem>>)
      %dma_start3A_1914 = arith.constant 31 : i32
      %dma_start3A_1915 = arith.constant 0 : i32
      %dma_start3A_1916 = tpu.memref_slice %arg9[%dma_start3A_1914, %dma_start3A_1915] : memref<32x40xi32, #tpu.memory_space<vmem>> -> memref<1x40xi32, #tpu.memory_space<vmem>>
      %dma_start3A_1917 = tpu.memref_squeeze %dma_start3A_1916 : memref<1x40xi32, #tpu.memory_space<vmem>> -> memref<40xi32, #tpu.memory_space<vmem>>
      %dma_start3A_1918 = arith.constant 0 : i32
      %dma_start3A_1919 = arith.constant 0 : i32
      %dma_start3A_1920 = tpu.memref_slice %arg14[%dma_start3A_1918, %dma_start3A_1919] : memref<5120x256xf32, #tpu.memory_space<vmem_shared>> -> memref<5120x256xf32, #tpu.memory_space<vmem_shared>>
      tpu.enqueue_indirect_dma source(%arg13 : memref<40x256xf32, #tpu.memory_space<vmem>>) target(%dma_start3A_1920 : memref<5120x256xf32, #tpu.memory_space<vmem_shared>>) offsets(%dma_start3A_1917 : memref<40xi32, #tpu.memory_space<vmem>>) semaphore(%arg23 : memref<!tpu.dma_semaphore, #tpu.memory_space<semaphore_mem>>) {add = true}
      %add3A_1921 = arith.constant 1 : i32
      %add3A_1922 = arith.addi %scan3A_109, %add3A_1921 : i32
      %lt3A_1923 = arith.constant 4 : i32
      %lt3A_1924 = arith.cmpi slt, %add3A_1922, %lt3A_1923 : i32
      %convert_element_type3A_1925 = arith.extui %lt3A_1924 : i1 to i32
      %cond3A_1926 = arith.constant 0 : i32
      %cond3A_1927 = arith.cmpi ne, %convert_element_type3A_1925, %cond3A_1926 : i32
      scf.if %cond3A_1927 {
        %dma_wait3A_1928 = arith.constant 0 : i32
        %dma_wait3A_1929 = arith.constant 0 : i32
        %dma_wait3A_1930 = tpu.memref_slice %arg8[%dma_wait3A_1928, %dma_wait3A_1929] : memref<32x40xi32, #tpu.memory_space<vmem>> -> memref<1x40xi32, #tpu.memory_space<vmem>>
        %dma_wait3A_1931 = tpu.memref_squeeze %dma_wait3A_1930 : memref<1x40xi32, #tpu.memory_space<vmem>> -> memref<40xi32, #tpu.memory_space<vmem>>
        %dma_wait3A_1932 = arith.constant 0 : i32
        %dma_wait3A_1933 = arith.constant 0 : i32
        %dma_wait3A_1934 = tpu.memref_slice %arg14[%dma_wait3A_1932, %dma_wait3A_1933] : memref<5120x256xf32, #tpu.memory_space<vmem_shared>> -> memref<5120x256xf32, #tpu.memory_space<vmem_shared>>
        tpu.wait_indirect_dma semaphore(%arg22 : memref<!tpu.dma_semaphore, #tpu.memory_space<semaphore_mem>>) src(%arg12 : memref<40x256xf32, #tpu.memory_space<vmem>>) dst(%dma_wait3A_1934 : memref<5120x256xf32, #tpu.memory_space<vmem_shared>>)
        %dma_start3A_1935 = arith.constant 2 : i32
        %dma_start3A_1936 = arith.constant 0 : i32
        %dma_start3A_1937 = tpu.memref_slice %arg6[%dma_start3A_1935, %dma_start3A_1936] : memref<32x40xi32, #tpu.memory_space<vmem>> -> memref<1x40xi32, #tpu.memory_space<vmem>>
        %dma_start3A_1938 = tpu.memref_squeeze %dma_start3A_1937 : memref<1x40xi32, #tpu.memory_space<vmem>> -> memref<40xi32, #tpu.memory_space<vmem>>
        %dma_start3A_1939 = arith.constant 0 : i32
        %dma_start3A_1940 = arith.constant 0 : i32
        %dma_start3A_1941 = tpu.memref_slice %arg2[%dma_start3A_1939, %dma_start3A_1940] : memref<10000x256xf32, #tpu.memory_space<hbm>> -> memref<10000x256xf32, #tpu.memory_space<hbm>>
        tpu.enqueue_indirect_dma source(%dma_start3A_1941 : memref<10000x256xf32, #tpu.memory_space<hbm>>) target(%arg12 : memref<40x256xf32, #tpu.memory_space<vmem>>) offsets(%dma_start3A_1938 : memref<40xi32, #tpu.memory_space<vmem>>) semaphore(%arg18 : memref<!tpu.dma_semaphore, #tpu.memory_space<semaphore_mem>>)
      } else {
      }
    }
    %scan3A_73 = arith.constant 4 : i32
    %dma_wait3A_74 = arith.constant 0 : i32
    %dma_wait3A_75 = arith.constant 0 : i32
    %dma_wait3A_76 = tpu.memref_slice %arg8[%dma_wait3A_74, %dma_wait3A_75] : memref<32x40xi32, #tpu.memory_space<vmem>> -> memref<1x40xi32, #tpu.memory_space<vmem>>
    %dma_wait3A_77 = tpu.memref_squeeze %dma_wait3A_76 : memref<1x40xi32, #tpu.memory_space<vmem>> -> memref<40xi32, #tpu.memory_space<vmem>>
    %dma_wait3A_78 = arith.constant 0 : i32
    %dma_wait3A_79 = arith.constant 0 : i32
    %dma_wait3A_80 = tpu.memref_slice %arg14[%dma_wait3A_78, %dma_wait3A_79] : memref<5120x256xf32, #tpu.memory_space<vmem_shared>> -> memref<5120x256xf32, #tpu.memory_space<vmem_shared>>
    tpu.wait_indirect_dma semaphore(%arg20 : memref<!tpu.dma_semaphore, #tpu.memory_space<semaphore_mem>>) src(%arg10 : memref<40x256xf32, #tpu.memory_space<vmem>>) dst(%dma_wait3A_80 : memref<5120x256xf32, #tpu.memory_space<vmem_shared>>)
    %dma_wait3A_81 = arith.constant 0 : i32
    %dma_wait3A_82 = arith.constant 0 : i32
    %dma_wait3A_83 = tpu.memref_slice %arg8[%dma_wait3A_81, %dma_wait3A_82] : memref<32x40xi32, #tpu.memory_space<vmem>> -> memref<1x40xi32, #tpu.memory_space<vmem>>
    %dma_wait3A_84 = tpu.memref_squeeze %dma_wait3A_83 : memref<1x40xi32, #tpu.memory_space<vmem>> -> memref<40xi32, #tpu.memory_space<vmem>>
    %dma_wait3A_85 = arith.constant 0 : i32
    %dma_wait3A_86 = arith.constant 0 : i32
    %dma_wait3A_87 = tpu.memref_slice %arg14[%dma_wait3A_85, %dma_wait3A_86] : memref<5120x256xf32, #tpu.memory_space<vmem_shared>> -> memref<5120x256xf32, #tpu.memory_space<vmem_shared>>
    tpu.wait_indirect_dma semaphore(%arg21 : memref<!tpu.dma_semaphore, #tpu.memory_space<semaphore_mem>>) src(%arg11 : memref<40x256xf32, #tpu.memory_space<vmem>>) dst(%dma_wait3A_87 : memref<5120x256xf32, #tpu.memory_space<vmem_shared>>)
    %dma_wait3A_88 = arith.constant 0 : i32
    %dma_wait3A_89 = arith.constant 0 : i32
    %dma_wait3A_90 = tpu.memref_slice %arg8[%dma_wait3A_88, %dma_wait3A_89] : memref<32x40xi32, #tpu.memory_space<vmem>> -> memref<1x40xi32, #tpu.memory_space<vmem>>
    %dma_wait3A_91 = tpu.memref_squeeze %dma_wait3A_90 : memref<1x40xi32, #tpu.memory_space<vmem>> -> memref<40xi32, #tpu.memory_space<vmem>>
    %dma_wait3A_92 = arith.constant 0 : i32
    %dma_wait3A_93 = arith.constant 0 : i32
    %dma_wait3A_94 = tpu.memref_slice %arg14[%dma_wait3A_92, %dma_wait3A_93] : memref<5120x256xf32, #tpu.memory_space<vmem_shared>> -> memref<5120x256xf32, #tpu.memory_space<vmem_shared>>
    tpu.wait_indirect_dma semaphore(%arg22 : memref<!tpu.dma_semaphore, #tpu.memory_space<semaphore_mem>>) src(%arg12 : memref<40x256xf32, #tpu.memory_space<vmem>>) dst(%dma_wait3A_94 : memref<5120x256xf32, #tpu.memory_space<vmem_shared>>)
    %dma_wait3A_95 = arith.constant 0 : i32
    %dma_wait3A_96 = arith.constant 0 : i32
    %dma_wait3A_97 = tpu.memref_slice %arg8[%dma_wait3A_95, %dma_wait3A_96] : memref<32x40xi32, #tpu.memory_space<vmem>> -> memref<1x40xi32, #tpu.memory_space<vmem>>
    %dma_wait3A_98 = tpu.memref_squeeze %dma_wait3A_97 : memref<1x40xi32, #tpu.memory_space<vmem>> -> memref<40xi32, #tpu.memory_space<vmem>>
    %dma_wait3A_99 = arith.constant 0 : i32
    %dma_wait3A_100 = arith.constant 0 : i32
    %dma_wait3A_101 = tpu.memref_slice %arg14[%dma_wait3A_99, %dma_wait3A_100] : memref<5120x256xf32, #tpu.memory_space<vmem_shared>> -> memref<5120x256xf32, #tpu.memory_space<vmem_shared>>
    tpu.wait_indirect_dma semaphore(%arg23 : memref<!tpu.dma_semaphore, #tpu.memory_space<semaphore_mem>>) src(%arg13 : memref<40x256xf32, #tpu.memory_space<vmem>>) dst(%dma_wait3A_101 : memref<5120x256xf32, #tpu.memory_space<vmem_shared>>)
    %barrier3A_102 = arith.constant 0 : index
    tpu.barrier barrier_id(%barrier3A_102)
    %scan3A_103 = arith.constant 0 : i32
    %scan3A_104 = arith.constant 0 : i32
    %scan3A_105 = arith.constant 10 : i32
    %scan3A_106 = arith.addi %scan3A_104, %scan3A_105 : i32
    %scan3A_107 = arith.constant 1 : i32
    scf.for %scan3A_109 = %scan3A_104 to %scan3A_106 step %scan3A_107  : i32 {
      %mul3A_110 = arith.constant 320 : i32
      %mul3A_111 = arith.muli %arg1, %mul3A_110 : i32
      %mul3A_112 = arith.constant 32 : i32
      %mul3A_113 = arith.muli %scan3A_109, %mul3A_112 : i32
      %add3A_114 = arith.addi %mul3A_111, %mul3A_113 : i32
      "tpu.region"() ({
        %run_scoped3A = tpu.sem_alloc : memref<!tpu.dma_semaphore, #tpu.memory_space<semaphore_mem>>
        %dma_start3A_115 = arith.constant 0 : i32
        %dma_start3A_116 = arith.constant 0 : i32
        %dma_start3A_117 = tpu.memref_slice %arg10[%dma_start3A_115, %dma_start3A_116] : memref<40x256xf32, #tpu.memory_space<vmem>> -> memref<32x256xf32, #tpu.memory_space<vmem>>
        %dma_start3A_118 = arith.constant 0 : i32
        %dma_start3A_119 = tpu.memref_slice %arg14[%add3A_114, %dma_start3A_118] : memref<5120x256xf32, #tpu.memory_space<vmem_shared>> -> memref<32x256xf32, #tpu.memory_space<vmem_shared>>
        %dma_start3A_120 = arith.constant 0 : i32
        %dma_start3A_121 = arith.constant 0 : i32
        %dma_start3A_122 = tpu.memref_slice %arg10[%dma_start3A_120, %dma_start3A_121] : memref<40x256xf32, #tpu.memory_space<vmem>> -> memref<32x256xf32, #tpu.memory_space<vmem>>
        %dma_start3A_123 = arith.constant 0 : i32
        %dma_start3A_124 = tpu.memref_slice %arg14[%add3A_114, %dma_start3A_123] : memref<5120x256xf32, #tpu.memory_space<vmem_shared>> -> memref<32x256xf32, #tpu.memory_space<vmem_shared>>
        tpu.enqueue_dma source(%dma_start3A_124 : memref<32x256xf32, #tpu.memory_space<vmem_shared>>) target(%dma_start3A_122 : memref<32x256xf32, #tpu.memory_space<vmem>>) target_semaphore(%run_scoped3A : memref<!tpu.dma_semaphore, #tpu.memory_space<semaphore_mem>>)
        %dma_wait3A_125 = arith.constant 0 : i32
        %dma_wait3A_126 = arith.constant 0 : i32
        %dma_wait3A_127 = tpu.memref_slice %arg10[%dma_wait3A_125, %dma_wait3A_126] : memref<40x256xf32, #tpu.memory_space<vmem>> -> memref<32x256xf32, #tpu.memory_space<vmem>>
        %dma_wait3A_128 = arith.constant 0 : i32
        %dma_wait3A_129 = tpu.memref_slice %arg14[%add3A_114, %dma_wait3A_128] : memref<5120x256xf32, #tpu.memory_space<vmem_shared>> -> memref<32x256xf32, #tpu.memory_space<vmem_shared>>
        %dma_wait3A_130 = arith.constant 0 : i32
        %dma_wait3A_131 = arith.constant 0 : i32
        %dma_wait3A_132 = tpu.memref_slice %arg10[%dma_wait3A_130, %dma_wait3A_131] : memref<40x256xf32, #tpu.memory_space<vmem>> -> memref<32x256xf32, #tpu.memory_space<vmem>>
        %dma_wait3A_133 = arith.constant 0 : i32
        %dma_wait3A_134 = tpu.memref_slice %arg14[%add3A_114, %dma_wait3A_133] : memref<5120x256xf32, #tpu.memory_space<vmem_shared>> -> memref<32x256xf32, #tpu.memory_space<vmem_shared>>
        tpu.wait_dma2 semaphore(%run_scoped3A : memref<!tpu.dma_semaphore, #tpu.memory_space<semaphore_mem>>) src(%dma_wait3A_134 : memref<32x256xf32, #tpu.memory_space<vmem_shared>>) dst(%dma_wait3A_132 : memref<32x256xf32, #tpu.memory_space<vmem>>)
        tpu.yield
      }) : () -> ()
      "tpu.region"() ({
        %run_scoped3A = tpu.sem_alloc : memref<!tpu.dma_semaphore, #tpu.memory_space<semaphore_mem>>
        %dma_start3A_115 = arith.constant 0 : i32
        %dma_start3A_116 = arith.constant 0 : i32
        %dma_start3A_117 = tpu.memref_slice %arg10[%dma_start3A_115, %dma_start3A_116] : memref<40x256xf32, #tpu.memory_space<vmem>> -> memref<32x256xf32, #tpu.memory_space<vmem>>
        %dma_start3A_118 = arith.constant 0 : i32
        %dma_start3A_119 = tpu.memref_slice %arg5[%arg0, %add3A_114, %dma_start3A_118] : memref<2x5120x256xf32, #tpu.memory_space<hbm>> -> memref<1x32x256xf32, #tpu.memory_space<hbm>>
        %dma_start3A_120 = tpu.memref_squeeze %dma_start3A_119 : memref<1x32x256xf32, #tpu.memory_space<hbm>> -> memref<32x256xf32, #tpu.memory_space<hbm>>
        %dma_start3A_121 = arith.constant 0 : i32
        %dma_start3A_122 = tpu.memref_slice %arg5[%arg0, %add3A_114, %dma_start3A_121] : memref<2x5120x256xf32, #tpu.memory_space<hbm>> -> memref<1x32x256xf32, #tpu.memory_space<hbm>>
        %dma_start3A_123 = tpu.memref_squeeze %dma_start3A_122 : memref<1x32x256xf32, #tpu.memory_space<hbm>> -> memref<32x256xf32, #tpu.memory_space<hbm>>
        %dma_start3A_124 = arith.constant 0 : i32
        %dma_start3A_125 = arith.constant 0 : i32
        %dma_start3A_126 = tpu.memref_slice %arg10[%dma_start3A_124, %dma_start3A_125] : memref<40x256xf32, #tpu.memory_space<vmem>> -> memref<32x256xf32, #tpu.memory_space<vmem>>
        tpu.enqueue_dma source(%dma_start3A_126 : memref<32x256xf32, #tpu.memory_space<vmem>>) target(%dma_start3A_123 : memref<32x256xf32, #tpu.memory_space<hbm>>) target_semaphore(%run_scoped3A : memref<!tpu.dma_semaphore, #tpu.memory_space<semaphore_mem>>)
        %dma_wait3A_127 = arith.constant 0 : i32
        %dma_wait3A_128 = arith.constant 0 : i32
        %dma_wait3A_129 = tpu.memref_slice %arg10[%dma_wait3A_127, %dma_wait3A_128] : memref<40x256xf32, #tpu.memory_space<vmem>> -> memref<32x256xf32, #tpu.memory_space<vmem>>
        %dma_wait3A_130 = arith.constant 0 : i32
        %dma_wait3A_131 = tpu.memref_slice %arg5[%arg0, %add3A_114, %dma_wait3A_130] : memref<2x5120x256xf32, #tpu.memory_space<hbm>> -> memref<1x32x256xf32, #tpu.memory_space<hbm>>
        %dma_wait3A_132 = tpu.memref_squeeze %dma_wait3A_131 : memref<1x32x256xf32, #tpu.memory_space<hbm>> -> memref<32x256xf32, #tpu.memory_space<hbm>>
        %dma_wait3A_133 = arith.constant 0 : i32
        %dma_wait3A_134 = tpu.memref_slice %arg5[%arg0, %add3A_114, %dma_wait3A_133] : memref<2x5120x256xf32, #tpu.memory_space<hbm>> -> memref<1x32x256xf32, #tpu.memory_space<hbm>>
        %dma_wait3A_135 = tpu.memref_squeeze %dma_wait3A_134 : memref<1x32x256xf32, #tpu.memory_space<hbm>> -> memref<32x256xf32, #tpu.memory_space<hbm>>
        %dma_wait3A_136 = arith.constant 0 : i32
        %dma_wait3A_137 = arith.constant 0 : i32
        %dma_wait3A_138 = tpu.memref_slice %arg10[%dma_wait3A_136, %dma_wait3A_137] : memref<40x256xf32, #tpu.memory_space<vmem>> -> memref<32x256xf32, #tpu.memory_space<vmem>>
        tpu.wait_dma2 semaphore(%run_scoped3A : memref<!tpu.dma_semaphore, #tpu.memory_space<semaphore_mem>>) src(%dma_wait3A_138 : memref<32x256xf32, #tpu.memory_space<vmem>>) dst(%dma_wait3A_135 : memref<32x256xf32, #tpu.memory_space<hbm>>)
        tpu.yield
      }) : () -> ()
    }
    %scan3A_108 = arith.constant 10 : i32
    return
  }
}

module attributes {stable_mosaic.version = 14 : i64} {
  func.func @_table_body(%arg0: i32, %arg1: memref<400x128xf32, #tpu.memory_space<vmem>>, %arg2: memref<400x128xf32, #tpu.memory_space<vmem>>, %arg3: memref<400x256xf32, #tpu.memory_space<vmem>>) attributes {dimension_semantics = [#tpu.dimension_semantics<arbitrary>], iteration_bounds = array<i64: 25>, scalar_prefetch = 0 : i64, scratch_operands = 0 : i64, tpu.core_type = #tpu.core_type<tc>, window_params = [{transform_indices = @transform_0, window_bounds = array<i64: 400, 128>}, {transform_indices = @transform_1, window_bounds = array<i64: 400, 128>}, {transform_indices = @transform_2, window_bounds = array<i64: 400, 256>}]} {
    %get3A = arith.constant 0 : index
    %get3A_0 = arith.constant 0 : index
    %get3A_1 = vector.load %arg1[%get3A, %get3A_0] : memref<400x128xf32, #tpu.memory_space<vmem>>, vector<400x128xf32>
    %reduce_max3A = arith.constant dense<0xFF800000> : vector<400xf32>
    %reduce_max3A_2 = vector.multi_reduction <maximumf>, %get3A_1, %reduce_max3A [1] : vector<400x128xf32> to vector<400xf32>
    %broadcast_in_dim3A = vector.shape_cast %reduce_max3A_2 : vector<400xf32> to vector<400x1xf32>
    %sub3A = vector.broadcast %broadcast_in_dim3A : vector<400x1xf32> to vector<400x128xf32>
    %sub3A_3 = arith.subf %get3A_1, %sub3A : vector<400x128xf32>
    %exp3A = math.exp %sub3A_3 : vector<400x128xf32>
    %reduce_sum3A = arith.constant dense<0.000000e+00> : vector<400xf32>
    %reduce_sum3A_4 = vector.multi_reduction <add>, %exp3A, %reduce_sum3A [1] : vector<400x128xf32> to vector<400xf32>
    %broadcast_in_dim3A_5 = vector.shape_cast %reduce_sum3A_4 : vector<400xf32> to vector<400x1xf32>
    %div3A = vector.broadcast %broadcast_in_dim3A_5 : vector<400x1xf32> to vector<400x128xf32>
    %div3A_6 = arith.divf %exp3A, %div3A : vector<400x128xf32>
    %get3A_7 = arith.constant 0 : index
    %get3A_8 = arith.constant 0 : index
    %get3A_9 = vector.load %arg2[%get3A_7, %get3A_8] : memref<400x128xf32, #tpu.memory_space<vmem>>, vector<400x128xf32>
    %reduce_max3A_10 = arith.constant dense<0xFF800000> : vector<400xf32>
    %reduce_max3A_11 = vector.multi_reduction <maximumf>, %get3A_9, %reduce_max3A_10 [1] : vector<400x128xf32> to vector<400xf32>
    %broadcast_in_dim3A_12 = vector.shape_cast %reduce_max3A_11 : vector<400xf32> to vector<400x1xf32>
    %sub3A_13 = vector.broadcast %broadcast_in_dim3A_12 : vector<400x1xf32> to vector<400x128xf32>
    %sub3A_14 = arith.subf %get3A_9, %sub3A_13 : vector<400x128xf32>
    %exp3A_15 = math.exp %sub3A_14 : vector<400x128xf32>
    %reduce_sum3A_16 = arith.constant dense<0.000000e+00> : vector<400xf32>
    %reduce_sum3A_17 = vector.multi_reduction <add>, %exp3A_15, %reduce_sum3A_16 [1] : vector<400x128xf32> to vector<400xf32>
    %broadcast_in_dim3A_18 = vector.shape_cast %reduce_sum3A_17 : vector<400xf32> to vector<400x1xf32>
    %div3A_19 = vector.broadcast %broadcast_in_dim3A_18 : vector<400x1xf32> to vector<400x128xf32>
    %div3A_20 = arith.divf %exp3A_15, %div3A_19 : vector<400x128xf32>
    %concatenate3A = tpu.concatenate %div3A_6, %div3A_20 in 1 : vector<400x128xf32>, vector<400x128xf32> -> vector<400x256xf32>
    %swap3A = arith.constant 0 : index
    %swap3A_21 = arith.constant 0 : index
    %swap3A_22 = vector.load %arg3[%swap3A, %swap3A_21] : memref<400x256xf32, #tpu.memory_space<vmem>>, vector<400x256xf32>
    tpu.vector_store %arg3[%swap3A, %swap3A_21], %concatenate3A {strides = array<i32>} : memref<400x256xf32, #tpu.memory_space<vmem>>, vector<400x256xf32>,
    return
  }
  func.func @transform_0(%arg0: i32) -> (i32, i32) {
    %c0_i32 = arith.constant 0 : i32
    %c0_i32_0 = arith.constant 0 : i32
    return %arg0, %c0_i32 : i32, i32
  }
  func.func @transform_1(%arg0: i32) -> (i32, i32) {
    %c0_i32 = arith.constant 0 : i32
    %c0_i32_0 = arith.constant 0 : i32
    return %arg0, %c0_i32 : i32, i32
  }
  func.func @transform_2(%arg0: i32) -> (i32, i32) {
    %c0_i32 = arith.constant 0 : i32
    %c0_i32_0 = arith.constant 0 : i32
    return %arg0, %c0_i32 : i32, i32
  }
}

module attributes {stable_mosaic.version = 14 : i64} {
  func.func @_counts_body(%arg0: i32, %arg1: memref<1x1x2560xi32, #tpu.memory_space<vmem>>, %arg2: memref<40x128xf32, #tpu.memory_space<vmem>>) attributes {dimension_semantics = [#tpu.dimension_semantics<arbitrary>], iteration_bounds = array<i64: 125>, scalar_prefetch = 0 : i64, scratch_operands = 0 : i64, tpu.core_type = #tpu.core_type<tc>, window_params = [{transform_indices = @transform_0, window_bounds = array<i64: 1, 1, 2560>}, {pipeline_mode = #tpu.pipeline_mode<synchronous>, transform_indices = @transform_1, window_bounds = array<i64: 40, 128>}]} {
    %eq3A = arith.constant 0 : i32
    %eq3A_0 = arith.cmpi eq, %arg0, %eq3A : i32
    %convert_element_type3A = arith.extui %eq3A_0 : i1 to i32
    %cond3A = arith.constant 0 : i32
    %cond3A_1 = arith.cmpi ne, %convert_element_type3A, %cond3A : i32
    scf.if %cond3A_1 {
      %broadcast_in_dim3A_48 = arith.constant 0.000000e+00 : f32
      %broadcast_in_dim3A_49 = vector.broadcast %broadcast_in_dim3A_48 : f32 to vector<40x128xf32>
      %swap3A_50 = arith.constant 0 : index
      %swap3A_51 = arith.constant 0 : index
      %swap3A_52 = vector.load %arg2[%swap3A_50, %swap3A_51] : memref<40x128xf32, #tpu.memory_space<vmem>>, vector<40x128xf32>
      tpu.vector_store %arg2[%swap3A_50, %swap3A_51], %broadcast_in_dim3A_49 {strides = array<i32>} : memref<40x128xf32, #tpu.memory_space<vmem>>, vector<40x128xf32>,
    } else {
    }
    %get3A = arith.constant 0 : index
    %get3A_2 = arith.constant 0 : index
    %get3A_3 = arith.constant 0 : index
    %get3A_4 = vector.load %arg1[%get3A, %get3A_2, %get3A_3] : memref<1x1x2560xi32, #tpu.memory_space<vmem>>, vector<1x1x2560xi32>
    %get3A_5 = vector.shape_cast %get3A_4 : vector<1x1x2560xi32> to vector<1x2560xi32>
    %jit3A = arith.constant 128 : i32
    %div3A = vector.broadcast %jit3A : i32 to vector<1x2560xi32>
    %div3A_6 = arith.divsi %get3A_5, %div3A : vector<1x2560xi32>
    %sign3A = arith.constant 0 : i32
    %sign3A_7 = vector.broadcast %sign3A : i32 to vector<1x2560xi32>
    %sign3A_8 = arith.cmpi sgt, %get3A_5, %sign3A_7 : vector<1x2560xi32>
    %sign3A_9 = arith.extui %sign3A_8 : vector<1x2560xi1> to vector<1x2560xi32>
    %sign3A_10 = arith.constant 0 : i32
    %sign3A_11 = vector.broadcast %sign3A_10 : i32 to vector<1x2560xi32>
    %sign3A_12 = arith.cmpi slt, %get3A_5, %sign3A_11 : vector<1x2560xi32>
    %sign3A_13 = arith.extui %sign3A_12 : vector<1x2560xi1> to vector<1x2560xi32>
    %sign3A_14 = arith.subi %sign3A_9, %sign3A_13 : vector<1x2560xi32>
    %sign3A_15 = arith.constant 0 : i32
    %sign3A_16 = arith.cmpi sgt, %jit3A, %sign3A_15 : i32
    %sign3A_17 = arith.extui %sign3A_16 : i1 to i32
    %sign3A_18 = arith.constant 0 : i32
    %sign3A_19 = arith.cmpi slt, %jit3A, %sign3A_18 : i32
    %sign3A_20 = arith.extui %sign3A_19 : i1 to i32
    %sign3A_21 = arith.subi %sign3A_17, %sign3A_20 : i32
    %ne3A = vector.broadcast %sign3A_21 : i32 to vector<1x2560xi32>
    %ne3A_22 = arith.cmpi ne, %sign3A_14, %ne3A : vector<1x2560xi32>
    %rem3A = vector.broadcast %jit3A : i32 to vector<1x2560xi32>
    %rem3A_23 = arith.remsi %get3A_5, %rem3A : vector<1x2560xi32>
    %ne3A_24 = arith.constant 0 : i32
    %ne3A_25 = vector.broadcast %ne3A_24 : i32 to vector<1x2560xi32>
    %ne3A_26 = arith.cmpi ne, %rem3A_23, %ne3A_25 : vector<1x2560xi32>
    %and3A = arith.andi %ne3A_22, %ne3A_26 : vector<1x2560xi1>
    %sub3A = arith.constant 1 : i32
    %sub3A_27 = vector.broadcast %sub3A : i32 to vector<1x2560xi32>
    %sub3A_28 = arith.subi %div3A_6, %sub3A_27 : vector<1x2560xi32>
    %select_n3A = arith.select %and3A, %sub3A_28, %div3A_6 : vector<1x2560xi1>, vector<1x2560xi32>
    %mul3A = arith.constant 128 : i32
    %mul3A_29 = vector.broadcast %mul3A : i32 to vector<1x2560xi32>
    %mul3A_30 = arith.muli %select_n3A, %mul3A_29 : vector<1x2560xi32>
    %sub3A_31 = arith.subi %get3A_5, %mul3A_30 : vector<1x2560xi32>
    %broadcast_in_dim3A = vector.shape_cast %select_n3A : vector<1x2560xi32> to vector<1x2560xi32>
    %broadcast_in_dim3A_32 = vector.broadcast %broadcast_in_dim3A : vector<1x2560xi32> to vector<40x2560xi32>
    %iota3A = tpu.iota {dimensions = array<i32: 0>} : vector<40x2560xi32>
    %eq3A_33 = arith.cmpi eq, %broadcast_in_dim3A_32, %iota3A : vector<40x2560xi32>
    %convert_element_type3A_34 = arith.extui %eq3A_33 : vector<40x2560xi1> to vector<40x2560xi32>
    %convert_element_type3A_35 = arith.sitofp %convert_element_type3A_34 : vector<40x2560xi32> to vector<40x2560xf32>
    %broadcast_in_dim3A_36 = vector.shape_cast %sub3A_31 : vector<1x2560xi32> to vector<1x2560xi32>
    %broadcast_in_dim3A_37 = vector.broadcast %broadcast_in_dim3A_36 : vector<1x2560xi32> to vector<128x2560xi32>
    %iota3A_38 = tpu.iota {dimensions = array<i32: 0>} : vector<128x2560xi32>
    %eq3A_39 = arith.cmpi eq, %broadcast_in_dim3A_37, %iota3A_38 : vector<128x2560xi32>
    %convert_element_type3A_40 = arith.extui %eq3A_39 : vector<128x2560xi1> to vector<128x2560xi32>
    %convert_element_type3A_41 = arith.sitofp %convert_element_type3A_40 : vector<128x2560xi32> to vector<128x2560xf32>
    %get3A_42 = arith.constant 0 : index
    %get3A_43 = arith.constant 0 : index
    %get3A_44 = vector.load %arg2[%get3A_42, %get3A_43] : memref<40x128xf32, #tpu.memory_space<vmem>>, vector<40x128xf32>
    %dot_general3A = arith.constant dense<0.000000e+00> : vector<40x128xf32>
    %dot_general3A_45 = tpu.matmul %convert_element_type3A_35, %convert_element_type3A_41, %dot_general3A {dimension_numbers = #tpu.dot_dimension_numbers<[1], [1], [0], [0], [0, 0, 1, 0], [], []>, transpose_lhs_hint = false} : vector<40x2560xf32>, vector<128x2560xf32>, vector<40x128xf32> -> vector<40x128xf32>
    %add3A = arith.addf %get3A_44, %dot_general3A_45 : vector<40x128xf32>
    %swap3A = arith.constant 0 : index
    %swap3A_46 = arith.constant 0 : index
    %swap3A_47 = vector.load %arg2[%swap3A, %swap3A_46] : memref<40x128xf32, #tpu.memory_space<vmem>>, vector<40x128xf32>
    tpu.vector_store %arg2[%swap3A, %swap3A_46], %add3A {strides = array<i32>} : memref<40x128xf32, #tpu.memory_space<vmem>>, vector<40x128xf32>,
    return
  }
  func.func @transform_0(%arg0: i32) -> (i32, i32, i32) {
    %c0_i32 = arith.constant 0 : i32
    %c0_i32_0 = arith.constant 0 : i32
    %c0_i32_1 = arith.constant 0 : i32
    return %arg0, %c0_i32, %c0_i32_0 : i32, i32, i32
  }
  func.func @transform_1(%arg0: i32) -> (i32, i32) {
    %c0_i32 = arith.constant 0 : i32
    %c0_i32_0 = arith.constant 0 : i32
    %c0_i32_1 = arith.constant 0 : i32
    return %c0_i32, %c0_i32_0 : i32, i32
  }
}

module attributes {stable_mosaic.version = 14 : i64} {
  func.func @_loss_body(%arg0: i32, %arg1: memref<2x200x256xf32, #tpu.memory_space<vmem>>, %arg2: memref<200x1xf32, #tpu.memory_space<vmem>>, %arg3: memref<200x1xf32, #tpu.memory_space<vmem>>, %arg4: memref<200x1xf32, #tpu.memory_space<vmem>>, %arg5: memref<1x1xf32, #tpu.memory_space<vmem>>, %arg6: memref<2xf32, #tpu.memory_space<smem>>) attributes {dimension_semantics = [#tpu.dimension_semantics<arbitrary>], iteration_bounds = array<i64: 25>, scalar_prefetch = 0 : i64, scratch_operands = 1 : i64, tpu.core_type = #tpu.core_type<tc>, window_params = [{transform_indices = @transform_0, window_bounds = array<i64: 2, 200, 256>}, {transform_indices = @transform_1, window_bounds = array<i64: 200, 1>}, {transform_indices = @transform_2, window_bounds = array<i64: 200, 1>}, {transform_indices = @transform_3, window_bounds = array<i64: 200, 1>}, {pipeline_mode = #tpu.pipeline_mode<synchronous>, transform_indices = @transform_4, window_bounds = array<i64: 1, 1>}]} {
    %eq3A = arith.constant 0 : i32
    %eq3A_0 = arith.cmpi eq, %arg0, %eq3A : i32
    %convert_element_type3A = arith.extui %eq3A_0 : i1 to i32
    %cond3A = arith.constant 0 : i32
    %cond3A_1 = arith.cmpi ne, %convert_element_type3A, %cond3A : i32
    scf.if %cond3A_1 {
      %swap3A_68 = arith.constant 0.000000e+00 : f32
      %swap3A_69 = arith.constant 0 : index
      %swap3A_70 = memref.load %arg6[%swap3A_69] : memref<2xf32, #tpu.memory_space<smem>>
      memref.store %swap3A_68, %arg6[%swap3A_69] : memref<2xf32, #tpu.memory_space<smem>>
      %swap3A_71 = arith.constant 0.000000e+00 : f32
      %swap3A_72 = arith.constant 1 : index
      %swap3A_73 = memref.load %arg6[%swap3A_72] : memref<2xf32, #tpu.memory_space<smem>>
      memref.store %swap3A_71, %arg6[%swap3A_72] : memref<2xf32, #tpu.memory_space<smem>>
    } else {
    }
    %get3A = arith.constant 0 : index
    %get3A_2 = arith.constant 0 : index
    %get3A_3 = arith.constant 0 : index
    %get3A_4 = vector.load %arg1[%get3A, %get3A_2, %get3A_3] : memref<2x200x256xf32, #tpu.memory_space<vmem>>, vector<1x200x256xf32>
    %get3A_5 = vector.shape_cast %get3A_4 : vector<1x200x256xf32> to vector<200x256xf32>
    %get3A_6 = arith.constant 1 : index
    %get3A_7 = arith.constant 0 : index
    %get3A_8 = arith.constant 0 : index
    %get3A_9 = vector.load %arg1[%get3A_6, %get3A_7, %get3A_8] : memref<2x200x256xf32, #tpu.memory_space<vmem>>, vector<1x200x256xf32>
    %get3A_10 = vector.shape_cast %get3A_9 : vector<1x200x256xf32> to vector<200x256xf32>
    %add3A = arith.addf %get3A_5, %get3A_10 : vector<200x256xf32>
    %get3A_11 = arith.constant 0 : index
    %get3A_12 = arith.constant 0 : index
    %get3A_13 = vector.load %arg2[%get3A_11, %get3A_12] : memref<200x1xf32, #tpu.memory_space<vmem>>, vector<200x1xf32>
    %max3A = arith.constant 1.000000e+00 : f32
    %max3A_14 = vector.broadcast %max3A : f32 to vector<200x1xf32>
    %max3A_15 = arith.maximumf %get3A_13, %max3A_14 : vector<200x1xf32>
    %slice3A = vector.extract_strided_slice %add3A {offsets = [0, 0], sizes = [200, 128], strides = [1, 1]} : vector<200x256xf32> to vector<200x128xf32>
    %div3A = vector.broadcast %max3A_15 : vector<200x1xf32> to vector<200x128xf32>
    %div3A_16 = arith.divf %slice3A, %div3A : vector<200x128xf32>
    %slice3A_17 = vector.extract_strided_slice %add3A {offsets = [0, 128], sizes = [200, 128], strides = [1, 1]} : vector<200x256xf32> to vector<200x128xf32>
    %div3A_18 = vector.broadcast %max3A_15 : vector<200x1xf32> to vector<200x128xf32>
    %div3A_19 = arith.divf %slice3A_17, %div3A_18 : vector<200x128xf32>
    %div3A_20 = arith.constant 1.000000e+00 : f32
    %div3A_21 = vector.broadcast %div3A_20 : f32 to vector<200x128xf32>
    %div3A_22 = arith.divf %div3A_16, %div3A_21 : vector<200x128xf32>
    %add3A_23 = arith.constant 9.99999971E-10 : f32
    %add3A_24 = vector.broadcast %add3A_23 : f32 to vector<200x128xf32>
    %add3A_25 = arith.addf %div3A_22, %add3A_24 : vector<200x128xf32>
    %log3A = math.log %add3A_25 : vector<200x128xf32>
    %div3A_26 = arith.constant 1.000000e+00 : f32
    %div3A_27 = vector.broadcast %div3A_26 : f32 to vector<200x128xf32>
    %div3A_28 = arith.divf %div3A_19, %div3A_27 : vector<200x128xf32>
    %log3A_29 = math.log %div3A_28 : vector<200x128xf32>
    %sub3A = arith.subf %log3A_29, %log3A : vector<200x128xf32>
    %mul3A = arith.mulf %div3A_28, %sub3A : vector<200x128xf32>
    %reduce_sum3A = arith.constant dense<0.000000e+00> : vector<200xf32>
    %reduce_sum3A_30 = vector.multi_reduction <add>, %mul3A, %reduce_sum3A [1] : vector<200x128xf32> to vector<200xf32>
    %broadcast_in_dim3A = vector.shape_cast %reduce_sum3A_30 : vector<200xf32> to vector<200x1xf32>
    %get3A_31 = arith.constant 0 : index
    %get3A_32 = arith.constant 0 : index
    %get3A_33 = vector.load %arg3[%get3A_31, %get3A_32] : memref<200x1xf32, #tpu.memory_space<vmem>>, vector<200x1xf32>
    %jit3A = arith.constant 0.000000e+00 : f32
    %jit3A_34 = arith.constant 1.000000e+00 : f32
    %max3A_35 = vector.broadcast %jit3A : f32 to vector<200x1xf32>
    %max3A_36 = arith.maximumf %max3A_35, %get3A_33 : vector<200x1xf32>
    %min3A = vector.broadcast %jit3A_34 : f32 to vector<200x1xf32>
    %min3A_37 = arith.minimumf %min3A, %max3A_36 : vector<200x1xf32>
    %get3A_38 = arith.constant 0 : index
    %get3A_39 = arith.constant 0 : index
    %get3A_40 = vector.load %arg4[%get3A_38, %get3A_39] : memref<200x1xf32, #tpu.memory_space<vmem>>, vector<200x1xf32>
    %lt3A = arith.cmpf olt, %get3A_40, %min3A_37 : vector<200x1xf32>
    %convert_element_type3A_41 = arith.extui %lt3A : vector<200x1xi1> to vector<200x1xi32>
    %convert_element_type3A_42 = arith.sitofp %convert_element_type3A_41 : vector<200x1xi32> to vector<200x1xf32>
    %get3A_43 = arith.constant 0 : index
    %get3A_44 = memref.load %arg6[%get3A_43] : memref<2xf32, #tpu.memory_space<smem>>
    %mul3A_45 = arith.mulf %convert_element_type3A_42, %broadcast_in_dim3A : vector<200x1xf32>
    %reduce_sum3A_46 = vector.shape_cast %mul3A_45 : vector<200x1xf32> to vector<1x200x1xf32>
    %reduce_sum3A_47 = arith.constant dense<0.000000e+00> : vector<1xf32>
    %reduce_sum3A_48 = vector.multi_reduction <add>, %reduce_sum3A_46, %reduce_sum3A_47 [1, 2] : vector<1x200x1xf32> to vector<1xf32>
    %reduce_sum3A_49 = vector.shape_cast %reduce_sum3A_48 : vector<1xf32> to vector<1x1x1xf32>
    %reduce_sum3A_50 = vector.extract %reduce_sum3A_49[0, 0, 0] : f32 from vector<1x1x1xf32>
    %add3A_51 = arith.addf %get3A_44, %reduce_sum3A_50 : f32
    %swap3A = arith.constant 0 : index
    %swap3A_52 = memref.load %arg6[%swap3A] : memref<2xf32, #tpu.memory_space<smem>>
    memref.store %add3A_51, %arg6[%swap3A] : memref<2xf32, #tpu.memory_space<smem>>
    %get3A_53 = arith.constant 1 : index
    %get3A_54 = memref.load %arg6[%get3A_53] : memref<2xf32, #tpu.memory_space<smem>>
    %reduce_sum3A_55 = vector.shape_cast %convert_element_type3A_42 : vector<200x1xf32> to vector<1x200x1xf32>
    %reduce_sum3A_56 = arith.constant dense<0.000000e+00> : vector<1xf32>
    %reduce_sum3A_57 = vector.multi_reduction <add>, %reduce_sum3A_55, %reduce_sum3A_56 [1, 2] : vector<1x200x1xf32> to vector<1xf32>
    %reduce_sum3A_58 = vector.shape_cast %reduce_sum3A_57 : vector<1xf32> to vector<1x1x1xf32>
    %reduce_sum3A_59 = vector.extract %reduce_sum3A_58[0, 0, 0] : f32 from vector<1x1x1xf32>
    %add3A_60 = arith.addf %get3A_54, %reduce_sum3A_59 : f32
    %swap3A_61 = arith.constant 1 : index
    %swap3A_62 = memref.load %arg6[%swap3A_61] : memref<2xf32, #tpu.memory_space<smem>>
    memref.store %add3A_60, %arg6[%swap3A_61] : memref<2xf32, #tpu.memory_space<smem>>
    %eq3A_63 = arith.constant 24 : i32
    %eq3A_64 = arith.cmpi eq, %arg0, %eq3A_63 : i32
    %convert_element_type3A_65 = arith.extui %eq3A_64 : i1 to i32
    %cond3A_66 = arith.constant 0 : i32
    %cond3A_67 = arith.cmpi ne, %convert_element_type3A_65, %cond3A_66 : i32
    scf.if %cond3A_67 {
      %get3A_68 = arith.constant 1 : index
      %get3A_69 = memref.load %arg6[%get3A_68] : memref<2xf32, #tpu.memory_space<smem>>
      %get3A_70 = arith.constant 0 : index
      %get3A_71 = memref.load %arg6[%get3A_70] : memref<2xf32, #tpu.memory_space<smem>>
      %max3A_72 = arith.constant 1.000000e+00 : f32
      %max3A_73 = arith.maximumf %get3A_69, %max3A_72 : f32
      %div3A_74 = arith.divf %get3A_71, %max3A_73 : f32
      %gt3A = arith.constant 0.000000e+00 : f32
      %gt3A_75 = arith.cmpf ogt, %get3A_69, %gt3A : f32
      %jit3A_76 = arith.constant 0.000000e+00 : f32
      %select_n3A = arith.select %gt3A_75, %div3A_74, %jit3A_76 : f32
      %broadcast_in_dim3A_77 = vector.broadcast %select_n3A : f32 to vector<1x1xf32>
      %swap3A_78 = arith.constant 0 : index
      %swap3A_79 = arith.constant 0 : index
      %swap3A_80 = vector.load %arg5[%swap3A_78, %swap3A_79] : memref<1x1xf32, #tpu.memory_space<vmem>>, vector<1x1xf32>
      tpu.vector_store %arg5[%swap3A_78, %swap3A_79], %broadcast_in_dim3A_77 {strides = array<i32>} : memref<1x1xf32, #tpu.memory_space<vmem>>, vector<1x1xf32>,
    } else {
    }
    return
  }
  func.func @transform_0(%arg0: i32) -> (i32, i32, i32) {
    %c0_i32 = arith.constant 0 : i32
    %c0_i32_0 = arith.constant 0 : i32
    %c0_i32_1 = arith.constant 0 : i32
    return %c0_i32, %arg0, %c0_i32_0 : i32, i32, i32
  }
  func.func @transform_1(%arg0: i32) -> (i32, i32) {
    %c0_i32 = arith.constant 0 : i32
    %c0_i32_0 = arith.constant 0 : i32
    return %arg0, %c0_i32 : i32, i32
  }
  func.func @transform_2(%arg0: i32) -> (i32, i32) {
    %c0_i32 = arith.constant 0 : i32
    %c0_i32_0 = arith.constant 0 : i32
    return %arg0, %c0_i32 : i32, i32
  }
  func.func @transform_3(%arg0: i32) -> (i32, i32) {
    %c0_i32 = arith.constant 0 : i32
    %c0_i32_0 = arith.constant 0 : i32
    return %arg0, %c0_i32 : i32, i32
  }
  func.func @transform_4(%arg0: i32) -> (i32, i32) {
    %c0_i32 = arith.constant 0 : i32
    %c0_i32_0 = arith.constant 0 : i32
    %c0_i32_1 = arith.constant 0 : i32
    return %c0_i32, %c0_i32_0 : i32, i32
  }
}

</mosaic_0001>

<sc_bundles>
// kernel: kernel.6.cloned.1.call-start
scs
__scs_entry_jumppad:
0x0: {  	(pc) =	sbr.rel $0x88, $3  }
0x1: {  	(tag) =	ssettag $0x0;
	lr =	simm.s32 $0x1  }
0x2: {  	[smem:$0x3F9C] =	sst lr;
	_ =	strace $0xD0000000  }
0x3: {  	_ = 	snop  }
0x4: {  	_ = 	snop  }
0x5: {  	_ = 	snop  }
0x6: {  	_ = 	snop  }
0x7: {  	_ = 	snop  }
__scs_overlays_trampoline_lowered:
0x8: {  	[smem:$0x3FAB] =	sst s0  }
0x9: {  	[smem:$0x3FAC] =	sst s1  }
0xa: {  	[smem:$0x3FAD] =	sst s2  }
0xb: {  	[smem:$0x3FAE] =	sst s3  }
0xc: {  	[smem:$0x3FAF] =	sst s4  }
0xd: {  	[smem:$0x3FB0] =	sst s5  }
0xe: {  	[smem:$0x3FB1] =	sst s6  }
0xf: {  	[smem:$0x3FB2] =	sst s7  }
0x10: {  	[smem:$0x3FB3] =	sst s8  }
0x11: {  	[smem:$0x3FB4] =	sst s9;
	s0 =	simm.s32 @!p0 $0x0  }
0x12: {  	s1 =	sld [smem:$0x3F9A];
	s0 =	simm.s32 @p0 $0x1  }
0x13: {  	[smem:$0x3FB5] =	sst s0;
	s0 =	simm.s32 @!p1 $0x0  }
0x14: {  	s2 =	sld [smem:$0x3F99];
	s0 =	simm.s32 @p1 $0x1  }
0x15: {  	[smem:$0x3FB6] =	sst s0;
	s0 =	simm.s32 @!p2 $0x0  }
0x16: {  	s3 =	sld [smem:$0x3FDB];
	s0 =	simm.s32 @p2 $0x1  }
0x17: {  	s4 =	simm.s32 $0x1BF5;
	[smem:$0x3FB8] =	sst s0  }
0x18: {  	s0 =	sld [smem:$0x3F9B];
	_ =	swait.ge [sflag:s4], $0x0  }
0x19: {  	s7 =	sld [smem:$0x3F9C]  }
0x1a: {  	s8 =	sadd.s32 $0xFFFFE003, lr  }
0x1b: {  	s9 =	sadd.s32 $0xFFFFFEF7, lr;
	s5 =	simm.s32 $0xFFFFFFFF;
	p2 =	slt.u32 s8, $0xFFFFF086  }
0x1c: {  	p1 =	slt.u32 s9, $0xF7A;
	s5 =	simm.s32 @!p2 $0x0  }
0x1d: {  	s5 =	simm.s32 @p1 $0x1;
	p0 =	seq.s32 s7, s2  }
0x1e: {  	s7 =	smul.u32 @!p0 $0xF7A, s2;
	p2 =	seq.s32 @!p0 s5, $0x0  }
0x1f: {  	s9 =	smul.u32 $0xF7A, s1;
	s8 =	simm.s32 @!p0 $0x1BF5;
	p2 =	por !p2, p0  }
0x20: {  	[sflag:s8] =	ssyncset.s32 @!p0 $0xFFFFF086;
	s6 =	sadd.s32 @!p0 s3, s7;
	s7 =	simm.s32 @!p0 $0x108  }
0x21: {  	s3 =	sadd.s32 s3, s9;
	s6 =	sadd.s32 @!p0 $0x88, s6;
	s7 =	simm.s32 @p2 $0x1082  }
0x22: {  	[simem:s7], [sflag:s8] =	dma.local @!p0 [hbm:s6], $0xF7A  }
0x23: {  	s9 =	sor.u32 $0xD0000000, s2;
	s6 =	simm.s32 $0x108;
	_ =	swait.ge @!p0 [sflag:s8], $0x0  }
0x24: {  	s3 =	sadd.s32 $0x88, s3;
	s6 =	simm.s32 @!p1 $0x1082;
	[sflag:s4] =	ssyncset.s32 $0xFFFFF086  }
0x25: {  	[simem:s6], [sflag:s4] =	dma.local [hbm:s3], $0xF7A  }
0x26: {  	[smem:$0x3F9C] =	sst s1;
	(tag) =	ssettag s2;
	_ =	strace s9  }
0x27: {  	s1 =	sld [smem:$0x3FAC]  }
0x28: {  	s2 =	sld [smem:$0x3FAD]  }
0x29: {  	s4 =	sld [smem:$0x3FAF]  }
0x2a: {  	p0 =	seq.s32 s5, $0x0;
	s5 =	sld [smem:$0x3FB0]  }
0x2b: {  	s6 =	sld [smem:$0x3FB1]  }
0x2c: {  	s7 =	sld [smem:$0x3FB2]  }
0x2d: {  	s3 =	simm.s32 $0x108;
	s8 =	sld [smem:$0x3FB3]  }
0x2e: {  	s3 =	simm.s32 @!p0 $0x1082;
	s9 =	sld [smem:$0x3FB4]  }
0x2f: {  	lr =	sadd.s32 s0, s3;
	s0 =	sld [smem:$0x3FAB]  }
0x30: {  	s3 =	sld [smem:$0x3FAE]  }
0x31: {  	[smem:$0x3FB7] =	sst s10  }
0x32: {  	s10 =	sld [smem:$0x3FB5];
	_ =	sdelay $0x3  }
0x33: {  	p0 =	seq.s32 s10, $0x1;
	s10 =	sld [smem:$0x3FB7];
	_ =	sdelay $0x3  }
0x34: {  	[smem:$0x3FB7] =	sst s10  }
0x35: {  	s10 =	sld [smem:$0x3FB6];
	_ =	sdelay $0x3  }
0x36: {  	p1 =	seq.s32 s10, $0x1;
	s10 =	sld [smem:$0x3FB7];
	_ =	sdelay $0x3  }
0x37: {  	[smem:$0x3FB7] =	sst s10  }
0x38: {  	s10 =	sld [smem:$0x3FB8]  }
0x39: {  	_ = 	snop;
	(pc) =	sbr.ind lr, $3  }
0x3a: {  	_ = 	snop  }
0x3b: {  	_ = 	snop  }
0x3c: {  	p2 =	seq.s32 s10, $0x1;
	s10 =	sld [smem:$0x3FB7]  }
0x3d: {  	_ =	shalt  }
0x3e: {  	_ =	shalt  }
0x3f: {  	_ =	shalt  }
0x40: {  	_ =	shalt  }
0x41: {  	_ =	shalt  }
0x42: {  	_ =	shalt  }
0x43: {  	_ =	shalt  }
0x44: {  	_ =	shalt  }
0x45: {  	_ =	shalt  }
0x46: {  	_ =	shalt  }
0x47: {  	_ =	shalt  }
0x48: {  	_ =	shalt  }
0x49: {  	_ =	shalt  }
0x4a: {  	_ =	shalt  }
0x4b: {  	_ =	shalt  }
0x4c: {  	_ =	shalt  }
0x4d: {  	_ =	shalt  }
0x4e: {  	_ =	shalt  }
0x4f: {  	_ =	shalt  }
0x50: {  	_ =	shalt  }
0x51: {  	_ =	shalt  }
0x52: {  	_ =	shalt  }
0x53: {  	_ =	shalt  }
0x54: {  	_ =	shalt  }
0x55: {  	_ =	shalt  }
0x56: {  	_ =	shalt  }
0x57: {  	_ =	shalt  }
0x58: {  	_ =	shalt  }
0x59: {  	_ =	shalt  }
0x5a: {  	_ =	shalt  }
0x5b: {  	_ =	shalt  }
0x5c: {  	_ =	shalt  }
0x5d: {  	_ =	shalt  }
0x5e: {  	_ =	shalt  }
0x5f: {  	_ =	shalt  }
0x60: {  	_ =	shalt  }
0x61: {  	_ =	shalt  }
0x62: {  	_ =	shalt  }
0x63: {  	_ =	shalt  }
0x64: {  	_ =	shalt  }
0x65: {  	_ =	shalt  }
0x66: {  	_ =	shalt  }
0x67: {  	_ =	shalt  }
0x68: {  	_ =	shalt  }
0x69: {  	_ =	shalt  }
0x6a: {  	_ =	shalt  }
0x6b: {  	_ =	shalt  }
0x6c: {  	_ =	shalt  }
0x6d: {  	_ =	shalt  }
0x6e: {  	_ =	shalt  }
0x6f: {  	_ =	shalt  }
0x70: {  	_ =	shalt  }
0x71: {  	_ =	shalt  }
0x72: {  	_ =	shalt  }
0x73: {  	_ =	shalt  }
0x74: {  	_ =	shalt  }
0x75: {  	_ =	shalt  }
0x76: {  	_ =	shalt  }
0x77: {  	_ =	shalt  }
0x78: {  	_ =	shalt  }
0x79: {  	_ =	shalt  }
0x7a: {  	_ =	shalt  }
0x7b: {  	_ =	shalt  }
0x7c: {  	_ =	shalt  }
0x7d: {  	_ =	shalt  }
0x7e: {  	_ =	shalt  }
0x7f: {  	_ =	shalt  }
0x80: {  	_ =	shalt  }
0x81: {  	_ =	shalt  }
0x82: {  	_ =	shalt  }
0x83: {  	_ =	shalt  }
0x84: {  	_ =	shalt  }
0x85: {  	_ =	shalt  }
0x86: {  	_ =	shalt  }
0x87: {  	_ =	shalt  }
.Lfunc_end0:
.L_simem_size_0:
called_computation_lowered:
.L_overlay_start_0:
0x88: {  	s2 =	sld [smem:$0x3FD9]  }
0x89: {  	s3 =	sld [smem:$0x3FFE];
	_ =	sdelay $0x1  }
0x8a: {  	s1 =	srdreg.scid  }
0x8b: {  	s0 =	sand.u32 $0x1, s1  }
0x8c: {  	s16 =	sshll.u32 s0, $0xA;
	s2 =	sadd.s32 s3, s2  }
0x8d: {  	s2 =	sadd.s32 s2, s16  }
0x8e: {  	[smem:$0x3FC3] =	sst s2  }
0x8f: {  	_ = 	snop  }
0x90: {  	(tm) =	ssettm $0x1  }
0x91: {  	s17 =	sld [smem:$0x3FFB];
	_ =	sdelay $0x3  }
0x92: {  	_ =	strace s17  }
0x93: {  	s2 =	sld [smem:$0x3FFC];
	_ =	sdelay $0x3  }
0x94: {  	_ =	strace s2  }
0x95: {  	s2 =	sld [smem:$0x3FFD];
	_ =	sdelay $0x3  }
0x96: {  	_ =	strace s2  }
0x97: {  	_ =	strace $0x8FFFFFFF  }
0x98: {  	s18 =	sld [smem:$0x3FDB];
	_ =	sdelay $0x1  }
0x99: {  	s19 =	simm.s32 $_scs_section_size  }
0x9a: {  	s4 =	simm.s32 $_size__tile_overlayer_lowered;
	s5 =	simm.s32 $_tile_overlayer_lowered  }
0x9b: {  	s22 =	simm.s32 $0x1BFF;
	s21 =	sshll.u32 s5, $0x1;
	s2 =	sadd.s32 s19, s18  }
0x9c: {  	s6 =	simm.s32 $0x0;
	s20 =	sshll.u32 s4, $0x1;
	s4 =	sadd.s32 s21, s2  }
0x9d: {  	[timem:s6], [sflag:s22] =	dma.local [hbm:s4], s20  }
0x9e: {  	_ =	swait.ge [sflag:s22], s20  }
0x9f: {  	s3 =	ssub.s32 $0x0, s20;
	[sflag:s22] =	ssyncset.done $0x0  }
0xa0: {  	[sflag:s22] =	ssyncadd.s32 s3;
	_ =	sdelay $0x1  }
0xa1: {  	s23 =	simm.s32 $0x1B8B  }
0xa2: {  	_ =	swait.ge [sflag:s23], $0x1  }
0xa3: {  	[sflag:s23] =	ssyncset.done $0x0  }
0xa4: {  	s25 =	simm.s32 $0x1B8E;
	s24 =	sld [smem:$0x3FFE];
	[sflag:s23] =	ssyncadd.s32 $0xFFFFFFFF  }
0xa5: {  	s26 =	simm.s32 $execute0_lowered;
	[smem:$0x3FD2] =	sst s25  }
0xa6: {  	s4 =	sshll.u32 s26, $0x1;
	_ =	strace $0x80000046;
	[dreg:$0x1] =	wrdreg $0xFFFFFFFF  }
0xa7: {  	s28 =	simm.s32 $_size_execute0_lowered;
	s2 =	sadd.s32 s2, s4;
	[dreg:$0x0] =	wrdreg $0x0  }
0xa8: {  	s4 =	sshll.u32 s28, $0x1;
	[dreg:$0x2] =	wrdreg s2  }
0xa9: {  	[dreg:$0x3] =	wrdreg s4  }
0xaa: {  	[dreg:$0x4] =	wrdreg $0xC0  }
0xab: {  	_ =	task [dreg:s6], $0x5FFFF  }
0xac: {  	[dreg:$0x1] =	wrdreg $0xFFFFFFFF  }
0xad: {  	[dreg:$0x0] =	wrdreg $0x60  }
0xae: {  	[dreg:$0x2] =	wrdreg s24  }
0xaf: {  	[dreg:$0x3] =	wrdreg $0xB4000  }
0xb0: {  	[dreg:$0x4] =	wrdreg $0x9  }
0xb1: {  	_ =	task.clear_ibuf [dreg:s6], $0x5FFFF;
	_ =	strace $0x90000046  }
0xb2: {  	s29 =	simm.s32 $0x9;
	_ =	strace $0x80000048  }
0xb3: {  	_ =	swait.ge [sflag:s29], $0x1  }
0xb4: {  	[sflag:s29] =	ssyncadd.s32 $0xFFFFFFFF  }
0xb5: {  	_ =	strace $0x90000048  }
0xb6: {  	_ =	sfence  }
0xb7: {  	s30 =	sld [smem:$0x0];
	_ =	sdelay $0x2  }
0xb8: {  	s31 =	sshll.u32 s1, $0xD;
	s1 =	sshrl.u32 s1, $0x2  }
0xb9: {  	s3 =	sand.u32 $0x4000, s31;
	s1 =	sadd.s32 s1, s30  }
0xba: {  	s0 =	sor.u32 s3, s0;
	s1 =	sshll.u32 s1, $0x11  }
0xbb: {  	s0 =	sor.u32 s1, s0  }
0xbc: {  	s0 =	sadd.s32 $0x8F2B, s0  }
0xbd: {  	[sflag:s0] =	ssyncadd.remote.s32 $0x1  }
0xbe: {  	_ =	sfence.sel $0xFFFF  }
0xbf: {  	[dreg:$0x0] =	wrdreg $0xFFFFFFFF;
	(pc) =	sbr.abs _section_cstart, $3  }
0xc0: {  	[dreg:$0x1] =	wrdreg $0xFFFFFFFF  }
0xc1: {  	_ =	task.clear_ibuf [dreg:s6], $0x2FFFF;
	_ =	strace $0x9FFFFFFF  }
0xc2: {  	(tm) =	ssettm $0x7FFFFFFF  }
0xc3: {  	_ =	shalt  }
tec
execute0_lowered:
.L_overlay_start_1:
0x0: {  	(tag) =	ssettag $0x1  }
0x1: {  	s1 =	srdreg.scid  }
0x2: {  	s0 =	rddreg [dreg:$0x0];
	s14 =	stileid.u32  }
0x3: {  	s3 =	sand.u32 $0x1, s1;
	s1 =	simm.s32 $0x0;
	s2 =	smul.u32 $0x14000, s14  }
0x4: {  	s7 =	sadd.s32 $0x63000, s0;
	s12 =	sshll.u32 s14, $0x1;
	s4 =	ssub.s32 $0x2, s3  }
0x5: {  	[smem:$0x7FF] =	sst s1;
	s6 =	smul.u32 $0x140000, s3;
	s5 =	sshrl.u32 s4, $0x1  }
0x6: {  	s9 =	sor.u32 $0x2000, s2;
	s11 =	sadd.s32 $0x4000, s2;
	s4 =	ssub.s32 s4, s5  }
0x7: {  	s5 =	sor.u32 s3, s12;
	s8 =	sadd.s32 s6, s2;
	s10 =	sadd.s32 s6, s9  }
0x8: {  	s15 =	sadd.s32 s6, s11;
	s8 =	sshrl.u32 s8, $0x3;
	s13 =	sshrl.u32 s10, $0x3  }
0x9: {  	s16 =	sshrl.u32 s15, $0x3;
	s10 =	sadd.s32 $0x6000, s2;
	s5 =	smul.u32 $0x2800, s5  }
0xa: {  	s15 =	sadd.s32 $0x59000, s0;
	s8 =	sadd.s32 s7, s8;
	s17 =	sadd.s32 s6, s10  }
0xb: {  	[dreg:$0x3] =	wrdreg s8;
	s8 =	sadd.s32 s7, s13;
	s13 =	sadd.s32 $0x8000, s2  }
0xc: {  	[dreg:$0x4] =	wrdreg s8;
	s8 =	sadd.s32 s7, s16;
	s12 =	sadd.s32 s6, s13  }
0xd: {  	[dreg:$0x5] =	wrdreg s8;
	s8 =	sshrl.u32 s17, $0x3;
	s17 =	sadd.s32 $0xA000, s2  }
0xe: {  	s18 =	sshrl.u32 s12, $0x3;
	s12 =	rddreg [dreg:$0x1];
	s8 =	sadd.s32 s7, s8  }
0xf: {  	s19 =	sadd.s32 s6, s17;
	[dreg:$0x6] =	wrdreg s8;
	s8 =	sadd.s32 s7, s18  }
0x10: {  	s20 =	sshrl.u32 s19, $0x3;
	s18 =	sadd.s32 $0xC000, s2;
	s19 =	sadd.s32 $0xE000, s2  }
0x11: {  	[dreg:$0x7] =	wrdreg s8;
	s8 =	sadd.s32 s7, s20;
	s21 =	sadd.s32 s6, s18  }
0x12: {  	s22 =	sadd.s32 s6, s19;
	s20 =	sadd.s32 $0x10000, s2;
	[dreg:$0x8] =	wrdreg s8  }
0x13: {  	s8 =	sshrl.u32 s21, $0x3;
	s23 =	sshrl.u32 s22, $0x3;
	s24 =	sadd.s32 s6, s20  }
0x14: {  	s21 =	sadd.s32 $0x12000, s2;
	s8 =	sadd.s32 s7, s8;
	s25 =	sshrl.u32 s24, $0x3  }
0x15: {  	s6 =	sadd.s32 s6, s21;
	[dreg:$0x9] =	wrdreg s8;
	s8 =	sadd.s32 s7, s23  }
0x16: {  	s6 =	sshrl.u32 s6, $0x3;
	[dreg:$0xa] =	wrdreg s8;
	s8 =	sadd.s32 s7, s25  }
0x17: {  	s5 =	sshrl.u32 s5, $0x3;
	s6 =	sadd.s32 s7, s6;
	[dreg:$0xb] =	wrdreg s8  }
0x18: {  	s16 =	sadd.s32 $0x4F000, s0;
	s22 =	sadd.s32 s15, s5;
	[dreg:$0xc] =	wrdreg s6  }
0x19: {  	s5 =	sadd.s32 s16, s5;
	_ =	strace $0x80000047;
	[dreg:$0xd] =	wrdreg s22  }
0x1a: {  	s26 =	smul.u32 $0x5000, s14;
	s23 =	sadd.s32 s2, s12;
	[dreg:$0xe] =	wrdreg s5  }
0x1b: {  	s3 =	smul.u32 $0x2800, s3;
	s24 =	smax.u32 s4, $0x1;
	[dreg:$0x10] =	wrdreg s23  }
0x1c: {  	s29 =	simm.s32 $0xA00;
	s25 =	sadd.s32 s9, s12;
	[dreg:$0x11] =	wrdreg s24  }
0x1d: {  	s3 =	sadd.s32 s3, s26;
	s26 =	sadd.s32 s11, s12;
	[dreg:$0x12] =	wrdreg s25  }
0x1e: {  	s28 =	simm.s32 $0x2;
	s2 =	sadd.s32 s10, s12;
	[dreg:$0x13] =	wrdreg s26  }
0x1f: {  	s30 =	simm.s32 $0x8C00;
	s4 =	sadd.s32 s13, s12;
	[dreg:$0x14] =	wrdreg s2  }
0x20: {  	s31 =	simm.s32 $0x3;
	s6 =	sadd.s32 s17, s12;
	[dreg:$0x15] =	wrdreg s4  }
0x21: {  	s11 =	sadd.s32 s21, s12;
	s10 =	sadd.s32 s20, s12;
	[dreg:$0x16] =	wrdreg s6  }
0x22: {  	s7 =	smul.u32 $0x50000, s14;
	s14 =	sadd.s32 $0xE00, s0;
	[dreg:$0x19] =	wrdreg s10  }
0x23: {  	s9 =	sor.u32 $0x500, s3;
	s17 =	sadd.s32 $0xA00, s3;
	[dreg:$0x1a] =	wrdreg s11  }
0x24: {  	s8 =	sshrl.u32 s7, $0x2;
	s7 =	sadd.s32 s18, s12;
	[dreg:$0x1b] =	wrdreg s17  }
0x25: {  	s5 =	sadd.s32 s8, s12;
	[dreg:$0x17] =	wrdreg s7;
	s8 =	sadd.s32 s19, s12  }
0x26: {  	s13 =	sshrl.u32 s9, $0x3;
	s3 =	simm.s32 $0x9;
	[dreg:$0x18] =	wrdreg s8  }
0x27: {  	s0 =	sadd.s32 s13, s16;
	s18 =	sadd.s32 $0x2000, s5;
	[dreg:$0xf] =	wrdreg s5  }
0x28: {  	s2 =	sadd.s32 s13, s15;
	s19 =	sadd.s32 $0x4000, s5;
	[dreg:$0x1c] =	wrdreg s18  }
0x29: {  	s4 =	simm.s32 $0x6;
	s20 =	sadd.s32 $0x6000, s5;
	[dreg:$0x1d] =	wrdreg s19  }
0x2a: {  	s6 =	simm.s32 $0x4;
	s21 =	sadd.s32 $0x8000, s5;
	[dreg:$0x1e] =	wrdreg s20  }
0x2b: {  	s11 =	simm.s32 $0x5;
	s22 =	sadd.s32 $0xA000, s5;
	[dreg:$0x1f] =	wrdreg s21  }
0x2c: {  	s13 =	simm.s32 $0x8;
	s23 =	sadd.s32 $0xC000, s5;
	[smem:$0x7F9] =	sst s22  }
0x2d: {  	s17 =	simm.s32 $0x13D8;
	s24 =	sadd.s32 $0xE000, s5;
	[smem:$0x7FA] =	sst s23  }
0x2e: {  	s7 =	simm.s32 $0x0;
	s25 =	sadd.s32 $0x10000, s5;
	[smem:$0x7FB] =	sst s24  }
0x2f: {  	s26 =	sadd.s32 $0x12000, s5;
	s8 =	simm.s32 $0x7;
	[smem:$0x7FC] =	sst s25  }
0x30: {  	[smem:$0x7FD] =	sst s26;
	s18 =	simm.s32 $0x1400;
	s20 =	simm.s32 $0xA  }
0x31: {  	s21 =	simm.s32 $0x1;
	s22 =	simm.s32 $0x28;
	s23 =	simm.s32 $0x3C00  }
0x32: {  	v0 =	vimm.f32 $0.0e+00;
	s24 =	simm.s32 $0x6400;
	s25 =	simm.s32 $0x500;
	s26 =	simm.s32 $0xF00  }
.LBB2_1:
0x33: {  	s5 =	rddreg [dreg:$0xd]  }
0x34: {  	[tilespmem:s1], [sflag:$0x1] =	stream.linear.gather [hbm4b:s5+s1], $0x500, $0x38;
	[tilespmem:$0x1F400] =	vst v63  }
0x35: {  	s10 =	rddreg [dreg:$0xe];
	s19 =	sand.u32 $0x7C00, s1  }
0x36: {  	[tilespmem:s29], [sflag:$0x1] =	stream.linear.gather [hbm4b:s10+s1], $0x500, $0x38;
	[tilespmem:$0x1F400] =	vst v63  }
0x37: {  	[smem:$0x7F8] =	sst s7;
	s9 =	sand.u32 $0xF0, s1;
	s10 =	sshrl.u32 s19, $0x2  }
0x38: {  	s7 =	simm.s32 $0x40;
	s10 =	sor.u32 s9, s10;
	s9 =	simm.s32 $0x0  }
.LBB2_2:
0x39: {  	p0 =	sne.s32 s7, $0x7FC0  }
0x3a: {  	[tilespmem:s10+$0x1400] =	vst v0;
	s9 =	sadd.s32 $0x10, s9;
	s10 =	smov.u32 s7;
	s7 =	sadd.s32 $0x40, s7  }
.Ltmp0:
0x3b: {  	(pc) =	sbr.rel @p0 .LBB2_2-.Ltmp0, $4  }
0x3c: {  	_ = 	snop  }
0x3d: {  	s10 =	sand.u32 $0x7C00, s10  }
0x3e: {  	s19 =	sand.u32 $0xF0, s9;
	s10 =	sshrl.u32 s10, $0x2  }
0x3f: {  	s10 =	sor.u32 s19, s10  }
0x40: {  	[tilespmem:s10+$0x1400] =	vst v0;
	s5 =	rddreg [dreg:$0xf]  }
0x41: {  	[spmem:s5] =	stream.linear.scatter [tilespmem:s18], [sflag:$0xA], $0x2000, $0x38;
	[tilespmem:$0x1F400] =	vst v63  }
0x42: {  	_ =	swait.ge [sflag:s20], $0x2000  }
0x43: {  	[sflag:s20] =	ssyncset.done $0x0  }
0x44: {  	s10 =	rddreg [dreg:$0x1c];
	[sflag:s20] =	ssyncadd.s32 $0xFFFFE000  }
0x45: {  	[spmem:s10] =	stream.linear.scatter [tilespmem:s18], [sflag:$0xA], $0x2000, $0x38;
	[tilespmem:$0x1F400] =	vst v63  }
0x46: {  	_ =	swait.ge [sflag:s20], $0x2000  }
0x47: {  	[sflag:s20] =	ssyncset.done $0x0  }
0x48: {  	s19 =	rddreg [dreg:$0x1d];
	[sflag:s20] =	ssyncadd.s32 $0xFFFFE000  }
0x49: {  	[spmem:s19] =	stream.linear.scatter [tilespmem:s18], [sflag:$0xA], $0x2000, $0x38;
	[tilespmem:$0x1F400] =	vst v63  }
0x4a: {  	_ =	swait.ge [sflag:s20], $0x2000  }
0x4b: {  	[sflag:s20] =	ssyncset.done $0x0  }
0x4c: {  	s7 =	rddreg [dreg:$0x1e];
	[sflag:s20] =	ssyncadd.s32 $0xFFFFE000  }
0x4d: {  	[spmem:s7] =	stream.linear.scatter [tilespmem:s18], [sflag:$0xA], $0x2000, $0x38;
	[tilespmem:$0x1F400] =	vst v63  }
0x4e: {  	_ =	swait.ge [sflag:s20], $0x2000  }
0x4f: {  	[sflag:s20] =	ssyncset.done $0x0  }
0x50: {  	s9 =	rddreg [dreg:$0x1f];
	[sflag:s20] =	ssyncadd.s32 $0xFFFFE000  }
0x51: {  	[spmem:s9] =	stream.linear.scatter [tilespmem:s18], [sflag:$0xA], $0x2000, $0x38;
	[tilespmem:$0x1F400] =	vst v63  }
0x52: {  	_ =	swait.ge [sflag:s20], $0x2000  }
0x53: {  	s10 =	sld [smem:$0x7F9]  }
0x54: {  	[sflag:s20] =	ssyncset.done $0x0  }
0x55: {  	[sflag:s20] =	ssyncadd.s32 $0xFFFFE000  }
0x56: {  	[spmem:s10] =	stream.linear.scatter [tilespmem:s18], [sflag:$0xA], $0x2000, $0x38;
	[tilespmem:$0x1F400] =	vst v63  }
0x57: {  	_ =	swait.ge [sflag:s20], $0x2000  }
0x58: {  	s19 =	sld [smem:$0x7FA]  }
0x59: {  	[sflag:s20] =	ssyncset.done $0x0  }
0x5a: {  	[sflag:s20] =	ssyncadd.s32 $0xFFFFE000  }
0x5b: {  	[spmem:s19] =	stream.linear.scatter [tilespmem:s18], [sflag:$0xA], $0x2000, $0x38;
	[tilespmem:$0x1F400] =	vst v63  }
0x5c: {  	_ =	swait.ge [sflag:s20], $0x2000  }
0x5d: {  	s7 =	sld [smem:$0x7FB]  }
0x5e: {  	[sflag:s20] =	ssyncset.done $0x0  }
0x5f: {  	[sflag:s20] =	ssyncadd.s32 $0xFFFFE000  }
0x60: {  	[spmem:s7] =	stream.linear.scatter [tilespmem:s18], [sflag:$0xA], $0x2000, $0x38;
	[tilespmem:$0x1F400] =	vst v63  }
0x61: {  	_ =	swait.ge [sflag:s20], $0x2000  }
0x62: {  	s9 =	sld [smem:$0x7FC]  }
0x63: {  	[sflag:s20] =	ssyncset.done $0x0  }
0x64: {  	[sflag:s20] =	ssyncadd.s32 $0xFFFFE000  }
0x65: {  	[spmem:s9] =	stream.linear.scatter [tilespmem:s18], [sflag:$0xA], $0x2000, $0x38;
	[tilespmem:$0x1F400] =	vst v63  }
0x66: {  	_ =	swait.ge [sflag:s20], $0x2000  }
0x67: {  	s10 =	sld [smem:$0x7FD]  }
0x68: {  	[sflag:s20] =	ssyncset.done $0x0  }
0x69: {  	[sflag:s20] =	ssyncadd.s32 $0xFFFFE000  }
0x6a: {  	[spmem:s10] =	stream.linear.scatter [tilespmem:s18], [sflag:$0xA], $0x2000, $0x38;
	[tilespmem:$0x1F400] =	vst v63  }
0x6b: {  	_ =	swait.ge [sflag:s20], $0x2000  }
0x6c: {  	[sflag:s20] =	ssyncset.done $0x0  }
0x6d: {  	[sflag:s20] =	ssyncadd.s32 $0xFFFFE000  }
0x6e: {  	_ =	swait.ge [sflag:s21], $0x500  }
0x6f: {  	[sflag:s21] =	ssyncset.done $0x0  }
0x70: {  	[sflag:s21] =	ssyncadd.s32 $0xFFFFFB00  }
0x71: {  	_ =	swait.ge [sflag:s21], $0x500  }
0x72: {  	[sflag:s21] =	ssyncset.done $0x0  }
0x73: {  	[sflag:s21] =	ssyncadd.s32 $0xFFFFFB00  }
0x74: {  	s7 =	simm.s32 $0x0;
	[bflag:$0x0] =	sbarrier.arrive $0xFFFF  }
0x75: {  	[tilespmem:s18], [sflag:$0x2] =	stream.indirect.gather [hbm4b:s14+s22], $0x100, s7, s22, $0xb8;
	[tilespmem:$0x1F400] =	vst v63  }
0x76: {  	_ = 	snop  }
0x77: {  	[tilespmem:s23], [sflag:$0x3] =	stream.indirect.gather [hbm4b:s14+s22], $0x100, s22, s22, $0xb8;
	[tilespmem:$0x1F400] =	vst v63  }
0x78: {  	s19 =	simm.s32 $0x50;
	s9 =	rddreg [dreg:$0x1b]  }
0x79: {  	[tilespmem:s24], [sflag:$0x4] =	stream.indirect.gather [hbm4b:s14+s22], $0x100, s19, s22, $0xb8;
	[tilespmem:$0x1F400] =	vst v63  }
.LBB2_4:
0x7a: {  	s10 =	sadd.s32 s7, s2  }
0x7b: {  	[tilespmem:s25], [sflag:$0x1] =	stream.linear.gather [hbm4b:s10+s1], $0x500, $0x38;
	[tilespmem:$0x1F400] =	vst v63  }
0x7c: {  	s5 =	sadd.s32 s7, s0  }
0x7d: {  	[tilespmem:s26], [sflag:$0x1] =	stream.linear.gather [hbm4b:s5+s1], $0x500, $0x38;
	[tilespmem:$0x1F400] =	vst v63  }
0x7e: {  	_ =	swait.ge [sflag:s28], $0x2800  }
0x7f: {  	p0 =	seq.s32 s7, $0x0;
	[sflag:s28] =	ssyncset.done $0x0  }
0x80: {  	s10 =	simm.s32 @!p0 $0x9;
	[sflag:s28] =	ssyncadd.s32 $0xFFFFD800  }
0x81: {  	[spmem:s12] =	stream.indirect.scatter.add.f32 [tilespmem:s18], [sflag:$0x6], $0x100, s29, s22, $0xb8;
	[tilespmem:$0x1F400] =	vst v63  }
0x82: {  	_ =	swait.ge @!p0 [sflag:s10], $0x2800  }
0x83: {  	[sflag:s10] =	ssyncset.done @!p0 $0x0  }
0x84: {  	s5 =	simm.s32 $0x78;
	[sflag:s10] =	ssyncadd.s32 @!p0 $0xFFFFD800  }
0x85: {  	[tilespmem:s30], [sflag:$0x5] =	stream.indirect.gather [hbm4b:s14+s22], $0x100, s5, s22, $0xb8;
	[tilespmem:$0x1F400] =	vst v63  }
0x86: {  	_ =	swait.ge [sflag:s31], $0x2800  }
0x87: {  	[sflag:s31] =	ssyncset.done $0x0  }
0x88: {  	s10 =	simm.s32 $0xA28;
	[sflag:s31] =	ssyncadd.s32 $0xFFFFD800  }
0x89: {  	[spmem:s12] =	stream.indirect.scatter.add.f32 [tilespmem:s23], [sflag:$0x7], $0x100, s10, s22, $0xb8;
	[tilespmem:$0x1F400] =	vst v63  }
0x8a: {  	_ =	swait.ge [sflag:s4], $0x2800  }
0x8b: {  	[sflag:s4] =	ssyncset.done $0x0  }
0x8c: {  	s19 =	simm.s32 $0xA0;
	[sflag:s4] =	ssyncadd.s32 $0xFFFFD800  }
0x8d: {  	[tilespmem:s18], [sflag:$0x2] =	stream.indirect.gather [hbm4b:s14+s22], $0x100, s19, s22, $0xb8;
	[tilespmem:$0x1F400] =	vst v63  }
0x8e: {  	_ =	swait.ge [sflag:s6], $0x2800  }
0x8f: {  	[sflag:s6] =	ssyncset.done $0x0  }
0x90: {  	s10 =	simm.s32 $0xA50;
	[sflag:s6] =	ssyncadd.s32 $0xFFFFD800  }
0x91: {  	[spmem:s12] =	stream.indirect.scatter.add.f32 [tilespmem:s24], [sflag:$0x8], $0x100, s10, s22, $0xb8;
	[tilespmem:$0x1F400] =	vst v63  }
0x92: {  	_ =	swait.ge [sflag:s8], $0x2800  }
0x93: {  	[sflag:s8] =	ssyncset.done $0x0  }
0x94: {  	s19 =	simm.s32 $0xC8;
	[sflag:s8] =	ssyncadd.s32 $0xFFFFD800  }
0x95: {  	[tilespmem:s23], [sflag:$0x3] =	stream.indirect.gather [hbm4b:s14+s22], $0x100, s19, s22, $0xb8;
	[tilespmem:$0x1F400] =	vst v63  }
0x96: {  	_ =	swait.ge [sflag:s11], $0x2800  }
0x97: {  	[sflag:s11] =	ssyncset.done $0x0  }
0x98: {  	s10 =	simm.s32 $0xA78;
	[sflag:s11] =	ssyncadd.s32 $0xFFFFD800  }
0x99: {  	[spmem:s12] =	stream.indirect.scatter.add.f32 [tilespmem:s30], [sflag:$0x9], $0x100, s10, s22, $0xb8;
	[tilespmem:$0x1F400] =	vst v63  }
0x9a: {  	_ =	swait.ge [sflag:s13], $0x2800  }
0x9b: {  	[sflag:s13] =	ssyncset.done $0x0  }
0x9c: {  	s19 =	simm.s32 $0xF0;
	[sflag:s13] =	ssyncadd.s32 $0xFFFFD800  }
0x9d: {  	[tilespmem:s24], [sflag:$0x4] =	stream.indirect.gather [hbm4b:s14+s22], $0x100, s19, s22, $0xb8;
	[tilespmem:$0x1F400] =	vst v63  }
0x9e: {  	_ =	swait.ge [sflag:s28], $0x2800  }
0x9f: {  	[sflag:s28] =	ssyncset.done $0x0  }
0xa0: {  	s10 =	simm.s32 $0xAA0;
	[sflag:s28] =	ssyncadd.s32 $0xFFFFD800  }
0xa1: {  	[spmem:s12] =	stream.indirect.scatter.add.f32 [tilespmem:s18], [sflag:$0x6], $0x100, s10, s22, $0xb8;
	[tilespmem:$0x1F400] =	vst v63  }
0xa2: {  	_ =	swait.ge [sflag:s3], $0x2800  }
0xa3: {  	[sflag:s3] =	ssyncset.done $0x0  }
0xa4: {  	s19 =	simm.s32 $0x118;
	[sflag:s3] =	ssyncadd.s32 $0xFFFFD800  }
0xa5: {  	[tilespmem:s30], [sflag:$0x5] =	stream.indirect.gather [hbm4b:s14+s22], $0x100, s19, s22, $0xb8;
	[tilespmem:$0x1F400] =	vst v63  }
0xa6: {  	_ =	swait.ge [sflag:s31], $0x2800  }
0xa7: {  	[sflag:s31] =	ssyncset.done $0x0  }
0xa8: {  	s10 =	simm.s32 $0xAC8;
	[sflag:s31] =	ssyncadd.s32 $0xFFFFD800  }
0xa9: {  	[spmem:s12] =	stream.indirect.scatter.add.f32 [tilespmem:s23], [sflag:$0x7], $0x100, s10, s22, $0xb8;
	[tilespmem:$0x1F400] =	vst v63  }
0xaa: {  	_ =	swait.ge [sflag:s4], $0x2800  }
0xab: {  	[sflag:s4] =	ssyncset.done $0x0  }
0xac: {  	s19 =	simm.s32 $0x140;
	[sflag:s4] =	ssyncadd.s32 $0xFFFFD800  }
0xad: {  	[tilespmem:s18], [sflag:$0x2] =	stream.indirect.gather [hbm4b:s14+s22], $0x100, s19, s22, $0xb8;
	[tilespmem:$0x1F400] =	vst v63  }
0xae: {  	_ =	swait.ge [sflag:s6], $0x2800  }
0xaf: {  	[sflag:s6] =	ssyncset.done $0x0  }
0xb0: {  	s10 =	simm.s32 $0xAF0;
	[sflag:s6] =	ssyncadd.s32 $0xFFFFD800  }
0xb1: {  	[spmem:s12] =	stream.indirect.scatter.add.f32 [tilespmem:s24], [sflag:$0x8], $0x100, s10, s22, $0xb8;
	[tilespmem:$0x1F400] =	vst v63  }
0xb2: {  	_ =	swait.ge [sflag:s8], $0x2800  }
0xb3: {  	[sflag:s8] =	ssyncset.done $0x0  }
0xb4: {  	s19 =	simm.s32 $0x168;
	[sflag:s8] =	ssyncadd.s32 $0xFFFFD800  }
0xb5: {  	[tilespmem:s23], [sflag:$0x3] =	stream.indirect.gather [hbm4b:s14+s22], $0x100, s19, s22, $0xb8;
	[tilespmem:$0x1F400] =	vst v63  }
0xb6: {  	_ =	swait.ge [sflag:s11], $0x2800  }
0xb7: {  	[sflag:s11] =	ssyncset.done $0x0  }
0xb8: {  	s10 =	simm.s32 $0xB18;
	[sflag:s11] =	ssyncadd.s32 $0xFFFFD800  }
0xb9: {  	[spmem:s12] =	stream.indirect.scatter.add.f32 [tilespmem:s30], [sflag:$0x9], $0x100, s10, s22, $0xb8;
	[tilespmem:$0x1F400] =	vst v63  }
0xba: {  	_ =	swait.ge [sflag:s13], $0x2800  }
0xbb: {  	[sflag:s13] =	ssyncset.done $0x0  }
0xbc: {  	s19 =	simm.s32 $0x190;
	[sflag:s13] =	ssyncadd.s32 $0xFFFFD800  }
0xbd: {  	[tilespmem:s24], [sflag:$0x4] =	stream.indirect.gather [hbm4b:s14+s22], $0x100, s19, s22, $0xb8;
	[tilespmem:$0x1F400] =	vst v63  }
0xbe: {  	_ =	swait.ge [sflag:s28], $0x2800  }
0xbf: {  	[sflag:s28] =	ssyncset.done $0x0  }
0xc0: {  	s10 =	simm.s32 $0xB40;
	[sflag:s28] =	ssyncadd.s32 $0xFFFFD800  }
0xc1: {  	[spmem:s12] =	stream.indirect.scatter.add.f32 [tilespmem:s18], [sflag:$0x6], $0x100, s10, s22, $0xb8;
	[tilespmem:$0x1F400] =	vst v63  }
0xc2: {  	_ =	swait.ge [sflag:s3], $0x2800  }
0xc3: {  	[sflag:s3] =	ssyncset.done $0x0  }
0xc4: {  	s19 =	simm.s32 $0x1B8;
	[sflag:s3] =	ssyncadd.s32 $0xFFFFD800  }
0xc5: {  	[tilespmem:s30], [sflag:$0x5] =	stream.indirect.gather [hbm4b:s14+s22], $0x100, s19, s22, $0xb8;
	[tilespmem:$0x1F400] =	vst v63  }
0xc6: {  	_ =	swait.ge [sflag:s31], $0x2800  }
0xc7: {  	[sflag:s31] =	ssyncset.done $0x0  }
0xc8: {  	s10 =	simm.s32 $0xB68;
	[sflag:s31] =	ssyncadd.s32 $0xFFFFD800  }
0xc9: {  	[spmem:s12] =	stream.indirect.scatter.add.f32 [tilespmem:s23], [sflag:$0x7], $0x100, s10, s22, $0xb8;
	[tilespmem:$0x1F400] =	vst v63  }
0xca: {  	_ =	swait.ge [sflag:s4], $0x2800  }
0xcb: {  	[sflag:s4] =	ssyncset.done $0x0  }
0xcc: {  	s19 =	simm.s32 $0x1E0;
	[sflag:s4] =	ssyncadd.s32 $0xFFFFD800  }
0xcd: {  	[tilespmem:s18], [sflag:$0x2] =	stream.indirect.gather [hbm4b:s14+s22], $0x100, s19, s22, $0xb8;
	[tilespmem:$0x1F400] =	vst v63  }
0xce: {  	_ =	swait.ge [sflag:s6], $0x2800  }
0xcf: {  	[sflag:s6] =	ssyncset.done $0x0  }
0xd0: {  	s10 =	simm.s32 $0xB90;
	[sflag:s6] =	ssyncadd.s32 $0xFFFFD800  }
0xd1: {  	[spmem:s12] =	stream.indirect.scatter.add.f32 [tilespmem:s24], [sflag:$0x8], $0x100, s10, s22, $0xb8;
	[tilespmem:$0x1F400] =	vst v63  }
0xd2: {  	_ =	swait.ge [sflag:s8], $0x2800  }
0xd3: {  	[sflag:s8] =	ssyncset.done $0x0  }
0xd4: {  	s19 =	simm.s32 $0x208;
	[sflag:s8] =	ssyncadd.s32 $0xFFFFD800  }
0xd5: {  	[tilespmem:s23], [sflag:$0x3] =	stream.indirect.gather [hbm4b:s14+s22], $0x100, s19, s22, $0xb8;
	[tilespmem:$0x1F400] =	vst v63  }
0xd6: {  	_ =	swait.ge [sflag:s11], $0x2800  }
0xd7: {  	[sflag:s11] =	ssyncset.done $0x0  }
0xd8: {  	s10 =	simm.s32 $0xBB8;
	[sflag:s11] =	ssyncadd.s32 $0xFFFFD800  }
0xd9: {  	[spmem:s12] =	stream.indirect.scatter.add.f32 [tilespmem:s30], [sflag:$0x9], $0x100, s10, s22, $0xb8;
	[tilespmem:$0x1F400] =	vst v63  }
0xda: {  	_ =	swait.ge [sflag:s13], $0x2800  }
0xdb: {  	[sflag:s13] =	ssyncset.done $0x0  }
0xdc: {  	s19 =	simm.s32 $0x230;
	[sflag:s13] =	ssyncadd.s32 $0xFFFFD800  }
0xdd: {  	[tilespmem:s24], [sflag:$0x4] =	stream.indirect.gather [hbm4b:s14+s22], $0x100, s19, s22, $0xb8;
	[tilespmem:$0x1F400] =	vst v63  }
0xde: {  	_ =	swait.ge [sflag:s28], $0x2800  }
0xdf: {  	[sflag:s28] =	ssyncset.done $0x0  }
0xe0: {  	s10 =	simm.s32 $0xBE0;
	[sflag:s28] =	ssyncadd.s32 $0xFFFFD800  }
0xe1: {  	[spmem:s12] =	stream.indirect.scatter.add.f32 [tilespmem:s18], [sflag:$0x6], $0x100, s10, s22, $0xb8;
	[tilespmem:$0x1F400] =	vst v63  }
0xe2: {  	_ =	swait.ge [sflag:s3], $0x2800  }
0xe3: {  	[sflag:s3] =	ssyncset.done $0x0  }
0xe4: {  	s19 =	simm.s32 $0x258;
	[sflag:s3] =	ssyncadd.s32 $0xFFFFD800  }
0xe5: {  	[tilespmem:s30], [sflag:$0x5] =	stream.indirect.gather [hbm4b:s14+s22], $0x100, s19, s22, $0xb8;
	[tilespmem:$0x1F400] =	vst v63  }
0xe6: {  	_ =	swait.ge [sflag:s31], $0x2800  }
0xe7: {  	[sflag:s31] =	ssyncset.done $0x0  }
0xe8: {  	s10 =	simm.s32 $0xC08;
	[sflag:s31] =	ssyncadd.s32 $0xFFFFD800  }
0xe9: {  	[spmem:s12] =	stream.indirect.scatter.add.f32 [tilespmem:s23], [sflag:$0x7], $0x100, s10, s22, $0xb8;
	[tilespmem:$0x1F400] =	vst v63  }
0xea: {  	_ =	swait.ge [sflag:s4], $0x2800  }
0xeb: {  	[sflag:s4] =	ssyncset.done $0x0  }
0xec: {  	s19 =	simm.s32 $0x280;
	[sflag:s4] =	ssyncadd.s32 $0xFFFFD800  }
0xed: {  	[tilespmem:s18], [sflag:$0x2] =	stream.indirect.gather [hbm4b:s14+s22], $0x100, s19, s22, $0xb8;
	[tilespmem:$0x1F400] =	vst v63  }
0xee: {  	_ =	swait.ge [sflag:s6], $0x2800  }
0xef: {  	[sflag:s6] =	ssyncset.done $0x0  }
0xf0: {  	s10 =	simm.s32 $0xC30;
	[sflag:s6] =	ssyncadd.s32 $0xFFFFD800  }
0xf1: {  	[spmem:s12] =	stream.indirect.scatter.add.f32 [tilespmem:s24], [sflag:$0x8], $0x100, s10, s22, $0xb8;
	[tilespmem:$0x1F400] =	vst v63  }
0xf2: {  	_ =	swait.ge [sflag:s8], $0x2800  }
0xf3: {  	[sflag:s8] =	ssyncset.done $0x0  }
0xf4: {  	s19 =	simm.s32 $0x2A8;
	[sflag:s8] =	ssyncadd.s32 $0xFFFFD800  }
0xf5: {  	[tilespmem:s23], [sflag:$0x3] =	stream.indirect.gather [hbm4b:s14+s22], $0x100, s19, s22, $0xb8;
	[tilespmem:$0x1F400] =	vst v63  }
0xf6: {  	_ =	swait.ge [sflag:s11], $0x2800  }
0xf7: {  	[sflag:s11] =	ssyncset.done $0x0  }
0xf8: {  	s10 =	simm.s32 $0xC58;
	[sflag:s11] =	ssyncadd.s32 $0xFFFFD800  }
0xf9: {  	[spmem:s12] =	stream.indirect.scatter.add.f32 [tilespmem:s30], [sflag:$0x9], $0x100, s10, s22, $0xb8;
	[tilespmem:$0x1F400] =	vst v63  }
0xfa: {  	_ =	swait.ge [sflag:s13], $0x2800  }
0xfb: {  	[sflag:s13] =	ssyncset.done $0x0  }
0xfc: {  	s19 =	simm.s32 $0x2D0;
	[sflag:s13] =	ssyncadd.s32 $0xFFFFD800  }
0xfd: {  	[tilespmem:s24], [sflag:$0x4] =	stream.indirect.gather [hbm4b:s14+s22], $0x100, s19, s22, $0xb8;
	[tilespmem:$0x1F400] =	vst v63  }
0xfe: {  	_ =	swait.ge [sflag:s28], $0x2800  }
0xff: {  	[sflag:s28] =	ssyncset.done $0x0  }
0x100: {  	s10 =	simm.s32 $0xC80;
	[sflag:s28] =	ssyncadd.s32 $0xFFFFD800  }
0x101: {  	[spmem:s12] =	stream.indirect.scatter.add.f32 [tilespmem:s18], [sflag:$0x6], $0x100, s10, s22, $0xb8;
	[tilespmem:$0x1F400] =	vst v63  }
0x102: {  	_ =	swait.ge [sflag:s3], $0x2800  }
0x103: {  	[sflag:s3] =	ssyncset.done $0x0  }
0x104: {  	s19 =	simm.s32 $0x2F8;
	[sflag:s3] =	ssyncadd.s32 $0xFFFFD800  }
0x105: {  	[tilespmem:s30], [sflag:$0x5] =	stream.indirect.gather [hbm4b:s14+s22], $0x100, s19, s22, $0xb8;
	[tilespmem:$0x1F400] =	vst v63  }
0x106: {  	_ =	swait.ge [sflag:s31], $0x2800  }
0x107: {  	[sflag:s31] =	ssyncset.done $0x0  }
0x108: {  	s10 =	simm.s32 $0xCA8;
	[sflag:s31] =	ssyncadd.s32 $0xFFFFD800  }
0x109: {  	[spmem:s12] =	stream.indirect.scatter.add.f32 [tilespmem:s23], [sflag:$0x7], $0x100, s10, s22, $0xb8;
	[tilespmem:$0x1F400] =	vst v63  }
0x10a: {  	_ =	swait.ge [sflag:s4], $0x2800  }
0x10b: {  	[sflag:s4] =	ssyncset.done $0x0  }
0x10c: {  	s19 =	simm.s32 $0x320;
	[sflag:s4] =	ssyncadd.s32 $0xFFFFD800  }
0x10d: {  	[tilespmem:s18], [sflag:$0x2] =	stream.indirect.gather [hbm4b:s14+s22], $0x100, s19, s22, $0xb8;
	[tilespmem:$0x1F400] =	vst v63  }
0x10e: {  	_ =	swait.ge [sflag:s6], $0x2800  }
0x10f: {  	[sflag:s6] =	ssyncset.done $0x0  }
0x110: {  	s10 =	simm.s32 $0xCD0;
	[sflag:s6] =	ssyncadd.s32 $0xFFFFD800  }
0x111: {  	[spmem:s12] =	stream.indirect.scatter.add.f32 [tilespmem:s24], [sflag:$0x8], $0x100, s10, s22, $0xb8;
	[tilespmem:$0x1F400] =	vst v63  }
0x112: {  	_ =	swait.ge [sflag:s8], $0x2800  }
0x113: {  	[sflag:s8] =	ssyncset.done $0x0  }
0x114: {  	s19 =	simm.s32 $0x348;
	[sflag:s8] =	ssyncadd.s32 $0xFFFFD800  }
0x115: {  	[tilespmem:s23], [sflag:$0x3] =	stream.indirect.gather [hbm4b:s14+s22], $0x100, s19, s22, $0xb8;
	[tilespmem:$0x1F400] =	vst v63  }
0x116: {  	_ =	swait.ge [sflag:s11], $0x2800  }
0x117: {  	[sflag:s11] =	ssyncset.done $0x0  }
0x118: {  	s10 =	simm.s32 $0xCF8;
	[sflag:s11] =	ssyncadd.s32 $0xFFFFD800  }
0x119: {  	[spmem:s12] =	stream.indirect.scatter.add.f32 [tilespmem:s30], [sflag:$0x9], $0x100, s10, s22, $0xb8;
	[tilespmem:$0x1F400] =	vst v63  }
0x11a: {  	_ =	swait.ge [sflag:s13], $0x2800  }
0x11b: {  	[sflag:s13] =	ssyncset.done $0x0  }
0x11c: {  	s19 =	simm.s32 $0x370;
	[sflag:s13] =	ssyncadd.s32 $0xFFFFD800  }
0x11d: {  	[tilespmem:s24], [sflag:$0x4] =	stream.indirect.gather [hbm4b:s14+s22], $0x100, s19, s22, $0xb8;
	[tilespmem:$0x1F400] =	vst v63  }
0x11e: {  	_ =	swait.ge [sflag:s28], $0x2800  }
0x11f: {  	[sflag:s28] =	ssyncset.done $0x0  }
0x120: {  	s10 =	simm.s32 $0xD20;
	[sflag:s28] =	ssyncadd.s32 $0xFFFFD800  }
0x121: {  	[spmem:s12] =	stream.indirect.scatter.add.f32 [tilespmem:s18], [sflag:$0x6], $0x100, s10, s22, $0xb8;
	[tilespmem:$0x1F400] =	vst v63  }
0x122: {  	_ =	swait.ge [sflag:s3], $0x2800  }
0x123: {  	[sflag:s3] =	ssyncset.done $0x0  }
0x124: {  	s19 =	simm.s32 $0x398;
	[sflag:s3] =	ssyncadd.s32 $0xFFFFD800  }
0x125: {  	[tilespmem:s30], [sflag:$0x5] =	stream.indirect.gather [hbm4b:s14+s22], $0x100, s19, s22, $0xb8;
	[tilespmem:$0x1F400] =	vst v63  }
0x126: {  	_ =	swait.ge [sflag:s31], $0x2800  }
0x127: {  	[sflag:s31] =	ssyncset.done $0x0  }
0x128: {  	s10 =	simm.s32 $0xD48;
	[sflag:s31] =	ssyncadd.s32 $0xFFFFD800  }
0x129: {  	[spmem:s12] =	stream.indirect.scatter.add.f32 [tilespmem:s23], [sflag:$0x7], $0x100, s10, s22, $0xb8;
	[tilespmem:$0x1F400] =	vst v63  }
0x12a: {  	_ =	swait.ge [sflag:s4], $0x2800  }
0x12b: {  	[sflag:s4] =	ssyncset.done $0x0  }
0x12c: {  	s19 =	simm.s32 $0x3C0;
	[sflag:s4] =	ssyncadd.s32 $0xFFFFD800  }
0x12d: {  	[tilespmem:s18], [sflag:$0x2] =	stream.indirect.gather [hbm4b:s14+s22], $0x100, s19, s22, $0xb8;
	[tilespmem:$0x1F400] =	vst v63  }
0x12e: {  	_ =	swait.ge [sflag:s6], $0x2800  }
0x12f: {  	[sflag:s6] =	ssyncset.done $0x0  }
0x130: {  	s10 =	simm.s32 $0xD70;
	[sflag:s6] =	ssyncadd.s32 $0xFFFFD800  }
0x131: {  	[spmem:s12] =	stream.indirect.scatter.add.f32 [tilespmem:s24], [sflag:$0x8], $0x100, s10, s22, $0xb8;
	[tilespmem:$0x1F400] =	vst v63  }
0x132: {  	_ =	swait.ge [sflag:s8], $0x2800  }
0x133: {  	[sflag:s8] =	ssyncset.done $0x0  }
0x134: {  	s19 =	simm.s32 $0x3E8;
	[sflag:s8] =	ssyncadd.s32 $0xFFFFD800  }
0x135: {  	[tilespmem:s23], [sflag:$0x3] =	stream.indirect.gather [hbm4b:s14+s22], $0x100, s19, s22, $0xb8;
	[tilespmem:$0x1F400] =	vst v63  }
0x136: {  	_ =	swait.ge [sflag:s11], $0x2800  }
0x137: {  	[sflag:s11] =	ssyncset.done $0x0  }
0x138: {  	s10 =	simm.s32 $0xD98;
	[sflag:s11] =	ssyncadd.s32 $0xFFFFD800  }
0x139: {  	[spmem:s12] =	stream.indirect.scatter.add.f32 [tilespmem:s30], [sflag:$0x9], $0x100, s10, s22, $0xb8;
	[tilespmem:$0x1F400] =	vst v63  }
0x13a: {  	_ =	swait.ge [sflag:s13], $0x2800  }
0x13b: {  	[sflag:s13] =	ssyncset.done $0x0  }
0x13c: {  	s19 =	simm.s32 $0x410;
	[sflag:s13] =	ssyncadd.s32 $0xFFFFD800  }
0x13d: {  	[tilespmem:s24], [sflag:$0x4] =	stream.indirect.gather [hbm4b:s14+s22], $0x100, s19, s22, $0xb8;
	[tilespmem:$0x1F400] =	vst v63  }
0x13e: {  	_ =	swait.ge [sflag:s28], $0x2800  }
0x13f: {  	[sflag:s28] =	ssyncset.done $0x0  }
0x140: {  	s10 =	simm.s32 $0xDC0;
	[sflag:s28] =	ssyncadd.s32 $0xFFFFD800  }
0x141: {  	[spmem:s12] =	stream.indirect.scatter.add.f32 [tilespmem:s18], [sflag:$0x6], $0x100, s10, s22, $0xb8;
	[tilespmem:$0x1F400] =	vst v63  }
0x142: {  	_ =	swait.ge [sflag:s3], $0x2800  }
0x143: {  	[sflag:s3] =	ssyncset.done $0x0  }
0x144: {  	s19 =	simm.s32 $0x438;
	[sflag:s3] =	ssyncadd.s32 $0xFFFFD800  }
0x145: {  	[tilespmem:s30], [sflag:$0x5] =	stream.indirect.gather [hbm4b:s14+s22], $0x100, s19, s22, $0xb8;
	[tilespmem:$0x1F400] =	vst v63  }
0x146: {  	_ =	swait.ge [sflag:s31], $0x2800  }
0x147: {  	[sflag:s31] =	ssyncset.done $0x0  }
0x148: {  	s10 =	simm.s32 $0xDE8;
	[sflag:s31] =	ssyncadd.s32 $0xFFFFD800  }
0x149: {  	[spmem:s12] =	stream.indirect.scatter.add.f32 [tilespmem:s23], [sflag:$0x7], $0x100, s10, s22, $0xb8;
	[tilespmem:$0x1F400] =	vst v63  }
0x14a: {  	_ =	swait.ge [sflag:s4], $0x2800  }
0x14b: {  	[sflag:s4] =	ssyncset.done $0x0  }
0x14c: {  	s19 =	simm.s32 $0x460;
	[sflag:s4] =	ssyncadd.s32 $0xFFFFD800  }
0x14d: {  	[tilespmem:s18], [sflag:$0x2] =	stream.indirect.gather [hbm4b:s14+s22], $0x100, s19, s22, $0xb8;
	[tilespmem:$0x1F400] =	vst v63  }
0x14e: {  	_ =	swait.ge [sflag:s6], $0x2800  }
0x14f: {  	[sflag:s6] =	ssyncset.done $0x0  }
0x150: {  	s10 =	simm.s32 $0xE10;
	[sflag:s6] =	ssyncadd.s32 $0xFFFFD800  }
0x151: {  	[spmem:s12] =	stream.indirect.scatter.add.f32 [tilespmem:s24], [sflag:$0x8], $0x100, s10, s22, $0xb8;
	[tilespmem:$0x1F400] =	vst v63  }
0x152: {  	_ =	swait.ge [sflag:s8], $0x2800  }
0x153: {  	[sflag:s8] =	ssyncset.done $0x0  }
0x154: {  	s19 =	simm.s32 $0x488;
	[sflag:s8] =	ssyncadd.s32 $0xFFFFD800  }
0x155: {  	[tilespmem:s23], [sflag:$0x3] =	stream.indirect.gather [hbm4b:s14+s22], $0x100, s19, s22, $0xb8;
	[tilespmem:$0x1F400] =	vst v63  }
0x156: {  	_ =	swait.ge [sflag:s11], $0x2800  }
0x157: {  	[sflag:s11] =	ssyncset.done $0x0  }
0x158: {  	s10 =	simm.s32 $0xE38;
	[sflag:s11] =	ssyncadd.s32 $0xFFFFD800  }
0x159: {  	[spmem:s12] =	stream.indirect.scatter.add.f32 [tilespmem:s30], [sflag:$0x9], $0x100, s10, s22, $0xb8;
	[tilespmem:$0x1F400] =	vst v63  }
0x15a: {  	_ =	swait.ge [sflag:s13], $0x2800  }
0x15b: {  	[sflag:s13] =	ssyncset.done $0x0  }
0x15c: {  	s19 =	simm.s32 $0x4B0;
	[sflag:s13] =	ssyncadd.s32 $0xFFFFD800  }
0x15d: {  	[tilespmem:s24], [sflag:$0x4] =	stream.indirect.gather [hbm4b:s14+s22], $0x100, s19, s22, $0xb8;
	[tilespmem:$0x1F400] =	vst v63  }
0x15e: {  	_ =	swait.ge [sflag:s28], $0x2800  }
0x15f: {  	[sflag:s28] =	ssyncset.done $0x0  }
0x160: {  	s10 =	simm.s32 $0xE60;
	[sflag:s28] =	ssyncadd.s32 $0xFFFFD800  }
0x161: {  	[spmem:s12] =	stream.indirect.scatter.add.f32 [tilespmem:s18], [sflag:$0x6], $0x100, s10, s22, $0xb8;
	[tilespmem:$0x1F400] =	vst v63  }
0x162: {  	_ =	swait.ge [sflag:s3], $0x2800  }
0x163: {  	[sflag:s3] =	ssyncset.done $0x0  }
0x164: {  	s19 =	simm.s32 $0x4D8;
	[sflag:s3] =	ssyncadd.s32 $0xFFFFD800  }
0x165: {  	[tilespmem:s30], [sflag:$0x5] =	stream.indirect.gather [hbm4b:s14+s22], $0x100, s19, s22, $0xb8;
	[tilespmem:$0x1F400] =	vst v63  }
0x166: {  	_ =	swait.ge [sflag:s31], $0x2800  }
0x167: {  	[sflag:s31] =	ssyncset.done $0x0  }
0x168: {  	s10 =	simm.s32 $0xE88;
	[sflag:s31] =	ssyncadd.s32 $0xFFFFD800  }
0x169: {  	[spmem:s12] =	stream.indirect.scatter.add.f32 [tilespmem:s23], [sflag:$0x7], $0x100, s10, s22, $0xb8;
	[tilespmem:$0x1F400] =	vst v63  }
0x16a: {  	_ =	swait.ge [sflag:s21], $0x500  }
0x16b: {  	[sflag:s21] =	ssyncset.done $0x0  }
0x16c: {  	[sflag:s21] =	ssyncadd.s32 $0xFFFFFB00  }
0x16d: {  	_ =	swait.ge [sflag:s21], $0x500  }
0x16e: {  	[sflag:s21] =	ssyncset.done $0x0  }
0x16f: {  	[sflag:s21] =	ssyncadd.s32 $0xFFFFFB00  }
0x170: {  	_ =	swait.ge [sflag:s4], $0x2800  }
0x171: {  	[sflag:s4] =	ssyncset.done $0x0  }
0x172: {  	[sflag:s4] =	ssyncadd.s32 $0xFFFFD800  }
0x173: {  	[tilespmem:s18], [sflag:$0x2] =	stream.indirect.gather [hbm4b:s14+s22], $0x100, s25, s22, $0xb8;
	[tilespmem:$0x1F400] =	vst v63  }
0x174: {  	_ =	swait.ge [sflag:s6], $0x2800  }
0x175: {  	[sflag:s6] =	ssyncset.done $0x0  }
0x176: {  	s19 =	simm.s32 $0xEB0;
	[sflag:s6] =	ssyncadd.s32 $0xFFFFD800  }
0x177: {  	[spmem:s12] =	stream.indirect.scatter.add.f32 [tilespmem:s24], [sflag:$0x8], $0x100, s19, s22, $0xb8;
	[tilespmem:$0x1F400] =	vst v63  }
0x178: {  	_ =	swait.ge [sflag:s8], $0x2800  }
0x179: {  	[sflag:s8] =	ssyncset.done $0x0  }
0x17a: {  	s10 =	simm.s32 $0x528;
	[sflag:s8] =	ssyncadd.s32 $0xFFFFD800  }
0x17b: {  	[tilespmem:s23], [sflag:$0x3] =	stream.indirect.gather [hbm4b:s14+s22], $0x100, s10, s22, $0xb8;
	[tilespmem:$0x1F400] =	vst v63  }
0x17c: {  	_ =	swait.ge [sflag:s11], $0x2800  }
0x17d: {  	[sflag:s11] =	ssyncset.done $0x0  }
0x17e: {  	s19 =	simm.s32 $0xED8;
	[sflag:s11] =	ssyncadd.s32 $0xFFFFD800  }
0x17f: {  	[spmem:s12] =	stream.indirect.scatter.add.f32 [tilespmem:s30], [sflag:$0x9], $0x100, s19, s22, $0xb8;
	[tilespmem:$0x1F400] =	vst v63  }
0x180: {  	_ =	swait.ge [sflag:s13], $0x2800  }
0x181: {  	p0 =	seq.s32 s7, $0x3C0;
	[sflag:s13] =	ssyncset.done $0x0  }
0x182: {  	s10 =	simm.s32 $0x550;
	s19 =	sshrl.u32 @!p0 s9, $0x3;
	[sflag:s13] =	ssyncadd.s32 $0xFFFFD800  }
0x183: {  	[tilespmem:s24], [sflag:$0x4] =	stream.indirect.gather [hbm4b:s14+s22], $0x100, s10, s22, $0xb8;
	[tilespmem:$0x1F400] =	vst v63  }
0x184: {  	s29 =	sadd.s32 @!p0 s15, s19;
	s10 =	simm.s32 @!p0 $0x0  }
0x185: {  	[tilespmem:s10], [sflag:$0x1] =	stream.linear.gather @!p0 [hbm4b:s29+s10], $0x500, $0x38;
	[tilespmem:$0x1F400] =	vst v63  }
0x186: {  	s19 =	sadd.s32 @!p0 s16, s19;
	s29 =	simm.s32 @!p0 $0xA00  }
0x187: {  	[tilespmem:s29], [sflag:$0x1] =	stream.linear.gather @!p0 [hbm4b:s19+s10], $0x500, $0x38;
	[tilespmem:$0x1F400] =	vst v63  }
0x188: {  	_ =	swait.ge [sflag:s28], $0x2800  }
0x189: {  	[sflag:s28] =	ssyncset.done $0x0  }
0x18a: {  	[sflag:s28] =	ssyncadd.s32 $0xFFFFD800  }
0x18b: {  	[spmem:s12] =	stream.indirect.scatter.add.f32 [tilespmem:s18], [sflag:$0x6], $0x100, s26, s22, $0xb8;
	[tilespmem:$0x1F400] =	vst v63  }
0x18c: {  	_ =	swait.ge [sflag:s3], $0x2800  }
0x18d: {  	[sflag:s3] =	ssyncset.done $0x0  }
0x18e: {  	s19 =	simm.s32 $0x578;
	[sflag:s3] =	ssyncadd.s32 $0xFFFFD800  }
0x18f: {  	[tilespmem:s30], [sflag:$0x5] =	stream.indirect.gather [hbm4b:s14+s22], $0x100, s19, s22, $0xb8;
	[tilespmem:$0x1F400] =	vst v63  }
0x190: {  	_ =	swait.ge [sflag:s31], $0x2800  }
0x191: {  	[sflag:s31] =	ssyncset.done $0x0  }
0x192: {  	s19 =	simm.s32 $0xF28;
	[sflag:s31] =	ssyncadd.s32 $0xFFFFD800  }
0x193: {  	[spmem:s12] =	stream.indirect.scatter.add.f32 [tilespmem:s23], [sflag:$0x7], $0x100, s19, s22, $0xb8;
	[tilespmem:$0x1F400] =	vst v63  }
0x194: {  	_ =	swait.ge [sflag:s4], $0x2800  }
0x195: {  	[sflag:s4] =	ssyncset.done $0x0  }
0x196: {  	s19 =	simm.s32 $0x5A0;
	[sflag:s4] =	ssyncadd.s32 $0xFFFFD800  }
0x197: {  	[tilespmem:s18], [sflag:$0x2] =	stream.indirect.gather [hbm4b:s14+s22], $0x100, s19, s22, $0xb8;
	[tilespmem:$0x1F400] =	vst v63  }
0x198: {  	_ =	swait.ge [sflag:s6], $0x2800  }
0x199: {  	[sflag:s6] =	ssyncset.done $0x0  }
0x19a: {  	s19 =	simm.s32 $0xF50;
	[sflag:s6] =	ssyncadd.s32 $0xFFFFD800  }
0x19b: {  	[spmem:s12] =	stream.indirect.scatter.add.f32 [tilespmem:s24], [sflag:$0x8], $0x100, s19, s22, $0xb8;
	[tilespmem:$0x1F400] =	vst v63  }
0x19c: {  	_ =	swait.ge [sflag:s8], $0x2800  }
0x19d: {  	[sflag:s8] =	ssyncset.done $0x0  }
0x19e: {  	s19 =	simm.s32 $0x5C8;
	[sflag:s8] =	ssyncadd.s32 $0xFFFFD800  }
0x19f: {  	[tilespmem:s23], [sflag:$0x3] =	stream.indirect.gather [hbm4b:s14+s22], $0x100, s19, s22, $0xb8;
	[tilespmem:$0x1F400] =	vst v63  }
0x1a0: {  	_ =	swait.ge [sflag:s11], $0x2800  }
0x1a1: {  	[sflag:s11] =	ssyncset.done $0x0  }
0x1a2: {  	s19 =	simm.s32 $0xF78;
	[sflag:s11] =	ssyncadd.s32 $0xFFFFD800  }
0x1a3: {  	[spmem:s12] =	stream.indirect.scatter.add.f32 [tilespmem:s30], [sflag:$0x9], $0x100, s19, s22, $0xb8;
	[tilespmem:$0x1F400] =	vst v63  }
0x1a4: {  	_ =	swait.ge [sflag:s13], $0x2800  }
0x1a5: {  	[sflag:s13] =	ssyncset.done $0x0  }
0x1a6: {  	s19 =	simm.s32 $0x5F0;
	[sflag:s13] =	ssyncadd.s32 $0xFFFFD800  }
0x1a7: {  	[tilespmem:s24], [sflag:$0x4] =	stream.indirect.gather [hbm4b:s14+s22], $0x100, s19, s22, $0xb8;
	[tilespmem:$0x1F400] =	vst v63  }
0x1a8: {  	_ =	swait.ge [sflag:s28], $0x2800  }
0x1a9: {  	[sflag:s28] =	ssyncset.done $0x0  }
0x1aa: {  	s19 =	simm.s32 $0xFA0;
	[sflag:s28] =	ssyncadd.s32 $0xFFFFD800  }
0x1ab: {  	[spmem:s12] =	stream.indirect.scatter.add.f32 [tilespmem:s18], [sflag:$0x6], $0x100, s19, s22, $0xb8;
	[tilespmem:$0x1F400] =	vst v63  }
0x1ac: {  	_ =	swait.ge [sflag:s3], $0x2800  }
0x1ad: {  	[sflag:s3] =	ssyncset.done $0x0  }
0x1ae: {  	s19 =	simm.s32 $0x618;
	[sflag:s3] =	ssyncadd.s32 $0xFFFFD800  }
0x1af: {  	[tilespmem:s30], [sflag:$0x5] =	stream.indirect.gather [hbm4b:s14+s22], $0x100, s19, s22, $0xb8;
	[tilespmem:$0x1F400] =	vst v63  }
0x1b0: {  	_ =	swait.ge [sflag:s31], $0x2800  }
0x1b1: {  	[sflag:s31] =	ssyncset.done $0x0  }
0x1b2: {  	s19 =	simm.s32 $0xFC8;
	[sflag:s31] =	ssyncadd.s32 $0xFFFFD800  }
0x1b3: {  	[spmem:s12] =	stream.indirect.scatter.add.f32 [tilespmem:s23], [sflag:$0x7], $0x100, s19, s22, $0xb8;
	[tilespmem:$0x1F400] =	vst v63  }
0x1b4: {  	_ =	swait.ge [sflag:s4], $0x2800  }
0x1b5: {  	[sflag:s4] =	ssyncset.done $0x0  }
0x1b6: {  	s19 =	simm.s32 $0x640;
	[sflag:s4] =	ssyncadd.s32 $0xFFFFD800  }
0x1b7: {  	[tilespmem:s18], [sflag:$0x2] =	stream.indirect.gather [hbm4b:s14+s22], $0x100, s19, s22, $0xb8;
	[tilespmem:$0x1F400] =	vst v63  }
0x1b8: {  	_ =	swait.ge [sflag:s6], $0x2800  }
0x1b9: {  	[sflag:s6] =	ssyncset.done $0x0  }
0x1ba: {  	s19 =	simm.s32 $0xFF0;
	[sflag:s6] =	ssyncadd.s32 $0xFFFFD800  }
0x1bb: {  	[spmem:s12] =	stream.indirect.scatter.add.f32 [tilespmem:s24], [sflag:$0x8], $0x100, s19, s22, $0xb8;
	[tilespmem:$0x1F400] =	vst v63  }
0x1bc: {  	_ =	swait.ge [sflag:s8], $0x2800  }
0x1bd: {  	[sflag:s8] =	ssyncset.done $0x0  }
0x1be: {  	s19 =	simm.s32 $0x668;
	[sflag:s8] =	ssyncadd.s32 $0xFFFFD800  }
0x1bf: {  	[tilespmem:s23], [sflag:$0x3] =	stream.indirect.gather [hbm4b:s14+s22], $0x100, s19, s22, $0xb8;
	[tilespmem:$0x1F400] =	vst v63  }
0x1c0: {  	_ =	swait.ge [sflag:s11], $0x2800  }
0x1c1: {  	[sflag:s11] =	ssyncset.done $0x0  }
0x1c2: {  	s19 =	simm.s32 $0x1018;
	[sflag:s11] =	ssyncadd.s32 $0xFFFFD800  }
0x1c3: {  	[spmem:s12] =	stream.indirect.scatter.add.f32 [tilespmem:s30], [sflag:$0x9], $0x100, s19, s22, $0xb8;
	[tilespmem:$0x1F400] =	vst v63  }
0x1c4: {  	_ =	swait.ge [sflag:s13], $0x2800  }
0x1c5: {  	[sflag:s13] =	ssyncset.done $0x0  }
0x1c6: {  	s19 =	simm.s32 $0x690;
	[sflag:s13] =	ssyncadd.s32 $0xFFFFD800  }
0x1c7: {  	[tilespmem:s24], [sflag:$0x4] =	stream.indirect.gather [hbm4b:s14+s22], $0x100, s19, s22, $0xb8;
	[tilespmem:$0x1F400] =	vst v63  }
0x1c8: {  	_ =	swait.ge [sflag:s28], $0x2800  }
0x1c9: {  	[sflag:s28] =	ssyncset.done $0x0  }
0x1ca: {  	s19 =	simm.s32 $0x1040;
	[sflag:s28] =	ssyncadd.s32 $0xFFFFD800  }
0x1cb: {  	[spmem:s12] =	stream.indirect.scatter.add.f32 [tilespmem:s18], [sflag:$0x6], $0x100, s19, s22, $0xb8;
	[tilespmem:$0x1F400] =	vst v63  }
0x1cc: {  	_ =	swait.ge [sflag:s3], $0x2800  }
0x1cd: {  	[sflag:s3] =	ssyncset.done $0x0  }
0x1ce: {  	s19 =	simm.s32 $0x6B8;
	[sflag:s3] =	ssyncadd.s32 $0xFFFFD800  }
0x1cf: {  	[tilespmem:s30], [sflag:$0x5] =	stream.indirect.gather [hbm4b:s14+s22], $0x100, s19, s22, $0xb8;
	[tilespmem:$0x1F400] =	vst v63  }
0x1d0: {  	_ =	swait.ge [sflag:s31], $0x2800  }
0x1d1: {  	[sflag:s31] =	ssyncset.done $0x0  }
0x1d2: {  	s19 =	simm.s32 $0x1068;
	[sflag:s31] =	ssyncadd.s32 $0xFFFFD800  }
0x1d3: {  	[spmem:s12] =	stream.indirect.scatter.add.f32 [tilespmem:s23], [sflag:$0x7], $0x100, s19, s22, $0xb8;
	[tilespmem:$0x1F400] =	vst v63  }
0x1d4: {  	_ =	swait.ge [sflag:s4], $0x2800  }
0x1d5: {  	[sflag:s4] =	ssyncset.done $0x0  }
0x1d6: {  	s19 =	simm.s32 $0x6E0;
	[sflag:s4] =	ssyncadd.s32 $0xFFFFD800  }
0x1d7: {  	[tilespmem:s18], [sflag:$0x2] =	stream.indirect.gather [hbm4b:s14+s22], $0x100, s19, s22, $0xb8;
	[tilespmem:$0x1F400] =	vst v63  }
0x1d8: {  	_ =	swait.ge [sflag:s6], $0x2800  }
0x1d9: {  	[sflag:s6] =	ssyncset.done $0x0  }
0x1da: {  	s19 =	simm.s32 $0x1090;
	[sflag:s6] =	ssyncadd.s32 $0xFFFFD800  }
0x1db: {  	[spmem:s12] =	stream.indirect.scatter.add.f32 [tilespmem:s24], [sflag:$0x8], $0x100, s19, s22, $0xb8;
	[tilespmem:$0x1F400] =	vst v63  }
0x1dc: {  	_ =	swait.ge [sflag:s8], $0x2800  }
0x1dd: {  	[sflag:s8] =	ssyncset.done $0x0  }
0x1de: {  	s19 =	simm.s32 $0x708;
	[sflag:s8] =	ssyncadd.s32 $0xFFFFD800  }
0x1df: {  	[tilespmem:s23], [sflag:$0x3] =	stream.indirect.gather [hbm4b:s14+s22], $0x100, s19, s22, $0xb8;
	[tilespmem:$0x1F400] =	vst v63  }
0x1e0: {  	_ =	swait.ge [sflag:s11], $0x2800  }
0x1e1: {  	[sflag:s11] =	ssyncset.done $0x0  }
0x1e2: {  	s19 =	simm.s32 $0x10B8;
	[sflag:s11] =	ssyncadd.s32 $0xFFFFD800  }
0x1e3: {  	[spmem:s12] =	stream.indirect.scatter.add.f32 [tilespmem:s30], [sflag:$0x9], $0x100, s19, s22, $0xb8;
	[tilespmem:$0x1F400] =	vst v63  }
0x1e4: {  	_ =	swait.ge [sflag:s13], $0x2800  }
0x1e5: {  	[sflag:s13] =	ssyncset.done $0x0  }
0x1e6: {  	s19 =	simm.s32 $0x730;
	[sflag:s13] =	ssyncadd.s32 $0xFFFFD800  }
0x1e7: {  	[tilespmem:s24], [sflag:$0x4] =	stream.indirect.gather [hbm4b:s14+s22], $0x100, s19, s22, $0xb8;
	[tilespmem:$0x1F400] =	vst v63  }
0x1e8: {  	_ =	swait.ge [sflag:s28], $0x2800  }
0x1e9: {  	[sflag:s28] =	ssyncset.done $0x0  }
0x1ea: {  	s19 =	simm.s32 $0x10E0;
	[sflag:s28] =	ssyncadd.s32 $0xFFFFD800  }
0x1eb: {  	[spmem:s12] =	stream.indirect.scatter.add.f32 [tilespmem:s18], [sflag:$0x6], $0x100, s19, s22, $0xb8;
	[tilespmem:$0x1F400] =	vst v63  }
0x1ec: {  	_ =	swait.ge [sflag:s3], $0x2800  }
0x1ed: {  	[sflag:s3] =	ssyncset.done $0x0  }
0x1ee: {  	s19 =	simm.s32 $0x758;
	[sflag:s3] =	ssyncadd.s32 $0xFFFFD800  }
0x1ef: {  	[tilespmem:s30], [sflag:$0x5] =	stream.indirect.gather [hbm4b:s14+s22], $0x100, s19, s22, $0xb8;
	[tilespmem:$0x1F400] =	vst v63  }
0x1f0: {  	_ =	swait.ge [sflag:s31], $0x2800  }
0x1f1: {  	[sflag:s31] =	ssyncset.done $0x0  }
0x1f2: {  	s19 =	simm.s32 $0x1108;
	[sflag:s31] =	ssyncadd.s32 $0xFFFFD800  }
0x1f3: {  	[spmem:s12] =	stream.indirect.scatter.add.f32 [tilespmem:s23], [sflag:$0x7], $0x100, s19, s22, $0xb8;
	[tilespmem:$0x1F400] =	vst v63  }
0x1f4: {  	_ =	swait.ge [sflag:s4], $0x2800  }
0x1f5: {  	[sflag:s4] =	ssyncset.done $0x0  }
0x1f6: {  	s19 =	simm.s32 $0x780;
	[sflag:s4] =	ssyncadd.s32 $0xFFFFD800  }
0x1f7: {  	[tilespmem:s18], [sflag:$0x2] =	stream.indirect.gather [hbm4b:s14+s22], $0x100, s19, s22, $0xb8;
	[tilespmem:$0x1F400] =	vst v63  }
0x1f8: {  	_ =	swait.ge [sflag:s6], $0x2800  }
0x1f9: {  	[sflag:s6] =	ssyncset.done $0x0  }
0x1fa: {  	s19 =	simm.s32 $0x1130;
	[sflag:s6] =	ssyncadd.s32 $0xFFFFD800  }
0x1fb: {  	[spmem:s12] =	stream.indirect.scatter.add.f32 [tilespmem:s24], [sflag:$0x8], $0x100, s19, s22, $0xb8;
	[tilespmem:$0x1F400] =	vst v63  }
0x1fc: {  	_ =	swait.ge [sflag:s8], $0x2800  }
0x1fd: {  	[sflag:s8] =	ssyncset.done $0x0  }
0x1fe: {  	s19 =	simm.s32 $0x7A8;
	[sflag:s8] =	ssyncadd.s32 $0xFFFFD800  }
0x1ff: {  	[tilespmem:s23], [sflag:$0x3] =	stream.indirect.gather [hbm4b:s14+s22], $0x100, s19, s22, $0xb8;
	[tilespmem:$0x1F400] =	vst v63  }
0x200: {  	_ =	swait.ge [sflag:s11], $0x2800  }
0x201: {  	[sflag:s11] =	ssyncset.done $0x0  }
0x202: {  	s19 =	simm.s32 $0x1158;
	[sflag:s11] =	ssyncadd.s32 $0xFFFFD800  }
0x203: {  	[spmem:s12] =	stream.indirect.scatter.add.f32 [tilespmem:s30], [sflag:$0x9], $0x100, s19, s22, $0xb8;
	[tilespmem:$0x1F400] =	vst v63  }
0x204: {  	_ =	swait.ge [sflag:s13], $0x2800  }
0x205: {  	[sflag:s13] =	ssyncset.done $0x0  }
0x206: {  	s19 =	simm.s32 $0x7D0;
	[sflag:s13] =	ssyncadd.s32 $0xFFFFD800  }
0x207: {  	[tilespmem:s24], [sflag:$0x4] =	stream.indirect.gather [hbm4b:s14+s22], $0x100, s19, s22, $0xb8;
	[tilespmem:$0x1F400] =	vst v63  }
0x208: {  	_ =	swait.ge [sflag:s28], $0x2800  }
0x209: {  	[sflag:s28] =	ssyncset.done $0x0  }
0x20a: {  	s19 =	simm.s32 $0x1180;
	[sflag:s28] =	ssyncadd.s32 $0xFFFFD800  }
0x20b: {  	[spmem:s12] =	stream.indirect.scatter.add.f32 [tilespmem:s18], [sflag:$0x6], $0x100, s19, s22, $0xb8;
	[tilespmem:$0x1F400] =	vst v63  }
0x20c: {  	_ =	swait.ge [sflag:s3], $0x2800  }
0x20d: {  	[sflag:s3] =	ssyncset.done $0x0  }
0x20e: {  	s19 =	simm.s32 $0x7F8;
	[sflag:s3] =	ssyncadd.s32 $0xFFFFD800  }
0x20f: {  	[tilespmem:s30], [sflag:$0x5] =	stream.indirect.gather [hbm4b:s14+s22], $0x100, s19, s22, $0xb8;
	[tilespmem:$0x1F400] =	vst v63  }
0x210: {  	_ =	swait.ge [sflag:s31], $0x2800  }
0x211: {  	[sflag:s31] =	ssyncset.done $0x0  }
0x212: {  	s19 =	simm.s32 $0x11A8;
	[sflag:s31] =	ssyncadd.s32 $0xFFFFD800  }
0x213: {  	[spmem:s12] =	stream.indirect.scatter.add.f32 [tilespmem:s23], [sflag:$0x7], $0x100, s19, s22, $0xb8;
	[tilespmem:$0x1F400] =	vst v63  }
0x214: {  	_ =	swait.ge [sflag:s4], $0x2800  }
0x215: {  	[sflag:s4] =	ssyncset.done $0x0  }
0x216: {  	s19 =	simm.s32 $0x820;
	[sflag:s4] =	ssyncadd.s32 $0xFFFFD800  }
0x217: {  	[tilespmem:s18], [sflag:$0x2] =	stream.indirect.gather [hbm4b:s14+s22], $0x100, s19, s22, $0xb8;
	[tilespmem:$0x1F400] =	vst v63  }
0x218: {  	_ =	swait.ge [sflag:s6], $0x2800  }
0x219: {  	[sflag:s6] =	ssyncset.done $0x0  }
0x21a: {  	s19 =	simm.s32 $0x11D0;
	[sflag:s6] =	ssyncadd.s32 $0xFFFFD800  }
0x21b: {  	[spmem:s12] =	stream.indirect.scatter.add.f32 [tilespmem:s24], [sflag:$0x8], $0x100, s19, s22, $0xb8;
	[tilespmem:$0x1F400] =	vst v63  }
0x21c: {  	_ =	swait.ge [sflag:s8], $0x2800  }
0x21d: {  	[sflag:s8] =	ssyncset.done $0x0  }
0x21e: {  	s19 =	simm.s32 $0x848;
	[sflag:s8] =	ssyncadd.s32 $0xFFFFD800  }
0x21f: {  	[tilespmem:s23], [sflag:$0x3] =	stream.indirect.gather [hbm4b:s14+s22], $0x100, s19, s22, $0xb8;
	[tilespmem:$0x1F400] =	vst v63  }
0x220: {  	_ =	swait.ge [sflag:s11], $0x2800  }
0x221: {  	[sflag:s11] =	ssyncset.done $0x0  }
0x222: {  	s19 =	simm.s32 $0x11F8;
	[sflag:s11] =	ssyncadd.s32 $0xFFFFD800  }
0x223: {  	[spmem:s12] =	stream.indirect.scatter.add.f32 [tilespmem:s30], [sflag:$0x9], $0x100, s19, s22, $0xb8;
	[tilespmem:$0x1F400] =	vst v63  }
0x224: {  	_ =	swait.ge [sflag:s13], $0x2800  }
0x225: {  	[sflag:s13] =	ssyncset.done $0x0  }
0x226: {  	s19 =	simm.s32 $0x870;
	[sflag:s13] =	ssyncadd.s32 $0xFFFFD800  }
0x227: {  	[tilespmem:s24], [sflag:$0x4] =	stream.indirect.gather [hbm4b:s14+s22], $0x100, s19, s22, $0xb8;
	[tilespmem:$0x1F400] =	vst v63  }
0x228: {  	_ =	swait.ge [sflag:s28], $0x2800  }
0x229: {  	[sflag:s28] =	ssyncset.done $0x0  }
0x22a: {  	s19 =	simm.s32 $0x1220;
	[sflag:s28] =	ssyncadd.s32 $0xFFFFD800  }
0x22b: {  	[spmem:s12] =	stream.indirect.scatter.add.f32 [tilespmem:s18], [sflag:$0x6], $0x100, s19, s22, $0xb8;
	[tilespmem:$0x1F400] =	vst v63  }
0x22c: {  	_ =	swait.ge [sflag:s3], $0x2800  }
0x22d: {  	[sflag:s3] =	ssyncset.done $0x0  }
0x22e: {  	s19 =	simm.s32 $0x898;
	[sflag:s3] =	ssyncadd.s32 $0xFFFFD800  }
0x22f: {  	[tilespmem:s30], [sflag:$0x5] =	stream.indirect.gather [hbm4b:s14+s22], $0x100, s19, s22, $0xb8;
	[tilespmem:$0x1F400] =	vst v63  }
0x230: {  	_ =	swait.ge [sflag:s31], $0x2800  }
0x231: {  	[sflag:s31] =	ssyncset.done $0x0  }
0x232: {  	s19 =	simm.s32 $0x1248;
	[sflag:s31] =	ssyncadd.s32 $0xFFFFD800  }
0x233: {  	[spmem:s12] =	stream.indirect.scatter.add.f32 [tilespmem:s23], [sflag:$0x7], $0x100, s19, s22, $0xb8;
	[tilespmem:$0x1F400] =	vst v63  }
0x234: {  	_ =	swait.ge [sflag:s4], $0x2800  }
0x235: {  	[sflag:s4] =	ssyncset.done $0x0  }
0x236: {  	s19 =	simm.s32 $0x8C0;
	[sflag:s4] =	ssyncadd.s32 $0xFFFFD800  }
0x237: {  	[tilespmem:s18], [sflag:$0x2] =	stream.indirect.gather [hbm4b:s14+s22], $0x100, s19, s22, $0xb8;
	[tilespmem:$0x1F400] =	vst v63  }
0x238: {  	_ =	swait.ge [sflag:s6], $0x2800  }
0x239: {  	[sflag:s6] =	ssyncset.done $0x0  }
0x23a: {  	s19 =	simm.s32 $0x1270;
	[sflag:s6] =	ssyncadd.s32 $0xFFFFD800  }
0x23b: {  	[spmem:s12] =	stream.indirect.scatter.add.f32 [tilespmem:s24], [sflag:$0x8], $0x100, s19, s22, $0xb8;
	[tilespmem:$0x1F400] =	vst v63  }
0x23c: {  	_ =	swait.ge [sflag:s8], $0x2800  }
0x23d: {  	[sflag:s8] =	ssyncset.done $0x0  }
0x23e: {  	s19 =	simm.s32 $0x8E8;
	[sflag:s8] =	ssyncadd.s32 $0xFFFFD800  }
0x23f: {  	[tilespmem:s23], [sflag:$0x3] =	stream.indirect.gather [hbm4b:s14+s22], $0x100, s19, s22, $0xb8;
	[tilespmem:$0x1F400] =	vst v63  }
0x240: {  	_ =	swait.ge [sflag:s11], $0x2800  }
0x241: {  	[sflag:s11] =	ssyncset.done $0x0  }
0x242: {  	s19 =	simm.s32 $0x1298;
	[sflag:s11] =	ssyncadd.s32 $0xFFFFD800  }
0x243: {  	[spmem:s12] =	stream.indirect.scatter.add.f32 [tilespmem:s30], [sflag:$0x9], $0x100, s19, s22, $0xb8;
	[tilespmem:$0x1F400] =	vst v63  }
0x244: {  	_ =	swait.ge [sflag:s13], $0x2800  }
0x245: {  	[sflag:s13] =	ssyncset.done $0x0  }
0x246: {  	s19 =	simm.s32 $0x910;
	[sflag:s13] =	ssyncadd.s32 $0xFFFFD800  }
0x247: {  	[tilespmem:s24], [sflag:$0x4] =	stream.indirect.gather [hbm4b:s14+s22], $0x100, s19, s22, $0xb8;
	[tilespmem:$0x1F400] =	vst v63  }
0x248: {  	_ =	swait.ge [sflag:s28], $0x2800  }
0x249: {  	[sflag:s28] =	ssyncset.done $0x0  }
0x24a: {  	s19 =	simm.s32 $0x12C0;
	[sflag:s28] =	ssyncadd.s32 $0xFFFFD800  }
0x24b: {  	[spmem:s12] =	stream.indirect.scatter.add.f32 [tilespmem:s18], [sflag:$0x6], $0x100, s19, s22, $0xb8;
	[tilespmem:$0x1F400] =	vst v63  }
0x24c: {  	_ =	swait.ge [sflag:s3], $0x2800  }
0x24d: {  	[sflag:s3] =	ssyncset.done $0x0  }
0x24e: {  	s19 =	simm.s32 $0x938;
	[sflag:s3] =	ssyncadd.s32 $0xFFFFD800  }
0x24f: {  	[tilespmem:s30], [sflag:$0x5] =	stream.indirect.gather [hbm4b:s14+s22], $0x100, s19, s22, $0xb8;
	[tilespmem:$0x1F400] =	vst v63  }
0x250: {  	_ =	swait.ge [sflag:s31], $0x2800  }
0x251: {  	[sflag:s31] =	ssyncset.done $0x0  }
0x252: {  	s19 =	simm.s32 $0x12E8;
	[sflag:s31] =	ssyncadd.s32 $0xFFFFD800  }
0x253: {  	[spmem:s12] =	stream.indirect.scatter.add.f32 [tilespmem:s23], [sflag:$0x7], $0x100, s19, s22, $0xb8;
	[tilespmem:$0x1F400] =	vst v63  }
0x254: {  	_ =	swait.ge [sflag:s4], $0x2800  }
0x255: {  	[sflag:s4] =	ssyncset.done $0x0  }
0x256: {  	s19 =	simm.s32 $0x960;
	[sflag:s4] =	ssyncadd.s32 $0xFFFFD800  }
0x257: {  	[tilespmem:s18], [sflag:$0x2] =	stream.indirect.gather [hbm4b:s14+s22], $0x100, s19, s22, $0xb8;
	[tilespmem:$0x1F400] =	vst v63  }
0x258: {  	_ =	swait.ge [sflag:s6], $0x2800  }
0x259: {  	[sflag:s6] =	ssyncset.done $0x0  }
0x25a: {  	s19 =	simm.s32 $0x1310;
	[sflag:s6] =	ssyncadd.s32 $0xFFFFD800  }
0x25b: {  	[spmem:s12] =	stream.indirect.scatter.add.f32 [tilespmem:s24], [sflag:$0x8], $0x100, s19, s22, $0xb8;
	[tilespmem:$0x1F400] =	vst v63  }
0x25c: {  	_ =	swait.ge [sflag:s8], $0x2800  }
0x25d: {  	[sflag:s8] =	ssyncset.done $0x0  }
0x25e: {  	s19 =	simm.s32 $0x988;
	[sflag:s8] =	ssyncadd.s32 $0xFFFFD800  }
0x25f: {  	[tilespmem:s23], [sflag:$0x3] =	stream.indirect.gather [hbm4b:s14+s22], $0x100, s19, s22, $0xb8;
	[tilespmem:$0x1F400] =	vst v63  }
0x260: {  	_ =	swait.ge [sflag:s11], $0x2800  }
0x261: {  	[sflag:s11] =	ssyncset.done $0x0  }
0x262: {  	s19 =	simm.s32 $0x1338;
	[sflag:s11] =	ssyncadd.s32 $0xFFFFD800  }
0x263: {  	[spmem:s12] =	stream.indirect.scatter.add.f32 [tilespmem:s30], [sflag:$0x9], $0x100, s19, s22, $0xb8;
	[tilespmem:$0x1F400] =	vst v63  }
0x264: {  	_ =	swait.ge [sflag:s13], $0x2800  }
0x265: {  	[sflag:s13] =	ssyncset.done $0x0  }
0x266: {  	s19 =	simm.s32 $0x9B0;
	[sflag:s13] =	ssyncadd.s32 $0xFFFFD800  }
0x267: {  	[tilespmem:s24], [sflag:$0x4] =	stream.indirect.gather [hbm4b:s14+s22], $0x100, s19, s22, $0xb8;
	[tilespmem:$0x1F400] =	vst v63  }
0x268: {  	_ =	swait.ge [sflag:s28], $0x2800  }
0x269: {  	[sflag:s28] =	ssyncset.done $0x0  }
0x26a: {  	s19 =	simm.s32 $0x1360;
	[sflag:s28] =	ssyncadd.s32 $0xFFFFD800  }
0x26b: {  	[spmem:s12] =	stream.indirect.scatter.add.f32 [tilespmem:s18], [sflag:$0x6], $0x100, s19, s22, $0xb8;
	[tilespmem:$0x1F400] =	vst v63  }
0x26c: {  	_ =	swait.ge [sflag:s3], $0x2800  }
0x26d: {  	[sflag:s3] =	ssyncset.done $0x0  }
0x26e: {  	s19 =	simm.s32 $0x9D8;
	[sflag:s3] =	ssyncadd.s32 $0xFFFFD800  }
0x26f: {  	[tilespmem:s30], [sflag:$0x5] =	stream.indirect.gather [hbm4b:s14+s22], $0x100, s19, s22, $0xb8;
	[tilespmem:$0x1F400] =	vst v63  }
0x270: {  	_ =	swait.ge [sflag:s31], $0x2800  }
0x271: {  	[sflag:s31] =	ssyncset.done $0x0  }
0x272: {  	s19 =	simm.s32 $0x1388;
	[sflag:s31] =	ssyncadd.s32 $0xFFFFD800  }
0x273: {  	[spmem:s12] =	stream.indirect.scatter.add.f32 [tilespmem:s23], [sflag:$0x7], $0x100, s19, s22, $0xb8;
	[tilespmem:$0x1F400] =	vst v63  }
0x274: {  	s19 =	simm.s32 @p0 $0x4  }
0x275: {  	_ =	swait.ge @p0 [sflag:s19], $0x2800  }
0x276: {  	s5 =	simm.s32 @p0 $0x6400;
	[sflag:s19] =	ssyncset.done @p0 $0x0  }
0x277: {  	s29 =	simm.s32 @p0 $0x13B0;
	[sflag:s19] =	ssyncadd.s32 @p0 $0xFFFFD800;
	s19 =	simm.s32 @p0 $0x28  }
0x278: {  	[spmem:s12] =	stream.indirect.scatter.add.f32 @p0 [tilespmem:s5], [sflag:$0x8], $0x100, s29, s19, $0xb8;
	[tilespmem:$0x1F400] =	vst v63  }
0x279: {  	s5 =	simm.s32 @!p0 $0x1  }
0x27a: {  	_ =	swait.ge @!p0 [sflag:s5], $0x500  }
0x27b: {  	[sflag:s5] =	ssyncset.done @!p0 $0x0  }
0x27c: {  	[sflag:s5] =	ssyncadd.s32 @!p0 $0xFFFFFB00  }
0x27d: {  	_ =	swait.ge @!p0 [sflag:s5], $0x500  }
0x27e: {  	[sflag:s5] =	ssyncset.done @!p0 $0x0  }
0x27f: {  	[sflag:s5] =	ssyncadd.s32 @!p0 $0xFFFFFB00;
	s5 =	simm.s32 @!p0 $0x6  }
0x280: {  	_ =	swait.ge @!p0 [sflag:s5], $0x2800  }
0x281: {  	[sflag:s5] =	ssyncset.done @!p0 $0x0  }
0x282: {  	s19 =	simm.s32 @!p0 $0x1400;
	[sflag:s5] =	ssyncadd.s32 @!p0 $0xFFFFD800;
	s5 =	simm.s32 @!p0 $0x28  }
0x283: {  	[tilespmem:s19], [sflag:$0x2] =	stream.indirect.gather @!p0 [hbm4b:s14+s5], $0x100, s10, s5, $0xb8;
	[tilespmem:$0x1F400] =	vst v63  }
0x284: {  	s10 =	simm.s32 @!p0 $0x4  }
0x285: {  	_ =	swait.ge @!p0 [sflag:s10], $0x2800  }
0x286: {  	[sflag:s10] =	ssyncset.done @!p0 $0x0  }
0x287: {  	s19 =	simm.s32 @!p0 $0x6400;
	[sflag:s10] =	ssyncadd.s32 @!p0 $0xFFFFD800;
	s10 =	simm.s32 @!p0 $0x13B0  }
0x288: {  	[spmem:s12] =	stream.indirect.scatter.add.f32 @!p0 [tilespmem:s19], [sflag:$0x8], $0x100, s10, s5, $0xb8;
	[tilespmem:$0x1F400] =	vst v63  }
0x289: {  	s10 =	simm.s32 @!p0 $0x7  }
0x28a: {  	_ =	swait.ge @!p0 [sflag:s10], $0x2800  }
0x28b: {  	[sflag:s10] =	ssyncset.done @!p0 $0x0  }
0x28c: {  	[sflag:s10] =	ssyncadd.s32 @!p0 $0xFFFFD800;
	s10 =	simm.s32 @!p0 $0x3C00  }
0x28d: {  	[tilespmem:s10], [sflag:$0x3] =	stream.indirect.gather @!p0 [hbm4b:s14+s5], $0x100, s5, s5, $0xb8;
	[tilespmem:$0x1F400] =	vst v63  }
0x28e: {  	s7 =	sadd.s32 @!p0 $0x140, s7;
	_ =	swait.ge [sflag:s11], $0x2800  }
0x28f: {  	p1 =	sne.s32 @!p0 s7, $0x500;
	[sflag:s11] =	ssyncset.done $0x0  }
0x290: {  	p1 =	por p0, !p1;
	[sflag:s11] =	ssyncadd.s32 $0xFFFFD800  }
0x291: {  	[spmem:s12] =	stream.indirect.scatter.add.f32 [tilespmem:s30], [sflag:$0x9], $0x100, s17, s22, $0xb8;
	[tilespmem:$0x1F400] =	vst v63  }
.Ltmp1:
0x292: {  	s10 =	simm.s32 @!p0 $0x8;
	(pc) =	sbr.rel @!p1 .LBB2_4-.Ltmp1, $4  }
0x293: {  	_ =	swait.ge @!p0 [sflag:s10], $0x2800  }
0x294: {  	s9 =	sadd.s32 @!p0 $0xA00, s9;
	[sflag:s10] =	ssyncset.done @!p0 $0x0  }
0x295: {  	s29 =	simm.s32 $0xA00;
	[sflag:s10] =	ssyncadd.s32 @!p0 $0xFFFFD800;
	s10 =	simm.s32 @!p0 $0x50  }
0x296: {  	[tilespmem:s19], [sflag:$0x4] =	stream.indirect.gather @!p0 [hbm4b:s14+s5], $0x100, s10, s5, $0xb8;
	[tilespmem:$0x1F400] =	vst v63  }
0x297: {  	_ =	swait.ge [sflag:s4], $0x2800  }
0x298: {  	[sflag:s4] =	ssyncset.done $0x0  }
0x299: {  	[sflag:s4] =	ssyncadd.s32 $0xFFFFD800  }
0x29a: {  	_ =	swait.ge [sflag:s8], $0x2800  }
0x29b: {  	[sflag:s8] =	ssyncset.done $0x0  }
0x29c: {  	[sflag:s8] =	ssyncadd.s32 $0xFFFFD800  }
0x29d: {  	_ =	swait.ge [sflag:s13], $0x2800  }
0x29e: {  	[sflag:s13] =	ssyncset.done $0x0  }
0x29f: {  	[sflag:s13] =	ssyncadd.s32 $0xFFFFD800  }
0x2a0: {  	_ =	swait.ge [sflag:s3], $0x2800  }
0x2a1: {  	[sflag:s3] =	ssyncset.done $0x0  }
0x2a2: {  	[sflag:s3] =	ssyncadd.s32 $0xFFFFD800  }
0x2a3: {  	[bflag:$0x0] =	sbarrier.arrive $0xFFFF  }
0x2a4: {  	s5 =	rddreg [dreg:$0x10]  }
0x2a5: {  	[tilespmem:s18], [sflag:$0xA] =	stream.linear.gather [spmem:s5], $0x2000, $0x38;
	[tilespmem:$0x1F400] =	vst v63  }
0x2a6: {  	_ =	swait.ge [sflag:s20], $0x2000  }
0x2a7: {  	[sflag:s20] =	ssyncset.done $0x0  }
0x2a8: {  	s7 =	rddreg [dreg:$0x3];
	[sflag:s20] =	ssyncadd.s32 $0xFFFFE000  }
0x2a9: {  	[hbm4b:s7+s1] =	stream.linear.scatter [tilespmem:s18], [sflag:$0xA], $0x2000, $0x38;
	[tilespmem:$0x1F400] =	vst v63  }
0x2aa: {  	_ =	swait.ge [sflag:s20], $0x2000  }
0x2ab: {  	[sflag:s20] =	ssyncset.done $0x0  }
0x2ac: {  	s9 =	rddreg [dreg:$0x12];
	[sflag:s20] =	ssyncadd.s32 $0xFFFFE000  }
0x2ad: {  	[tilespmem:s18], [sflag:$0xA] =	stream.linear.gather [spmem:s9], $0x2000, $0x38;
	[tilespmem:$0x1F400] =	vst v63  }
0x2ae: {  	_ =	swait.ge [sflag:s20], $0x2000  }
0x2af: {  	[sflag:s20] =	ssyncset.done $0x0  }
0x2b0: {  	s10 =	rddreg [dreg:$0x4];
	[sflag:s20] =	ssyncadd.s32 $0xFFFFE000  }
0x2b1: {  	[hbm4b:s10+s1] =	stream.linear.scatter [tilespmem:s18], [sflag:$0xA], $0x2000, $0x38;
	[tilespmem:$0x1F400] =	vst v63  }
0x2b2: {  	_ =	swait.ge [sflag:s20], $0x2000  }
0x2b3: {  	[sflag:s20] =	ssyncset.done $0x0  }
0x2b4: {  	s19 =	rddreg [dreg:$0x13];
	[sflag:s20] =	ssyncadd.s32 $0xFFFFE000  }
0x2b5: {  	[tilespmem:s18], [sflag:$0xA] =	stream.linear.gather [spmem:s19], $0x2000, $0x38;
	[tilespmem:$0x1F400] =	vst v63  }
0x2b6: {  	_ =	swait.ge [sflag:s20], $0x2000  }
0x2b7: {  	[sflag:s20] =	ssyncset.done $0x0  }
0x2b8: {  	s7 =	rddreg [dreg:$0x5];
	[sflag:s20] =	ssyncadd.s32 $0xFFFFE000  }
0x2b9: {  	[hbm4b:s7+s1] =	stream.linear.scatter [tilespmem:s18], [sflag:$0xA], $0x2000, $0x38;
	[tilespmem:$0x1F400] =	vst v63  }
0x2ba: {  	_ =	swait.ge [sflag:s20], $0x2000  }
0x2bb: {  	[sflag:s20] =	ssyncset.done $0x0  }
0x2bc: {  	s9 =	rddreg [dreg:$0x14];
	[sflag:s20] =	ssyncadd.s32 $0xFFFFE000  }
0x2bd: {  	[tilespmem:s18], [sflag:$0xA] =	stream.linear.gather [spmem:s9], $0x2000, $0x38;
	[tilespmem:$0x1F400] =	vst v63  }
0x2be: {  	_ =	swait.ge [sflag:s20], $0x2000  }
0x2bf: {  	[sflag:s20] =	ssyncset.done $0x0  }
0x2c0: {  	s10 =	rddreg [dreg:$0x6];
	[sflag:s20] =	ssyncadd.s32 $0xFFFFE000  }
0x2c1: {  	[hbm4b:s10+s1] =	stream.linear.scatter [tilespmem:s18], [sflag:$0xA], $0x2000, $0x38;
	[tilespmem:$0x1F400] =	vst v63  }
0x2c2: {  	_ =	swait.ge [sflag:s20], $0x2000  }
0x2c3: {  	[sflag:s20] =	ssyncset.done $0x0  }
0x2c4: {  	s19 =	rddreg [dreg:$0x15];
	[sflag:s20] =	ssyncadd.s32 $0xFFFFE000  }
0x2c5: {  	[tilespmem:s18], [sflag:$0xA] =	stream.linear.gather [spmem:s19], $0x2000, $0x38;
	[tilespmem:$0x1F400] =	vst v63  }
0x2c6: {  	_ =	swait.ge [sflag:s20], $0x2000  }
0x2c7: {  	[sflag:s20] =	ssyncset.done $0x0  }
0x2c8: {  	s7 =	rddreg [dreg:$0x7];
	[sflag:s20] =	ssyncadd.s32 $0xFFFFE000  }
0x2c9: {  	[hbm4b:s7+s1] =	stream.linear.scatter [tilespmem:s18], [sflag:$0xA], $0x2000, $0x38;
	[tilespmem:$0x1F400] =	vst v63  }
0x2ca: {  	_ =	swait.ge [sflag:s20], $0x2000  }
0x2cb: {  	[sflag:s20] =	ssyncset.done $0x0  }
0x2cc: {  	s9 =	rddreg [dreg:$0x16];
	[sflag:s20] =	ssyncadd.s32 $0xFFFFE000  }
0x2cd: {  	[tilespmem:s18], [sflag:$0xA] =	stream.linear.gather [spmem:s9], $0x2000, $0x38;
	[tilespmem:$0x1F400] =	vst v63  }
0x2ce: {  	_ =	swait.ge [sflag:s20], $0x2000  }
0x2cf: {  	[sflag:s20] =	ssyncset.done $0x0  }
0x2d0: {  	s10 =	rddreg [dreg:$0x8];
	[sflag:s20] =	ssyncadd.s32 $0xFFFFE000  }
0x2d1: {  	[hbm4b:s10+s1] =	stream.linear.scatter [tilespmem:s18], [sflag:$0xA], $0x2000, $0x38;
	[tilespmem:$0x1F400] =	vst v63  }
0x2d2: {  	_ =	swait.ge [sflag:s20], $0x2000  }
0x2d3: {  	[sflag:s20] =	ssyncset.done $0x0  }
0x2d4: {  	s19 =	rddreg [dreg:$0x17];
	[sflag:s20] =	ssyncadd.s32 $0xFFFFE000  }
0x2d5: {  	[tilespmem:s18], [sflag:$0xA] =	stream.linear.gather [spmem:s19], $0x2000, $0x38;
	[tilespmem:$0x1F400] =	vst v63  }
0x2d6: {  	_ =	swait.ge [sflag:s20], $0x2000  }
0x2d7: {  	[sflag:s20] =	ssyncset.done $0x0  }
0x2d8: {  	s7 =	rddreg [dreg:$0x9];
	[sflag:s20] =	ssyncadd.s32 $0xFFFFE000  }
0x2d9: {  	[hbm4b:s7+s1] =	stream.linear.scatter [tilespmem:s18], [sflag:$0xA], $0x2000, $0x38;
	[tilespmem:$0x1F400] =	vst v63  }
0x2da: {  	_ =	swait.ge [sflag:s20], $0x2000  }
0x2db: {  	[sflag:s20] =	ssyncset.done $0x0  }
0x2dc: {  	s9 =	rddreg [dreg:$0x18];
	[sflag:s20] =	ssyncadd.s32 $0xFFFFE000  }
0x2dd: {  	[tilespmem:s18], [sflag:$0xA] =	stream.linear.gather [spmem:s9], $0x2000, $0x38;
	[tilespmem:$0x1F400] =	vst v63  }
0x2de: {  	_ =	swait.ge [sflag:s20], $0x2000  }
0x2df: {  	[sflag:s20] =	ssyncset.done $0x0  }
0x2e0: {  	s10 =	rddreg [dreg:$0xa];
	[sflag:s20] =	ssyncadd.s32 $0xFFFFE000  }
0x2e1: {  	[hbm4b:s10+s1] =	stream.linear.scatter [tilespmem:s18], [sflag:$0xA], $0x2000, $0x38;
	[tilespmem:$0x1F400] =	vst v63  }
0x2e2: {  	_ =	swait.ge [sflag:s20], $0x2000  }
0x2e3: {  	[sflag:s20] =	ssyncset.done $0x0  }
0x2e4: {  	s19 =	rddreg [dreg:$0x19];
	[sflag:s20] =	ssyncadd.s32 $0xFFFFE000  }
0x2e5: {  	[tilespmem:s18], [sflag:$0xA] =	stream.linear.gather [spmem:s19], $0x2000, $0x38;
	[tilespmem:$0x1F400] =	vst v63  }
0x2e6: {  	_ =	swait.ge [sflag:s20], $0x2000  }
0x2e7: {  	[sflag:s20] =	ssyncset.done $0x0  }
0x2e8: {  	s7 =	rddreg [dreg:$0xb];
	[sflag:s20] =	ssyncadd.s32 $0xFFFFE000  }
0x2e9: {  	[hbm4b:s7+s1] =	stream.linear.scatter [tilespmem:s18], [sflag:$0xA], $0x2000, $0x38;
	[tilespmem:$0x1F400] =	vst v63  }
0x2ea: {  	_ =	swait.ge [sflag:s20], $0x2000  }
0x2eb: {  	[sflag:s20] =	ssyncset.done $0x0  }
0x2ec: {  	s9 =	rddreg [dreg:$0x1a];
	[sflag:s20] =	ssyncadd.s32 $0xFFFFE000  }
0x2ed: {  	[tilespmem:s18], [sflag:$0xA] =	stream.linear.gather [spmem:s9], $0x2000, $0x38;
	[tilespmem:$0x1F400] =	vst v63  }
0x2ee: {  	_ =	swait.ge [sflag:s20], $0x2000  }
0x2ef: {  	[sflag:s20] =	ssyncset.done $0x0  }
0x2f0: {  	s10 =	rddreg [dreg:$0xc];
	[sflag:s20] =	ssyncadd.s32 $0xFFFFE000  }
0x2f1: {  	[hbm4b:s10+s1] =	stream.linear.scatter [tilespmem:s18], [sflag:$0xA], $0x2000, $0x38;
	[tilespmem:$0x1F400] =	vst v63  }
0x2f2: {  	_ =	swait.ge [sflag:s20], $0x2000  }
0x2f3: {  	s7 =	sld [smem:$0x7F8];
	_ =	sdelay $0x2  }
0x2f4: {  	s19 =	rddreg [dreg:$0x11];
	s7 =	sadd.s32 $0x1, s7  }
0x2f5: {  	p0 =	sne.s32 s7, s19  }
.Ltmp2:
0x2f6: {  	_ = 	snop;
	(pc) =	sbr.rel @p0 .LBB2_1-.Ltmp2, $3  }
0x2f7: {  	_ =	sdelay $0x1  }
0x2f8: {  	[sflag:s20] =	ssyncset.done $0x0  }
0x2f9: {  	[sflag:s20] =	ssyncadd.s32 $0xFFFFE000  }
0x2fa: {  	_ =	sfence.sel $0x180000  }
0x2fb: {  	[bflag:$0x0] =	sbarrier.arrive $0xFFFF  }
0x2fc: {  	_ =	strace $0x90000047  }
0x2fd: {  	s0 =	stileid.u32;
	[bflag:$0x2] =	sbarrier.arrive $0xFFFF  }
0x2fe: {  	p0 =	sne.s32 s0, $0x0;
	s0 =	rddreg [dreg:$0x2]  }
0x2ff: {  	s0 =	sadd.s32 @!p0 $0x100000, s0  }
0x300: {  	[sflag:s0] =	ssyncadd.tile.s32 @!p0 $0x1;
	_ =	shalt  }
.Lfunc_end2:
_tile_overlayer_lowered:
.L_overlay_start_2:
0x301: {  	(tag) =	ssettag $0x2  }
0x302: {  	s0 =	rddreg [dreg:$0x0];
	s2 =	stileid.u32  }
0x303: {  	s1 =	rddreg [dreg:$0x1];
	p0 =	sne.s32 s2, $0x0  }
0x304: {  	s3 =	rddreg [dreg:$0x2];
	[bflag:$0x3] =	sbarrier.arrive $0xFFFF;
	s2 =	simm.s32 @!p0 $0x1C0A  }
0x305: {  	[timem:s3], [sflag:s2] =	dma.local @!p0 [hbm:s0], s1  }
0x306: {  	s0 =	simm.s32 @!p0 $0xA  }
0x307: {  	_ =	swait.ge @!p0 [sflag:s0], s1  }
0x308: {  	s1 =	ssub.s32 @!p0 $0x0, s1;
	[sflag:s0] =	ssyncset.done @!p0 $0x0  }
0x309: {  	[sflag:s0] =	ssyncadd.s32 @!p0 s1  }
0x30a: {  	[bflag:$0x3] =	sbarrier.arrive $0xFFFF  }
0x30b: {  	_ =	shalt  }

</sc_bundles>
